<compile_context>
chip_gen: v7x
topology: tpu7x:2x2x1
jax: 0.10.2.dev20260603
libtpu: 0.0.44.dev20260713+nightly
codegen_flags: <defaults>
</compile_context>

<pallas_src>
import functools

import jax
import jax.numpy as jnp
from jax import lax
from jax.experimental import pallas as pl
from jax.experimental.pallas import tpu as pltpu
from jax.experimental.pallas import tpu_sc as plsc

N = 10000
NPAD = 10112
E = 320000
NC = 2
NS = 16
NW = NC * NS
K = 128
CHUNKS = 80
EP = NW * K * CHUNKS
ROWS_PER_SUB = NPAD // NS

_mesh = plsc.VectorSubcoreMesh(core_axis_name="c", subcore_axis_name="s")
_sc_params = pltpu.CompilerParams(use_tc_tiling_on_sc=False)


def _zero_shared(acc_sh, zbuf, d):
    s = lax.axis_index("s")

    @pl.loop(0, ROWS_PER_SUB)
    def _(i):
        for c in range(d // 16):
            zbuf[i, pl.ds(c * 16, 16)] = jnp.zeros((16,), jnp.float32)

    pltpu.sync_copy(zbuf, acc_sh.at[pl.ds(s * ROWS_PER_SUB, ROWS_PER_SUB)])


def _write_out(acc_sh, out_hbm):
    c = lax.axis_index("c")
    s = lax.axis_index("s")
    base = s * ROWS_PER_SUB
    pltpu.sync_copy(acc_sh.at[pl.ds(base, ROWS_PER_SUB)],
                    out_hbm.at[c].at[pl.ds(base, ROWS_PER_SUB)])


_NS_RING = 8


def _degree_body(dst_hbm, out_hbm, dstb, ones, zbuf, acc_sh, sems):
    c = lax.axis_index("c")
    s = lax.axis_index("s")
    w = s * NC + c

    _zero_shared(acc_sh, zbuf, 16)

    @pl.loop(0, K)
    def _(i):
        ones[i, pl.ds(0, 16)] = jnp.ones((16,), jnp.float32)

    pltpu.sync_copy(dst_hbm.at[pl.ds(w * CHUNKS, CHUNKS)], dstb)
    plsc.subcore_barrier()

    @pl.loop(0, CHUNKS // _NS_RING)
    def _(g):
        for b in range(_NS_RING):
            j = g * _NS_RING + b

            @pl.when(g > 0)
            def _():
                pltpu.make_async_copy(
                    ones, acc_sh.at[dstb.at[j]], sems.at[b]).wait()

            pltpu.async_copy(ones, acc_sh.at[dstb.at[j]], sems.at[b],
                             add=True)

    for b in range(_NS_RING):
        j = CHUNKS - _NS_RING + b
        pltpu.make_async_copy(ones, acc_sh.at[dstb.at[j]], sems.at[b]).wait()

    plsc.subcore_barrier()
    _write_out(acc_sh, out_hbm)


_NBUF = 8
_Q = 4


def _agg_body(d, y_hbm, src_hbm, dst_hbm, out_hbm,
              srcb, dstb, rows, zbuf, acc_sh, gsem, ssem):
    c = lax.axis_index("c")
    s = lax.axis_index("s")
    w = s * NC + c

    pltpu.sync_copy(src_hbm.at[pl.ds(w * CHUNKS, CHUNKS)], srcb)
    pltpu.sync_copy(dst_hbm.at[pl.ds(w * CHUNKS, CHUNKS)], dstb)

    for b in range(_Q):
        pltpu.async_copy(y_hbm.at[srcb.at[b]], rows.at[b], gsem.at[b])

    _zero_shared(acc_sh, zbuf, d)
    plsc.subcore_barrier()

    def _gather_wait(j, slot):
        pltpu.make_async_copy(y_hbm.at[srcb.at[j]], rows.at[slot],
                              gsem.at[slot]).wait()

    def _scatter_wait(j, slot):
        pltpu.make_async_copy(rows.at[slot], acc_sh.at[dstb.at[j]],
                              ssem.at[slot]).wait()

    @pl.loop(0, (CHUNKS - _Q) // _NBUF)
    def _(g):
        for b in range(_NBUF):
            jg = g * _NBUF + b + _Q
            js = g * _NBUF + b
            gslot = (b + _Q) % _NBUF
            sslot = b

            if b < _NBUF - _Q:
                @pl.when(g > 0)
                def _():
                    _scatter_wait(jg - _NBUF, gslot)
            else:
                _scatter_wait(jg - _NBUF, gslot)

            pltpu.async_copy(y_hbm.at[srcb.at[jg]], rows.at[gslot],
                             gsem.at[gslot])
            _gather_wait(js, sslot)
            pltpu.async_copy(rows.at[sslot], acc_sh.at[dstb.at[js]],
                             ssem.at[sslot], add=True)

    for i in range(_Q):
        jg = CHUNKS - _Q + i
        gslot = jg % _NBUF
        _scatter_wait(jg - _NBUF, gslot)
        pltpu.async_copy(y_hbm.at[srcb.at[jg]], rows.at[gslot],
                         gsem.at[gslot])
    for i in range(_NBUF):
        js = CHUNKS - _NBUF + i
        sslot = js % _NBUF
        _gather_wait(js, sslot)
        pltpu.async_copy(rows.at[sslot], acc_sh.at[dstb.at[js]],
                         ssem.at[sslot], add=True)
    for i in range(_NBUF):
        js = CHUNKS - _NBUF + i
        _scatter_wait(js, js % _NBUF)

    plsc.subcore_barrier()
    _write_out(acc_sh, out_hbm)


def _sc_degree(dst2d):
    f = pl.kernel(
        _degree_body,
        out_type=jax.ShapeDtypeStruct((NC, NPAD, 16), jnp.float32),
        mesh=_mesh,
        compiler_params=_sc_params,
        scratch_types=[
            pltpu.VMEM((CHUNKS, K), jnp.int32),
            pltpu.VMEM((K, 16), jnp.float32),
            pltpu.VMEM((ROWS_PER_SUB, 16), jnp.float32),
            pltpu.VMEM_SHARED((NPAD, 16), jnp.float32),
            pltpu.SemaphoreType.DMA((_NS_RING,)),
        ],
    )
    return f(dst2d)


def _sc_aggregate(y, src2d, dst2d, d):
    f = pl.kernel(
        functools.partial(_agg_body, d),
        out_type=jax.ShapeDtypeStruct((NC, NPAD, d), jnp.float32),
        mesh=_mesh,
        compiler_params=_sc_params,
        scratch_types=[
            pltpu.VMEM((CHUNKS, K), jnp.int32),
            pltpu.VMEM((CHUNKS, K), jnp.int32),
            pltpu.VMEM((_NBUF, K, d), jnp.float32),
            pltpu.VMEM((ROWS_PER_SUB, d), jnp.float32),
            pltpu.VMEM_SHARED((NPAD, d), jnp.float32),
            pltpu.SemaphoreType.DMA((_NBUF,)),
            pltpu.SemaphoreType.DMA((_NBUF,)),
        ],
    )
    return f(y, src2d, dst2d)



_BLK = 1000


def _mm1_body(x_ref, w_ref, o_ref):
    o_ref[...] = jnp.dot(x_ref[...], w_ref[...],
                         preferred_element_type=jnp.float32)


def _tc_mm1(x, W1):
    return pl.pallas_call(
        _mm1_body,
        grid=(N // _BLK,),
        in_specs=[
            pl.BlockSpec((_BLK, 128), lambda i: (i, 0)),
            pl.BlockSpec((128, 32), lambda i: (0, 0)),
        ],
        out_specs=pl.BlockSpec((_BLK, 32), lambda i: (i, 0)),
        out_shape=jax.ShapeDtypeStruct((N, 32), jnp.float32),
    )(x, W1)


def _scale1_body(degp_ref, xw_ref, y_ref, dinv_ref):
    deg = degp_ref[0, :, 0] + degp_ref[1, :, 0] + 1.0
    dinv = lax.rsqrt(deg)
    dinv_ref[...] = dinv[:, None]
    y_ref[...] = xw_ref[...] * dinv[:, None]


def _tc_scale1(degp, xw1):
    return pl.pallas_call(
        _scale1_body,
        grid=(N // _BLK,),
        in_specs=[
            pl.BlockSpec((NC, _BLK, 16), lambda i: (0, i, 0)),
            pl.BlockSpec((_BLK, 32), lambda i: (i, 0)),
        ],
        out_specs=[
            pl.BlockSpec((_BLK, 32), lambda i: (i, 0)),
            pl.BlockSpec((_BLK, 1), lambda i: (i, 0)),
        ],
        out_shape=[
            jax.ShapeDtypeStruct((N, 32), jnp.float32),
            jax.ShapeDtypeStruct((N, 1), jnp.float32),
        ],
    )(degp, xw1)


def _comb1_body(accp_ref, y_ref, dinv_ref, b1_ref, w2_ref, y2_ref):
    dinv = dinv_ref[...]
    pre = (accp_ref[0] + accp_ref[1] + y_ref[...]) * dinv + b1_ref[...]
    h = jnp.maximum(pre, 0.0)
    y2_ref[...] = jnp.dot(h, w2_ref[...],
                          preferred_element_type=jnp.float32) * dinv


def _tc_comb1(accp, y1, dinv, b1, W2):
    return pl.pallas_call(
        _comb1_body,
        grid=(N // _BLK,),
        in_specs=[
            pl.BlockSpec((NC, _BLK, 32), lambda i: (0, i, 0)),
            pl.BlockSpec((_BLK, 32), lambda i: (i, 0)),
            pl.BlockSpec((_BLK, 1), lambda i: (i, 0)),
            pl.BlockSpec((1, 32), lambda i: (0, 0)),
            pl.BlockSpec((32, 16), lambda i: (0, 0)),
        ],
        out_specs=pl.BlockSpec((_BLK, 16), lambda i: (i, 0)),
        out_shape=jax.ShapeDtypeStruct((N, 16), jnp.float32),
    )(accp, y1, dinv, b1, W2)


def _comb2_body(accp_ref, y2_ref, dinv_ref, b2_ref, o_ref):
    o_ref[...] = ((accp_ref[0] + accp_ref[1] + y2_ref[...]) * dinv_ref[...]
                  + b2_ref[...])


def _tc_comb2(accp, y2, dinv, b2):
    return pl.pallas_call(
        _comb2_body,
        grid=(N // _BLK,),
        in_specs=[
            pl.BlockSpec((NC, _BLK, 16), lambda i: (0, i, 0)),
            pl.BlockSpec((_BLK, 16), lambda i: (i, 0)),
            pl.BlockSpec((_BLK, 1), lambda i: (i, 0)),
            pl.BlockSpec((1, 16), lambda i: (0, 0)),
        ],
        out_specs=pl.BlockSpec((_BLK, 16), lambda i: (i, 0)),
        out_shape=jax.ShapeDtypeStruct((N, 16), jnp.float32),
    )(accp, y2, dinv, b2)


def kernel(x, edge_index, W1, b1, W2, b2):
    e = edge_index.astype(jnp.int32)
    npad_e = EP - E
    src_p = jnp.concatenate([e[0], jnp.zeros((npad_e,), jnp.int32)])
    dst_p = jnp.concatenate([e[1], jnp.full((npad_e,), N, jnp.int32)])
    src2d = src_p.reshape(EP // K, K)
    dst2d = dst_p.reshape(EP // K, K)
    b1r = b1.reshape(1, 32)
    b2r = b2.reshape(1, 16)

    degp = _sc_degree(dst2d)
    xw1 = _tc_mm1(x, W1)
    y1, dinv = _tc_scale1(degp, xw1)
    acc1 = _sc_aggregate(y1, src2d, dst2d, 32)
    y2 = _tc_comb1(acc1, y1, dinv, b1r, W2)
    acc2 = _sc_aggregate(y2, src2d, dst2d, 16)
    out = _tc_comb2(acc2, y2, dinv, b2r)
    return out

# --- scband reference (transcript-rebuilt; emitter-appended) ---
"""Pipeline reference for scband-gnn-8924942041328 (READ-ONLY COPY).

The authoritative reference and input builder live on the scoring server;
editing this copy changes nothing except your own understanding.
"""

import jax, jax.numpy as jnp
import numpy as np

N_NODES = 10000


def gcn_layer(x, edge_index, W, b, n_nodes):
    # GCNConv: x' = D^{-1/2} (A + I) D^{-1/2} (x W) + b
    src = edge_index[0]
    dst = edge_index[1]
    loop = jnp.arange(n_nodes, dtype=edge_index.dtype)
    src = jnp.concatenate([src, loop])
    dst = jnp.concatenate([dst, loop])
    xw = x @ W
    deg = jax.ops.segment_sum(jnp.ones(src.shape[0], dtype=x.dtype), dst, num_segments=n_nodes)
    dinv = jnp.where(deg > 0, deg ** -0.5, 0.0)
    norm = dinv[src] * dinv[dst]
    msg = xw[src] * norm[:, None]
    out = jax.ops.segment_sum(msg, dst, num_segments=n_nodes)
    return out + b


def setup_inputs(seed: int = 0) -> dict:
    key = jax.random.key(seed)
    k1, k2, k3, k4, k5, k6 = jax.random.split(key, 6)
    x = jax.random.normal(k1, (N_NODES, 128), dtype=jnp.float32)
    edge_index = jax.random.randint(k2, (2, 320000), 0, N_NODES, dtype=jnp.int64)
    s1 = (6.0 / (128 + 32)) ** 0.5
    W1 = jax.random.uniform(k3, (128, 32), dtype=jnp.float32, minval=-s1, maxval=s1)
    b1 = jnp.zeros((32,), dtype=jnp.float32)
    s2 = (6.0 / (32 + 16)) ** 0.5
    W2 = jax.random.uniform(k4, (32, 16), dtype=jnp.float32, minval=-s2, maxval=s2)
    b2 = jnp.zeros((16,), dtype=jnp.float32)
    return {"x": x, "edge_index": edge_index, "W1": W1, "b1": b1, "W2": W2, "b2": b2}


def reference(x, edge_index, W1, b1, W2, b2):
    h = gcn_layer(x, edge_index, W1, b1, N_NODES)
    h = jax.nn.relu(h)
    out = gcn_layer(h, edge_index, W2, b2, N_NODES)
    return out

if __name__ == "__main__":
    import jax
    _d = setup_inputs()
    print(jax.jit(kernel)(*tuple(_d.values())))

</pallas_src>

<mosaic_0001>
#map = affine_map<(d0, d1) -> (0, 0)>
#map1 = affine_map<(d0, d1) -> (0, 0, 0)>
module attributes {stable_mosaic.version = 14 : i64} {
  func.func @_agg_body(%arg0: i32, %arg1: i32, %arg2: memref<10000x16xf32, #tpu.memory_space<hbm>>, %arg3: memref<2560x128xi32, #tpu.memory_space<hbm>>, %arg4: memref<2560x128xi32, #tpu.memory_space<hbm>>, %arg5: memref<2x10112x16xf32, #tpu.memory_space<hbm>>, %arg6: memref<80x128xi32, #tpu.memory_space<vmem>>, %arg7: memref<80x128xi32, #tpu.memory_space<vmem>>, %arg8: memref<8x128x16xf32, #tpu.memory_space<vmem>>, %arg9: memref<632x16xf32, #tpu.memory_space<vmem>>, %arg10: memref<10112x16xf32, #tpu.memory_space<vmem_shared>>, %arg11: memref<8x!tpu.dma_semaphore, #tpu.memory_space<semaphore_mem>>, %arg12: memref<8x!tpu.dma_semaphore, #tpu.memory_space<semaphore_mem>>) attributes {dimension_semantics = [#tpu.dimension_semantics<core_parallel>, #tpu.dimension_semantics<subcore_parallel>], iteration_bounds = array<i64: 2, 16>, scalar_prefetch = 0 : i64, scratch_operands = 7 : i64, tpu.core_type = #tpu.core_type<sc_vector_subcore>, window_params = [{transform_indices = #map}, {transform_indices = #map}, {transform_indices = #map}, {transform_indices = #map1}]} {
    %mul3A = arith.constant 2 : i32
    %mul3A_0 = arith.muli %arg1, %mul3A : i32
    %add3A = arith.addi %mul3A_0, %arg0 : i32
    %mul3A_1 = arith.constant 80 : i32
    %mul3A_2 = arith.muli %add3A, %mul3A_1 : i32
    "tpu.region"() ({
      %run_scoped3A = tpu.sem_alloc : memref<!tpu.dma_semaphore, #tpu.memory_space<semaphore_mem>>
      %dma_start3A_557 = arith.constant 0 : i32
      %dma_start3A_558 = tpu.memref_slice %arg3[%mul3A_2, %dma_start3A_557] : memref<2560x128xi32, #tpu.memory_space<hbm>> -> memref<80x128xi32, #tpu.memory_space<hbm>>
      %dma_start3A_559 = arith.constant 0 : i32
      %dma_start3A_560 = tpu.memref_slice %arg3[%mul3A_2, %dma_start3A_559] : memref<2560x128xi32, #tpu.memory_space<hbm>> -> memref<80x128xi32, #tpu.memory_space<hbm>>
      tpu.enqueue_dma source(%dma_start3A_560 : memref<80x128xi32, #tpu.memory_space<hbm>>) target(%arg6 : memref<80x128xi32, #tpu.memory_space<vmem>>) target_semaphore(%run_scoped3A : memref<!tpu.dma_semaphore, #tpu.memory_space<semaphore_mem>>)
      %dma_wait3A_561 = arith.constant 0 : i32
      %dma_wait3A_562 = tpu.memref_slice %arg3[%mul3A_2, %dma_wait3A_561] : memref<2560x128xi32, #tpu.memory_space<hbm>> -> memref<80x128xi32, #tpu.memory_space<hbm>>
      %dma_wait3A_563 = arith.constant 0 : i32
      %dma_wait3A_564 = tpu.memref_slice %arg3[%mul3A_2, %dma_wait3A_563] : memref<2560x128xi32, #tpu.memory_space<hbm>> -> memref<80x128xi32, #tpu.memory_space<hbm>>
      tpu.wait_dma2 semaphore(%run_scoped3A : memref<!tpu.dma_semaphore, #tpu.memory_space<semaphore_mem>>) src(%dma_wait3A_564 : memref<80x128xi32, #tpu.memory_space<hbm>>) dst(%arg6 : memref<80x128xi32, #tpu.memory_space<vmem>>)
      tpu.yield
    }) : () -> ()
    %mul3A_3 = arith.constant 80 : i32
    %mul3A_4 = arith.muli %add3A, %mul3A_3 : i32
    "tpu.region"() ({
      %run_scoped3A = tpu.sem_alloc : memref<!tpu.dma_semaphore, #tpu.memory_space<semaphore_mem>>
      %dma_start3A_557 = arith.constant 0 : i32
      %dma_start3A_558 = tpu.memref_slice %arg4[%mul3A_4, %dma_start3A_557] : memref<2560x128xi32, #tpu.memory_space<hbm>> -> memref<80x128xi32, #tpu.memory_space<hbm>>
      %dma_start3A_559 = arith.constant 0 : i32
      %dma_start3A_560 = tpu.memref_slice %arg4[%mul3A_4, %dma_start3A_559] : memref<2560x128xi32, #tpu.memory_space<hbm>> -> memref<80x128xi32, #tpu.memory_space<hbm>>
      tpu.enqueue_dma source(%dma_start3A_560 : memref<80x128xi32, #tpu.memory_space<hbm>>) target(%arg7 : memref<80x128xi32, #tpu.memory_space<vmem>>) target_semaphore(%run_scoped3A : memref<!tpu.dma_semaphore, #tpu.memory_space<semaphore_mem>>)
      %dma_wait3A_561 = arith.constant 0 : i32
      %dma_wait3A_562 = tpu.memref_slice %arg4[%mul3A_4, %dma_wait3A_561] : memref<2560x128xi32, #tpu.memory_space<hbm>> -> memref<80x128xi32, #tpu.memory_space<hbm>>
      %dma_wait3A_563 = arith.constant 0 : i32
      %dma_wait3A_564 = tpu.memref_slice %arg4[%mul3A_4, %dma_wait3A_563] : memref<2560x128xi32, #tpu.memory_space<hbm>> -> memref<80x128xi32, #tpu.memory_space<hbm>>
      tpu.wait_dma2 semaphore(%run_scoped3A : memref<!tpu.dma_semaphore, #tpu.memory_space<semaphore_mem>>) src(%dma_wait3A_564 : memref<80x128xi32, #tpu.memory_space<hbm>>) dst(%arg7 : memref<80x128xi32, #tpu.memory_space<vmem>>)
      tpu.yield
    }) : () -> ()
    %dma_start3A = arith.constant 0 : i32
    %dma_start3A_5 = arith.constant 0 : i32
    %dma_start3A_6 = arith.constant 0 : i32
    %dma_start3A_7 = arith.constant 0 : i32
    %dma_start3A_8 = arith.constant 0 : i32
    %dma_start3A_9 = tpu.memref_slice %arg8[%dma_start3A_5, %dma_start3A_7, %dma_start3A_8] : memref<8x128x16xf32, #tpu.memory_space<vmem>> -> memref<1x128x16xf32, #tpu.memory_space<vmem>>
    %dma_start3A_10 = tpu.memref_squeeze %dma_start3A_9 : memref<1x128x16xf32, #tpu.memory_space<vmem>> -> memref<128x16xf32, #tpu.memory_space<vmem>>
    %dma_start3A_11 = arith.constant 0 : i32
    %dma_start3A_12 = tpu.memref_slice %arg6[%dma_start3A, %dma_start3A_11] : memref<80x128xi32, #tpu.memory_space<vmem>> -> memref<1x128xi32, #tpu.memory_space<vmem>>
    %dma_start3A_13 = tpu.memref_squeeze %dma_start3A_12 : memref<1x128xi32, #tpu.memory_space<vmem>> -> memref<128xi32, #tpu.memory_space<vmem>>
    %dma_start3A_14 = arith.constant 0 : i32
    %dma_start3A_15 = arith.constant 0 : i32
    %dma_start3A_16 = tpu.memref_slice %arg2[%dma_start3A_14, %dma_start3A_15] : memref<10000x16xf32, #tpu.memory_space<hbm>> -> memref<10000x16xf32, #tpu.memory_space<hbm>>
    %dma_start3A_17 = tpu.memref_slice %arg11[%dma_start3A_6] : memref<8x!tpu.dma_semaphore, #tpu.memory_space<semaphore_mem>> -> memref<1x!tpu.dma_semaphore, #tpu.memory_space<semaphore_mem>>
    %dma_start3A_18 = tpu.memref_squeeze %dma_start3A_17 : memref<1x!tpu.dma_semaphore, #tpu.memory_space<semaphore_mem>> -> memref<!tpu.dma_semaphore, #tpu.memory_space<semaphore_mem>>
    tpu.enqueue_indirect_dma source(%dma_start3A_16 : memref<10000x16xf32, #tpu.memory_space<hbm>>) target(%dma_start3A_10 : memref<128x16xf32, #tpu.memory_space<vmem>>) offsets(%dma_start3A_13 : memref<128xi32, #tpu.memory_space<vmem>>) semaphore(%dma_start3A_18 : memref<!tpu.dma_semaphore, #tpu.memory_space<semaphore_mem>>)
    %dma_start3A_19 = arith.constant 1 : i32
    %dma_start3A_20 = arith.constant 1 : i32
    %dma_start3A_21 = arith.constant 1 : i32
    %dma_start3A_22 = arith.constant 0 : i32
    %dma_start3A_23 = arith.constant 0 : i32
    %dma_start3A_24 = tpu.memref_slice %arg8[%dma_start3A_20, %dma_start3A_22, %dma_start3A_23] : memref<8x128x16xf32, #tpu.memory_space<vmem>> -> memref<1x128x16xf32, #tpu.memory_space<vmem>>
    %dma_start3A_25 = tpu.memref_squeeze %dma_start3A_24 : memref<1x128x16xf32, #tpu.memory_space<vmem>> -> memref<128x16xf32, #tpu.memory_space<vmem>>
    %dma_start3A_26 = arith.constant 0 : i32
    %dma_start3A_27 = tpu.memref_slice %arg6[%dma_start3A_19, %dma_start3A_26] : memref<80x128xi32, #tpu.memory_space<vmem>> -> memref<1x128xi32, #tpu.memory_space<vmem>>
    %dma_start3A_28 = tpu.memref_squeeze %dma_start3A_27 : memref<1x128xi32, #tpu.memory_space<vmem>> -> memref<128xi32, #tpu.memory_space<vmem>>
    %dma_start3A_29 = arith.constant 0 : i32
    %dma_start3A_30 = arith.constant 0 : i32
    %dma_start3A_31 = tpu.memref_slice %arg2[%dma_start3A_29, %dma_start3A_30] : memref<10000x16xf32, #tpu.memory_space<hbm>> -> memref<10000x16xf32, #tpu.memory_space<hbm>>
    %dma_start3A_32 = tpu.memref_slice %arg11[%dma_start3A_21] : memref<8x!tpu.dma_semaphore, #tpu.memory_space<semaphore_mem>> -> memref<1x!tpu.dma_semaphore, #tpu.memory_space<semaphore_mem>>
    %dma_start3A_33 = tpu.memref_squeeze %dma_start3A_32 : memref<1x!tpu.dma_semaphore, #tpu.memory_space<semaphore_mem>> -> memref<!tpu.dma_semaphore, #tpu.memory_space<semaphore_mem>>
    tpu.enqueue_indirect_dma source(%dma_start3A_31 : memref<10000x16xf32, #tpu.memory_space<hbm>>) target(%dma_start3A_25 : memref<128x16xf32, #tpu.memory_space<vmem>>) offsets(%dma_start3A_28 : memref<128xi32, #tpu.memory_space<vmem>>) semaphore(%dma_start3A_33 : memref<!tpu.dma_semaphore, #tpu.memory_space<semaphore_mem>>)
    %dma_start3A_34 = arith.constant 2 : i32
    %dma_start3A_35 = arith.constant 2 : i32
    %dma_start3A_36 = arith.constant 2 : i32
    %dma_start3A_37 = arith.constant 0 : i32
    %dma_start3A_38 = arith.constant 0 : i32
    %dma_start3A_39 = tpu.memref_slice %arg8[%dma_start3A_35, %dma_start3A_37, %dma_start3A_38] : memref<8x128x16xf32, #tpu.memory_space<vmem>> -> memref<1x128x16xf32, #tpu.memory_space<vmem>>
    %dma_start3A_40 = tpu.memref_squeeze %dma_start3A_39 : memref<1x128x16xf32, #tpu.memory_space<vmem>> -> memref<128x16xf32, #tpu.memory_space<vmem>>
    %dma_start3A_41 = arith.constant 0 : i32
    %dma_start3A_42 = tpu.memref_slice %arg6[%dma_start3A_34, %dma_start3A_41] : memref<80x128xi32, #tpu.memory_space<vmem>> -> memref<1x128xi32, #tpu.memory_space<vmem>>
    %dma_start3A_43 = tpu.memref_squeeze %dma_start3A_42 : memref<1x128xi32, #tpu.memory_space<vmem>> -> memref<128xi32, #tpu.memory_space<vmem>>
    %dma_start3A_44 = arith.constant 0 : i32
    %dma_start3A_45 = arith.constant 0 : i32
    %dma_start3A_46 = tpu.memref_slice %arg2[%dma_start3A_44, %dma_start3A_45] : memref<10000x16xf32, #tpu.memory_space<hbm>> -> memref<10000x16xf32, #tpu.memory_space<hbm>>
    %dma_start3A_47 = tpu.memref_slice %arg11[%dma_start3A_36] : memref<8x!tpu.dma_semaphore, #tpu.memory_space<semaphore_mem>> -> memref<1x!tpu.dma_semaphore, #tpu.memory_space<semaphore_mem>>
    %dma_start3A_48 = tpu.memref_squeeze %dma_start3A_47 : memref<1x!tpu.dma_semaphore, #tpu.memory_space<semaphore_mem>> -> memref<!tpu.dma_semaphore, #tpu.memory_space<semaphore_mem>>
    tpu.enqueue_indirect_dma source(%dma_start3A_46 : memref<10000x16xf32, #tpu.memory_space<hbm>>) target(%dma_start3A_40 : memref<128x16xf32, #tpu.memory_space<vmem>>) offsets(%dma_start3A_43 : memref<128xi32, #tpu.memory_space<vmem>>) semaphore(%dma_start3A_48 : memref<!tpu.dma_semaphore, #tpu.memory_space<semaphore_mem>>)
    %dma_start3A_49 = arith.constant 3 : i32
    %dma_start3A_50 = arith.constant 3 : i32
    %dma_start3A_51 = arith.constant 3 : i32
    %dma_start3A_52 = arith.constant 0 : i32
    %dma_start3A_53 = arith.constant 0 : i32
    %dma_start3A_54 = tpu.memref_slice %arg8[%dma_start3A_50, %dma_start3A_52, %dma_start3A_53] : memref<8x128x16xf32, #tpu.memory_space<vmem>> -> memref<1x128x16xf32, #tpu.memory_space<vmem>>
    %dma_start3A_55 = tpu.memref_squeeze %dma_start3A_54 : memref<1x128x16xf32, #tpu.memory_space<vmem>> -> memref<128x16xf32, #tpu.memory_space<vmem>>
    %dma_start3A_56 = arith.constant 0 : i32
    %dma_start3A_57 = tpu.memref_slice %arg6[%dma_start3A_49, %dma_start3A_56] : memref<80x128xi32, #tpu.memory_space<vmem>> -> memref<1x128xi32, #tpu.memory_space<vmem>>
    %dma_start3A_58 = tpu.memref_squeeze %dma_start3A_57 : memref<1x128xi32, #tpu.memory_space<vmem>> -> memref<128xi32, #tpu.memory_space<vmem>>
    %dma_start3A_59 = arith.constant 0 : i32
    %dma_start3A_60 = arith.constant 0 : i32
    %dma_start3A_61 = tpu.memref_slice %arg2[%dma_start3A_59, %dma_start3A_60] : memref<10000x16xf32, #tpu.memory_space<hbm>> -> memref<10000x16xf32, #tpu.memory_space<hbm>>
    %dma_start3A_62 = tpu.memref_slice %arg11[%dma_start3A_51] : memref<8x!tpu.dma_semaphore, #tpu.memory_space<semaphore_mem>> -> memref<1x!tpu.dma_semaphore, #tpu.memory_space<semaphore_mem>>
    %dma_start3A_63 = tpu.memref_squeeze %dma_start3A_62 : memref<1x!tpu.dma_semaphore, #tpu.memory_space<semaphore_mem>> -> memref<!tpu.dma_semaphore, #tpu.memory_space<semaphore_mem>>
    tpu.enqueue_indirect_dma source(%dma_start3A_61 : memref<10000x16xf32, #tpu.memory_space<hbm>>) target(%dma_start3A_55 : memref<128x16xf32, #tpu.memory_space<vmem>>) offsets(%dma_start3A_58 : memref<128xi32, #tpu.memory_space<vmem>>) semaphore(%dma_start3A_63 : memref<!tpu.dma_semaphore, #tpu.memory_space<semaphore_mem>>)
    %scan3A = arith.constant 0 : i32
    %scan3A_64 = arith.constant 632 : i32
    %scan3A_65 = arith.addi %scan3A, %scan3A_64 : i32
    %scan3A_66 = arith.constant 1 : i32
    scf.for %scan3A_557 = %scan3A to %scan3A_65 step %scan3A_66  : i32 {
      %mul3A_558 = arith.constant 1 : i32
      %mul3A_559 = arith.muli %scan3A_557, %mul3A_558 : i32
      %add3A_560 = arith.constant 0 : i32
      %add3A_561 = arith.addi %add3A_560, %mul3A_559 : i32
      %broadcast_in_dim3A = arith.constant 0.000000e+00 : f32
      %broadcast_in_dim3A_562 = vector.broadcast %broadcast_in_dim3A : f32 to vector<16xf32>
      %swap3A = arith.index_cast %add3A_561 : i32 to index
      %swap3A_563 = arith.constant 0 : index
      %swap3A_564 = tpu.vector_load %arg9[%swap3A, %swap3A_563] {strides = array<i32>} : memref<632x16xf32, #tpu.memory_space<vmem>>, vector<1x16xf32>,
      %swap3A_565 = vector.shape_cast %swap3A_564 : vector<1x16xf32> to vector<16xf32>
      %swap3A_566 = vector.shape_cast %broadcast_in_dim3A_562 : vector<16xf32> to vector<1x16xf32>
      tpu.vector_store %arg9[%swap3A, %swap3A_563], %swap3A_566 {strides = array<i32>} : memref<632x16xf32, #tpu.memory_space<vmem>>, vector<1x16xf32>,
    }
    %scan3A_67 = arith.constant 632 : i32
    %mul3A_68 = arith.constant 632 : i32
    %mul3A_69 = arith.muli %arg1, %mul3A_68 : i32
    "tpu.region"() ({
      %run_scoped3A = tpu.sem_alloc : memref<!tpu.dma_semaphore, #tpu.memory_space<semaphore_mem>>
      %dma_start3A_557 = arith.constant 0 : i32
      %dma_start3A_558 = tpu.memref_slice %arg10[%mul3A_69, %dma_start3A_557] : memref<10112x16xf32, #tpu.memory_space<vmem_shared>> -> memref<632x16xf32, #tpu.memory_space<vmem_shared>>
      %dma_start3A_559 = arith.constant 0 : i32
      %dma_start3A_560 = tpu.memref_slice %arg10[%mul3A_69, %dma_start3A_559] : memref<10112x16xf32, #tpu.memory_space<vmem_shared>> -> memref<632x16xf32, #tpu.memory_space<vmem_shared>>
      tpu.enqueue_dma source(%arg9 : memref<632x16xf32, #tpu.memory_space<vmem>>) target(%dma_start3A_560 : memref<632x16xf32, #tpu.memory_space<vmem_shared>>) target_semaphore(%run_scoped3A : memref<!tpu.dma_semaphore, #tpu.memory_space<semaphore_mem>>)
      %dma_wait3A_561 = arith.constant 0 : i32
      %dma_wait3A_562 = tpu.memref_slice %arg10[%mul3A_69, %dma_wait3A_561] : memref<10112x16xf32, #tpu.memory_space<vmem_shared>> -> memref<632x16xf32, #tpu.memory_space<vmem_shared>>
      %dma_wait3A_563 = arith.constant 0 : i32
      %dma_wait3A_564 = tpu.memref_slice %arg10[%mul3A_69, %dma_wait3A_563] : memref<10112x16xf32, #tpu.memory_space<vmem_shared>> -> memref<632x16xf32, #tpu.memory_space<vmem_shared>>
      tpu.wait_dma2 semaphore(%run_scoped3A : memref<!tpu.dma_semaphore, #tpu.memory_space<semaphore_mem>>) src(%arg9 : memref<632x16xf32, #tpu.memory_space<vmem>>) dst(%dma_wait3A_564 : memref<632x16xf32, #tpu.memory_space<vmem_shared>>)
      tpu.yield
    }) : () -> ()
    %barrier3A = arith.constant 0 : index
    tpu.barrier barrier_id(%barrier3A)
    %scan3A_70 = arith.constant 0 : i32
    %scan3A_71 = arith.constant 9 : i32
    %scan3A_72 = arith.addi %scan3A_70, %scan3A_71 : i32
    %scan3A_73 = arith.constant 1 : i32
    scf.for %scan3A_557 = %scan3A_70 to %scan3A_72 step %scan3A_73  : i32 {
      %mul3A_558 = arith.constant 1 : i32
      %mul3A_559 = arith.muli %scan3A_557, %mul3A_558 : i32
      %add3A_560 = arith.constant 0 : i32
      %add3A_561 = arith.addi %add3A_560, %mul3A_559 : i32
      %mul3A_562 = arith.constant 8 : i32
      %mul3A_563 = arith.muli %add3A_561, %mul3A_562 : i32
      %add3A_564 = arith.constant 0 : i32
      %add3A_565 = arith.addi %mul3A_563, %add3A_564 : i32
      %add3A_566 = arith.constant 4 : i32
      %add3A_567 = arith.addi %add3A_565, %add3A_566 : i32
      %mul3A_568 = arith.constant 8 : i32
      %mul3A_569 = arith.muli %add3A_561, %mul3A_568 : i32
      %add3A_570 = arith.constant 0 : i32
      %add3A_571 = arith.addi %mul3A_569, %add3A_570 : i32
      %gt3A = arith.constant 0 : i32
      %gt3A_572 = arith.cmpi sgt, %add3A_561, %gt3A : i32
      %convert_element_type3A = arith.extui %gt3A_572 : i1 to i32
      %cond3A = arith.constant 0 : i32
      %cond3A_573 = arith.cmpi ne, %convert_element_type3A, %cond3A : i32
      scf.if %cond3A_573 {
        %sub3A_1058 = arith.constant 8 : i32
        %sub3A_1059 = arith.subi %add3A_567, %sub3A_1058 : i32
        %dma_wait3A_1060 = arith.constant 4 : i32
        %dma_wait3A_1061 = arith.constant 4 : i32
        %dma_wait3A_1062 = arith.constant 0 : i32
        %dma_wait3A_1063 = arith.constant 0 : i32
        %dma_wait3A_1064 = tpu.memref_slice %arg8[%dma_wait3A_1060, %dma_wait3A_1062, %dma_wait3A_1063] : memref<8x128x16xf32, #tpu.memory_space<vmem>> -> memref<1x128x16xf32, #tpu.memory_space<vmem>>
        %dma_wait3A_1065 = tpu.memref_squeeze %dma_wait3A_1064 : memref<1x128x16xf32, #tpu.memory_space<vmem>> -> memref<128x16xf32, #tpu.memory_space<vmem>>
        %dma_wait3A_1066 = arith.constant 0 : i32
        %dma_wait3A_1067 = tpu.memref_slice %arg7[%sub3A_1059, %dma_wait3A_1066] : memref<80x128xi32, #tpu.memory_space<vmem>> -> memref<1x128xi32, #tpu.memory_space<vmem>>
        %dma_wait3A_1068 = tpu.memref_squeeze %dma_wait3A_1067 : memref<1x128xi32, #tpu.memory_space<vmem>> -> memref<128xi32, #tpu.memory_space<vmem>>
        %dma_wait3A_1069 = arith.constant 0 : i32
        %dma_wait3A_1070 = arith.constant 0 : i32
        %dma_wait3A_1071 = tpu.memref_slice %arg10[%dma_wait3A_1069, %dma_wait3A_1070] : memref<10112x16xf32, #tpu.memory_space<vmem_shared>> -> memref<10112x16xf32, #tpu.memory_space<vmem_shared>>
        %dma_wait3A_1072 = tpu.memref_slice %arg12[%dma_wait3A_1061] : memref<8x!tpu.dma_semaphore, #tpu.memory_space<semaphore_mem>> -> memref<1x!tpu.dma_semaphore, #tpu.memory_space<semaphore_mem>>
        %dma_wait3A_1073 = tpu.memref_squeeze %dma_wait3A_1072 : memref<1x!tpu.dma_semaphore, #tpu.memory_space<semaphore_mem>> -> memref<!tpu.dma_semaphore, #tpu.memory_space<semaphore_mem>>
        tpu.wait_indirect_dma semaphore(%dma_wait3A_1073 : memref<!tpu.dma_semaphore, #tpu.memory_space<semaphore_mem>>) src(%dma_wait3A_1065 : memref<128x16xf32, #tpu.memory_space<vmem>>) dst(%dma_wait3A_1071 : memref<10112x16xf32, #tpu.memory_space<vmem_shared>>)
      } else {
      }
      %dma_start3A_574 = arith.constant 4 : i32
      %dma_start3A_575 = arith.constant 4 : i32
      %dma_start3A_576 = arith.constant 0 : i32
      %dma_start3A_577 = arith.constant 0 : i32
      %dma_start3A_578 = tpu.memref_slice %arg8[%dma_start3A_574, %dma_start3A_576, %dma_start3A_577] : memref<8x128x16xf32, #tpu.memory_space<vmem>> -> memref<1x128x16xf32, #tpu.memory_space<vmem>>
      %dma_start3A_579 = tpu.memref_squeeze %dma_start3A_578 : memref<1x128x16xf32, #tpu.memory_space<vmem>> -> memref<128x16xf32, #tpu.memory_space<vmem>>
      %dma_start3A_580 = arith.constant 0 : i32
      %dma_start3A_581 = tpu.memref_slice %arg6[%add3A_567, %dma_start3A_580] : memref<80x128xi32, #tpu.memory_space<vmem>> -> memref<1x128xi32, #tpu.memory_space<vmem>>
      %dma_start3A_582 = tpu.memref_squeeze %dma_start3A_581 : memref<1x128xi32, #tpu.memory_space<vmem>> -> memref<128xi32, #tpu.memory_space<vmem>>
      %dma_start3A_583 = arith.constant 0 : i32
      %dma_start3A_584 = arith.constant 0 : i32
      %dma_start3A_585 = tpu.memref_slice %arg2[%dma_start3A_583, %dma_start3A_584] : memref<10000x16xf32, #tpu.memory_space<hbm>> -> memref<10000x16xf32, #tpu.memory_space<hbm>>
      %dma_start3A_586 = tpu.memref_slice %arg11[%dma_start3A_575] : memref<8x!tpu.dma_semaphore, #tpu.memory_space<semaphore_mem>> -> memref<1x!tpu.dma_semaphore, #tpu.memory_space<semaphore_mem>>
      %dma_start3A_587 = tpu.memref_squeeze %dma_start3A_586 : memref<1x!tpu.dma_semaphore, #tpu.memory_space<semaphore_mem>> -> memref<!tpu.dma_semaphore, #tpu.memory_space<semaphore_mem>>
      tpu.enqueue_indirect_dma source(%dma_start3A_585 : memref<10000x16xf32, #tpu.memory_space<hbm>>) target(%dma_start3A_579 : memref<128x16xf32, #tpu.memory_space<vmem>>) offsets(%dma_start3A_582 : memref<128xi32, #tpu.memory_space<vmem>>) semaphore(%dma_start3A_587 : memref<!tpu.dma_semaphore, #tpu.memory_space<semaphore_mem>>)
      %dma_wait3A_588 = arith.constant 0 : i32
      %dma_wait3A_589 = arith.constant 0 : i32
      %dma_wait3A_590 = arith.constant 0 : i32
      %dma_wait3A_591 = arith.constant 0 : i32
      %dma_wait3A_592 = tpu.memref_slice %arg8[%dma_wait3A_588, %dma_wait3A_590, %dma_wait3A_591] : memref<8x128x16xf32, #tpu.memory_space<vmem>> -> memref<1x128x16xf32, #tpu.memory_space<vmem>>
      %dma_wait3A_593 = tpu.memref_squeeze %dma_wait3A_592 : memref<1x128x16xf32, #tpu.memory_space<vmem>> -> memref<128x16xf32, #tpu.memory_space<vmem>>
      %dma_wait3A_594 = arith.constant 0 : i32
      %dma_wait3A_595 = tpu.memref_slice %arg6[%add3A_571, %dma_wait3A_594] : memref<80x128xi32, #tpu.memory_space<vmem>> -> memref<1x128xi32, #tpu.memory_space<vmem>>
      %dma_wait3A_596 = tpu.memref_squeeze %dma_wait3A_595 : memref<1x128xi32, #tpu.memory_space<vmem>> -> memref<128xi32, #tpu.memory_space<vmem>>
      %dma_wait3A_597 = arith.constant 0 : i32
      %dma_wait3A_598 = arith.constant 0 : i32
      %dma_wait3A_599 = tpu.memref_slice %arg2[%dma_wait3A_597, %dma_wait3A_598] : memref<10000x16xf32, #tpu.memory_space<hbm>> -> memref<10000x16xf32, #tpu.memory_space<hbm>>
      %dma_wait3A_600 = tpu.memref_slice %arg11[%dma_wait3A_589] : memref<8x!tpu.dma_semaphore, #tpu.memory_space<semaphore_mem>> -> memref<1x!tpu.dma_semaphore, #tpu.memory_space<semaphore_mem>>
      %dma_wait3A_601 = tpu.memref_squeeze %dma_wait3A_600 : memref<1x!tpu.dma_semaphore, #tpu.memory_space<semaphore_mem>> -> memref<!tpu.dma_semaphore, #tpu.memory_space<semaphore_mem>>
      tpu.wait_indirect_dma semaphore(%dma_wait3A_601 : memref<!tpu.dma_semaphore, #tpu.memory_space<semaphore_mem>>) src(%dma_wait3A_599 : memref<10000x16xf32, #tpu.memory_space<hbm>>) dst(%dma_wait3A_593 : memref<128x16xf32, #tpu.memory_space<vmem>>)
      %dma_start3A_602 = arith.constant 0 : i32
      %dma_start3A_603 = arith.constant 0 : i32
      %dma_start3A_604 = arith.constant 0 : i32
      %dma_start3A_605 = arith.constant 0 : i32
      %dma_start3A_606 = tpu.memref_slice %arg8[%dma_start3A_602, %dma_start3A_604, %dma_start3A_605] : memref<8x128x16xf32, #tpu.memory_space<vmem>> -> memref<1x128x16xf32, #tpu.memory_space<vmem>>
      %dma_start3A_607 = tpu.memref_squeeze %dma_start3A_606 : memref<1x128x16xf32, #tpu.memory_space<vmem>> -> memref<128x16xf32, #tpu.memory_space<vmem>>
      %dma_start3A_608 = arith.constant 0 : i32
      %dma_start3A_609 = tpu.memref_slice %arg7[%add3A_571, %dma_start3A_608] : memref<80x128xi32, #tpu.memory_space<vmem>> -> memref<1x128xi32, #tpu.memory_space<vmem>>
      %dma_start3A_610 = tpu.memref_squeeze %dma_start3A_609 : memref<1x128xi32, #tpu.memory_space<vmem>> -> memref<128xi32, #tpu.memory_space<vmem>>
      %dma_start3A_611 = arith.constant 0 : i32
      %dma_start3A_612 = arith.constant 0 : i32
      %dma_start3A_613 = tpu.memref_slice %arg10[%dma_start3A_611, %dma_start3A_612] : memref<10112x16xf32, #tpu.memory_space<vmem_shared>> -> memref<10112x16xf32, #tpu.memory_space<vmem_shared>>
      %dma_start3A_614 = tpu.memref_slice %arg12[%dma_start3A_603] : memref<8x!tpu.dma_semaphore, #tpu.memory_space<semaphore_mem>> -> memref<1x!tpu.dma_semaphore, #tpu.memory_space<semaphore_mem>>
      %dma_start3A_615 = tpu.memref_squeeze %dma_start3A_614 : memref<1x!tpu.dma_semaphore, #tpu.memory_space<semaphore_mem>> -> memref<!tpu.dma_semaphore, #tpu.memory_space<semaphore_mem>>
      tpu.enqueue_indirect_dma source(%dma_start3A_607 : memref<128x16xf32, #tpu.memory_space<vmem>>) target(%dma_start3A_613 : memref<10112x16xf32, #tpu.memory_space<vmem_shared>>) offsets(%dma_start3A_610 : memref<128xi32, #tpu.memory_space<vmem>>) semaphore(%dma_start3A_615 : memref<!tpu.dma_semaphore, #tpu.memory_space<semaphore_mem>>) {add = true}
      %mul3A_616 = arith.constant 8 : i32
      %mul3A_617 = arith.muli %add3A_561, %mul3A_616 : i32
      %add3A_618 = arith.constant 1 : i32
      %add3A_619 = arith.addi %mul3A_617, %add3A_618 : i32
      %add3A_620 = arith.constant 4 : i32
      %add3A_621 = arith.addi %add3A_619, %add3A_620 : i32
      %mul3A_622 = arith.constant 8 : i32
      %mul3A_623 = arith.muli %add3A_561, %mul3A_622 : i32
      %add3A_624 = arith.constant 1 : i32
      %add3A_625 = arith.addi %mul3A_623, %add3A_624 : i32
      %gt3A_626 = arith.constant 0 : i32
      %gt3A_627 = arith.cmpi sgt, %add3A_561, %gt3A_626 : i32
      %convert_element_type3A_628 = arith.extui %gt3A_627 : i1 to i32
      %cond3A_629 = arith.constant 0 : i32
      %cond3A_630 = arith.cmpi ne, %convert_element_type3A_628, %cond3A_629 : i32
      scf.if %cond3A_630 {
        %sub3A_1058 = arith.constant 8 : i32
        %sub3A_1059 = arith.subi %add3A_621, %sub3A_1058 : i32
        %dma_wait3A_1060 = arith.constant 5 : i32
        %dma_wait3A_1061 = arith.constant 5 : i32
        %dma_wait3A_1062 = arith.constant 0 : i32
        %dma_wait3A_1063 = arith.constant 0 : i32
        %dma_wait3A_1064 = tpu.memref_slice %arg8[%dma_wait3A_1060, %dma_wait3A_1062, %dma_wait3A_1063] : memref<8x128x16xf32, #tpu.memory_space<vmem>> -> memref<1x128x16xf32, #tpu.memory_space<vmem>>
        %dma_wait3A_1065 = tpu.memref_squeeze %dma_wait3A_1064 : memref<1x128x16xf32, #tpu.memory_space<vmem>> -> memref<128x16xf32, #tpu.memory_space<vmem>>
        %dma_wait3A_1066 = arith.constant 0 : i32
        %dma_wait3A_1067 = tpu.memref_slice %arg7[%sub3A_1059, %dma_wait3A_1066] : memref<80x128xi32, #tpu.memory_space<vmem>> -> memref<1x128xi32, #tpu.memory_space<vmem>>
        %dma_wait3A_1068 = tpu.memref_squeeze %dma_wait3A_1067 : memref<1x128xi32, #tpu.memory_space<vmem>> -> memref<128xi32, #tpu.memory_space<vmem>>
        %dma_wait3A_1069 = arith.constant 0 : i32
        %dma_wait3A_1070 = arith.constant 0 : i32
        %dma_wait3A_1071 = tpu.memref_slice %arg10[%dma_wait3A_1069, %dma_wait3A_1070] : memref<10112x16xf32, #tpu.memory_space<vmem_shared>> -> memref<10112x16xf32, #tpu.memory_space<vmem_shared>>
        %dma_wait3A_1072 = tpu.memref_slice %arg12[%dma_wait3A_1061] : memref<8x!tpu.dma_semaphore, #tpu.memory_space<semaphore_mem>> -> memref<1x!tpu.dma_semaphore, #tpu.memory_space<semaphore_mem>>
        %dma_wait3A_1073 = tpu.memref_squeeze %dma_wait3A_1072 : memref<1x!tpu.dma_semaphore, #tpu.memory_space<semaphore_mem>> -> memref<!tpu.dma_semaphore, #tpu.memory_space<semaphore_mem>>
        tpu.wait_indirect_dma semaphore(%dma_wait3A_1073 : memref<!tpu.dma_semaphore, #tpu.memory_space<semaphore_mem>>) src(%dma_wait3A_1065 : memref<128x16xf32, #tpu.memory_space<vmem>>) dst(%dma_wait3A_1071 : memref<10112x16xf32, #tpu.memory_space<vmem_shared>>)
      } else {
      }
      %dma_start3A_631 = arith.constant 5 : i32
      %dma_start3A_632 = arith.constant 5 : i32
      %dma_start3A_633 = arith.constant 0 : i32
      %dma_start3A_634 = arith.constant 0 : i32
      %dma_start3A_635 = tpu.memref_slice %arg8[%dma_start3A_631, %dma_start3A_633, %dma_start3A_634] : memref<8x128x16xf32, #tpu.memory_space<vmem>> -> memref<1x128x16xf32, #tpu.memory_space<vmem>>
      %dma_start3A_636 = tpu.memref_squeeze %dma_start3A_635 : memref<1x128x16xf32, #tpu.memory_space<vmem>> -> memref<128x16xf32, #tpu.memory_space<vmem>>
      %dma_start3A_637 = arith.constant 0 : i32
      %dma_start3A_638 = tpu.memref_slice %arg6[%add3A_621, %dma_start3A_637] : memref<80x128xi32, #tpu.memory_space<vmem>> -> memref<1x128xi32, #tpu.memory_space<vmem>>
      %dma_start3A_639 = tpu.memref_squeeze %dma_start3A_638 : memref<1x128xi32, #tpu.memory_space<vmem>> -> memref<128xi32, #tpu.memory_space<vmem>>
      %dma_start3A_640 = arith.constant 0 : i32
      %dma_start3A_641 = arith.constant 0 : i32
      %dma_start3A_642 = tpu.memref_slice %arg2[%dma_start3A_640, %dma_start3A_641] : memref<10000x16xf32, #tpu.memory_space<hbm>> -> memref<10000x16xf32, #tpu.memory_space<hbm>>
      %dma_start3A_643 = tpu.memref_slice %arg11[%dma_start3A_632] : memref<8x!tpu.dma_semaphore, #tpu.memory_space<semaphore_mem>> -> memref<1x!tpu.dma_semaphore, #tpu.memory_space<semaphore_mem>>
      %dma_start3A_644 = tpu.memref_squeeze %dma_start3A_643 : memref<1x!tpu.dma_semaphore, #tpu.memory_space<semaphore_mem>> -> memref<!tpu.dma_semaphore, #tpu.memory_space<semaphore_mem>>
      tpu.enqueue_indirect_dma source(%dma_start3A_642 : memref<10000x16xf32, #tpu.memory_space<hbm>>) target(%dma_start3A_636 : memref<128x16xf32, #tpu.memory_space<vmem>>) offsets(%dma_start3A_639 : memref<128xi32, #tpu.memory_space<vmem>>) semaphore(%dma_start3A_644 : memref<!tpu.dma_semaphore, #tpu.memory_space<semaphore_mem>>)
      %dma_wait3A_645 = arith.constant 1 : i32
      %dma_wait3A_646 = arith.constant 1 : i32
      %dma_wait3A_647 = arith.constant 0 : i32
      %dma_wait3A_648 = arith.constant 0 : i32
      %dma_wait3A_649 = tpu.memref_slice %arg8[%dma_wait3A_645, %dma_wait3A_647, %dma_wait3A_648] : memref<8x128x16xf32, #tpu.memory_space<vmem>> -> memref<1x128x16xf32, #tpu.memory_space<vmem>>
      %dma_wait3A_650 = tpu.memref_squeeze %dma_wait3A_649 : memref<1x128x16xf32, #tpu.memory_space<vmem>> -> memref<128x16xf32, #tpu.memory_space<vmem>>
      %dma_wait3A_651 = arith.constant 0 : i32
      %dma_wait3A_652 = tpu.memref_slice %arg6[%add3A_625, %dma_wait3A_651] : memref<80x128xi32, #tpu.memory_space<vmem>> -> memref<1x128xi32, #tpu.memory_space<vmem>>
      %dma_wait3A_653 = tpu.memref_squeeze %dma_wait3A_652 : memref<1x128xi32, #tpu.memory_space<vmem>> -> memref<128xi32, #tpu.memory_space<vmem>>
      %dma_wait3A_654 = arith.constant 0 : i32
      %dma_wait3A_655 = arith.constant 0 : i32
      %dma_wait3A_656 = tpu.memref_slice %arg2[%dma_wait3A_654, %dma_wait3A_655] : memref<10000x16xf32, #tpu.memory_space<hbm>> -> memref<10000x16xf32, #tpu.memory_space<hbm>>
      %dma_wait3A_657 = tpu.memref_slice %arg11[%dma_wait3A_646] : memref<8x!tpu.dma_semaphore, #tpu.memory_space<semaphore_mem>> -> memref<1x!tpu.dma_semaphore, #tpu.memory_space<semaphore_mem>>
      %dma_wait3A_658 = tpu.memref_squeeze %dma_wait3A_657 : memref<1x!tpu.dma_semaphore, #tpu.memory_space<semaphore_mem>> -> memref<!tpu.dma_semaphore, #tpu.memory_space<semaphore_mem>>
      tpu.wait_indirect_dma semaphore(%dma_wait3A_658 : memref<!tpu.dma_semaphore, #tpu.memory_space<semaphore_mem>>) src(%dma_wait3A_656 : memref<10000x16xf32, #tpu.memory_space<hbm>>) dst(%dma_wait3A_650 : memref<128x16xf32, #tpu.memory_space<vmem>>)
      %dma_start3A_659 = arith.constant 1 : i32
      %dma_start3A_660 = arith.constant 1 : i32
      %dma_start3A_661 = arith.constant 0 : i32
      %dma_start3A_662 = arith.constant 0 : i32
      %dma_start3A_663 = tpu.memref_slice %arg8[%dma_start3A_659, %dma_start3A_661, %dma_start3A_662] : memref<8x128x16xf32, #tpu.memory_space<vmem>> -> memref<1x128x16xf32, #tpu.memory_space<vmem>>
      %dma_start3A_664 = tpu.memref_squeeze %dma_start3A_663 : memref<1x128x16xf32, #tpu.memory_space<vmem>> -> memref<128x16xf32, #tpu.memory_space<vmem>>
      %dma_start3A_665 = arith.constant 0 : i32
      %dma_start3A_666 = tpu.memref_slice %arg7[%add3A_625, %dma_start3A_665] : memref<80x128xi32, #tpu.memory_space<vmem>> -> memref<1x128xi32, #tpu.memory_space<vmem>>
      %dma_start3A_667 = tpu.memref_squeeze %dma_start3A_666 : memref<1x128xi32, #tpu.memory_space<vmem>> -> memref<128xi32, #tpu.memory_space<vmem>>
      %dma_start3A_668 = arith.constant 0 : i32
      %dma_start3A_669 = arith.constant 0 : i32
      %dma_start3A_670 = tpu.memref_slice %arg10[%dma_start3A_668, %dma_start3A_669] : memref<10112x16xf32, #tpu.memory_space<vmem_shared>> -> memref<10112x16xf32, #tpu.memory_space<vmem_shared>>
      %dma_start3A_671 = tpu.memref_slice %arg12[%dma_start3A_660] : memref<8x!tpu.dma_semaphore, #tpu.memory_space<semaphore_mem>> -> memref<1x!tpu.dma_semaphore, #tpu.memory_space<semaphore_mem>>
      %dma_start3A_672 = tpu.memref_squeeze %dma_start3A_671 : memref<1x!tpu.dma_semaphore, #tpu.memory_space<semaphore_mem>> -> memref<!tpu.dma_semaphore, #tpu.memory_space<semaphore_mem>>
      tpu.enqueue_indirect_dma source(%dma_start3A_664 : memref<128x16xf32, #tpu.memory_space<vmem>>) target(%dma_start3A_670 : memref<10112x16xf32, #tpu.memory_space<vmem_shared>>) offsets(%dma_start3A_667 : memref<128xi32, #tpu.memory_space<vmem>>) semaphore(%dma_start3A_672 : memref<!tpu.dma_semaphore, #tpu.memory_space<semaphore_mem>>) {add = true}
      %mul3A_673 = arith.constant 8 : i32
      %mul3A_674 = arith.muli %add3A_561, %mul3A_673 : i32
      %add3A_675 = arith.constant 2 : i32
      %add3A_676 = arith.addi %mul3A_674, %add3A_675 : i32
      %add3A_677 = arith.constant 4 : i32
      %add3A_678 = arith.addi %add3A_676, %add3A_677 : i32
      %mul3A_679 = arith.constant 8 : i32
      %mul3A_680 = arith.muli %add3A_561, %mul3A_679 : i32
      %add3A_681 = arith.constant 2 : i32
      %add3A_682 = arith.addi %mul3A_680, %add3A_681 : i32
      %gt3A_683 = arith.constant 0 : i32
      %gt3A_684 = arith.cmpi sgt, %add3A_561, %gt3A_683 : i32
      %convert_element_type3A_685 = arith.extui %gt3A_684 : i1 to i32
      %cond3A_686 = arith.constant 0 : i32
      %cond3A_687 = arith.cmpi ne, %convert_element_type3A_685, %cond3A_686 : i32
      scf.if %cond3A_687 {
        %sub3A_1058 = arith.constant 8 : i32
        %sub3A_1059 = arith.subi %add3A_678, %sub3A_1058 : i32
        %dma_wait3A_1060 = arith.constant 6 : i32
        %dma_wait3A_1061 = arith.constant 6 : i32
        %dma_wait3A_1062 = arith.constant 0 : i32
        %dma_wait3A_1063 = arith.constant 0 : i32
        %dma_wait3A_1064 = tpu.memref_slice %arg8[%dma_wait3A_1060, %dma_wait3A_1062, %dma_wait3A_1063] : memref<8x128x16xf32, #tpu.memory_space<vmem>> -> memref<1x128x16xf32, #tpu.memory_space<vmem>>
        %dma_wait3A_1065 = tpu.memref_squeeze %dma_wait3A_1064 : memref<1x128x16xf32, #tpu.memory_space<vmem>> -> memref<128x16xf32, #tpu.memory_space<vmem>>
        %dma_wait3A_1066 = arith.constant 0 : i32
        %dma_wait3A_1067 = tpu.memref_slice %arg7[%sub3A_1059, %dma_wait3A_1066] : memref<80x128xi32, #tpu.memory_space<vmem>> -> memref<1x128xi32, #tpu.memory_space<vmem>>
        %dma_wait3A_1068 = tpu.memref_squeeze %dma_wait3A_1067 : memref<1x128xi32, #tpu.memory_space<vmem>> -> memref<128xi32, #tpu.memory_space<vmem>>
        %dma_wait3A_1069 = arith.constant 0 : i32
        %dma_wait3A_1070 = arith.constant 0 : i32
        %dma_wait3A_1071 = tpu.memref_slice %arg10[%dma_wait3A_1069, %dma_wait3A_1070] : memref<10112x16xf32, #tpu.memory_space<vmem_shared>> -> memref<10112x16xf32, #tpu.memory_space<vmem_shared>>
        %dma_wait3A_1072 = tpu.memref_slice %arg12[%dma_wait3A_1061] : memref<8x!tpu.dma_semaphore, #tpu.memory_space<semaphore_mem>> -> memref<1x!tpu.dma_semaphore, #tpu.memory_space<semaphore_mem>>
        %dma_wait3A_1073 = tpu.memref_squeeze %dma_wait3A_1072 : memref<1x!tpu.dma_semaphore, #tpu.memory_space<semaphore_mem>> -> memref<!tpu.dma_semaphore, #tpu.memory_space<semaphore_mem>>
        tpu.wait_indirect_dma semaphore(%dma_wait3A_1073 : memref<!tpu.dma_semaphore, #tpu.memory_space<semaphore_mem>>) src(%dma_wait3A_1065 : memref<128x16xf32, #tpu.memory_space<vmem>>) dst(%dma_wait3A_1071 : memref<10112x16xf32, #tpu.memory_space<vmem_shared>>)
      } else {
      }
      %dma_start3A_688 = arith.constant 6 : i32
      %dma_start3A_689 = arith.constant 6 : i32
      %dma_start3A_690 = arith.constant 0 : i32
      %dma_start3A_691 = arith.constant 0 : i32
      %dma_start3A_692 = tpu.memref_slice %arg8[%dma_start3A_688, %dma_start3A_690, %dma_start3A_691] : memref<8x128x16xf32, #tpu.memory_space<vmem>> -> memref<1x128x16xf32, #tpu.memory_space<vmem>>
      %dma_start3A_693 = tpu.memref_squeeze %dma_start3A_692 : memref<1x128x16xf32, #tpu.memory_space<vmem>> -> memref<128x16xf32, #tpu.memory_space<vmem>>
      %dma_start3A_694 = arith.constant 0 : i32
      %dma_start3A_695 = tpu.memref_slice %arg6[%add3A_678, %dma_start3A_694] : memref<80x128xi32, #tpu.memory_space<vmem>> -> memref<1x128xi32, #tpu.memory_space<vmem>>
      %dma_start3A_696 = tpu.memref_squeeze %dma_start3A_695 : memref<1x128xi32, #tpu.memory_space<vmem>> -> memref<128xi32, #tpu.memory_space<vmem>>
      %dma_start3A_697 = arith.constant 0 : i32
      %dma_start3A_698 = arith.constant 0 : i32
      %dma_start3A_699 = tpu.memref_slice %arg2[%dma_start3A_697, %dma_start3A_698] : memref<10000x16xf32, #tpu.memory_space<hbm>> -> memref<10000x16xf32, #tpu.memory_space<hbm>>
      %dma_start3A_700 = tpu.memref_slice %arg11[%dma_start3A_689] : memref<8x!tpu.dma_semaphore, #tpu.memory_space<semaphore_mem>> -> memref<1x!tpu.dma_semaphore, #tpu.memory_space<semaphore_mem>>
      %dma_start3A_701 = tpu.memref_squeeze %dma_start3A_700 : memref<1x!tpu.dma_semaphore, #tpu.memory_space<semaphore_mem>> -> memref<!tpu.dma_semaphore, #tpu.memory_space<semaphore_mem>>
      tpu.enqueue_indirect_dma source(%dma_start3A_699 : memref<10000x16xf32, #tpu.memory_space<hbm>>) target(%dma_start3A_693 : memref<128x16xf32, #tpu.memory_space<vmem>>) offsets(%dma_start3A_696 : memref<128xi32, #tpu.memory_space<vmem>>) semaphore(%dma_start3A_701 : memref<!tpu.dma_semaphore, #tpu.memory_space<semaphore_mem>>)
      %dma_wait3A_702 = arith.constant 2 : i32
      %dma_wait3A_703 = arith.constant 2 : i32
      %dma_wait3A_704 = arith.constant 0 : i32
      %dma_wait3A_705 = arith.constant 0 : i32
      %dma_wait3A_706 = tpu.memref_slice %arg8[%dma_wait3A_702, %dma_wait3A_704, %dma_wait3A_705] : memref<8x128x16xf32, #tpu.memory_space<vmem>> -> memref<1x128x16xf32, #tpu.memory_space<vmem>>
      %dma_wait3A_707 = tpu.memref_squeeze %dma_wait3A_706 : memref<1x128x16xf32, #tpu.memory_space<vmem>> -> memref<128x16xf32, #tpu.memory_space<vmem>>
      %dma_wait3A_708 = arith.constant 0 : i32
      %dma_wait3A_709 = tpu.memref_slice %arg6[%add3A_682, %dma_wait3A_708] : memref<80x128xi32, #tpu.memory_space<vmem>> -> memref<1x128xi32, #tpu.memory_space<vmem>>
      %dma_wait3A_710 = tpu.memref_squeeze %dma_wait3A_709 : memref<1x128xi32, #tpu.memory_space<vmem>> -> memref<128xi32, #tpu.memory_space<vmem>>
      %dma_wait3A_711 = arith.constant 0 : i32
      %dma_wait3A_712 = arith.constant 0 : i32
      %dma_wait3A_713 = tpu.memref_slice %arg2[%dma_wait3A_711, %dma_wait3A_712] : memref<10000x16xf32, #tpu.memory_space<hbm>> -> memref<10000x16xf32, #tpu.memory_space<hbm>>
      %dma_wait3A_714 = tpu.memref_slice %arg11[%dma_wait3A_703] : memref<8x!tpu.dma_semaphore, #tpu.memory_space<semaphore_mem>> -> memref<1x!tpu.dma_semaphore, #tpu.memory_space<semaphore_mem>>
      %dma_wait3A_715 = tpu.memref_squeeze %dma_wait3A_714 : memref<1x!tpu.dma_semaphore, #tpu.memory_space<semaphore_mem>> -> memref<!tpu.dma_semaphore, #tpu.memory_space<semaphore_mem>>
      tpu.wait_indirect_dma semaphore(%dma_wait3A_715 : memref<!tpu.dma_semaphore, #tpu.memory_space<semaphore_mem>>) src(%dma_wait3A_713 : memref<10000x16xf32, #tpu.memory_space<hbm>>) dst(%dma_wait3A_707 : memref<128x16xf32, #tpu.memory_space<vmem>>)
      %dma_start3A_716 = arith.constant 2 : i32
      %dma_start3A_717 = arith.constant 2 : i32
      %dma_start3A_718 = arith.constant 0 : i32
      %dma_start3A_719 = arith.constant 0 : i32
      %dma_start3A_720 = tpu.memref_slice %arg8[%dma_start3A_716, %dma_start3A_718, %dma_start3A_719] : memref<8x128x16xf32, #tpu.memory_space<vmem>> -> memref<1x128x16xf32, #tpu.memory_space<vmem>>
      %dma_start3A_721 = tpu.memref_squeeze %dma_start3A_720 : memref<1x128x16xf32, #tpu.memory_space<vmem>> -> memref<128x16xf32, #tpu.memory_space<vmem>>
      %dma_start3A_722 = arith.constant 0 : i32
      %dma_start3A_723 = tpu.memref_slice %arg7[%add3A_682, %dma_start3A_722] : memref<80x128xi32, #tpu.memory_space<vmem>> -> memref<1x128xi32, #tpu.memory_space<vmem>>
      %dma_start3A_724 = tpu.memref_squeeze %dma_start3A_723 : memref<1x128xi32, #tpu.memory_space<vmem>> -> memref<128xi32, #tpu.memory_space<vmem>>
      %dma_start3A_725 = arith.constant 0 : i32
      %dma_start3A_726 = arith.constant 0 : i32
      %dma_start3A_727 = tpu.memref_slice %arg10[%dma_start3A_725, %dma_start3A_726] : memref<10112x16xf32, #tpu.memory_space<vmem_shared>> -> memref<10112x16xf32, #tpu.memory_space<vmem_shared>>
      %dma_start3A_728 = tpu.memref_slice %arg12[%dma_start3A_717] : memref<8x!tpu.dma_semaphore, #tpu.memory_space<semaphore_mem>> -> memref<1x!tpu.dma_semaphore, #tpu.memory_space<semaphore_mem>>
      %dma_start3A_729 = tpu.memref_squeeze %dma_start3A_728 : memref<1x!tpu.dma_semaphore, #tpu.memory_space<semaphore_mem>> -> memref<!tpu.dma_semaphore, #tpu.memory_space<semaphore_mem>>
      tpu.enqueue_indirect_dma source(%dma_start3A_721 : memref<128x16xf32, #tpu.memory_space<vmem>>) target(%dma_start3A_727 : memref<10112x16xf32, #tpu.memory_space<vmem_shared>>) offsets(%dma_start3A_724 : memref<128xi32, #tpu.memory_space<vmem>>) semaphore(%dma_start3A_729 : memref<!tpu.dma_semaphore, #tpu.memory_space<semaphore_mem>>) {add = true}
      %mul3A_730 = arith.constant 8 : i32
      %mul3A_731 = arith.muli %add3A_561, %mul3A_730 : i32
      %add3A_732 = arith.constant 3 : i32
      %add3A_733 = arith.addi %mul3A_731, %add3A_732 : i32
      %add3A_734 = arith.constant 4 : i32
      %add3A_735 = arith.addi %add3A_733, %add3A_734 : i32
      %mul3A_736 = arith.constant 8 : i32
      %mul3A_737 = arith.muli %add3A_561, %mul3A_736 : i32
      %add3A_738 = arith.constant 3 : i32
      %add3A_739 = arith.addi %mul3A_737, %add3A_738 : i32
      %gt3A_740 = arith.constant 0 : i32
      %gt3A_741 = arith.cmpi sgt, %add3A_561, %gt3A_740 : i32
      %convert_element_type3A_742 = arith.extui %gt3A_741 : i1 to i32
      %cond3A_743 = arith.constant 0 : i32
      %cond3A_744 = arith.cmpi ne, %convert_element_type3A_742, %cond3A_743 : i32
      scf.if %cond3A_744 {
        %sub3A_1058 = arith.constant 8 : i32
        %sub3A_1059 = arith.subi %add3A_735, %sub3A_1058 : i32
        %dma_wait3A_1060 = arith.constant 7 : i32
        %dma_wait3A_1061 = arith.constant 7 : i32
        %dma_wait3A_1062 = arith.constant 0 : i32
        %dma_wait3A_1063 = arith.constant 0 : i32
        %dma_wait3A_1064 = tpu.memref_slice %arg8[%dma_wait3A_1060, %dma_wait3A_1062, %dma_wait3A_1063] : memref<8x128x16xf32, #tpu.memory_space<vmem>> -> memref<1x128x16xf32, #tpu.memory_space<vmem>>
        %dma_wait3A_1065 = tpu.memref_squeeze %dma_wait3A_1064 : memref<1x128x16xf32, #tpu.memory_space<vmem>> -> memref<128x16xf32, #tpu.memory_space<vmem>>
        %dma_wait3A_1066 = arith.constant 0 : i32
        %dma_wait3A_1067 = tpu.memref_slice %arg7[%sub3A_1059, %dma_wait3A_1066] : memref<80x128xi32, #tpu.memory_space<vmem>> -> memref<1x128xi32, #tpu.memory_space<vmem>>
        %dma_wait3A_1068 = tpu.memref_squeeze %dma_wait3A_1067 : memref<1x128xi32, #tpu.memory_space<vmem>> -> memref<128xi32, #tpu.memory_space<vmem>>
        %dma_wait3A_1069 = arith.constant 0 : i32
        %dma_wait3A_1070 = arith.constant 0 : i32
        %dma_wait3A_1071 = tpu.memref_slice %arg10[%dma_wait3A_1069, %dma_wait3A_1070] : memref<10112x16xf32, #tpu.memory_space<vmem_shared>> -> memref<10112x16xf32, #tpu.memory_space<vmem_shared>>
        %dma_wait3A_1072 = tpu.memref_slice %arg12[%dma_wait3A_1061] : memref<8x!tpu.dma_semaphore, #tpu.memory_space<semaphore_mem>> -> memref<1x!tpu.dma_semaphore, #tpu.memory_space<semaphore_mem>>
        %dma_wait3A_1073 = tpu.memref_squeeze %dma_wait3A_1072 : memref<1x!tpu.dma_semaphore, #tpu.memory_space<semaphore_mem>> -> memref<!tpu.dma_semaphore, #tpu.memory_space<semaphore_mem>>
        tpu.wait_indirect_dma semaphore(%dma_wait3A_1073 : memref<!tpu.dma_semaphore, #tpu.memory_space<semaphore_mem>>) src(%dma_wait3A_1065 : memref<128x16xf32, #tpu.memory_space<vmem>>) dst(%dma_wait3A_1071 : memref<10112x16xf32, #tpu.memory_space<vmem_shared>>)
      } else {
      }
      %dma_start3A_745 = arith.constant 7 : i32
      %dma_start3A_746 = arith.constant 7 : i32
      %dma_start3A_747 = arith.constant 0 : i32
      %dma_start3A_748 = arith.constant 0 : i32
      %dma_start3A_749 = tpu.memref_slice %arg8[%dma_start3A_745, %dma_start3A_747, %dma_start3A_748] : memref<8x128x16xf32, #tpu.memory_space<vmem>> -> memref<1x128x16xf32, #tpu.memory_space<vmem>>
      %dma_start3A_750 = tpu.memref_squeeze %dma_start3A_749 : memref<1x128x16xf32, #tpu.memory_space<vmem>> -> memref<128x16xf32, #tpu.memory_space<vmem>>
      %dma_start3A_751 = arith.constant 0 : i32
      %dma_start3A_752 = tpu.memref_slice %arg6[%add3A_735, %dma_start3A_751] : memref<80x128xi32, #tpu.memory_space<vmem>> -> memref<1x128xi32, #tpu.memory_space<vmem>>
      %dma_start3A_753 = tpu.memref_squeeze %dma_start3A_752 : memref<1x128xi32, #tpu.memory_space<vmem>> -> memref<128xi32, #tpu.memory_space<vmem>>
      %dma_start3A_754 = arith.constant 0 : i32
      %dma_start3A_755 = arith.constant 0 : i32
      %dma_start3A_756 = tpu.memref_slice %arg2[%dma_start3A_754, %dma_start3A_755] : memref<10000x16xf32, #tpu.memory_space<hbm>> -> memref<10000x16xf32, #tpu.memory_space<hbm>>
      %dma_start3A_757 = tpu.memref_slice %arg11[%dma_start3A_746] : memref<8x!tpu.dma_semaphore, #tpu.memory_space<semaphore_mem>> -> memref<1x!tpu.dma_semaphore, #tpu.memory_space<semaphore_mem>>
      %dma_start3A_758 = tpu.memref_squeeze %dma_start3A_757 : memref<1x!tpu.dma_semaphore, #tpu.memory_space<semaphore_mem>> -> memref<!tpu.dma_semaphore, #tpu.memory_space<semaphore_mem>>
      tpu.enqueue_indirect_dma source(%dma_start3A_756 : memref<10000x16xf32, #tpu.memory_space<hbm>>) target(%dma_start3A_750 : memref<128x16xf32, #tpu.memory_space<vmem>>) offsets(%dma_start3A_753 : memref<128xi32, #tpu.memory_space<vmem>>) semaphore(%dma_start3A_758 : memref<!tpu.dma_semaphore, #tpu.memory_space<semaphore_mem>>)
      %dma_wait3A_759 = arith.constant 3 : i32
      %dma_wait3A_760 = arith.constant 3 : i32
      %dma_wait3A_761 = arith.constant 0 : i32
      %dma_wait3A_762 = arith.constant 0 : i32
      %dma_wait3A_763 = tpu.memref_slice %arg8[%dma_wait3A_759, %dma_wait3A_761, %dma_wait3A_762] : memref<8x128x16xf32, #tpu.memory_space<vmem>> -> memref<1x128x16xf32, #tpu.memory_space<vmem>>
      %dma_wait3A_764 = tpu.memref_squeeze %dma_wait3A_763 : memref<1x128x16xf32, #tpu.memory_space<vmem>> -> memref<128x16xf32, #tpu.memory_space<vmem>>
      %dma_wait3A_765 = arith.constant 0 : i32
      %dma_wait3A_766 = tpu.memref_slice %arg6[%add3A_739, %dma_wait3A_765] : memref<80x128xi32, #tpu.memory_space<vmem>> -> memref<1x128xi32, #tpu.memory_space<vmem>>
      %dma_wait3A_767 = tpu.memref_squeeze %dma_wait3A_766 : memref<1x128xi32, #tpu.memory_space<vmem>> -> memref<128xi32, #tpu.memory_space<vmem>>
      %dma_wait3A_768 = arith.constant 0 : i32
      %dma_wait3A_769 = arith.constant 0 : i32
      %dma_wait3A_770 = tpu.memref_slice %arg2[%dma_wait3A_768, %dma_wait3A_769] : memref<10000x16xf32, #tpu.memory_space<hbm>> -> memref<10000x16xf32, #tpu.memory_space<hbm>>
      %dma_wait3A_771 = tpu.memref_slice %arg11[%dma_wait3A_760] : memref<8x!tpu.dma_semaphore, #tpu.memory_space<semaphore_mem>> -> memref<1x!tpu.dma_semaphore, #tpu.memory_space<semaphore_mem>>
      %dma_wait3A_772 = tpu.memref_squeeze %dma_wait3A_771 : memref<1x!tpu.dma_semaphore, #tpu.memory_space<semaphore_mem>> -> memref<!tpu.dma_semaphore, #tpu.memory_space<semaphore_mem>>
      tpu.wait_indirect_dma semaphore(%dma_wait3A_772 : memref<!tpu.dma_semaphore, #tpu.memory_space<semaphore_mem>>) src(%dma_wait3A_770 : memref<10000x16xf32, #tpu.memory_space<hbm>>) dst(%dma_wait3A_764 : memref<128x16xf32, #tpu.memory_space<vmem>>)
      %dma_start3A_773 = arith.constant 3 : i32
      %dma_start3A_774 = arith.constant 3 : i32
      %dma_start3A_775 = arith.constant 0 : i32
      %dma_start3A_776 = arith.constant 0 : i32
      %dma_start3A_777 = tpu.memref_slice %arg8[%dma_start3A_773, %dma_start3A_775, %dma_start3A_776] : memref<8x128x16xf32, #tpu.memory_space<vmem>> -> memref<1x128x16xf32, #tpu.memory_space<vmem>>
      %dma_start3A_778 = tpu.memref_squeeze %dma_start3A_777 : memref<1x128x16xf32, #tpu.memory_space<vmem>> -> memref<128x16xf32, #tpu.memory_space<vmem>>
      %dma_start3A_779 = arith.constant 0 : i32
      %dma_start3A_780 = tpu.memref_slice %arg7[%add3A_739, %dma_start3A_779] : memref<80x128xi32, #tpu.memory_space<vmem>> -> memref<1x128xi32, #tpu.memory_space<vmem>>
      %dma_start3A_781 = tpu.memref_squeeze %dma_start3A_780 : memref<1x128xi32, #tpu.memory_space<vmem>> -> memref<128xi32, #tpu.memory_space<vmem>>
      %dma_start3A_782 = arith.constant 0 : i32
      %dma_start3A_783 = arith.constant 0 : i32
      %dma_start3A_784 = tpu.memref_slice %arg10[%dma_start3A_782, %dma_start3A_783] : memref<10112x16xf32, #tpu.memory_space<vmem_shared>> -> memref<10112x16xf32, #tpu.memory_space<vmem_shared>>
      %dma_start3A_785 = tpu.memref_slice %arg12[%dma_start3A_774] : memref<8x!tpu.dma_semaphore, #tpu.memory_space<semaphore_mem>> -> memref<1x!tpu.dma_semaphore, #tpu.memory_space<semaphore_mem>>
      %dma_start3A_786 = tpu.memref_squeeze %dma_start3A_785 : memref<1x!tpu.dma_semaphore, #tpu.memory_space<semaphore_mem>> -> memref<!tpu.dma_semaphore, #tpu.memory_space<semaphore_mem>>
      tpu.enqueue_indirect_dma source(%dma_start3A_778 : memref<128x16xf32, #tpu.memory_space<vmem>>) target(%dma_start3A_784 : memref<10112x16xf32, #tpu.memory_space<vmem_shared>>) offsets(%dma_start3A_781 : memref<128xi32, #tpu.memory_space<vmem>>) semaphore(%dma_start3A_786 : memref<!tpu.dma_semaphore, #tpu.memory_space<semaphore_mem>>) {add = true}
      %mul3A_787 = arith.constant 8 : i32
      %mul3A_788 = arith.muli %add3A_561, %mul3A_787 : i32
      %add3A_789 = arith.constant 4 : i32
      %add3A_790 = arith.addi %mul3A_788, %add3A_789 : i32
      %add3A_791 = arith.constant 4 : i32
      %add3A_792 = arith.addi %add3A_790, %add3A_791 : i32
      %mul3A_793 = arith.constant 8 : i32
      %mul3A_794 = arith.muli %add3A_561, %mul3A_793 : i32
      %add3A_795 = arith.constant 4 : i32
      %add3A_796 = arith.addi %mul3A_794, %add3A_795 : i32
      %sub3A = arith.constant 8 : i32
      %sub3A_797 = arith.subi %add3A_792, %sub3A : i32
      %dma_wait3A_798 = arith.constant 0 : i32
      %dma_wait3A_799 = arith.constant 0 : i32
      %dma_wait3A_800 = arith.constant 0 : i32
      %dma_wait3A_801 = arith.constant 0 : i32
      %dma_wait3A_802 = tpu.memref_slice %arg8[%dma_wait3A_798, %dma_wait3A_800, %dma_wait3A_801] : memref<8x128x16xf32, #tpu.memory_space<vmem>> -> memref<1x128x16xf32, #tpu.memory_space<vmem>>
      %dma_wait3A_803 = tpu.memref_squeeze %dma_wait3A_802 : memref<1x128x16xf32, #tpu.memory_space<vmem>> -> memref<128x16xf32, #tpu.memory_space<vmem>>
      %dma_wait3A_804 = arith.constant 0 : i32
      %dma_wait3A_805 = tpu.memref_slice %arg7[%sub3A_797, %dma_wait3A_804] : memref<80x128xi32, #tpu.memory_space<vmem>> -> memref<1x128xi32, #tpu.memory_space<vmem>>
      %dma_wait3A_806 = tpu.memref_squeeze %dma_wait3A_805 : memref<1x128xi32, #tpu.memory_space<vmem>> -> memref<128xi32, #tpu.memory_space<vmem>>
      %dma_wait3A_807 = arith.constant 0 : i32
      %dma_wait3A_808 = arith.constant 0 : i32
      %dma_wait3A_809 = tpu.memref_slice %arg10[%dma_wait3A_807, %dma_wait3A_808] : memref<10112x16xf32, #tpu.memory_space<vmem_shared>> -> memref<10112x16xf32, #tpu.memory_space<vmem_shared>>
      %dma_wait3A_810 = tpu.memref_slice %arg12[%dma_wait3A_799] : memref<8x!tpu.dma_semaphore, #tpu.memory_space<semaphore_mem>> -> memref<1x!tpu.dma_semaphore, #tpu.memory_space<semaphore_mem>>
      %dma_wait3A_811 = tpu.memref_squeeze %dma_wait3A_810 : memref<1x!tpu.dma_semaphore, #tpu.memory_space<semaphore_mem>> -> memref<!tpu.dma_semaphore, #tpu.memory_space<semaphore_mem>>
      tpu.wait_indirect_dma semaphore(%dma_wait3A_811 : memref<!tpu.dma_semaphore, #tpu.memory_space<semaphore_mem>>) src(%dma_wait3A_803 : memref<128x16xf32, #tpu.memory_space<vmem>>) dst(%dma_wait3A_809 : memref<10112x16xf32, #tpu.memory_space<vmem_shared>>)
      %dma_start3A_812 = arith.constant 0 : i32
      %dma_start3A_813 = arith.constant 0 : i32
      %dma_start3A_814 = arith.constant 0 : i32
      %dma_start3A_815 = arith.constant 0 : i32
      %dma_start3A_816 = tpu.memref_slice %arg8[%dma_start3A_812, %dma_start3A_814, %dma_start3A_815] : memref<8x128x16xf32, #tpu.memory_space<vmem>> -> memref<1x128x16xf32, #tpu.memory_space<vmem>>
      %dma_start3A_817 = tpu.memref_squeeze %dma_start3A_816 : memref<1x128x16xf32, #tpu.memory_space<vmem>> -> memref<128x16xf32, #tpu.memory_space<vmem>>
      %dma_start3A_818 = arith.constant 0 : i32
      %dma_start3A_819 = tpu.memref_slice %arg6[%add3A_792, %dma_start3A_818] : memref<80x128xi32, #tpu.memory_space<vmem>> -> memref<1x128xi32, #tpu.memory_space<vmem>>
      %dma_start3A_820 = tpu.memref_squeeze %dma_start3A_819 : memref<1x128xi32, #tpu.memory_space<vmem>> -> memref<128xi32, #tpu.memory_space<vmem>>
      %dma_start3A_821 = arith.constant 0 : i32
      %dma_start3A_822 = arith.constant 0 : i32
      %dma_start3A_823 = tpu.memref_slice %arg2[%dma_start3A_821, %dma_start3A_822] : memref<10000x16xf32, #tpu.memory_space<hbm>> -> memref<10000x16xf32, #tpu.memory_space<hbm>>
      %dma_start3A_824 = tpu.memref_slice %arg11[%dma_start3A_813] : memref<8x!tpu.dma_semaphore, #tpu.memory_space<semaphore_mem>> -> memref<1x!tpu.dma_semaphore, #tpu.memory_space<semaphore_mem>>
      %dma_start3A_825 = tpu.memref_squeeze %dma_start3A_824 : memref<1x!tpu.dma_semaphore, #tpu.memory_space<semaphore_mem>> -> memref<!tpu.dma_semaphore, #tpu.memory_space<semaphore_mem>>
      tpu.enqueue_indirect_dma source(%dma_start3A_823 : memref<10000x16xf32, #tpu.memory_space<hbm>>) target(%dma_start3A_817 : memref<128x16xf32, #tpu.memory_space<vmem>>) offsets(%dma_start3A_820 : memref<128xi32, #tpu.memory_space<vmem>>) semaphore(%dma_start3A_825 : memref<!tpu.dma_semaphore, #tpu.memory_space<semaphore_mem>>)
      %dma_wait3A_826 = arith.constant 4 : i32
      %dma_wait3A_827 = arith.constant 4 : i32
      %dma_wait3A_828 = arith.constant 0 : i32
      %dma_wait3A_829 = arith.constant 0 : i32
      %dma_wait3A_830 = tpu.memref_slice %arg8[%dma_wait3A_826, %dma_wait3A_828, %dma_wait3A_829] : memref<8x128x16xf32, #tpu.memory_space<vmem>> -> memref<1x128x16xf32, #tpu.memory_space<vmem>>
      %dma_wait3A_831 = tpu.memref_squeeze %dma_wait3A_830 : memref<1x128x16xf32, #tpu.memory_space<vmem>> -> memref<128x16xf32, #tpu.memory_space<vmem>>
      %dma_wait3A_832 = arith.constant 0 : i32
      %dma_wait3A_833 = tpu.memref_slice %arg6[%add3A_796, %dma_wait3A_832] : memref<80x128xi32, #tpu.memory_space<vmem>> -> memref<1x128xi32, #tpu.memory_space<vmem>>
      %dma_wait3A_834 = tpu.memref_squeeze %dma_wait3A_833 : memref<1x128xi32, #tpu.memory_space<vmem>> -> memref<128xi32, #tpu.memory_space<vmem>>
      %dma_wait3A_835 = arith.constant 0 : i32
      %dma_wait3A_836 = arith.constant 0 : i32
      %dma_wait3A_837 = tpu.memref_slice %arg2[%dma_wait3A_835, %dma_wait3A_836] : memref<10000x16xf32, #tpu.memory_space<hbm>> -> memref<10000x16xf32, #tpu.memory_space<hbm>>
      %dma_wait3A_838 = tpu.memref_slice %arg11[%dma_wait3A_827] : memref<8x!tpu.dma_semaphore, #tpu.memory_space<semaphore_mem>> -> memref<1x!tpu.dma_semaphore, #tpu.memory_space<semaphore_mem>>
      %dma_wait3A_839 = tpu.memref_squeeze %dma_wait3A_838 : memref<1x!tpu.dma_semaphore, #tpu.memory_space<semaphore_mem>> -> memref<!tpu.dma_semaphore, #tpu.memory_space<semaphore_mem>>
      tpu.wait_indirect_dma semaphore(%dma_wait3A_839 : memref<!tpu.dma_semaphore, #tpu.memory_space<semaphore_mem>>) src(%dma_wait3A_837 : memref<10000x16xf32, #tpu.memory_space<hbm>>) dst(%dma_wait3A_831 : memref<128x16xf32, #tpu.memory_space<vmem>>)
      %dma_start3A_840 = arith.constant 4 : i32
      %dma_start3A_841 = arith.constant 4 : i32
      %dma_start3A_842 = arith.constant 0 : i32
      %dma_start3A_843 = arith.constant 0 : i32
      %dma_start3A_844 = tpu.memref_slice %arg8[%dma_start3A_840, %dma_start3A_842, %dma_start3A_843] : memref<8x128x16xf32, #tpu.memory_space<vmem>> -> memref<1x128x16xf32, #tpu.memory_space<vmem>>
      %dma_start3A_845 = tpu.memref_squeeze %dma_start3A_844 : memref<1x128x16xf32, #tpu.memory_space<vmem>> -> memref<128x16xf32, #tpu.memory_space<vmem>>
      %dma_start3A_846 = arith.constant 0 : i32
      %dma_start3A_847 = tpu.memref_slice %arg7[%add3A_796, %dma_start3A_846] : memref<80x128xi32, #tpu.memory_space<vmem>> -> memref<1x128xi32, #tpu.memory_space<vmem>>
      %dma_start3A_848 = tpu.memref_squeeze %dma_start3A_847 : memref<1x128xi32, #tpu.memory_space<vmem>> -> memref<128xi32, #tpu.memory_space<vmem>>
      %dma_start3A_849 = arith.constant 0 : i32
      %dma_start3A_850 = arith.constant 0 : i32
      %dma_start3A_851 = tpu.memref_slice %arg10[%dma_start3A_849, %dma_start3A_850] : memref<10112x16xf32, #tpu.memory_space<vmem_shared>> -> memref<10112x16xf32, #tpu.memory_space<vmem_shared>>
      %dma_start3A_852 = tpu.memref_slice %arg12[%dma_start3A_841] : memref<8x!tpu.dma_semaphore, #tpu.memory_space<semaphore_mem>> -> memref<1x!tpu.dma_semaphore, #tpu.memory_space<semaphore_mem>>
      %dma_start3A_853 = tpu.memref_squeeze %dma_start3A_852 : memref<1x!tpu.dma_semaphore, #tpu.memory_space<semaphore_mem>> -> memref<!tpu.dma_semaphore, #tpu.memory_space<semaphore_mem>>
      tpu.enqueue_indirect_dma source(%dma_start3A_845 : memref<128x16xf32, #tpu.memory_space<vmem>>) target(%dma_start3A_851 : memref<10112x16xf32, #tpu.memory_space<vmem_shared>>) offsets(%dma_start3A_848 : memref<128xi32, #tpu.memory_space<vmem>>) semaphore(%dma_start3A_853 : memref<!tpu.dma_semaphore, #tpu.memory_space<semaphore_mem>>) {add = true}
      %mul3A_854 = arith.constant 8 : i32
      %mul3A_855 = arith.muli %add3A_561, %mul3A_854 : i32
      %add3A_856 = arith.constant 5 : i32
      %add3A_857 = arith.addi %mul3A_855, %add3A_856 : i32
      %add3A_858 = arith.constant 4 : i32
      %add3A_859 = arith.addi %add3A_857, %add3A_858 : i32
      %mul3A_860 = arith.constant 8 : i32
      %mul3A_861 = arith.muli %add3A_561, %mul3A_860 : i32
      %add3A_862 = arith.constant 5 : i32
      %add3A_863 = arith.addi %mul3A_861, %add3A_862 : i32
      %sub3A_864 = arith.constant 8 : i32
      %sub3A_865 = arith.subi %add3A_859, %sub3A_864 : i32
      %dma_wait3A_866 = arith.constant 1 : i32
      %dma_wait3A_867 = arith.constant 1 : i32
      %dma_wait3A_868 = arith.constant 0 : i32
      %dma_wait3A_869 = arith.constant 0 : i32
      %dma_wait3A_870 = tpu.memref_slice %arg8[%dma_wait3A_866, %dma_wait3A_868, %dma_wait3A_869] : memref<8x128x16xf32, #tpu.memory_space<vmem>> -> memref<1x128x16xf32, #tpu.memory_space<vmem>>
      %dma_wait3A_871 = tpu.memref_squeeze %dma_wait3A_870 : memref<1x128x16xf32, #tpu.memory_space<vmem>> -> memref<128x16xf32, #tpu.memory_space<vmem>>
      %dma_wait3A_872 = arith.constant 0 : i32
      %dma_wait3A_873 = tpu.memref_slice %arg7[%sub3A_865, %dma_wait3A_872] : memref<80x128xi32, #tpu.memory_space<vmem>> -> memref<1x128xi32, #tpu.memory_space<vmem>>
      %dma_wait3A_874 = tpu.memref_squeeze %dma_wait3A_873 : memref<1x128xi32, #tpu.memory_space<vmem>> -> memref<128xi32, #tpu.memory_space<vmem>>
      %dma_wait3A_875 = arith.constant 0 : i32
      %dma_wait3A_876 = arith.constant 0 : i32
      %dma_wait3A_877 = tpu.memref_slice %arg10[%dma_wait3A_875, %dma_wait3A_876] : memref<10112x16xf32, #tpu.memory_space<vmem_shared>> -> memref<10112x16xf32, #tpu.memory_space<vmem_shared>>
      %dma_wait3A_878 = tpu.memref_slice %arg12[%dma_wait3A_867] : memref<8x!tpu.dma_semaphore, #tpu.memory_space<semaphore_mem>> -> memref<1x!tpu.dma_semaphore, #tpu.memory_space<semaphore_mem>>
      %dma_wait3A_879 = tpu.memref_squeeze %dma_wait3A_878 : memref<1x!tpu.dma_semaphore, #tpu.memory_space<semaphore_mem>> -> memref<!tpu.dma_semaphore, #tpu.memory_space<semaphore_mem>>
      tpu.wait_indirect_dma semaphore(%dma_wait3A_879 : memref<!tpu.dma_semaphore, #tpu.memory_space<semaphore_mem>>) src(%dma_wait3A_871 : memref<128x16xf32, #tpu.memory_space<vmem>>) dst(%dma_wait3A_877 : memref<10112x16xf32, #tpu.memory_space<vmem_shared>>)
      %dma_start3A_880 = arith.constant 1 : i32
      %dma_start3A_881 = arith.constant 1 : i32
      %dma_start3A_882 = arith.constant 0 : i32
      %dma_start3A_883 = arith.constant 0 : i32
      %dma_start3A_884 = tpu.memref_slice %arg8[%dma_start3A_880, %dma_start3A_882, %dma_start3A_883] : memref<8x128x16xf32, #tpu.memory_space<vmem>> -> memref<1x128x16xf32, #tpu.memory_space<vmem>>
      %dma_start3A_885 = tpu.memref_squeeze %dma_start3A_884 : memref<1x128x16xf32, #tpu.memory_space<vmem>> -> memref<128x16xf32, #tpu.memory_space<vmem>>
      %dma_start3A_886 = arith.constant 0 : i32
      %dma_start3A_887 = tpu.memref_slice %arg6[%add3A_859, %dma_start3A_886] : memref<80x128xi32, #tpu.memory_space<vmem>> -> memref<1x128xi32, #tpu.memory_space<vmem>>
      %dma_start3A_888 = tpu.memref_squeeze %dma_start3A_887 : memref<1x128xi32, #tpu.memory_space<vmem>> -> memref<128xi32, #tpu.memory_space<vmem>>
      %dma_start3A_889 = arith.constant 0 : i32
      %dma_start3A_890 = arith.constant 0 : i32
      %dma_start3A_891 = tpu.memref_slice %arg2[%dma_start3A_889, %dma_start3A_890] : memref<10000x16xf32, #tpu.memory_space<hbm>> -> memref<10000x16xf32, #tpu.memory_space<hbm>>
      %dma_start3A_892 = tpu.memref_slice %arg11[%dma_start3A_881] : memref<8x!tpu.dma_semaphore, #tpu.memory_space<semaphore_mem>> -> memref<1x!tpu.dma_semaphore, #tpu.memory_space<semaphore_mem>>
      %dma_start3A_893 = tpu.memref_squeeze %dma_start3A_892 : memref<1x!tpu.dma_semaphore, #tpu.memory_space<semaphore_mem>> -> memref<!tpu.dma_semaphore, #tpu.memory_space<semaphore_mem>>
      tpu.enqueue_indirect_dma source(%dma_start3A_891 : memref<10000x16xf32, #tpu.memory_space<hbm>>) target(%dma_start3A_885 : memref<128x16xf32, #tpu.memory_space<vmem>>) offsets(%dma_start3A_888 : memref<128xi32, #tpu.memory_space<vmem>>) semaphore(%dma_start3A_893 : memref<!tpu.dma_semaphore, #tpu.memory_space<semaphore_mem>>)
      %dma_wait3A_894 = arith.constant 5 : i32
      %dma_wait3A_895 = arith.constant 5 : i32
      %dma_wait3A_896 = arith.constant 0 : i32
      %dma_wait3A_897 = arith.constant 0 : i32
      %dma_wait3A_898 = tpu.memref_slice %arg8[%dma_wait3A_894, %dma_wait3A_896, %dma_wait3A_897] : memref<8x128x16xf32, #tpu.memory_space<vmem>> -> memref<1x128x16xf32, #tpu.memory_space<vmem>>
      %dma_wait3A_899 = tpu.memref_squeeze %dma_wait3A_898 : memref<1x128x16xf32, #tpu.memory_space<vmem>> -> memref<128x16xf32, #tpu.memory_space<vmem>>
      %dma_wait3A_900 = arith.constant 0 : i32
      %dma_wait3A_901 = tpu.memref_slice %arg6[%add3A_863, %dma_wait3A_900] : memref<80x128xi32, #tpu.memory_space<vmem>> -> memref<1x128xi32, #tpu.memory_space<vmem>>
      %dma_wait3A_902 = tpu.memref_squeeze %dma_wait3A_901 : memref<1x128xi32, #tpu.memory_space<vmem>> -> memref<128xi32, #tpu.memory_space<vmem>>
      %dma_wait3A_903 = arith.constant 0 : i32
      %dma_wait3A_904 = arith.constant 0 : i32
      %dma_wait3A_905 = tpu.memref_slice %arg2[%dma_wait3A_903, %dma_wait3A_904] : memref<10000x16xf32, #tpu.memory_space<hbm>> -> memref<10000x16xf32, #tpu.memory_space<hbm>>
      %dma_wait3A_906 = tpu.memref_slice %arg11[%dma_wait3A_895] : memref<8x!tpu.dma_semaphore, #tpu.memory_space<semaphore_mem>> -> memref<1x!tpu.dma_semaphore, #tpu.memory_space<semaphore_mem>>
      %dma_wait3A_907 = tpu.memref_squeeze %dma_wait3A_906 : memref<1x!tpu.dma_semaphore, #tpu.memory_space<semaphore_mem>> -> memref<!tpu.dma_semaphore, #tpu.memory_space<semaphore_mem>>
      tpu.wait_indirect_dma semaphore(%dma_wait3A_907 : memref<!tpu.dma_semaphore, #tpu.memory_space<semaphore_mem>>) src(%dma_wait3A_905 : memref<10000x16xf32, #tpu.memory_space<hbm>>) dst(%dma_wait3A_899 : memref<128x16xf32, #tpu.memory_space<vmem>>)
      %dma_start3A_908 = arith.constant 5 : i32
      %dma_start3A_909 = arith.constant 5 : i32
      %dma_start3A_910 = arith.constant 0 : i32
      %dma_start3A_911 = arith.constant 0 : i32
      %dma_start3A_912 = tpu.memref_slice %arg8[%dma_start3A_908, %dma_start3A_910, %dma_start3A_911] : memref<8x128x16xf32, #tpu.memory_space<vmem>> -> memref<1x128x16xf32, #tpu.memory_space<vmem>>
      %dma_start3A_913 = tpu.memref_squeeze %dma_start3A_912 : memref<1x128x16xf32, #tpu.memory_space<vmem>> -> memref<128x16xf32, #tpu.memory_space<vmem>>
      %dma_start3A_914 = arith.constant 0 : i32
      %dma_start3A_915 = tpu.memref_slice %arg7[%add3A_863, %dma_start3A_914] : memref<80x128xi32, #tpu.memory_space<vmem>> -> memref<1x128xi32, #tpu.memory_space<vmem>>
      %dma_start3A_916 = tpu.memref_squeeze %dma_start3A_915 : memref<1x128xi32, #tpu.memory_space<vmem>> -> memref<128xi32, #tpu.memory_space<vmem>>
      %dma_start3A_917 = arith.constant 0 : i32
      %dma_start3A_918 = arith.constant 0 : i32
      %dma_start3A_919 = tpu.memref_slice %arg10[%dma_start3A_917, %dma_start3A_918] : memref<10112x16xf32, #tpu.memory_space<vmem_shared>> -> memref<10112x16xf32, #tpu.memory_space<vmem_shared>>
      %dma_start3A_920 = tpu.memref_slice %arg12[%dma_start3A_909] : memref<8x!tpu.dma_semaphore, #tpu.memory_space<semaphore_mem>> -> memref<1x!tpu.dma_semaphore, #tpu.memory_space<semaphore_mem>>
      %dma_start3A_921 = tpu.memref_squeeze %dma_start3A_920 : memref<1x!tpu.dma_semaphore, #tpu.memory_space<semaphore_mem>> -> memref<!tpu.dma_semaphore, #tpu.memory_space<semaphore_mem>>
      tpu.enqueue_indirect_dma source(%dma_start3A_913 : memref<128x16xf32, #tpu.memory_space<vmem>>) target(%dma_start3A_919 : memref<10112x16xf32, #tpu.memory_space<vmem_shared>>) offsets(%dma_start3A_916 : memref<128xi32, #tpu.memory_space<vmem>>) semaphore(%dma_start3A_921 : memref<!tpu.dma_semaphore, #tpu.memory_space<semaphore_mem>>) {add = true}
      %mul3A_922 = arith.constant 8 : i32
      %mul3A_923 = arith.muli %add3A_561, %mul3A_922 : i32
      %add3A_924 = arith.constant 6 : i32
      %add3A_925 = arith.addi %mul3A_923, %add3A_924 : i32
      %add3A_926 = arith.constant 4 : i32
      %add3A_927 = arith.addi %add3A_925, %add3A_926 : i32
      %mul3A_928 = arith.constant 8 : i32
      %mul3A_929 = arith.muli %add3A_561, %mul3A_928 : i32
      %add3A_930 = arith.constant 6 : i32
      %add3A_931 = arith.addi %mul3A_929, %add3A_930 : i32
      %sub3A_932 = arith.constant 8 : i32
      %sub3A_933 = arith.subi %add3A_927, %sub3A_932 : i32
      %dma_wait3A_934 = arith.constant 2 : i32
      %dma_wait3A_935 = arith.constant 2 : i32
      %dma_wait3A_936 = arith.constant 0 : i32
      %dma_wait3A_937 = arith.constant 0 : i32
      %dma_wait3A_938 = tpu.memref_slice %arg8[%dma_wait3A_934, %dma_wait3A_936, %dma_wait3A_937] : memref<8x128x16xf32, #tpu.memory_space<vmem>> -> memref<1x128x16xf32, #tpu.memory_space<vmem>>
      %dma_wait3A_939 = tpu.memref_squeeze %dma_wait3A_938 : memref<1x128x16xf32, #tpu.memory_space<vmem>> -> memref<128x16xf32, #tpu.memory_space<vmem>>
      %dma_wait3A_940 = arith.constant 0 : i32
      %dma_wait3A_941 = tpu.memref_slice %arg7[%sub3A_933, %dma_wait3A_940] : memref<80x128xi32, #tpu.memory_space<vmem>> -> memref<1x128xi32, #tpu.memory_space<vmem>>
      %dma_wait3A_942 = tpu.memref_squeeze %dma_wait3A_941 : memref<1x128xi32, #tpu.memory_space<vmem>> -> memref<128xi32, #tpu.memory_space<vmem>>
      %dma_wait3A_943 = arith.constant 0 : i32
      %dma_wait3A_944 = arith.constant 0 : i32
      %dma_wait3A_945 = tpu.memref_slice %arg10[%dma_wait3A_943, %dma_wait3A_944] : memref<10112x16xf32, #tpu.memory_space<vmem_shared>> -> memref<10112x16xf32, #tpu.memory_space<vmem_shared>>
      %dma_wait3A_946 = tpu.memref_slice %arg12[%dma_wait3A_935] : memref<8x!tpu.dma_semaphore, #tpu.memory_space<semaphore_mem>> -> memref<1x!tpu.dma_semaphore, #tpu.memory_space<semaphore_mem>>
      %dma_wait3A_947 = tpu.memref_squeeze %dma_wait3A_946 : memref<1x!tpu.dma_semaphore, #tpu.memory_space<semaphore_mem>> -> memref<!tpu.dma_semaphore, #tpu.memory_space<semaphore_mem>>
      tpu.wait_indirect_dma semaphore(%dma_wait3A_947 : memref<!tpu.dma_semaphore, #tpu.memory_space<semaphore_mem>>) src(%dma_wait3A_939 : memref<128x16xf32, #tpu.memory_space<vmem>>) dst(%dma_wait3A_945 : memref<10112x16xf32, #tpu.memory_space<vmem_shared>>)
      %dma_start3A_948 = arith.constant 2 : i32
      %dma_start3A_949 = arith.constant 2 : i32
      %dma_start3A_950 = arith.constant 0 : i32
      %dma_start3A_951 = arith.constant 0 : i32
      %dma_start3A_952 = tpu.memref_slice %arg8[%dma_start3A_948, %dma_start3A_950, %dma_start3A_951] : memref<8x128x16xf32, #tpu.memory_space<vmem>> -> memref<1x128x16xf32, #tpu.memory_space<vmem>>
      %dma_start3A_953 = tpu.memref_squeeze %dma_start3A_952 : memref<1x128x16xf32, #tpu.memory_space<vmem>> -> memref<128x16xf32, #tpu.memory_space<vmem>>
      %dma_start3A_954 = arith.constant 0 : i32
      %dma_start3A_955 = tpu.memref_slice %arg6[%add3A_927, %dma_start3A_954] : memref<80x128xi32, #tpu.memory_space<vmem>> -> memref<1x128xi32, #tpu.memory_space<vmem>>
      %dma_start3A_956 = tpu.memref_squeeze %dma_start3A_955 : memref<1x128xi32, #tpu.memory_space<vmem>> -> memref<128xi32, #tpu.memory_space<vmem>>
      %dma_start3A_957 = arith.constant 0 : i32
      %dma_start3A_958 = arith.constant 0 : i32
      %dma_start3A_959 = tpu.memref_slice %arg2[%dma_start3A_957, %dma_start3A_958] : memref<10000x16xf32, #tpu.memory_space<hbm>> -> memref<10000x16xf32, #tpu.memory_space<hbm>>
      %dma_start3A_960 = tpu.memref_slice %arg11[%dma_start3A_949] : memref<8x!tpu.dma_semaphore, #tpu.memory_space<semaphore_mem>> -> memref<1x!tpu.dma_semaphore, #tpu.memory_space<semaphore_mem>>
      %dma_start3A_961 = tpu.memref_squeeze %dma_start3A_960 : memref<1x!tpu.dma_semaphore, #tpu.memory_space<semaphore_mem>> -> memref<!tpu.dma_semaphore, #tpu.memory_space<semaphore_mem>>
      tpu.enqueue_indirect_dma source(%dma_start3A_959 : memref<10000x16xf32, #tpu.memory_space<hbm>>) target(%dma_start3A_953 : memref<128x16xf32, #tpu.memory_space<vmem>>) offsets(%dma_start3A_956 : memref<128xi32, #tpu.memory_space<vmem>>) semaphore(%dma_start3A_961 : memref<!tpu.dma_semaphore, #tpu.memory_space<semaphore_mem>>)
      %dma_wait3A_962 = arith.constant 6 : i32
      %dma_wait3A_963 = arith.constant 6 : i32
      %dma_wait3A_964 = arith.constant 0 : i32
      %dma_wait3A_965 = arith.constant 0 : i32
      %dma_wait3A_966 = tpu.memref_slice %arg8[%dma_wait3A_962, %dma_wait3A_964, %dma_wait3A_965] : memref<8x128x16xf32, #tpu.memory_space<vmem>> -> memref<1x128x16xf32, #tpu.memory_space<vmem>>
      %dma_wait3A_967 = tpu.memref_squeeze %dma_wait3A_966 : memref<1x128x16xf32, #tpu.memory_space<vmem>> -> memref<128x16xf32, #tpu.memory_space<vmem>>
      %dma_wait3A_968 = arith.constant 0 : i32
      %dma_wait3A_969 = tpu.memref_slice %arg6[%add3A_931, %dma_wait3A_968] : memref<80x128xi32, #tpu.memory_space<vmem>> -> memref<1x128xi32, #tpu.memory_space<vmem>>
      %dma_wait3A_970 = tpu.memref_squeeze %dma_wait3A_969 : memref<1x128xi32, #tpu.memory_space<vmem>> -> memref<128xi32, #tpu.memory_space<vmem>>
      %dma_wait3A_971 = arith.constant 0 : i32
      %dma_wait3A_972 = arith.constant 0 : i32
      %dma_wait3A_973 = tpu.memref_slice %arg2[%dma_wait3A_971, %dma_wait3A_972] : memref<10000x16xf32, #tpu.memory_space<hbm>> -> memref<10000x16xf32, #tpu.memory_space<hbm>>
      %dma_wait3A_974 = tpu.memref_slice %arg11[%dma_wait3A_963] : memref<8x!tpu.dma_semaphore, #tpu.memory_space<semaphore_mem>> -> memref<1x!tpu.dma_semaphore, #tpu.memory_space<semaphore_mem>>
      %dma_wait3A_975 = tpu.memref_squeeze %dma_wait3A_974 : memref<1x!tpu.dma_semaphore, #tpu.memory_space<semaphore_mem>> -> memref<!tpu.dma_semaphore, #tpu.memory_space<semaphore_mem>>
      tpu.wait_indirect_dma semaphore(%dma_wait3A_975 : memref<!tpu.dma_semaphore, #tpu.memory_space<semaphore_mem>>) src(%dma_wait3A_973 : memref<10000x16xf32, #tpu.memory_space<hbm>>) dst(%dma_wait3A_967 : memref<128x16xf32, #tpu.memory_space<vmem>>)
      %dma_start3A_976 = arith.constant 6 : i32
      %dma_start3A_977 = arith.constant 6 : i32
      %dma_start3A_978 = arith.constant 0 : i32
      %dma_start3A_979 = arith.constant 0 : i32
      %dma_start3A_980 = tpu.memref_slice %arg8[%dma_start3A_976, %dma_start3A_978, %dma_start3A_979] : memref<8x128x16xf32, #tpu.memory_space<vmem>> -> memref<1x128x16xf32, #tpu.memory_space<vmem>>
      %dma_start3A_981 = tpu.memref_squeeze %dma_start3A_980 : memref<1x128x16xf32, #tpu.memory_space<vmem>> -> memref<128x16xf32, #tpu.memory_space<vmem>>
      %dma_start3A_982 = arith.constant 0 : i32
      %dma_start3A_983 = tpu.memref_slice %arg7[%add3A_931, %dma_start3A_982] : memref<80x128xi32, #tpu.memory_space<vmem>> -> memref<1x128xi32, #tpu.memory_space<vmem>>
      %dma_start3A_984 = tpu.memref_squeeze %dma_start3A_983 : memref<1x128xi32, #tpu.memory_space<vmem>> -> memref<128xi32, #tpu.memory_space<vmem>>
      %dma_start3A_985 = arith.constant 0 : i32
      %dma_start3A_986 = arith.constant 0 : i32
      %dma_start3A_987 = tpu.memref_slice %arg10[%dma_start3A_985, %dma_start3A_986] : memref<10112x16xf32, #tpu.memory_space<vmem_shared>> -> memref<10112x16xf32, #tpu.memory_space<vmem_shared>>
      %dma_start3A_988 = tpu.memref_slice %arg12[%dma_start3A_977] : memref<8x!tpu.dma_semaphore, #tpu.memory_space<semaphore_mem>> -> memref<1x!tpu.dma_semaphore, #tpu.memory_space<semaphore_mem>>
      %dma_start3A_989 = tpu.memref_squeeze %dma_start3A_988 : memref<1x!tpu.dma_semaphore, #tpu.memory_space<semaphore_mem>> -> memref<!tpu.dma_semaphore, #tpu.memory_space<semaphore_mem>>
      tpu.enqueue_indirect_dma source(%dma_start3A_981 : memref<128x16xf32, #tpu.memory_space<vmem>>) target(%dma_start3A_987 : memref<10112x16xf32, #tpu.memory_space<vmem_shared>>) offsets(%dma_start3A_984 : memref<128xi32, #tpu.memory_space<vmem>>) semaphore(%dma_start3A_989 : memref<!tpu.dma_semaphore, #tpu.memory_space<semaphore_mem>>) {add = true}
      %mul3A_990 = arith.constant 8 : i32
      %mul3A_991 = arith.muli %add3A_561, %mul3A_990 : i32
      %add3A_992 = arith.constant 7 : i32
      %add3A_993 = arith.addi %mul3A_991, %add3A_992 : i32
      %add3A_994 = arith.constant 4 : i32
      %add3A_995 = arith.addi %add3A_993, %add3A_994 : i32
      %mul3A_996 = arith.constant 8 : i32
      %mul3A_997 = arith.muli %add3A_561, %mul3A_996 : i32
      %add3A_998 = arith.constant 7 : i32
      %add3A_999 = arith.addi %mul3A_997, %add3A_998 : i32
      %sub3A_1000 = arith.constant 8 : i32
      %sub3A_1001 = arith.subi %add3A_995, %sub3A_1000 : i32
      %dma_wait3A_1002 = arith.constant 3 : i32
      %dma_wait3A_1003 = arith.constant 3 : i32
      %dma_wait3A_1004 = arith.constant 0 : i32
      %dma_wait3A_1005 = arith.constant 0 : i32
      %dma_wait3A_1006 = tpu.memref_slice %arg8[%dma_wait3A_1002, %dma_wait3A_1004, %dma_wait3A_1005] : memref<8x128x16xf32, #tpu.memory_space<vmem>> -> memref<1x128x16xf32, #tpu.memory_space<vmem>>
      %dma_wait3A_1007 = tpu.memref_squeeze %dma_wait3A_1006 : memref<1x128x16xf32, #tpu.memory_space<vmem>> -> memref<128x16xf32, #tpu.memory_space<vmem>>
      %dma_wait3A_1008 = arith.constant 0 : i32
      %dma_wait3A_1009 = tpu.memref_slice %arg7[%sub3A_1001, %dma_wait3A_1008] : memref<80x128xi32, #tpu.memory_space<vmem>> -> memref<1x128xi32, #tpu.memory_space<vmem>>
      %dma_wait3A_1010 = tpu.memref_squeeze %dma_wait3A_1009 : memref<1x128xi32, #tpu.memory_space<vmem>> -> memref<128xi32, #tpu.memory_space<vmem>>
      %dma_wait3A_1011 = arith.constant 0 : i32
      %dma_wait3A_1012 = arith.constant 0 : i32
      %dma_wait3A_1013 = tpu.memref_slice %arg10[%dma_wait3A_1011, %dma_wait3A_1012] : memref<10112x16xf32, #tpu.memory_space<vmem_shared>> -> memref<10112x16xf32, #tpu.memory_space<vmem_shared>>
      %dma_wait3A_1014 = tpu.memref_slice %arg12[%dma_wait3A_1003] : memref<8x!tpu.dma_semaphore, #tpu.memory_space<semaphore_mem>> -> memref<1x!tpu.dma_semaphore, #tpu.memory_space<semaphore_mem>>
      %dma_wait3A_1015 = tpu.memref_squeeze %dma_wait3A_1014 : memref<1x!tpu.dma_semaphore, #tpu.memory_space<semaphore_mem>> -> memref<!tpu.dma_semaphore, #tpu.memory_space<semaphore_mem>>
      tpu.wait_indirect_dma semaphore(%dma_wait3A_1015 : memref<!tpu.dma_semaphore, #tpu.memory_space<semaphore_mem>>) src(%dma_wait3A_1007 : memref<128x16xf32, #tpu.memory_space<vmem>>) dst(%dma_wait3A_1013 : memref<10112x16xf32, #tpu.memory_space<vmem_shared>>)
      %dma_start3A_1016 = arith.constant 3 : i32
      %dma_start3A_1017 = arith.constant 3 : i32
      %dma_start3A_1018 = arith.constant 0 : i32
      %dma_start3A_1019 = arith.constant 0 : i32
      %dma_start3A_1020 = tpu.memref_slice %arg8[%dma_start3A_1016, %dma_start3A_1018, %dma_start3A_1019] : memref<8x128x16xf32, #tpu.memory_space<vmem>> -> memref<1x128x16xf32, #tpu.memory_space<vmem>>
      %dma_start3A_1021 = tpu.memref_squeeze %dma_start3A_1020 : memref<1x128x16xf32, #tpu.memory_space<vmem>> -> memref<128x16xf32, #tpu.memory_space<vmem>>
      %dma_start3A_1022 = arith.constant 0 : i32
      %dma_start3A_1023 = tpu.memref_slice %arg6[%add3A_995, %dma_start3A_1022] : memref<80x128xi32, #tpu.memory_space<vmem>> -> memref<1x128xi32, #tpu.memory_space<vmem>>
      %dma_start3A_1024 = tpu.memref_squeeze %dma_start3A_1023 : memref<1x128xi32, #tpu.memory_space<vmem>> -> memref<128xi32, #tpu.memory_space<vmem>>
      %dma_start3A_1025 = arith.constant 0 : i32
      %dma_start3A_1026 = arith.constant 0 : i32
      %dma_start3A_1027 = tpu.memref_slice %arg2[%dma_start3A_1025, %dma_start3A_1026] : memref<10000x16xf32, #tpu.memory_space<hbm>> -> memref<10000x16xf32, #tpu.memory_space<hbm>>
      %dma_start3A_1028 = tpu.memref_slice %arg11[%dma_start3A_1017] : memref<8x!tpu.dma_semaphore, #tpu.memory_space<semaphore_mem>> -> memref<1x!tpu.dma_semaphore, #tpu.memory_space<semaphore_mem>>
      %dma_start3A_1029 = tpu.memref_squeeze %dma_start3A_1028 : memref<1x!tpu.dma_semaphore, #tpu.memory_space<semaphore_mem>> -> memref<!tpu.dma_semaphore, #tpu.memory_space<semaphore_mem>>
      tpu.enqueue_indirect_dma source(%dma_start3A_1027 : memref<10000x16xf32, #tpu.memory_space<hbm>>) target(%dma_start3A_1021 : memref<128x16xf32, #tpu.memory_space<vmem>>) offsets(%dma_start3A_1024 : memref<128xi32, #tpu.memory_space<vmem>>) semaphore(%dma_start3A_1029 : memref<!tpu.dma_semaphore, #tpu.memory_space<semaphore_mem>>)
      %dma_wait3A_1030 = arith.constant 7 : i32
      %dma_wait3A_1031 = arith.constant 7 : i32
      %dma_wait3A_1032 = arith.constant 0 : i32
      %dma_wait3A_1033 = arith.constant 0 : i32
      %dma_wait3A_1034 = tpu.memref_slice %arg8[%dma_wait3A_1030, %dma_wait3A_1032, %dma_wait3A_1033] : memref<8x128x16xf32, #tpu.memory_space<vmem>> -> memref<1x128x16xf32, #tpu.memory_space<vmem>>
      %dma_wait3A_1035 = tpu.memref_squeeze %dma_wait3A_1034 : memref<1x128x16xf32, #tpu.memory_space<vmem>> -> memref<128x16xf32, #tpu.memory_space<vmem>>
      %dma_wait3A_1036 = arith.constant 0 : i32
      %dma_wait3A_1037 = tpu.memref_slice %arg6[%add3A_999, %dma_wait3A_1036] : memref<80x128xi32, #tpu.memory_space<vmem>> -> memref<1x128xi32, #tpu.memory_space<vmem>>
      %dma_wait3A_1038 = tpu.memref_squeeze %dma_wait3A_1037 : memref<1x128xi32, #tpu.memory_space<vmem>> -> memref<128xi32, #tpu.memory_space<vmem>>
      %dma_wait3A_1039 = arith.constant 0 : i32
      %dma_wait3A_1040 = arith.constant 0 : i32
      %dma_wait3A_1041 = tpu.memref_slice %arg2[%dma_wait3A_1039, %dma_wait3A_1040] : memref<10000x16xf32, #tpu.memory_space<hbm>> -> memref<10000x16xf32, #tpu.memory_space<hbm>>
      %dma_wait3A_1042 = tpu.memref_slice %arg11[%dma_wait3A_1031] : memref<8x!tpu.dma_semaphore, #tpu.memory_space<semaphore_mem>> -> memref<1x!tpu.dma_semaphore, #tpu.memory_space<semaphore_mem>>
      %dma_wait3A_1043 = tpu.memref_squeeze %dma_wait3A_1042 : memref<1x!tpu.dma_semaphore, #tpu.memory_space<semaphore_mem>> -> memref<!tpu.dma_semaphore, #tpu.memory_space<semaphore_mem>>
      tpu.wait_indirect_dma semaphore(%dma_wait3A_1043 : memref<!tpu.dma_semaphore, #tpu.memory_space<semaphore_mem>>) src(%dma_wait3A_1041 : memref<10000x16xf32, #tpu.memory_space<hbm>>) dst(%dma_wait3A_1035 : memref<128x16xf32, #tpu.memory_space<vmem>>)
      %dma_start3A_1044 = arith.constant 7 : i32
      %dma_start3A_1045 = arith.constant 7 : i32
      %dma_start3A_1046 = arith.constant 0 : i32
      %dma_start3A_1047 = arith.constant 0 : i32
      %dma_start3A_1048 = tpu.memref_slice %arg8[%dma_start3A_1044, %dma_start3A_1046, %dma_start3A_1047] : memref<8x128x16xf32, #tpu.memory_space<vmem>> -> memref<1x128x16xf32, #tpu.memory_space<vmem>>
      %dma_start3A_1049 = tpu.memref_squeeze %dma_start3A_1048 : memref<1x128x16xf32, #tpu.memory_space<vmem>> -> memref<128x16xf32, #tpu.memory_space<vmem>>
      %dma_start3A_1050 = arith.constant 0 : i32
      %dma_start3A_1051 = tpu.memref_slice %arg7[%add3A_999, %dma_start3A_1050] : memref<80x128xi32, #tpu.memory_space<vmem>> -> memref<1x128xi32, #tpu.memory_space<vmem>>
      %dma_start3A_1052 = tpu.memref_squeeze %dma_start3A_1051 : memref<1x128xi32, #tpu.memory_space<vmem>> -> memref<128xi32, #tpu.memory_space<vmem>>
      %dma_start3A_1053 = arith.constant 0 : i32
      %dma_start3A_1054 = arith.constant 0 : i32
      %dma_start3A_1055 = tpu.memref_slice %arg10[%dma_start3A_1053, %dma_start3A_1054] : memref<10112x16xf32, #tpu.memory_space<vmem_shared>> -> memref<10112x16xf32, #tpu.memory_space<vmem_shared>>
      %dma_start3A_1056 = tpu.memref_slice %arg12[%dma_start3A_1045] : memref<8x!tpu.dma_semaphore, #tpu.memory_space<semaphore_mem>> -> memref<1x!tpu.dma_semaphore, #tpu.memory_space<semaphore_mem>>
      %dma_start3A_1057 = tpu.memref_squeeze %dma_start3A_1056 : memref<1x!tpu.dma_semaphore, #tpu.memory_space<semaphore_mem>> -> memref<!tpu.dma_semaphore, #tpu.memory_space<semaphore_mem>>
      tpu.enqueue_indirect_dma source(%dma_start3A_1049 : memref<128x16xf32, #tpu.memory_space<vmem>>) target(%dma_start3A_1055 : memref<10112x16xf32, #tpu.memory_space<vmem_shared>>) offsets(%dma_start3A_1052 : memref<128xi32, #tpu.memory_space<vmem>>) semaphore(%dma_start3A_1057 : memref<!tpu.dma_semaphore, #tpu.memory_space<semaphore_mem>>) {add = true}
    }
    %scan3A_74 = arith.constant 9 : i32
    %dma_wait3A = arith.constant 4 : i32
    %dma_wait3A_75 = arith.constant 68 : i32
    %dma_wait3A_76 = arith.constant 4 : i32
    %dma_wait3A_77 = arith.constant 0 : i32
    %dma_wait3A_78 = arith.constant 0 : i32
    %dma_wait3A_79 = tpu.memref_slice %arg8[%dma_wait3A, %dma_wait3A_77, %dma_wait3A_78] : memref<8x128x16xf32, #tpu.memory_space<vmem>> -> memref<1x128x16xf32, #tpu.memory_space<vmem>>
    %dma_wait3A_80 = tpu.memref_squeeze %dma_wait3A_79 : memref<1x128x16xf32, #tpu.memory_space<vmem>> -> memref<128x16xf32, #tpu.memory_space<vmem>>
    %dma_wait3A_81 = arith.constant 0 : i32
    %dma_wait3A_82 = tpu.memref_slice %arg7[%dma_wait3A_75, %dma_wait3A_81] : memref<80x128xi32, #tpu.memory_space<vmem>> -> memref<1x128xi32, #tpu.memory_space<vmem>>
    %dma_wait3A_83 = tpu.memref_squeeze %dma_wait3A_82 : memref<1x128xi32, #tpu.memory_space<vmem>> -> memref<128xi32, #tpu.memory_space<vmem>>
    %dma_wait3A_84 = arith.constant 0 : i32
    %dma_wait3A_85 = arith.constant 0 : i32
    %dma_wait3A_86 = tpu.memref_slice %arg10[%dma_wait3A_84, %dma_wait3A_85] : memref<10112x16xf32, #tpu.memory_space<vmem_shared>> -> memref<10112x16xf32, #tpu.memory_space<vmem_shared>>
    %dma_wait3A_87 = tpu.memref_slice %arg12[%dma_wait3A_76] : memref<8x!tpu.dma_semaphore, #tpu.memory_space<semaphore_mem>> -> memref<1x!tpu.dma_semaphore, #tpu.memory_space<semaphore_mem>>
    %dma_wait3A_88 = tpu.memref_squeeze %dma_wait3A_87 : memref<1x!tpu.dma_semaphore, #tpu.memory_space<semaphore_mem>> -> memref<!tpu.dma_semaphore, #tpu.memory_space<semaphore_mem>>
    tpu.wait_indirect_dma semaphore(%dma_wait3A_88 : memref<!tpu.dma_semaphore, #tpu.memory_space<semaphore_mem>>) src(%dma_wait3A_80 : memref<128x16xf32, #tpu.memory_space<vmem>>) dst(%dma_wait3A_86 : memref<10112x16xf32, #tpu.memory_space<vmem_shared>>)
    %dma_start3A_89 = arith.constant 76 : i32
    %dma_start3A_90 = arith.constant 4 : i32
    %dma_start3A_91 = arith.constant 4 : i32
    %dma_start3A_92 = arith.constant 0 : i32
    %dma_start3A_93 = arith.constant 0 : i32
    %dma_start3A_94 = tpu.memref_slice %arg8[%dma_start3A_90, %dma_start3A_92, %dma_start3A_93] : memref<8x128x16xf32, #tpu.memory_space<vmem>> -> memref<1x128x16xf32, #tpu.memory_space<vmem>>
    %dma_start3A_95 = tpu.memref_squeeze %dma_start3A_94 : memref<1x128x16xf32, #tpu.memory_space<vmem>> -> memref<128x16xf32, #tpu.memory_space<vmem>>
    %dma_start3A_96 = arith.constant 0 : i32
    %dma_start3A_97 = tpu.memref_slice %arg6[%dma_start3A_89, %dma_start3A_96] : memref<80x128xi32, #tpu.memory_space<vmem>> -> memref<1x128xi32, #tpu.memory_space<vmem>>
    %dma_start3A_98 = tpu.memref_squeeze %dma_start3A_97 : memref<1x128xi32, #tpu.memory_space<vmem>> -> memref<128xi32, #tpu.memory_space<vmem>>
    %dma_start3A_99 = arith.constant 0 : i32
    %dma_start3A_100 = arith.constant 0 : i32
    %dma_start3A_101 = tpu.memref_slice %arg2[%dma_start3A_99, %dma_start3A_100] : memref<10000x16xf32, #tpu.memory_space<hbm>> -> memref<10000x16xf32, #tpu.memory_space<hbm>>
    %dma_start3A_102 = tpu.memref_slice %arg11[%dma_start3A_91] : memref<8x!tpu.dma_semaphore, #tpu.memory_space<semaphore_mem>> -> memref<1x!tpu.dma_semaphore, #tpu.memory_space<semaphore_mem>>
    %dma_start3A_103 = tpu.memref_squeeze %dma_start3A_102 : memref<1x!tpu.dma_semaphore, #tpu.memory_space<semaphore_mem>> -> memref<!tpu.dma_semaphore, #tpu.memory_space<semaphore_mem>>
    tpu.enqueue_indirect_dma source(%dma_start3A_101 : memref<10000x16xf32, #tpu.memory_space<hbm>>) target(%dma_start3A_95 : memref<128x16xf32, #tpu.memory_space<vmem>>) offsets(%dma_start3A_98 : memref<128xi32, #tpu.memory_space<vmem>>) semaphore(%dma_start3A_103 : memref<!tpu.dma_semaphore, #tpu.memory_space<semaphore_mem>>)
    %dma_wait3A_104 = arith.constant 5 : i32
    %dma_wait3A_105 = arith.constant 69 : i32
    %dma_wait3A_106 = arith.constant 5 : i32
    %dma_wait3A_107 = arith.constant 0 : i32
    %dma_wait3A_108 = arith.constant 0 : i32
    %dma_wait3A_109 = tpu.memref_slice %arg8[%dma_wait3A_104, %dma_wait3A_107, %dma_wait3A_108] : memref<8x128x16xf32, #tpu.memory_space<vmem>> -> memref<1x128x16xf32, #tpu.memory_space<vmem>>
    %dma_wait3A_110 = tpu.memref_squeeze %dma_wait3A_109 : memref<1x128x16xf32, #tpu.memory_space<vmem>> -> memref<128x16xf32, #tpu.memory_space<vmem>>
    %dma_wait3A_111 = arith.constant 0 : i32
    %dma_wait3A_112 = tpu.memref_slice %arg7[%dma_wait3A_105, %dma_wait3A_111] : memref<80x128xi32, #tpu.memory_space<vmem>> -> memref<1x128xi32, #tpu.memory_space<vmem>>
    %dma_wait3A_113 = tpu.memref_squeeze %dma_wait3A_112 : memref<1x128xi32, #tpu.memory_space<vmem>> -> memref<128xi32, #tpu.memory_space<vmem>>
    %dma_wait3A_114 = arith.constant 0 : i32
    %dma_wait3A_115 = arith.constant 0 : i32
    %dma_wait3A_116 = tpu.memref_slice %arg10[%dma_wait3A_114, %dma_wait3A_115] : memref<10112x16xf32, #tpu.memory_space<vmem_shared>> -> memref<10112x16xf32, #tpu.memory_space<vmem_shared>>
    %dma_wait3A_117 = tpu.memref_slice %arg12[%dma_wait3A_106] : memref<8x!tpu.dma_semaphore, #tpu.memory_space<semaphore_mem>> -> memref<1x!tpu.dma_semaphore, #tpu.memory_space<semaphore_mem>>
    %dma_wait3A_118 = tpu.memref_squeeze %dma_wait3A_117 : memref<1x!tpu.dma_semaphore, #tpu.memory_space<semaphore_mem>> -> memref<!tpu.dma_semaphore, #tpu.memory_space<semaphore_mem>>
    tpu.wait_indirect_dma semaphore(%dma_wait3A_118 : memref<!tpu.dma_semaphore, #tpu.memory_space<semaphore_mem>>) src(%dma_wait3A_110 : memref<128x16xf32, #tpu.memory_space<vmem>>) dst(%dma_wait3A_116 : memref<10112x16xf32, #tpu.memory_space<vmem_shared>>)
    %dma_start3A_119 = arith.constant 77 : i32
    %dma_start3A_120 = arith.constant 5 : i32
    %dma_start3A_121 = arith.constant 5 : i32
    %dma_start3A_122 = arith.constant 0 : i32
    %dma_start3A_123 = arith.constant 0 : i32
    %dma_start3A_124 = tpu.memref_slice %arg8[%dma_start3A_120, %dma_start3A_122, %dma_start3A_123] : memref<8x128x16xf32, #tpu.memory_space<vmem>> -> memref<1x128x16xf32, #tpu.memory_space<vmem>>
    %dma_start3A_125 = tpu.memref_squeeze %dma_start3A_124 : memref<1x128x16xf32, #tpu.memory_space<vmem>> -> memref<128x16xf32, #tpu.memory_space<vmem>>
    %dma_start3A_126 = arith.constant 0 : i32
    %dma_start3A_127 = tpu.memref_slice %arg6[%dma_start3A_119, %dma_start3A_126] : memref<80x128xi32, #tpu.memory_space<vmem>> -> memref<1x128xi32, #tpu.memory_space<vmem>>
    %dma_start3A_128 = tpu.memref_squeeze %dma_start3A_127 : memref<1x128xi32, #tpu.memory_space<vmem>> -> memref<128xi32, #tpu.memory_space<vmem>>
    %dma_start3A_129 = arith.constant 0 : i32
    %dma_start3A_130 = arith.constant 0 : i32
    %dma_start3A_131 = tpu.memref_slice %arg2[%dma_start3A_129, %dma_start3A_130] : memref<10000x16xf32, #tpu.memory_space<hbm>> -> memref<10000x16xf32, #tpu.memory_space<hbm>>
    %dma_start3A_132 = tpu.memref_slice %arg11[%dma_start3A_121] : memref<8x!tpu.dma_semaphore, #tpu.memory_space<semaphore_mem>> -> memref<1x!tpu.dma_semaphore, #tpu.memory_space<semaphore_mem>>
    %dma_start3A_133 = tpu.memref_squeeze %dma_start3A_132 : memref<1x!tpu.dma_semaphore, #tpu.memory_space<semaphore_mem>> -> memref<!tpu.dma_semaphore, #tpu.memory_space<semaphore_mem>>
    tpu.enqueue_indirect_dma source(%dma_start3A_131 : memref<10000x16xf32, #tpu.memory_space<hbm>>) target(%dma_start3A_125 : memref<128x16xf32, #tpu.memory_space<vmem>>) offsets(%dma_start3A_128 : memref<128xi32, #tpu.memory_space<vmem>>) semaphore(%dma_start3A_133 : memref<!tpu.dma_semaphore, #tpu.memory_space<semaphore_mem>>)
    %dma_wait3A_134 = arith.constant 6 : i32
    %dma_wait3A_135 = arith.constant 70 : i32
    %dma_wait3A_136 = arith.constant 6 : i32
    %dma_wait3A_137 = arith.constant 0 : i32
    %dma_wait3A_138 = arith.constant 0 : i32
    %dma_wait3A_139 = tpu.memref_slice %arg8[%dma_wait3A_134, %dma_wait3A_137, %dma_wait3A_138] : memref<8x128x16xf32, #tpu.memory_space<vmem>> -> memref<1x128x16xf32, #tpu.memory_space<vmem>>
    %dma_wait3A_140 = tpu.memref_squeeze %dma_wait3A_139 : memref<1x128x16xf32, #tpu.memory_space<vmem>> -> memref<128x16xf32, #tpu.memory_space<vmem>>
    %dma_wait3A_141 = arith.constant 0 : i32
    %dma_wait3A_142 = tpu.memref_slice %arg7[%dma_wait3A_135, %dma_wait3A_141] : memref<80x128xi32, #tpu.memory_space<vmem>> -> memref<1x128xi32, #tpu.memory_space<vmem>>
    %dma_wait3A_143 = tpu.memref_squeeze %dma_wait3A_142 : memref<1x128xi32, #tpu.memory_space<vmem>> -> memref<128xi32, #tpu.memory_space<vmem>>
    %dma_wait3A_144 = arith.constant 0 : i32
    %dma_wait3A_145 = arith.constant 0 : i32
    %dma_wait3A_146 = tpu.memref_slice %arg10[%dma_wait3A_144, %dma_wait3A_145] : memref<10112x16xf32, #tpu.memory_space<vmem_shared>> -> memref<10112x16xf32, #tpu.memory_space<vmem_shared>>
    %dma_wait3A_147 = tpu.memref_slice %arg12[%dma_wait3A_136] : memref<8x!tpu.dma_semaphore, #tpu.memory_space<semaphore_mem>> -> memref<1x!tpu.dma_semaphore, #tpu.memory_space<semaphore_mem>>
    %dma_wait3A_148 = tpu.memref_squeeze %dma_wait3A_147 : memref<1x!tpu.dma_semaphore, #tpu.memory_space<semaphore_mem>> -> memref<!tpu.dma_semaphore, #tpu.memory_space<semaphore_mem>>
    tpu.wait_indirect_dma semaphore(%dma_wait3A_148 : memref<!tpu.dma_semaphore, #tpu.memory_space<semaphore_mem>>) src(%dma_wait3A_140 : memref<128x16xf32, #tpu.memory_space<vmem>>) dst(%dma_wait3A_146 : memref<10112x16xf32, #tpu.memory_space<vmem_shared>>)
    %dma_start3A_149 = arith.constant 78 : i32
    %dma_start3A_150 = arith.constant 6 : i32
    %dma_start3A_151 = arith.constant 6 : i32
    %dma_start3A_152 = arith.constant 0 : i32
    %dma_start3A_153 = arith.constant 0 : i32
    %dma_start3A_154 = tpu.memref_slice %arg8[%dma_start3A_150, %dma_start3A_152, %dma_start3A_153] : memref<8x128x16xf32, #tpu.memory_space<vmem>> -> memref<1x128x16xf32, #tpu.memory_space<vmem>>
    %dma_start3A_155 = tpu.memref_squeeze %dma_start3A_154 : memref<1x128x16xf32, #tpu.memory_space<vmem>> -> memref<128x16xf32, #tpu.memory_space<vmem>>
    %dma_start3A_156 = arith.constant 0 : i32
    %dma_start3A_157 = tpu.memref_slice %arg6[%dma_start3A_149, %dma_start3A_156] : memref<80x128xi32, #tpu.memory_space<vmem>> -> memref<1x128xi32, #tpu.memory_space<vmem>>
    %dma_start3A_158 = tpu.memref_squeeze %dma_start3A_157 : memref<1x128xi32, #tpu.memory_space<vmem>> -> memref<128xi32, #tpu.memory_space<vmem>>
    %dma_start3A_159 = arith.constant 0 : i32
    %dma_start3A_160 = arith.constant 0 : i32
    %dma_start3A_161 = tpu.memref_slice %arg2[%dma_start3A_159, %dma_start3A_160] : memref<10000x16xf32, #tpu.memory_space<hbm>> -> memref<10000x16xf32, #tpu.memory_space<hbm>>
    %dma_start3A_162 = tpu.memref_slice %arg11[%dma_start3A_151] : memref<8x!tpu.dma_semaphore, #tpu.memory_space<semaphore_mem>> -> memref<1x!tpu.dma_semaphore, #tpu.memory_space<semaphore_mem>>
    %dma_start3A_163 = tpu.memref_squeeze %dma_start3A_162 : memref<1x!tpu.dma_semaphore, #tpu.memory_space<semaphore_mem>> -> memref<!tpu.dma_semaphore, #tpu.memory_space<semaphore_mem>>
    tpu.enqueue_indirect_dma source(%dma_start3A_161 : memref<10000x16xf32, #tpu.memory_space<hbm>>) target(%dma_start3A_155 : memref<128x16xf32, #tpu.memory_space<vmem>>) offsets(%dma_start3A_158 : memref<128xi32, #tpu.memory_space<vmem>>) semaphore(%dma_start3A_163 : memref<!tpu.dma_semaphore, #tpu.memory_space<semaphore_mem>>)
    %dma_wait3A_164 = arith.constant 7 : i32
    %dma_wait3A_165 = arith.constant 71 : i32
    %dma_wait3A_166 = arith.constant 7 : i32
    %dma_wait3A_167 = arith.constant 0 : i32
    %dma_wait3A_168 = arith.constant 0 : i32
    %dma_wait3A_169 = tpu.memref_slice %arg8[%dma_wait3A_164, %dma_wait3A_167, %dma_wait3A_168] : memref<8x128x16xf32, #tpu.memory_space<vmem>> -> memref<1x128x16xf32, #tpu.memory_space<vmem>>
    %dma_wait3A_170 = tpu.memref_squeeze %dma_wait3A_169 : memref<1x128x16xf32, #tpu.memory_space<vmem>> -> memref<128x16xf32, #tpu.memory_space<vmem>>
    %dma_wait3A_171 = arith.constant 0 : i32
    %dma_wait3A_172 = tpu.memref_slice %arg7[%dma_wait3A_165, %dma_wait3A_171] : memref<80x128xi32, #tpu.memory_space<vmem>> -> memref<1x128xi32, #tpu.memory_space<vmem>>
    %dma_wait3A_173 = tpu.memref_squeeze %dma_wait3A_172 : memref<1x128xi32, #tpu.memory_space<vmem>> -> memref<128xi32, #tpu.memory_space<vmem>>
    %dma_wait3A_174 = arith.constant 0 : i32
    %dma_wait3A_175 = arith.constant 0 : i32
    %dma_wait3A_176 = tpu.memref_slice %arg10[%dma_wait3A_174, %dma_wait3A_175] : memref<10112x16xf32, #tpu.memory_space<vmem_shared>> -> memref<10112x16xf32, #tpu.memory_space<vmem_shared>>
    %dma_wait3A_177 = tpu.memref_slice %arg12[%dma_wait3A_166] : memref<8x!tpu.dma_semaphore, #tpu.memory_space<semaphore_mem>> -> memref<1x!tpu.dma_semaphore, #tpu.memory_space<semaphore_mem>>
    %dma_wait3A_178 = tpu.memref_squeeze %dma_wait3A_177 : memref<1x!tpu.dma_semaphore, #tpu.memory_space<semaphore_mem>> -> memref<!tpu.dma_semaphore, #tpu.memory_space<semaphore_mem>>
    tpu.wait_indirect_dma semaphore(%dma_wait3A_178 : memref<!tpu.dma_semaphore, #tpu.memory_space<semaphore_mem>>) src(%dma_wait3A_170 : memref<128x16xf32, #tpu.memory_space<vmem>>) dst(%dma_wait3A_176 : memref<10112x16xf32, #tpu.memory_space<vmem_shared>>)
    %dma_start3A_179 = arith.constant 79 : i32
    %dma_start3A_180 = arith.constant 7 : i32
    %dma_start3A_181 = arith.constant 7 : i32
    %dma_start3A_182 = arith.constant 0 : i32
    %dma_start3A_183 = arith.constant 0 : i32
    %dma_start3A_184 = tpu.memref_slice %arg8[%dma_start3A_180, %dma_start3A_182, %dma_start3A_183] : memref<8x128x16xf32, #tpu.memory_space<vmem>> -> memref<1x128x16xf32, #tpu.memory_space<vmem>>
    %dma_start3A_185 = tpu.memref_squeeze %dma_start3A_184 : memref<1x128x16xf32, #tpu.memory_space<vmem>> -> memref<128x16xf32, #tpu.memory_space<vmem>>
    %dma_start3A_186 = arith.constant 0 : i32
    %dma_start3A_187 = tpu.memref_slice %arg6[%dma_start3A_179, %dma_start3A_186] : memref<80x128xi32, #tpu.memory_space<vmem>> -> memref<1x128xi32, #tpu.memory_space<vmem>>
    %dma_start3A_188 = tpu.memref_squeeze %dma_start3A_187 : memref<1x128xi32, #tpu.memory_space<vmem>> -> memref<128xi32, #tpu.memory_space<vmem>>
    %dma_start3A_189 = arith.constant 0 : i32
    %dma_start3A_190 = arith.constant 0 : i32
    %dma_start3A_191 = tpu.memref_slice %arg2[%dma_start3A_189, %dma_start3A_190] : memref<10000x16xf32, #tpu.memory_space<hbm>> -> memref<10000x16xf32, #tpu.memory_space<hbm>>
    %dma_start3A_192 = tpu.memref_slice %arg11[%dma_start3A_181] : memref<8x!tpu.dma_semaphore, #tpu.memory_space<semaphore_mem>> -> memref<1x!tpu.dma_semaphore, #tpu.memory_space<semaphore_mem>>
    %dma_start3A_193 = tpu.memref_squeeze %dma_start3A_192 : memref<1x!tpu.dma_semaphore, #tpu.memory_space<semaphore_mem>> -> memref<!tpu.dma_semaphore, #tpu.memory_space<semaphore_mem>>
    tpu.enqueue_indirect_dma source(%dma_start3A_191 : memref<10000x16xf32, #tpu.memory_space<hbm>>) target(%dma_start3A_185 : memref<128x16xf32, #tpu.memory_space<vmem>>) offsets(%dma_start3A_188 : memref<128xi32, #tpu.memory_space<vmem>>) semaphore(%dma_start3A_193 : memref<!tpu.dma_semaphore, #tpu.memory_space<semaphore_mem>>)
    %dma_wait3A_194 = arith.constant 72 : i32
    %dma_wait3A_195 = arith.constant 0 : i32
    %dma_wait3A_196 = arith.constant 0 : i32
    %dma_wait3A_197 = arith.constant 0 : i32
    %dma_wait3A_198 = arith.constant 0 : i32
    %dma_wait3A_199 = tpu.memref_slice %arg8[%dma_wait3A_195, %dma_wait3A_197, %dma_wait3A_198] : memref<8x128x16xf32, #tpu.memory_space<vmem>> -> memref<1x128x16xf32, #tpu.memory_space<vmem>>
    %dma_wait3A_200 = tpu.memref_squeeze %dma_wait3A_199 : memref<1x128x16xf32, #tpu.memory_space<vmem>> -> memref<128x16xf32, #tpu.memory_space<vmem>>
    %dma_wait3A_201 = arith.constant 0 : i32
    %dma_wait3A_202 = tpu.memref_slice %arg6[%dma_wait3A_194, %dma_wait3A_201] : memref<80x128xi32, #tpu.memory_space<vmem>> -> memref<1x128xi32, #tpu.memory_space<vmem>>
    %dma_wait3A_203 = tpu.memref_squeeze %dma_wait3A_202 : memref<1x128xi32, #tpu.memory_space<vmem>> -> memref<128xi32, #tpu.memory_space<vmem>>
    %dma_wait3A_204 = arith.constant 0 : i32
    %dma_wait3A_205 = arith.constant 0 : i32
    %dma_wait3A_206 = tpu.memref_slice %arg2[%dma_wait3A_204, %dma_wait3A_205] : memref<10000x16xf32, #tpu.memory_space<hbm>> -> memref<10000x16xf32, #tpu.memory_space<hbm>>
    %dma_wait3A_207 = tpu.memref_slice %arg11[%dma_wait3A_196] : memref<8x!tpu.dma_semaphore, #tpu.memory_space<semaphore_mem>> -> memref<1x!tpu.dma_semaphore, #tpu.memory_space<semaphore_mem>>
    %dma_wait3A_208 = tpu.memref_squeeze %dma_wait3A_207 : memref<1x!tpu.dma_semaphore, #tpu.memory_space<semaphore_mem>> -> memref<!tpu.dma_semaphore, #tpu.memory_space<semaphore_mem>>
    tpu.wait_indirect_dma semaphore(%dma_wait3A_208 : memref<!tpu.dma_semaphore, #tpu.memory_space<semaphore_mem>>) src(%dma_wait3A_206 : memref<10000x16xf32, #tpu.memory_space<hbm>>) dst(%dma_wait3A_200 : memref<128x16xf32, #tpu.memory_space<vmem>>)
    %dma_start3A_209 = arith.constant 0 : i32
    %dma_start3A_210 = arith.constant 72 : i32
    %dma_start3A_211 = arith.constant 0 : i32
    %dma_start3A_212 = arith.constant 0 : i32
    %dma_start3A_213 = arith.constant 0 : i32
    %dma_start3A_214 = tpu.memref_slice %arg8[%dma_start3A_209, %dma_start3A_212, %dma_start3A_213] : memref<8x128x16xf32, #tpu.memory_space<vmem>> -> memref<1x128x16xf32, #tpu.memory_space<vmem>>
    %dma_start3A_215 = tpu.memref_squeeze %dma_start3A_214 : memref<1x128x16xf32, #tpu.memory_space<vmem>> -> memref<128x16xf32, #tpu.memory_space<vmem>>
    %dma_start3A_216 = arith.constant 0 : i32
    %dma_start3A_217 = tpu.memref_slice %arg7[%dma_start3A_210, %dma_start3A_216] : memref<80x128xi32, #tpu.memory_space<vmem>> -> memref<1x128xi32, #tpu.memory_space<vmem>>
    %dma_start3A_218 = tpu.memref_squeeze %dma_start3A_217 : memref<1x128xi32, #tpu.memory_space<vmem>> -> memref<128xi32, #tpu.memory_space<vmem>>
    %dma_start3A_219 = arith.constant 0 : i32
    %dma_start3A_220 = arith.constant 0 : i32
    %dma_start3A_221 = tpu.memref_slice %arg10[%dma_start3A_219, %dma_start3A_220] : memref<10112x16xf32, #tpu.memory_space<vmem_shared>> -> memref<10112x16xf32, #tpu.memory_space<vmem_shared>>
    %dma_start3A_222 = tpu.memref_slice %arg12[%dma_start3A_211] : memref<8x!tpu.dma_semaphore, #tpu.memory_space<semaphore_mem>> -> memref<1x!tpu.dma_semaphore, #tpu.memory_space<semaphore_mem>>
    %dma_start3A_223 = tpu.memref_squeeze %dma_start3A_222 : memref<1x!tpu.dma_semaphore, #tpu.memory_space<semaphore_mem>> -> memref<!tpu.dma_semaphore, #tpu.memory_space<semaphore_mem>>
    tpu.enqueue_indirect_dma source(%dma_start3A_215 : memref<128x16xf32, #tpu.memory_space<vmem>>) target(%dma_start3A_221 : memref<10112x16xf32, #tpu.memory_space<vmem_shared>>) offsets(%dma_start3A_218 : memref<128xi32, #tpu.memory_space<vmem>>) semaphore(%dma_start3A_223 : memref<!tpu.dma_semaphore, #tpu.memory_space<semaphore_mem>>) {add = true}
    %dma_wait3A_224 = arith.constant 73 : i32
    %dma_wait3A_225 = arith.constant 1 : i32
    %dma_wait3A_226 = arith.constant 1 : i32
    %dma_wait3A_227 = arith.constant 0 : i32
    %dma_wait3A_228 = arith.constant 0 : i32
    %dma_wait3A_229 = tpu.memref_slice %arg8[%dma_wait3A_225, %dma_wait3A_227, %dma_wait3A_228] : memref<8x128x16xf32, #tpu.memory_space<vmem>> -> memref<1x128x16xf32, #tpu.memory_space<vmem>>
    %dma_wait3A_230 = tpu.memref_squeeze %dma_wait3A_229 : memref<1x128x16xf32, #tpu.memory_space<vmem>> -> memref<128x16xf32, #tpu.memory_space<vmem>>
    %dma_wait3A_231 = arith.constant 0 : i32
    %dma_wait3A_232 = tpu.memref_slice %arg6[%dma_wait3A_224, %dma_wait3A_231] : memref<80x128xi32, #tpu.memory_space<vmem>> -> memref<1x128xi32, #tpu.memory_space<vmem>>
    %dma_wait3A_233 = tpu.memref_squeeze %dma_wait3A_232 : memref<1x128xi32, #tpu.memory_space<vmem>> -> memref<128xi32, #tpu.memory_space<vmem>>
    %dma_wait3A_234 = arith.constant 0 : i32
    %dma_wait3A_235 = arith.constant 0 : i32
    %dma_wait3A_236 = tpu.memref_slice %arg2[%dma_wait3A_234, %dma_wait3A_235] : memref<10000x16xf32, #tpu.memory_space<hbm>> -> memref<10000x16xf32, #tpu.memory_space<hbm>>
    %dma_wait3A_237 = tpu.memref_slice %arg11[%dma_wait3A_226] : memref<8x!tpu.dma_semaphore, #tpu.memory_space<semaphore_mem>> -> memref<1x!tpu.dma_semaphore, #tpu.memory_space<semaphore_mem>>
    %dma_wait3A_238 = tpu.memref_squeeze %dma_wait3A_237 : memref<1x!tpu.dma_semaphore, #tpu.memory_space<semaphore_mem>> -> memref<!tpu.dma_semaphore, #tpu.memory_space<semaphore_mem>>
    tpu.wait_indirect_dma semaphore(%dma_wait3A_238 : memref<!tpu.dma_semaphore, #tpu.memory_space<semaphore_mem>>) src(%dma_wait3A_236 : memref<10000x16xf32, #tpu.memory_space<hbm>>) dst(%dma_wait3A_230 : memref<128x16xf32, #tpu.memory_space<vmem>>)
    %dma_start3A_239 = arith.constant 1 : i32
    %dma_start3A_240 = arith.constant 73 : i32
    %dma_start3A_241 = arith.constant 1 : i32
    %dma_start3A_242 = arith.constant 0 : i32
    %dma_start3A_243 = arith.constant 0 : i32
    %dma_start3A_244 = tpu.memref_slice %arg8[%dma_start3A_239, %dma_start3A_242, %dma_start3A_243] : memref<8x128x16xf32, #tpu.memory_space<vmem>> -> memref<1x128x16xf32, #tpu.memory_space<vmem>>
    %dma_start3A_245 = tpu.memref_squeeze %dma_start3A_244 : memref<1x128x16xf32, #tpu.memory_space<vmem>> -> memref<128x16xf32, #tpu.memory_space<vmem>>
    %dma_start3A_246 = arith.constant 0 : i32
    %dma_start3A_247 = tpu.memref_slice %arg7[%dma_start3A_240, %dma_start3A_246] : memref<80x128xi32, #tpu.memory_space<vmem>> -> memref<1x128xi32, #tpu.memory_space<vmem>>
    %dma_start3A_248 = tpu.memref_squeeze %dma_start3A_247 : memref<1x128xi32, #tpu.memory_space<vmem>> -> memref<128xi32, #tpu.memory_space<vmem>>
    %dma_start3A_249 = arith.constant 0 : i32
    %dma_start3A_250 = arith.constant 0 : i32
    %dma_start3A_251 = tpu.memref_slice %arg10[%dma_start3A_249, %dma_start3A_250] : memref<10112x16xf32, #tpu.memory_space<vmem_shared>> -> memref<10112x16xf32, #tpu.memory_space<vmem_shared>>
    %dma_start3A_252 = tpu.memref_slice %arg12[%dma_start3A_241] : memref<8x!tpu.dma_semaphore, #tpu.memory_space<semaphore_mem>> -> memref<1x!tpu.dma_semaphore, #tpu.memory_space<semaphore_mem>>
    %dma_start3A_253 = tpu.memref_squeeze %dma_start3A_252 : memref<1x!tpu.dma_semaphore, #tpu.memory_space<semaphore_mem>> -> memref<!tpu.dma_semaphore, #tpu.memory_space<semaphore_mem>>
    tpu.enqueue_indirect_dma source(%dma_start3A_245 : memref<128x16xf32, #tpu.memory_space<vmem>>) target(%dma_start3A_251 : memref<10112x16xf32, #tpu.memory_space<vmem_shared>>) offsets(%dma_start3A_248 : memref<128xi32, #tpu.memory_space<vmem>>) semaphore(%dma_start3A_253 : memref<!tpu.dma_semaphore, #tpu.memory_space<semaphore_mem>>) {add = true}
    %dma_wait3A_254 = arith.constant 74 : i32
    %dma_wait3A_255 = arith.constant 2 : i32
    %dma_wait3A_256 = arith.constant 2 : i32
    %dma_wait3A_257 = arith.constant 0 : i32
    %dma_wait3A_258 = arith.constant 0 : i32
    %dma_wait3A_259 = tpu.memref_slice %arg8[%dma_wait3A_255, %dma_wait3A_257, %dma_wait3A_258] : memref<8x128x16xf32, #tpu.memory_space<vmem>> -> memref<1x128x16xf32, #tpu.memory_space<vmem>>
    %dma_wait3A_260 = tpu.memref_squeeze %dma_wait3A_259 : memref<1x128x16xf32, #tpu.memory_space<vmem>> -> memref<128x16xf32, #tpu.memory_space<vmem>>
    %dma_wait3A_261 = arith.constant 0 : i32
    %dma_wait3A_262 = tpu.memref_slice %arg6[%dma_wait3A_254, %dma_wait3A_261] : memref<80x128xi32, #tpu.memory_space<vmem>> -> memref<1x128xi32, #tpu.memory_space<vmem>>
    %dma_wait3A_263 = tpu.memref_squeeze %dma_wait3A_262 : memref<1x128xi32, #tpu.memory_space<vmem>> -> memref<128xi32, #tpu.memory_space<vmem>>
    %dma_wait3A_264 = arith.constant 0 : i32
    %dma_wait3A_265 = arith.constant 0 : i32
    %dma_wait3A_266 = tpu.memref_slice %arg2[%dma_wait3A_264, %dma_wait3A_265] : memref<10000x16xf32, #tpu.memory_space<hbm>> -> memref<10000x16xf32, #tpu.memory_space<hbm>>
    %dma_wait3A_267 = tpu.memref_slice %arg11[%dma_wait3A_256] : memref<8x!tpu.dma_semaphore, #tpu.memory_space<semaphore_mem>> -> memref<1x!tpu.dma_semaphore, #tpu.memory_space<semaphore_mem>>
    %dma_wait3A_268 = tpu.memref_squeeze %dma_wait3A_267 : memref<1x!tpu.dma_semaphore, #tpu.memory_space<semaphore_mem>> -> memref<!tpu.dma_semaphore, #tpu.memory_space<semaphore_mem>>
    tpu.wait_indirect_dma semaphore(%dma_wait3A_268 : memref<!tpu.dma_semaphore, #tpu.memory_space<semaphore_mem>>) src(%dma_wait3A_266 : memref<10000x16xf32, #tpu.memory_space<hbm>>) dst(%dma_wait3A_260 : memref<128x16xf32, #tpu.memory_space<vmem>>)
    %dma_start3A_269 = arith.constant 2 : i32
    %dma_start3A_270 = arith.constant 74 : i32
    %dma_start3A_271 = arith.constant 2 : i32
    %dma_start3A_272 = arith.constant 0 : i32
    %dma_start3A_273 = arith.constant 0 : i32
    %dma_start3A_274 = tpu.memref_slice %arg8[%dma_start3A_269, %dma_start3A_272, %dma_start3A_273] : memref<8x128x16xf32, #tpu.memory_space<vmem>> -> memref<1x128x16xf32, #tpu.memory_space<vmem>>
    %dma_start3A_275 = tpu.memref_squeeze %dma_start3A_274 : memref<1x128x16xf32, #tpu.memory_space<vmem>> -> memref<128x16xf32, #tpu.memory_space<vmem>>
    %dma_start3A_276 = arith.constant 0 : i32
    %dma_start3A_277 = tpu.memref_slice %arg7[%dma_start3A_270, %dma_start3A_276] : memref<80x128xi32, #tpu.memory_space<vmem>> -> memref<1x128xi32, #tpu.memory_space<vmem>>
    %dma_start3A_278 = tpu.memref_squeeze %dma_start3A_277 : memref<1x128xi32, #tpu.memory_space<vmem>> -> memref<128xi32, #tpu.memory_space<vmem>>
    %dma_start3A_279 = arith.constant 0 : i32
    %dma_start3A_280 = arith.constant 0 : i32
    %dma_start3A_281 = tpu.memref_slice %arg10[%dma_start3A_279, %dma_start3A_280] : memref<10112x16xf32, #tpu.memory_space<vmem_shared>> -> memref<10112x16xf32, #tpu.memory_space<vmem_shared>>
    %dma_start3A_282 = tpu.memref_slice %arg12[%dma_start3A_271] : memref<8x!tpu.dma_semaphore, #tpu.memory_space<semaphore_mem>> -> memref<1x!tpu.dma_semaphore, #tpu.memory_space<semaphore_mem>>
    %dma_start3A_283 = tpu.memref_squeeze %dma_start3A_282 : memref<1x!tpu.dma_semaphore, #tpu.memory_space<semaphore_mem>> -> memref<!tpu.dma_semaphore, #tpu.memory_space<semaphore_mem>>
    tpu.enqueue_indirect_dma source(%dma_start3A_275 : memref<128x16xf32, #tpu.memory_space<vmem>>) target(%dma_start3A_281 : memref<10112x16xf32, #tpu.memory_space<vmem_shared>>) offsets(%dma_start3A_278 : memref<128xi32, #tpu.memory_space<vmem>>) semaphore(%dma_start3A_283 : memref<!tpu.dma_semaphore, #tpu.memory_space<semaphore_mem>>) {add = true}
    %dma_wait3A_284 = arith.constant 75 : i32
    %dma_wait3A_285 = arith.constant 3 : i32
    %dma_wait3A_286 = arith.constant 3 : i32
    %dma_wait3A_287 = arith.constant 0 : i32
    %dma_wait3A_288 = arith.constant 0 : i32
    %dma_wait3A_289 = tpu.memref_slice %arg8[%dma_wait3A_285, %dma_wait3A_287, %dma_wait3A_288] : memref<8x128x16xf32, #tpu.memory_space<vmem>> -> memref<1x128x16xf32, #tpu.memory_space<vmem>>
    %dma_wait3A_290 = tpu.memref_squeeze %dma_wait3A_289 : memref<1x128x16xf32, #tpu.memory_space<vmem>> -> memref<128x16xf32, #tpu.memory_space<vmem>>
    %dma_wait3A_291 = arith.constant 0 : i32
    %dma_wait3A_292 = tpu.memref_slice %arg6[%dma_wait3A_284, %dma_wait3A_291] : memref<80x128xi32, #tpu.memory_space<vmem>> -> memref<1x128xi32, #tpu.memory_space<vmem>>
    %dma_wait3A_293 = tpu.memref_squeeze %dma_wait3A_292 : memref<1x128xi32, #tpu.memory_space<vmem>> -> memref<128xi32, #tpu.memory_space<vmem>>
    %dma_wait3A_294 = arith.constant 0 : i32
    %dma_wait3A_295 = arith.constant 0 : i32
    %dma_wait3A_296 = tpu.memref_slice %arg2[%dma_wait3A_294, %dma_wait3A_295] : memref<10000x16xf32, #tpu.memory_space<hbm>> -> memref<10000x16xf32, #tpu.memory_space<hbm>>
    %dma_wait3A_297 = tpu.memref_slice %arg11[%dma_wait3A_286] : memref<8x!tpu.dma_semaphore, #tpu.memory_space<semaphore_mem>> -> memref<1x!tpu.dma_semaphore, #tpu.memory_space<semaphore_mem>>
    %dma_wait3A_298 = tpu.memref_squeeze %dma_wait3A_297 : memref<1x!tpu.dma_semaphore, #tpu.memory_space<semaphore_mem>> -> memref<!tpu.dma_semaphore, #tpu.memory_space<semaphore_mem>>
    tpu.wait_indirect_dma semaphore(%dma_wait3A_298 : memref<!tpu.dma_semaphore, #tpu.memory_space<semaphore_mem>>) src(%dma_wait3A_296 : memref<10000x16xf32, #tpu.memory_space<hbm>>) dst(%dma_wait3A_290 : memref<128x16xf32, #tpu.memory_space<vmem>>)
    %dma_start3A_299 = arith.constant 3 : i32
    %dma_start3A_300 = arith.constant 75 : i32
    %dma_start3A_301 = arith.constant 3 : i32
    %dma_start3A_302 = arith.constant 0 : i32
    %dma_start3A_303 = arith.constant 0 : i32
    %dma_start3A_304 = tpu.memref_slice %arg8[%dma_start3A_299, %dma_start3A_302, %dma_start3A_303] : memref<8x128x16xf32, #tpu.memory_space<vmem>> -> memref<1x128x16xf32, #tpu.memory_space<vmem>>
    %dma_start3A_305 = tpu.memref_squeeze %dma_start3A_304 : memref<1x128x16xf32, #tpu.memory_space<vmem>> -> memref<128x16xf32, #tpu.memory_space<vmem>>
    %dma_start3A_306 = arith.constant 0 : i32
    %dma_start3A_307 = tpu.memref_slice %arg7[%dma_start3A_300, %dma_start3A_306] : memref<80x128xi32, #tpu.memory_space<vmem>> -> memref<1x128xi32, #tpu.memory_space<vmem>>
    %dma_start3A_308 = tpu.memref_squeeze %dma_start3A_307 : memref<1x128xi32, #tpu.memory_space<vmem>> -> memref<128xi32, #tpu.memory_space<vmem>>
    %dma_start3A_309 = arith.constant 0 : i32
    %dma_start3A_310 = arith.constant 0 : i32
    %dma_start3A_311 = tpu.memref_slice %arg10[%dma_start3A_309, %dma_start3A_310] : memref<10112x16xf32, #tpu.memory_space<vmem_shared>> -> memref<10112x16xf32, #tpu.memory_space<vmem_shared>>
    %dma_start3A_312 = tpu.memref_slice %arg12[%dma_start3A_301] : memref<8x!tpu.dma_semaphore, #tpu.memory_space<semaphore_mem>> -> memref<1x!tpu.dma_semaphore, #tpu.memory_space<semaphore_mem>>
    %dma_start3A_313 = tpu.memref_squeeze %dma_start3A_312 : memref<1x!tpu.dma_semaphore, #tpu.memory_space<semaphore_mem>> -> memref<!tpu.dma_semaphore, #tpu.memory_space<semaphore_mem>>
    tpu.enqueue_indirect_dma source(%dma_start3A_305 : memref<128x16xf32, #tpu.memory_space<vmem>>) target(%dma_start3A_311 : memref<10112x16xf32, #tpu.memory_space<vmem_shared>>) offsets(%dma_start3A_308 : memref<128xi32, #tpu.memory_space<vmem>>) semaphore(%dma_start3A_313 : memref<!tpu.dma_semaphore, #tpu.memory_space<semaphore_mem>>) {add = true}
    %dma_wait3A_314 = arith.constant 76 : i32
    %dma_wait3A_315 = arith.constant 4 : i32
    %dma_wait3A_316 = arith.constant 4 : i32
    %dma_wait3A_317 = arith.constant 0 : i32
    %dma_wait3A_318 = arith.constant 0 : i32
    %dma_wait3A_319 = tpu.memref_slice %arg8[%dma_wait3A_315, %dma_wait3A_317, %dma_wait3A_318] : memref<8x128x16xf32, #tpu.memory_space<vmem>> -> memref<1x128x16xf32, #tpu.memory_space<vmem>>
    %dma_wait3A_320 = tpu.memref_squeeze %dma_wait3A_319 : memref<1x128x16xf32, #tpu.memory_space<vmem>> -> memref<128x16xf32, #tpu.memory_space<vmem>>
    %dma_wait3A_321 = arith.constant 0 : i32
    %dma_wait3A_322 = tpu.memref_slice %arg6[%dma_wait3A_314, %dma_wait3A_321] : memref<80x128xi32, #tpu.memory_space<vmem>> -> memref<1x128xi32, #tpu.memory_space<vmem>>
    %dma_wait3A_323 = tpu.memref_squeeze %dma_wait3A_322 : memref<1x128xi32, #tpu.memory_space<vmem>> -> memref<128xi32, #tpu.memory_space<vmem>>
    %dma_wait3A_324 = arith.constant 0 : i32
    %dma_wait3A_325 = arith.constant 0 : i32
    %dma_wait3A_326 = tpu.memref_slice %arg2[%dma_wait3A_324, %dma_wait3A_325] : memref<10000x16xf32, #tpu.memory_space<hbm>> -> memref<10000x16xf32, #tpu.memory_space<hbm>>
    %dma_wait3A_327 = tpu.memref_slice %arg11[%dma_wait3A_316] : memref<8x!tpu.dma_semaphore, #tpu.memory_space<semaphore_mem>> -> memref<1x!tpu.dma_semaphore, #tpu.memory_space<semaphore_mem>>
    %dma_wait3A_328 = tpu.memref_squeeze %dma_wait3A_327 : memref<1x!tpu.dma_semaphore, #tpu.memory_space<semaphore_mem>> -> memref<!tpu.dma_semaphore, #tpu.memory_space<semaphore_mem>>
    tpu.wait_indirect_dma semaphore(%dma_wait3A_328 : memref<!tpu.dma_semaphore, #tpu.memory_space<semaphore_mem>>) src(%dma_wait3A_326 : memref<10000x16xf32, #tpu.memory_space<hbm>>) dst(%dma_wait3A_320 : memref<128x16xf32, #tpu.memory_space<vmem>>)
    %dma_start3A_329 = arith.constant 4 : i32
    %dma_start3A_330 = arith.constant 76 : i32
    %dma_start3A_331 = arith.constant 4 : i32
    %dma_start3A_332 = arith.constant 0 : i32
    %dma_start3A_333 = arith.constant 0 : i32
    %dma_start3A_334 = tpu.memref_slice %arg8[%dma_start3A_329, %dma_start3A_332, %dma_start3A_333] : memref<8x128x16xf32, #tpu.memory_space<vmem>> -> memref<1x128x16xf32, #tpu.memory_space<vmem>>
    %dma_start3A_335 = tpu.memref_squeeze %dma_start3A_334 : memref<1x128x16xf32, #tpu.memory_space<vmem>> -> memref<128x16xf32, #tpu.memory_space<vmem>>
    %dma_start3A_336 = arith.constant 0 : i32
    %dma_start3A_337 = tpu.memref_slice %arg7[%dma_start3A_330, %dma_start3A_336] : memref<80x128xi32, #tpu.memory_space<vmem>> -> memref<1x128xi32, #tpu.memory_space<vmem>>
    %dma_start3A_338 = tpu.memref_squeeze %dma_start3A_337 : memref<1x128xi32, #tpu.memory_space<vmem>> -> memref<128xi32, #tpu.memory_space<vmem>>
    %dma_start3A_339 = arith.constant 0 : i32
    %dma_start3A_340 = arith.constant 0 : i32
    %dma_start3A_341 = tpu.memref_slice %arg10[%dma_start3A_339, %dma_start3A_340] : memref<10112x16xf32, #tpu.memory_space<vmem_shared>> -> memref<10112x16xf32, #tpu.memory_space<vmem_shared>>
    %dma_start3A_342 = tpu.memref_slice %arg12[%dma_start3A_331] : memref<8x!tpu.dma_semaphore, #tpu.memory_space<semaphore_mem>> -> memref<1x!tpu.dma_semaphore, #tpu.memory_space<semaphore_mem>>
    %dma_start3A_343 = tpu.memref_squeeze %dma_start3A_342 : memref<1x!tpu.dma_semaphore, #tpu.memory_space<semaphore_mem>> -> memref<!tpu.dma_semaphore, #tpu.memory_space<semaphore_mem>>
    tpu.enqueue_indirect_dma source(%dma_start3A_335 : memref<128x16xf32, #tpu.memory_space<vmem>>) target(%dma_start3A_341 : memref<10112x16xf32, #tpu.memory_space<vmem_shared>>) offsets(%dma_start3A_338 : memref<128xi32, #tpu.memory_space<vmem>>) semaphore(%dma_start3A_343 : memref<!tpu.dma_semaphore, #tpu.memory_space<semaphore_mem>>) {add = true}
    %dma_wait3A_344 = arith.constant 77 : i32
    %dma_wait3A_345 = arith.constant 5 : i32
    %dma_wait3A_346 = arith.constant 5 : i32
    %dma_wait3A_347 = arith.constant 0 : i32
    %dma_wait3A_348 = arith.constant 0 : i32
    %dma_wait3A_349 = tpu.memref_slice %arg8[%dma_wait3A_345, %dma_wait3A_347, %dma_wait3A_348] : memref<8x128x16xf32, #tpu.memory_space<vmem>> -> memref<1x128x16xf32, #tpu.memory_space<vmem>>
    %dma_wait3A_350 = tpu.memref_squeeze %dma_wait3A_349 : memref<1x128x16xf32, #tpu.memory_space<vmem>> -> memref<128x16xf32, #tpu.memory_space<vmem>>
    %dma_wait3A_351 = arith.constant 0 : i32
    %dma_wait3A_352 = tpu.memref_slice %arg6[%dma_wait3A_344, %dma_wait3A_351] : memref<80x128xi32, #tpu.memory_space<vmem>> -> memref<1x128xi32, #tpu.memory_space<vmem>>
    %dma_wait3A_353 = tpu.memref_squeeze %dma_wait3A_352 : memref<1x128xi32, #tpu.memory_space<vmem>> -> memref<128xi32, #tpu.memory_space<vmem>>
    %dma_wait3A_354 = arith.constant 0 : i32
    %dma_wait3A_355 = arith.constant 0 : i32
    %dma_wait3A_356 = tpu.memref_slice %arg2[%dma_wait3A_354, %dma_wait3A_355] : memref<10000x16xf32, #tpu.memory_space<hbm>> -> memref<10000x16xf32, #tpu.memory_space<hbm>>
    %dma_wait3A_357 = tpu.memref_slice %arg11[%dma_wait3A_346] : memref<8x!tpu.dma_semaphore, #tpu.memory_space<semaphore_mem>> -> memref<1x!tpu.dma_semaphore, #tpu.memory_space<semaphore_mem>>
    %dma_wait3A_358 = tpu.memref_squeeze %dma_wait3A_357 : memref<1x!tpu.dma_semaphore, #tpu.memory_space<semaphore_mem>> -> memref<!tpu.dma_semaphore, #tpu.memory_space<semaphore_mem>>
    tpu.wait_indirect_dma semaphore(%dma_wait3A_358 : memref<!tpu.dma_semaphore, #tpu.memory_space<semaphore_mem>>) src(%dma_wait3A_356 : memref<10000x16xf32, #tpu.memory_space<hbm>>) dst(%dma_wait3A_350 : memref<128x16xf32, #tpu.memory_space<vmem>>)
    %dma_start3A_359 = arith.constant 5 : i32
    %dma_start3A_360 = arith.constant 77 : i32
    %dma_start3A_361 = arith.constant 5 : i32
    %dma_start3A_362 = arith.constant 0 : i32
    %dma_start3A_363 = arith.constant 0 : i32
    %dma_start3A_364 = tpu.memref_slice %arg8[%dma_start3A_359, %dma_start3A_362, %dma_start3A_363] : memref<8x128x16xf32, #tpu.memory_space<vmem>> -> memref<1x128x16xf32, #tpu.memory_space<vmem>>
    %dma_start3A_365 = tpu.memref_squeeze %dma_start3A_364 : memref<1x128x16xf32, #tpu.memory_space<vmem>> -> memref<128x16xf32, #tpu.memory_space<vmem>>
    %dma_start3A_366 = arith.constant 0 : i32
    %dma_start3A_367 = tpu.memref_slice %arg7[%dma_start3A_360, %dma_start3A_366] : memref<80x128xi32, #tpu.memory_space<vmem>> -> memref<1x128xi32, #tpu.memory_space<vmem>>
    %dma_start3A_368 = tpu.memref_squeeze %dma_start3A_367 : memref<1x128xi32, #tpu.memory_space<vmem>> -> memref<128xi32, #tpu.memory_space<vmem>>
    %dma_start3A_369 = arith.constant 0 : i32
    %dma_start3A_370 = arith.constant 0 : i32
    %dma_start3A_371 = tpu.memref_slice %arg10[%dma_start3A_369, %dma_start3A_370] : memref<10112x16xf32, #tpu.memory_space<vmem_shared>> -> memref<10112x16xf32, #tpu.memory_space<vmem_shared>>
    %dma_start3A_372 = tpu.memref_slice %arg12[%dma_start3A_361] : memref<8x!tpu.dma_semaphore, #tpu.memory_space<semaphore_mem>> -> memref<1x!tpu.dma_semaphore, #tpu.memory_space<semaphore_mem>>
    %dma_start3A_373 = tpu.memref_squeeze %dma_start3A_372 : memref<1x!tpu.dma_semaphore, #tpu.memory_space<semaphore_mem>> -> memref<!tpu.dma_semaphore, #tpu.memory_space<semaphore_mem>>
    tpu.enqueue_indirect_dma source(%dma_start3A_365 : memref<128x16xf32, #tpu.memory_space<vmem>>) target(%dma_start3A_371 : memref<10112x16xf32, #tpu.memory_space<vmem_shared>>) offsets(%dma_start3A_368 : memref<128xi32, #tpu.memory_space<vmem>>) semaphore(%dma_start3A_373 : memref<!tpu.dma_semaphore, #tpu.memory_space<semaphore_mem>>) {add = true}
    %dma_wait3A_374 = arith.constant 78 : i32
    %dma_wait3A_375 = arith.constant 6 : i32
    %dma_wait3A_376 = arith.constant 6 : i32
    %dma_wait3A_377 = arith.constant 0 : i32
    %dma_wait3A_378 = arith.constant 0 : i32
    %dma_wait3A_379 = tpu.memref_slice %arg8[%dma_wait3A_375, %dma_wait3A_377, %dma_wait3A_378] : memref<8x128x16xf32, #tpu.memory_space<vmem>> -> memref<1x128x16xf32, #tpu.memory_space<vmem>>
    %dma_wait3A_380 = tpu.memref_squeeze %dma_wait3A_379 : memref<1x128x16xf32, #tpu.memory_space<vmem>> -> memref<128x16xf32, #tpu.memory_space<vmem>>
    %dma_wait3A_381 = arith.constant 0 : i32
    %dma_wait3A_382 = tpu.memref_slice %arg6[%dma_wait3A_374, %dma_wait3A_381] : memref<80x128xi32, #tpu.memory_space<vmem>> -> memref<1x128xi32, #tpu.memory_space<vmem>>
    %dma_wait3A_383 = tpu.memref_squeeze %dma_wait3A_382 : memref<1x128xi32, #tpu.memory_space<vmem>> -> memref<128xi32, #tpu.memory_space<vmem>>
    %dma_wait3A_384 = arith.constant 0 : i32
    %dma_wait3A_385 = arith.constant 0 : i32
    %dma_wait3A_386 = tpu.memref_slice %arg2[%dma_wait3A_384, %dma_wait3A_385] : memref<10000x16xf32, #tpu.memory_space<hbm>> -> memref<10000x16xf32, #tpu.memory_space<hbm>>
    %dma_wait3A_387 = tpu.memref_slice %arg11[%dma_wait3A_376] : memref<8x!tpu.dma_semaphore, #tpu.memory_space<semaphore_mem>> -> memref<1x!tpu.dma_semaphore, #tpu.memory_space<semaphore_mem>>
    %dma_wait3A_388 = tpu.memref_squeeze %dma_wait3A_387 : memref<1x!tpu.dma_semaphore, #tpu.memory_space<semaphore_mem>> -> memref<!tpu.dma_semaphore, #tpu.memory_space<semaphore_mem>>
    tpu.wait_indirect_dma semaphore(%dma_wait3A_388 : memref<!tpu.dma_semaphore, #tpu.memory_space<semaphore_mem>>) src(%dma_wait3A_386 : memref<10000x16xf32, #tpu.memory_space<hbm>>) dst(%dma_wait3A_380 : memref<128x16xf32, #tpu.memory_space<vmem>>)
    %dma_start3A_389 = arith.constant 6 : i32
    %dma_start3A_390 = arith.constant 78 : i32
    %dma_start3A_391 = arith.constant 6 : i32
    %dma_start3A_392 = arith.constant 0 : i32
    %dma_start3A_393 = arith.constant 0 : i32
    %dma_start3A_394 = tpu.memref_slice %arg8[%dma_start3A_389, %dma_start3A_392, %dma_start3A_393] : memref<8x128x16xf32, #tpu.memory_space<vmem>> -> memref<1x128x16xf32, #tpu.memory_space<vmem>>
    %dma_start3A_395 = tpu.memref_squeeze %dma_start3A_394 : memref<1x128x16xf32, #tpu.memory_space<vmem>> -> memref<128x16xf32, #tpu.memory_space<vmem>>
    %dma_start3A_396 = arith.constant 0 : i32
    %dma_start3A_397 = tpu.memref_slice %arg7[%dma_start3A_390, %dma_start3A_396] : memref<80x128xi32, #tpu.memory_space<vmem>> -> memref<1x128xi32, #tpu.memory_space<vmem>>
    %dma_start3A_398 = tpu.memref_squeeze %dma_start3A_397 : memref<1x128xi32, #tpu.memory_space<vmem>> -> memref<128xi32, #tpu.memory_space<vmem>>
    %dma_start3A_399 = arith.constant 0 : i32
    %dma_start3A_400 = arith.constant 0 : i32
    %dma_start3A_401 = tpu.memref_slice %arg10[%dma_start3A_399, %dma_start3A_400] : memref<10112x16xf32, #tpu.memory_space<vmem_shared>> -> memref<10112x16xf32, #tpu.memory_space<vmem_shared>>
    %dma_start3A_402 = tpu.memref_slice %arg12[%dma_start3A_391] : memref<8x!tpu.dma_semaphore, #tpu.memory_space<semaphore_mem>> -> memref<1x!tpu.dma_semaphore, #tpu.memory_space<semaphore_mem>>
    %dma_start3A_403 = tpu.memref_squeeze %dma_start3A_402 : memref<1x!tpu.dma_semaphore, #tpu.memory_space<semaphore_mem>> -> memref<!tpu.dma_semaphore, #tpu.memory_space<semaphore_mem>>
    tpu.enqueue_indirect_dma source(%dma_start3A_395 : memref<128x16xf32, #tpu.memory_space<vmem>>) target(%dma_start3A_401 : memref<10112x16xf32, #tpu.memory_space<vmem_shared>>) offsets(%dma_start3A_398 : memref<128xi32, #tpu.memory_space<vmem>>) semaphore(%dma_start3A_403 : memref<!tpu.dma_semaphore, #tpu.memory_space<semaphore_mem>>) {add = true}
    %dma_wait3A_404 = arith.constant 79 : i32
    %dma_wait3A_405 = arith.constant 7 : i32
    %dma_wait3A_406 = arith.constant 7 : i32
    %dma_wait3A_407 = arith.constant 0 : i32
    %dma_wait3A_408 = arith.constant 0 : i32
    %dma_wait3A_409 = tpu.memref_slice %arg8[%dma_wait3A_405, %dma_wait3A_407, %dma_wait3A_408] : memref<8x128x16xf32, #tpu.memory_space<vmem>> -> memref<1x128x16xf32, #tpu.memory_space<vmem>>
    %dma_wait3A_410 = tpu.memref_squeeze %dma_wait3A_409 : memref<1x128x16xf32, #tpu.memory_space<vmem>> -> memref<128x16xf32, #tpu.memory_space<vmem>>
    %dma_wait3A_411 = arith.constant 0 : i32
    %dma_wait3A_412 = tpu.memref_slice %arg6[%dma_wait3A_404, %dma_wait3A_411] : memref<80x128xi32, #tpu.memory_space<vmem>> -> memref<1x128xi32, #tpu.memory_space<vmem>>
    %dma_wait3A_413 = tpu.memref_squeeze %dma_wait3A_412 : memref<1x128xi32, #tpu.memory_space<vmem>> -> memref<128xi32, #tpu.memory_space<vmem>>
    %dma_wait3A_414 = arith.constant 0 : i32
    %dma_wait3A_415 = arith.constant 0 : i32
    %dma_wait3A_416 = tpu.memref_slice %arg2[%dma_wait3A_414, %dma_wait3A_415] : memref<10000x16xf32, #tpu.memory_space<hbm>> -> memref<10000x16xf32, #tpu.memory_space<hbm>>
    %dma_wait3A_417 = tpu.memref_slice %arg11[%dma_wait3A_406] : memref<8x!tpu.dma_semaphore, #tpu.memory_space<semaphore_mem>> -> memref<1x!tpu.dma_semaphore, #tpu.memory_space<semaphore_mem>>
    %dma_wait3A_418 = tpu.memref_squeeze %dma_wait3A_417 : memref<1x!tpu.dma_semaphore, #tpu.memory_space<semaphore_mem>> -> memref<!tpu.dma_semaphore, #tpu.memory_space<semaphore_mem>>
    tpu.wait_indirect_dma semaphore(%dma_wait3A_418 : memref<!tpu.dma_semaphore, #tpu.memory_space<semaphore_mem>>) src(%dma_wait3A_416 : memref<10000x16xf32, #tpu.memory_space<hbm>>) dst(%dma_wait3A_410 : memref<128x16xf32, #tpu.memory_space<vmem>>)
    %dma_start3A_419 = arith.constant 7 : i32
    %dma_start3A_420 = arith.constant 79 : i32
    %dma_start3A_421 = arith.constant 7 : i32
    %dma_start3A_422 = arith.constant 0 : i32
    %dma_start3A_423 = arith.constant 0 : i32
    %dma_start3A_424 = tpu.memref_slice %arg8[%dma_start3A_419, %dma_start3A_422, %dma_start3A_423] : memref<8x128x16xf32, #tpu.memory_space<vmem>> -> memref<1x128x16xf32, #tpu.memory_space<vmem>>
    %dma_start3A_425 = tpu.memref_squeeze %dma_start3A_424 : memref<1x128x16xf32, #tpu.memory_space<vmem>> -> memref<128x16xf32, #tpu.memory_space<vmem>>
    %dma_start3A_426 = arith.constant 0 : i32
    %dma_start3A_427 = tpu.memref_slice %arg7[%dma_start3A_420, %dma_start3A_426] : memref<80x128xi32, #tpu.memory_space<vmem>> -> memref<1x128xi32, #tpu.memory_space<vmem>>
    %dma_start3A_428 = tpu.memref_squeeze %dma_start3A_427 : memref<1x128xi32, #tpu.memory_space<vmem>> -> memref<128xi32, #tpu.memory_space<vmem>>
    %dma_start3A_429 = arith.constant 0 : i32
    %dma_start3A_430 = arith.constant 0 : i32
    %dma_start3A_431 = tpu.memref_slice %arg10[%dma_start3A_429, %dma_start3A_430] : memref<10112x16xf32, #tpu.memory_space<vmem_shared>> -> memref<10112x16xf32, #tpu.memory_space<vmem_shared>>
    %dma_start3A_432 = tpu.memref_slice %arg12[%dma_start3A_421] : memref<8x!tpu.dma_semaphore, #tpu.memory_space<semaphore_mem>> -> memref<1x!tpu.dma_semaphore, #tpu.memory_space<semaphore_mem>>
    %dma_start3A_433 = tpu.memref_squeeze %dma_start3A_432 : memref<1x!tpu.dma_semaphore, #tpu.memory_space<semaphore_mem>> -> memref<!tpu.dma_semaphore, #tpu.memory_space<semaphore_mem>>
    tpu.enqueue_indirect_dma source(%dma_start3A_425 : memref<128x16xf32, #tpu.memory_space<vmem>>) target(%dma_start3A_431 : memref<10112x16xf32, #tpu.memory_space<vmem_shared>>) offsets(%dma_start3A_428 : memref<128xi32, #tpu.memory_space<vmem>>) semaphore(%dma_start3A_433 : memref<!tpu.dma_semaphore, #tpu.memory_space<semaphore_mem>>) {add = true}
    %dma_wait3A_434 = arith.constant 0 : i32
    %dma_wait3A_435 = arith.constant 72 : i32
    %dma_wait3A_436 = arith.constant 0 : i32
    %dma_wait3A_437 = arith.constant 0 : i32
    %dma_wait3A_438 = arith.constant 0 : i32
    %dma_wait3A_439 = tpu.memref_slice %arg8[%dma_wait3A_434, %dma_wait3A_437, %dma_wait3A_438] : memref<8x128x16xf32, #tpu.memory_space<vmem>> -> memref<1x128x16xf32, #tpu.memory_space<vmem>>
    %dma_wait3A_440 = tpu.memref_squeeze %dma_wait3A_439 : memref<1x128x16xf32, #tpu.memory_space<vmem>> -> memref<128x16xf32, #tpu.memory_space<vmem>>
    %dma_wait3A_441 = arith.constant 0 : i32
    %dma_wait3A_442 = tpu.memref_slice %arg7[%dma_wait3A_435, %dma_wait3A_441] : memref<80x128xi32, #tpu.memory_space<vmem>> -> memref<1x128xi32, #tpu.memory_space<vmem>>
    %dma_wait3A_443 = tpu.memref_squeeze %dma_wait3A_442 : memref<1x128xi32, #tpu.memory_space<vmem>> -> memref<128xi32, #tpu.memory_space<vmem>>
    %dma_wait3A_444 = arith.constant 0 : i32
    %dma_wait3A_445 = arith.constant 0 : i32
    %dma_wait3A_446 = tpu.memref_slice %arg10[%dma_wait3A_444, %dma_wait3A_445] : memref<10112x16xf32, #tpu.memory_space<vmem_shared>> -> memref<10112x16xf32, #tpu.memory_space<vmem_shared>>
    %dma_wait3A_447 = tpu.memref_slice %arg12[%dma_wait3A_436] : memref<8x!tpu.dma_semaphore, #tpu.memory_space<semaphore_mem>> -> memref<1x!tpu.dma_semaphore, #tpu.memory_space<semaphore_mem>>
    %dma_wait3A_448 = tpu.memref_squeeze %dma_wait3A_447 : memref<1x!tpu.dma_semaphore, #tpu.memory_space<semaphore_mem>> -> memref<!tpu.dma_semaphore, #tpu.memory_space<semaphore_mem>>
    tpu.wait_indirect_dma semaphore(%dma_wait3A_448 : memref<!tpu.dma_semaphore, #tpu.memory_space<semaphore_mem>>) src(%dma_wait3A_440 : memref<128x16xf32, #tpu.memory_space<vmem>>) dst(%dma_wait3A_446 : memref<10112x16xf32, #tpu.memory_space<vmem_shared>>)
    %dma_wait3A_449 = arith.constant 1 : i32
    %dma_wait3A_450 = arith.constant 73 : i32
    %dma_wait3A_451 = arith.constant 1 : i32
    %dma_wait3A_452 = arith.constant 0 : i32
    %dma_wait3A_453 = arith.constant 0 : i32
    %dma_wait3A_454 = tpu.memref_slice %arg8[%dma_wait3A_449, %dma_wait3A_452, %dma_wait3A_453] : memref<8x128x16xf32, #tpu.memory_space<vmem>> -> memref<1x128x16xf32, #tpu.memory_space<vmem>>
    %dma_wait3A_455 = tpu.memref_squeeze %dma_wait3A_454 : memref<1x128x16xf32, #tpu.memory_space<vmem>> -> memref<128x16xf32, #tpu.memory_space<vmem>>
    %dma_wait3A_456 = arith.constant 0 : i32
    %dma_wait3A_457 = tpu.memref_slice %arg7[%dma_wait3A_450, %dma_wait3A_456] : memref<80x128xi32, #tpu.memory_space<vmem>> -> memref<1x128xi32, #tpu.memory_space<vmem>>
    %dma_wait3A_458 = tpu.memref_squeeze %dma_wait3A_457 : memref<1x128xi32, #tpu.memory_space<vmem>> -> memref<128xi32, #tpu.memory_space<vmem>>
    %dma_wait3A_459 = arith.constant 0 : i32
    %dma_wait3A_460 = arith.constant 0 : i32
    %dma_wait3A_461 = tpu.memref_slice %arg10[%dma_wait3A_459, %dma_wait3A_460] : memref<10112x16xf32, #tpu.memory_space<vmem_shared>> -> memref<10112x16xf32, #tpu.memory_space<vmem_shared>>
    %dma_wait3A_462 = tpu.memref_slice %arg12[%dma_wait3A_451] : memref<8x!tpu.dma_semaphore, #tpu.memory_space<semaphore_mem>> -> memref<1x!tpu.dma_semaphore, #tpu.memory_space<semaphore_mem>>
    %dma_wait3A_463 = tpu.memref_squeeze %dma_wait3A_462 : memref<1x!tpu.dma_semaphore, #tpu.memory_space<semaphore_mem>> -> memref<!tpu.dma_semaphore, #tpu.memory_space<semaphore_mem>>
    tpu.wait_indirect_dma semaphore(%dma_wait3A_463 : memref<!tpu.dma_semaphore, #tpu.memory_space<semaphore_mem>>) src(%dma_wait3A_455 : memref<128x16xf32, #tpu.memory_space<vmem>>) dst(%dma_wait3A_461 : memref<10112x16xf32, #tpu.memory_space<vmem_shared>>)
    %dma_wait3A_464 = arith.constant 2 : i32
    %dma_wait3A_465 = arith.constant 74 : i32
    %dma_wait3A_466 = arith.constant 2 : i32
    %dma_wait3A_467 = arith.constant 0 : i32
    %dma_wait3A_468 = arith.constant 0 : i32
    %dma_wait3A_469 = tpu.memref_slice %arg8[%dma_wait3A_464, %dma_wait3A_467, %dma_wait3A_468] : memref<8x128x16xf32, #tpu.memory_space<vmem>> -> memref<1x128x16xf32, #tpu.memory_space<vmem>>
    %dma_wait3A_470 = tpu.memref_squeeze %dma_wait3A_469 : memref<1x128x16xf32, #tpu.memory_space<vmem>> -> memref<128x16xf32, #tpu.memory_space<vmem>>
    %dma_wait3A_471 = arith.constant 0 : i32
    %dma_wait3A_472 = tpu.memref_slice %arg7[%dma_wait3A_465, %dma_wait3A_471] : memref<80x128xi32, #tpu.memory_space<vmem>> -> memref<1x128xi32, #tpu.memory_space<vmem>>
    %dma_wait3A_473 = tpu.memref_squeeze %dma_wait3A_472 : memref<1x128xi32, #tpu.memory_space<vmem>> -> memref<128xi32, #tpu.memory_space<vmem>>
    %dma_wait3A_474 = arith.constant 0 : i32
    %dma_wait3A_475 = arith.constant 0 : i32
    %dma_wait3A_476 = tpu.memref_slice %arg10[%dma_wait3A_474, %dma_wait3A_475] : memref<10112x16xf32, #tpu.memory_space<vmem_shared>> -> memref<10112x16xf32, #tpu.memory_space<vmem_shared>>
    %dma_wait3A_477 = tpu.memref_slice %arg12[%dma_wait3A_466] : memref<8x!tpu.dma_semaphore, #tpu.memory_space<semaphore_mem>> -> memref<1x!tpu.dma_semaphore, #tpu.memory_space<semaphore_mem>>
    %dma_wait3A_478 = tpu.memref_squeeze %dma_wait3A_477 : memref<1x!tpu.dma_semaphore, #tpu.memory_space<semaphore_mem>> -> memref<!tpu.dma_semaphore, #tpu.memory_space<semaphore_mem>>
    tpu.wait_indirect_dma semaphore(%dma_wait3A_478 : memref<!tpu.dma_semaphore, #tpu.memory_space<semaphore_mem>>) src(%dma_wait3A_470 : memref<128x16xf32, #tpu.memory_space<vmem>>) dst(%dma_wait3A_476 : memref<10112x16xf32, #tpu.memory_space<vmem_shared>>)
    %dma_wait3A_479 = arith.constant 3 : i32
    %dma_wait3A_480 = arith.constant 75 : i32
    %dma_wait3A_481 = arith.constant 3 : i32
    %dma_wait3A_482 = arith.constant 0 : i32
    %dma_wait3A_483 = arith.constant 0 : i32
    %dma_wait3A_484 = tpu.memref_slice %arg8[%dma_wait3A_479, %dma_wait3A_482, %dma_wait3A_483] : memref<8x128x16xf32, #tpu.memory_space<vmem>> -> memref<1x128x16xf32, #tpu.memory_space<vmem>>
    %dma_wait3A_485 = tpu.memref_squeeze %dma_wait3A_484 : memref<1x128x16xf32, #tpu.memory_space<vmem>> -> memref<128x16xf32, #tpu.memory_space<vmem>>
    %dma_wait3A_486 = arith.constant 0 : i32
    %dma_wait3A_487 = tpu.memref_slice %arg7[%dma_wait3A_480, %dma_wait3A_486] : memref<80x128xi32, #tpu.memory_space<vmem>> -> memref<1x128xi32, #tpu.memory_space<vmem>>
    %dma_wait3A_488 = tpu.memref_squeeze %dma_wait3A_487 : memref<1x128xi32, #tpu.memory_space<vmem>> -> memref<128xi32, #tpu.memory_space<vmem>>
    %dma_wait3A_489 = arith.constant 0 : i32
    %dma_wait3A_490 = arith.constant 0 : i32
    %dma_wait3A_491 = tpu.memref_slice %arg10[%dma_wait3A_489, %dma_wait3A_490] : memref<10112x16xf32, #tpu.memory_space<vmem_shared>> -> memref<10112x16xf32, #tpu.memory_space<vmem_shared>>
    %dma_wait3A_492 = tpu.memref_slice %arg12[%dma_wait3A_481] : memref<8x!tpu.dma_semaphore, #tpu.memory_space<semaphore_mem>> -> memref<1x!tpu.dma_semaphore, #tpu.memory_space<semaphore_mem>>
    %dma_wait3A_493 = tpu.memref_squeeze %dma_wait3A_492 : memref<1x!tpu.dma_semaphore, #tpu.memory_space<semaphore_mem>> -> memref<!tpu.dma_semaphore, #tpu.memory_space<semaphore_mem>>
    tpu.wait_indirect_dma semaphore(%dma_wait3A_493 : memref<!tpu.dma_semaphore, #tpu.memory_space<semaphore_mem>>) src(%dma_wait3A_485 : memref<128x16xf32, #tpu.memory_space<vmem>>) dst(%dma_wait3A_491 : memref<10112x16xf32, #tpu.memory_space<vmem_shared>>)
    %dma_wait3A_494 = arith.constant 4 : i32
    %dma_wait3A_495 = arith.constant 76 : i32
    %dma_wait3A_496 = arith.constant 4 : i32
    %dma_wait3A_497 = arith.constant 0 : i32
    %dma_wait3A_498 = arith.constant 0 : i32
    %dma_wait3A_499 = tpu.memref_slice %arg8[%dma_wait3A_494, %dma_wait3A_497, %dma_wait3A_498] : memref<8x128x16xf32, #tpu.memory_space<vmem>> -> memref<1x128x16xf32, #tpu.memory_space<vmem>>
    %dma_wait3A_500 = tpu.memref_squeeze %dma_wait3A_499 : memref<1x128x16xf32, #tpu.memory_space<vmem>> -> memref<128x16xf32, #tpu.memory_space<vmem>>
    %dma_wait3A_501 = arith.constant 0 : i32
    %dma_wait3A_502 = tpu.memref_slice %arg7[%dma_wait3A_495, %dma_wait3A_501] : memref<80x128xi32, #tpu.memory_space<vmem>> -> memref<1x128xi32, #tpu.memory_space<vmem>>
    %dma_wait3A_503 = tpu.memref_squeeze %dma_wait3A_502 : memref<1x128xi32, #tpu.memory_space<vmem>> -> memref<128xi32, #tpu.memory_space<vmem>>
    %dma_wait3A_504 = arith.constant 0 : i32
    %dma_wait3A_505 = arith.constant 0 : i32
    %dma_wait3A_506 = tpu.memref_slice %arg10[%dma_wait3A_504, %dma_wait3A_505] : memref<10112x16xf32, #tpu.memory_space<vmem_shared>> -> memref<10112x16xf32, #tpu.memory_space<vmem_shared>>
    %dma_wait3A_507 = tpu.memref_slice %arg12[%dma_wait3A_496] : memref<8x!tpu.dma_semaphore, #tpu.memory_space<semaphore_mem>> -> memref<1x!tpu.dma_semaphore, #tpu.memory_space<semaphore_mem>>
    %dma_wait3A_508 = tpu.memref_squeeze %dma_wait3A_507 : memref<1x!tpu.dma_semaphore, #tpu.memory_space<semaphore_mem>> -> memref<!tpu.dma_semaphore, #tpu.memory_space<semaphore_mem>>
    tpu.wait_indirect_dma semaphore(%dma_wait3A_508 : memref<!tpu.dma_semaphore, #tpu.memory_space<semaphore_mem>>) src(%dma_wait3A_500 : memref<128x16xf32, #tpu.memory_space<vmem>>) dst(%dma_wait3A_506 : memref<10112x16xf32, #tpu.memory_space<vmem_shared>>)
    %dma_wait3A_509 = arith.constant 5 : i32
    %dma_wait3A_510 = arith.constant 77 : i32
    %dma_wait3A_511 = arith.constant 5 : i32
    %dma_wait3A_512 = arith.constant 0 : i32
    %dma_wait3A_513 = arith.constant 0 : i32
    %dma_wait3A_514 = tpu.memref_slice %arg8[%dma_wait3A_509, %dma_wait3A_512, %dma_wait3A_513] : memref<8x128x16xf32, #tpu.memory_space<vmem>> -> memref<1x128x16xf32, #tpu.memory_space<vmem>>
    %dma_wait3A_515 = tpu.memref_squeeze %dma_wait3A_514 : memref<1x128x16xf32, #tpu.memory_space<vmem>> -> memref<128x16xf32, #tpu.memory_space<vmem>>
    %dma_wait3A_516 = arith.constant 0 : i32
    %dma_wait3A_517 = tpu.memref_slice %arg7[%dma_wait3A_510, %dma_wait3A_516] : memref<80x128xi32, #tpu.memory_space<vmem>> -> memref<1x128xi32, #tpu.memory_space<vmem>>
    %dma_wait3A_518 = tpu.memref_squeeze %dma_wait3A_517 : memref<1x128xi32, #tpu.memory_space<vmem>> -> memref<128xi32, #tpu.memory_space<vmem>>
    %dma_wait3A_519 = arith.constant 0 : i32
    %dma_wait3A_520 = arith.constant 0 : i32
    %dma_wait3A_521 = tpu.memref_slice %arg10[%dma_wait3A_519, %dma_wait3A_520] : memref<10112x16xf32, #tpu.memory_space<vmem_shared>> -> memref<10112x16xf32, #tpu.memory_space<vmem_shared>>
    %dma_wait3A_522 = tpu.memref_slice %arg12[%dma_wait3A_511] : memref<8x!tpu.dma_semaphore, #tpu.memory_space<semaphore_mem>> -> memref<1x!tpu.dma_semaphore, #tpu.memory_space<semaphore_mem>>
    %dma_wait3A_523 = tpu.memref_squeeze %dma_wait3A_522 : memref<1x!tpu.dma_semaphore, #tpu.memory_space<semaphore_mem>> -> memref<!tpu.dma_semaphore, #tpu.memory_space<semaphore_mem>>
    tpu.wait_indirect_dma semaphore(%dma_wait3A_523 : memref<!tpu.dma_semaphore, #tpu.memory_space<semaphore_mem>>) src(%dma_wait3A_515 : memref<128x16xf32, #tpu.memory_space<vmem>>) dst(%dma_wait3A_521 : memref<10112x16xf32, #tpu.memory_space<vmem_shared>>)
    %dma_wait3A_524 = arith.constant 6 : i32
    %dma_wait3A_525 = arith.constant 78 : i32
    %dma_wait3A_526 = arith.constant 6 : i32
    %dma_wait3A_527 = arith.constant 0 : i32
    %dma_wait3A_528 = arith.constant 0 : i32
    %dma_wait3A_529 = tpu.memref_slice %arg8[%dma_wait3A_524, %dma_wait3A_527, %dma_wait3A_528] : memref<8x128x16xf32, #tpu.memory_space<vmem>> -> memref<1x128x16xf32, #tpu.memory_space<vmem>>
    %dma_wait3A_530 = tpu.memref_squeeze %dma_wait3A_529 : memref<1x128x16xf32, #tpu.memory_space<vmem>> -> memref<128x16xf32, #tpu.memory_space<vmem>>
    %dma_wait3A_531 = arith.constant 0 : i32
    %dma_wait3A_532 = tpu.memref_slice %arg7[%dma_wait3A_525, %dma_wait3A_531] : memref<80x128xi32, #tpu.memory_space<vmem>> -> memref<1x128xi32, #tpu.memory_space<vmem>>
    %dma_wait3A_533 = tpu.memref_squeeze %dma_wait3A_532 : memref<1x128xi32, #tpu.memory_space<vmem>> -> memref<128xi32, #tpu.memory_space<vmem>>
    %dma_wait3A_534 = arith.constant 0 : i32
    %dma_wait3A_535 = arith.constant 0 : i32
    %dma_wait3A_536 = tpu.memref_slice %arg10[%dma_wait3A_534, %dma_wait3A_535] : memref<10112x16xf32, #tpu.memory_space<vmem_shared>> -> memref<10112x16xf32, #tpu.memory_space<vmem_shared>>
    %dma_wait3A_537 = tpu.memref_slice %arg12[%dma_wait3A_526] : memref<8x!tpu.dma_semaphore, #tpu.memory_space<semaphore_mem>> -> memref<1x!tpu.dma_semaphore, #tpu.memory_space<semaphore_mem>>
    %dma_wait3A_538 = tpu.memref_squeeze %dma_wait3A_537 : memref<1x!tpu.dma_semaphore, #tpu.memory_space<semaphore_mem>> -> memref<!tpu.dma_semaphore, #tpu.memory_space<semaphore_mem>>
    tpu.wait_indirect_dma semaphore(%dma_wait3A_538 : memref<!tpu.dma_semaphore, #tpu.memory_space<semaphore_mem>>) src(%dma_wait3A_530 : memref<128x16xf32, #tpu.memory_space<vmem>>) dst(%dma_wait3A_536 : memref<10112x16xf32, #tpu.memory_space<vmem_shared>>)
    %dma_wait3A_539 = arith.constant 7 : i32
    %dma_wait3A_540 = arith.constant 79 : i32
    %dma_wait3A_541 = arith.constant 7 : i32
    %dma_wait3A_542 = arith.constant 0 : i32
    %dma_wait3A_543 = arith.constant 0 : i32
    %dma_wait3A_544 = tpu.memref_slice %arg8[%dma_wait3A_539, %dma_wait3A_542, %dma_wait3A_543] : memref<8x128x16xf32, #tpu.memory_space<vmem>> -> memref<1x128x16xf32, #tpu.memory_space<vmem>>
    %dma_wait3A_545 = tpu.memref_squeeze %dma_wait3A_544 : memref<1x128x16xf32, #tpu.memory_space<vmem>> -> memref<128x16xf32, #tpu.memory_space<vmem>>
    %dma_wait3A_546 = arith.constant 0 : i32
    %dma_wait3A_547 = tpu.memref_slice %arg7[%dma_wait3A_540, %dma_wait3A_546] : memref<80x128xi32, #tpu.memory_space<vmem>> -> memref<1x128xi32, #tpu.memory_space<vmem>>
    %dma_wait3A_548 = tpu.memref_squeeze %dma_wait3A_547 : memref<1x128xi32, #tpu.memory_space<vmem>> -> memref<128xi32, #tpu.memory_space<vmem>>
    %dma_wait3A_549 = arith.constant 0 : i32
    %dma_wait3A_550 = arith.constant 0 : i32
    %dma_wait3A_551 = tpu.memref_slice %arg10[%dma_wait3A_549, %dma_wait3A_550] : memref<10112x16xf32, #tpu.memory_space<vmem_shared>> -> memref<10112x16xf32, #tpu.memory_space<vmem_shared>>
    %dma_wait3A_552 = tpu.memref_slice %arg12[%dma_wait3A_541] : memref<8x!tpu.dma_semaphore, #tpu.memory_space<semaphore_mem>> -> memref<1x!tpu.dma_semaphore, #tpu.memory_space<semaphore_mem>>
    %dma_wait3A_553 = tpu.memref_squeeze %dma_wait3A_552 : memref<1x!tpu.dma_semaphore, #tpu.memory_space<semaphore_mem>> -> memref<!tpu.dma_semaphore, #tpu.memory_space<semaphore_mem>>
    tpu.wait_indirect_dma semaphore(%dma_wait3A_553 : memref<!tpu.dma_semaphore, #tpu.memory_space<semaphore_mem>>) src(%dma_wait3A_545 : memref<128x16xf32, #tpu.memory_space<vmem>>) dst(%dma_wait3A_551 : memref<10112x16xf32, #tpu.memory_space<vmem_shared>>)
    %barrier3A_554 = arith.constant 0 : index
    tpu.barrier barrier_id(%barrier3A_554)
    %mul3A_555 = arith.constant 632 : i32
    %mul3A_556 = arith.muli %arg1, %mul3A_555 : i32
    "tpu.region"() ({
      %run_scoped3A = tpu.sem_alloc : memref<!tpu.dma_semaphore, #tpu.memory_space<semaphore_mem>>
      %dma_start3A_557 = arith.constant 0 : i32
      %dma_start3A_558 = arith.constant 0 : i32
      %dma_start3A_559 = tpu.memref_slice %arg5[%arg0, %dma_start3A_557, %dma_start3A_558] : memref<2x10112x16xf32, #tpu.memory_space<hbm>> -> memref<1x10112x16xf32, #tpu.memory_space<hbm>>
      %dma_start3A_560 = tpu.memref_squeeze %dma_start3A_559 : memref<1x10112x16xf32, #tpu.memory_space<hbm>> -> memref<10112x16xf32, #tpu.memory_space<hbm>>
      %dma_start3A_561 = arith.constant 0 : i32
      %dma_start3A_562 = tpu.memref_slice %dma_start3A_560[%mul3A_556, %dma_start3A_561] : memref<10112x16xf32, #tpu.memory_space<hbm>> -> memref<632x16xf32, #tpu.memory_space<hbm>>
      %dma_start3A_563 = arith.constant 0 : i32
      %dma_start3A_564 = tpu.memref_slice %arg10[%mul3A_556, %dma_start3A_563] : memref<10112x16xf32, #tpu.memory_space<vmem_shared>> -> memref<632x16xf32, #tpu.memory_space<vmem_shared>>
      tpu.enqueue_dma source(%dma_start3A_564 : memref<632x16xf32, #tpu.memory_space<vmem_shared>>) target(%dma_start3A_562 : memref<632x16xf32, #tpu.memory_space<hbm>>) target_semaphore(%run_scoped3A : memref<!tpu.dma_semaphore, #tpu.memory_space<semaphore_mem>>)
      %dma_wait3A_565 = arith.constant 0 : i32
      %dma_wait3A_566 = arith.constant 0 : i32
      %dma_wait3A_567 = tpu.memref_slice %arg5[%arg0, %dma_wait3A_565, %dma_wait3A_566] : memref<2x10112x16xf32, #tpu.memory_space<hbm>> -> memref<1x10112x16xf32, #tpu.memory_space<hbm>>
      %dma_wait3A_568 = tpu.memref_squeeze %dma_wait3A_567 : memref<1x10112x16xf32, #tpu.memory_space<hbm>> -> memref<10112x16xf32, #tpu.memory_space<hbm>>
      %dma_wait3A_569 = arith.constant 0 : i32
      %dma_wait3A_570 = tpu.memref_slice %dma_wait3A_568[%mul3A_556, %dma_wait3A_569] : memref<10112x16xf32, #tpu.memory_space<hbm>> -> memref<632x16xf32, #tpu.memory_space<hbm>>
      %dma_wait3A_571 = arith.constant 0 : i32
      %dma_wait3A_572 = tpu.memref_slice %arg10[%mul3A_556, %dma_wait3A_571] : memref<10112x16xf32, #tpu.memory_space<vmem_shared>> -> memref<632x16xf32, #tpu.memory_space<vmem_shared>>
      tpu.wait_dma2 semaphore(%run_scoped3A : memref<!tpu.dma_semaphore, #tpu.memory_space<semaphore_mem>>) src(%dma_wait3A_572 : memref<632x16xf32, #tpu.memory_space<vmem_shared>>) dst(%dma_wait3A_570 : memref<632x16xf32, #tpu.memory_space<hbm>>)
      tpu.yield
    }) : () -> ()
    return
  }
}

#map = affine_map<(d0, d1) -> (0, 0)>
#map1 = affine_map<(d0, d1) -> (0, 0, 0)>
module attributes {stable_mosaic.version = 14 : i64} {
  func.func @_degree_body(%arg0: i32, %arg1: i32, %arg2: memref<2560x128xi32, #tpu.memory_space<hbm>>, %arg3: memref<2x10112x16xf32, #tpu.memory_space<hbm>>, %arg4: memref<80x128xi32, #tpu.memory_space<vmem>>, %arg5: memref<128x16xf32, #tpu.memory_space<vmem>>, %arg6: memref<632x16xf32, #tpu.memory_space<vmem>>, %arg7: memref<10112x16xf32, #tpu.memory_space<vmem_shared>>, %arg8: memref<8x!tpu.dma_semaphore, #tpu.memory_space<semaphore_mem>>) attributes {dimension_semantics = [#tpu.dimension_semantics<core_parallel>, #tpu.dimension_semantics<subcore_parallel>], iteration_bounds = array<i64: 2, 16>, scalar_prefetch = 0 : i64, scratch_operands = 5 : i64, tpu.core_type = #tpu.core_type<sc_vector_subcore>, window_params = [{transform_indices = #map}, {transform_indices = #map1}]} {
    %mul3A = arith.constant 2 : i32
    %mul3A_0 = arith.muli %arg1, %mul3A : i32
    %add3A = arith.addi %mul3A_0, %arg0 : i32
    %scan3A = arith.constant 0 : i32
    %scan3A_1 = arith.constant 632 : i32
    %scan3A_2 = arith.addi %scan3A, %scan3A_1 : i32
    %scan3A_3 = arith.constant 1 : i32
    scf.for %scan3A_101 = %scan3A to %scan3A_2 step %scan3A_3  : i32 {
      %mul3A_102 = arith.constant 1 : i32
      %mul3A_103 = arith.muli %scan3A_101, %mul3A_102 : i32
      %add3A_104 = arith.constant 0 : i32
      %add3A_105 = arith.addi %add3A_104, %mul3A_103 : i32
      %broadcast_in_dim3A = arith.constant 0.000000e+00 : f32
      %broadcast_in_dim3A_106 = vector.broadcast %broadcast_in_dim3A : f32 to vector<16xf32>
      %swap3A = arith.index_cast %add3A_105 : i32 to index
      %swap3A_107 = arith.constant 0 : index
      %swap3A_108 = tpu.vector_load %arg6[%swap3A, %swap3A_107] {strides = array<i32>} : memref<632x16xf32, #tpu.memory_space<vmem>>, vector<1x16xf32>,
      %swap3A_109 = vector.shape_cast %swap3A_108 : vector<1x16xf32> to vector<16xf32>
      %swap3A_110 = vector.shape_cast %broadcast_in_dim3A_106 : vector<16xf32> to vector<1x16xf32>
      tpu.vector_store %arg6[%swap3A, %swap3A_107], %swap3A_110 {strides = array<i32>} : memref<632x16xf32, #tpu.memory_space<vmem>>, vector<1x16xf32>,
    }
    %scan3A_4 = arith.constant 632 : i32
    %mul3A_5 = arith.constant 632 : i32
    %mul3A_6 = arith.muli %arg1, %mul3A_5 : i32
    "tpu.region"() ({
      %run_scoped3A = tpu.sem_alloc : memref<!tpu.dma_semaphore, #tpu.memory_space<semaphore_mem>>
      %dma_start3A = arith.constant 0 : i32
      %dma_start3A_101 = tpu.memref_slice %arg7[%mul3A_6, %dma_start3A] : memref<10112x16xf32, #tpu.memory_space<vmem_shared>> -> memref<632x16xf32, #tpu.memory_space<vmem_shared>>
      %dma_start3A_102 = arith.constant 0 : i32
      %dma_start3A_103 = tpu.memref_slice %arg7[%mul3A_6, %dma_start3A_102] : memref<10112x16xf32, #tpu.memory_space<vmem_shared>> -> memref<632x16xf32, #tpu.memory_space<vmem_shared>>
      tpu.enqueue_dma source(%arg6 : memref<632x16xf32, #tpu.memory_space<vmem>>) target(%dma_start3A_103 : memref<632x16xf32, #tpu.memory_space<vmem_shared>>) target_semaphore(%run_scoped3A : memref<!tpu.dma_semaphore, #tpu.memory_space<semaphore_mem>>)
      %dma_wait3A_104 = arith.constant 0 : i32
      %dma_wait3A_105 = tpu.memref_slice %arg7[%mul3A_6, %dma_wait3A_104] : memref<10112x16xf32, #tpu.memory_space<vmem_shared>> -> memref<632x16xf32, #tpu.memory_space<vmem_shared>>
      %dma_wait3A_106 = arith.constant 0 : i32
      %dma_wait3A_107 = tpu.memref_slice %arg7[%mul3A_6, %dma_wait3A_106] : memref<10112x16xf32, #tpu.memory_space<vmem_shared>> -> memref<632x16xf32, #tpu.memory_space<vmem_shared>>
      tpu.wait_dma2 semaphore(%run_scoped3A : memref<!tpu.dma_semaphore, #tpu.memory_space<semaphore_mem>>) src(%arg6 : memref<632x16xf32, #tpu.memory_space<vmem>>) dst(%dma_wait3A_107 : memref<632x16xf32, #tpu.memory_space<vmem_shared>>)
      tpu.yield
    }) : () -> ()
    %scan3A_7 = arith.constant 0 : i32
    %scan3A_8 = arith.constant 128 : i32
    %scan3A_9 = arith.addi %scan3A_7, %scan3A_8 : i32
    %scan3A_10 = arith.constant 1 : i32
    scf.for %scan3A_101 = %scan3A_7 to %scan3A_9 step %scan3A_10  : i32 {
      %mul3A_102 = arith.constant 1 : i32
      %mul3A_103 = arith.muli %scan3A_101, %mul3A_102 : i32
      %add3A_104 = arith.constant 0 : i32
      %add3A_105 = arith.addi %add3A_104, %mul3A_103 : i32
      %broadcast_in_dim3A = arith.constant 1.000000e+00 : f32
      %broadcast_in_dim3A_106 = vector.broadcast %broadcast_in_dim3A : f32 to vector<16xf32>
      %swap3A = arith.index_cast %add3A_105 : i32 to index
      %swap3A_107 = arith.constant 0 : index
      %swap3A_108 = tpu.vector_load %arg5[%swap3A, %swap3A_107] {strides = array<i32>} : memref<128x16xf32, #tpu.memory_space<vmem>>, vector<1x16xf32>,
      %swap3A_109 = vector.shape_cast %swap3A_108 : vector<1x16xf32> to vector<16xf32>
      %swap3A_110 = vector.shape_cast %broadcast_in_dim3A_106 : vector<16xf32> to vector<1x16xf32>
      tpu.vector_store %arg5[%swap3A, %swap3A_107], %swap3A_110 {strides = array<i32>} : memref<128x16xf32, #tpu.memory_space<vmem>>, vector<1x16xf32>,
    }
    %scan3A_11 = arith.constant 128 : i32
    %mul3A_12 = arith.constant 80 : i32
    %mul3A_13 = arith.muli %add3A, %mul3A_12 : i32
    "tpu.region"() ({
      %run_scoped3A = tpu.sem_alloc : memref<!tpu.dma_semaphore, #tpu.memory_space<semaphore_mem>>
      %dma_start3A = arith.constant 0 : i32
      %dma_start3A_101 = tpu.memref_slice %arg2[%mul3A_13, %dma_start3A] : memref<2560x128xi32, #tpu.memory_space<hbm>> -> memref<80x128xi32, #tpu.memory_space<hbm>>
      %dma_start3A_102 = arith.constant 0 : i32
      %dma_start3A_103 = tpu.memref_slice %arg2[%mul3A_13, %dma_start3A_102] : memref<2560x128xi32, #tpu.memory_space<hbm>> -> memref<80x128xi32, #tpu.memory_space<hbm>>
      tpu.enqueue_dma source(%dma_start3A_103 : memref<80x128xi32, #tpu.memory_space<hbm>>) target(%arg4 : memref<80x128xi32, #tpu.memory_space<vmem>>) target_semaphore(%run_scoped3A : memref<!tpu.dma_semaphore, #tpu.memory_space<semaphore_mem>>)
      %dma_wait3A_104 = arith.constant 0 : i32
      %dma_wait3A_105 = tpu.memref_slice %arg2[%mul3A_13, %dma_wait3A_104] : memref<2560x128xi32, #tpu.memory_space<hbm>> -> memref<80x128xi32, #tpu.memory_space<hbm>>
      %dma_wait3A_106 = arith.constant 0 : i32
      %dma_wait3A_107 = tpu.memref_slice %arg2[%mul3A_13, %dma_wait3A_106] : memref<2560x128xi32, #tpu.memory_space<hbm>> -> memref<80x128xi32, #tpu.memory_space<hbm>>
      tpu.wait_dma2 semaphore(%run_scoped3A : memref<!tpu.dma_semaphore, #tpu.memory_space<semaphore_mem>>) src(%dma_wait3A_107 : memref<80x128xi32, #tpu.memory_space<hbm>>) dst(%arg4 : memref<80x128xi32, #tpu.memory_space<vmem>>)
      tpu.yield
    }) : () -> ()
    %barrier3A = arith.constant 0 : index
    tpu.barrier barrier_id(%barrier3A)
    %scan3A_14 = arith.constant 0 : i32
    %scan3A_15 = arith.constant 10 : i32
    %scan3A_16 = arith.addi %scan3A_14, %scan3A_15 : i32
    %scan3A_17 = arith.constant 1 : i32
    scf.for %scan3A_101 = %scan3A_14 to %scan3A_16 step %scan3A_17  : i32 {
      %mul3A_102 = arith.constant 1 : i32
      %mul3A_103 = arith.muli %scan3A_101, %mul3A_102 : i32
      %add3A_104 = arith.constant 0 : i32
      %add3A_105 = arith.addi %add3A_104, %mul3A_103 : i32
      %mul3A_106 = arith.constant 8 : i32
      %mul3A_107 = arith.muli %add3A_105, %mul3A_106 : i32
      %add3A_108 = arith.constant 0 : i32
      %add3A_109 = arith.addi %mul3A_107, %add3A_108 : i32
      %gt3A = arith.constant 0 : i32
      %gt3A_110 = arith.cmpi sgt, %add3A_105, %gt3A : i32
      %convert_element_type3A = arith.extui %gt3A_110 : i1 to i32
      %cond3A = arith.constant 0 : i32
      %cond3A_111 = arith.cmpi ne, %convert_element_type3A, %cond3A : i32
      scf.if %cond3A_111 {
        %dma_wait3A_246 = arith.constant 0 : i32
        %dma_wait3A_247 = arith.constant 0 : i32
        %dma_wait3A_248 = tpu.memref_slice %arg4[%add3A_109, %dma_wait3A_247] : memref<80x128xi32, #tpu.memory_space<vmem>> -> memref<1x128xi32, #tpu.memory_space<vmem>>
        %dma_wait3A_249 = tpu.memref_squeeze %dma_wait3A_248 : memref<1x128xi32, #tpu.memory_space<vmem>> -> memref<128xi32, #tpu.memory_space<vmem>>
        %dma_wait3A_250 = arith.constant 0 : i32
        %dma_wait3A_251 = arith.constant 0 : i32
        %dma_wait3A_252 = tpu.memref_slice %arg7[%dma_wait3A_250, %dma_wait3A_251] : memref<10112x16xf32, #tpu.memory_space<vmem_shared>> -> memref<10112x16xf32, #tpu.memory_space<vmem_shared>>
        %dma_wait3A_253 = tpu.memref_slice %arg8[%dma_wait3A_246] : memref<8x!tpu.dma_semaphore, #tpu.memory_space<semaphore_mem>> -> memref<1x!tpu.dma_semaphore, #tpu.memory_space<semaphore_mem>>
        %dma_wait3A_254 = tpu.memref_squeeze %dma_wait3A_253 : memref<1x!tpu.dma_semaphore, #tpu.memory_space<semaphore_mem>> -> memref<!tpu.dma_semaphore, #tpu.memory_space<semaphore_mem>>
        tpu.wait_indirect_dma semaphore(%dma_wait3A_254 : memref<!tpu.dma_semaphore, #tpu.memory_space<semaphore_mem>>) src(%arg5 : memref<128x16xf32, #tpu.memory_space<vmem>>) dst(%dma_wait3A_252 : memref<10112x16xf32, #tpu.memory_space<vmem_shared>>)
      } else {
      }
      %dma_start3A = arith.constant 0 : i32
      %dma_start3A_112 = arith.constant 0 : i32
      %dma_start3A_113 = tpu.memref_slice %arg4[%add3A_109, %dma_start3A_112] : memref<80x128xi32, #tpu.memory_space<vmem>> -> memref<1x128xi32, #tpu.memory_space<vmem>>
      %dma_start3A_114 = tpu.memref_squeeze %dma_start3A_113 : memref<1x128xi32, #tpu.memory_space<vmem>> -> memref<128xi32, #tpu.memory_space<vmem>>
      %dma_start3A_115 = arith.constant 0 : i32
      %dma_start3A_116 = arith.constant 0 : i32
      %dma_start3A_117 = tpu.memref_slice %arg7[%dma_start3A_115, %dma_start3A_116] : memref<10112x16xf32, #tpu.memory_space<vmem_shared>> -> memref<10112x16xf32, #tpu.memory_space<vmem_shared>>
      %dma_start3A_118 = tpu.memref_slice %arg8[%dma_start3A] : memref<8x!tpu.dma_semaphore, #tpu.memory_space<semaphore_mem>> -> memref<1x!tpu.dma_semaphore, #tpu.memory_space<semaphore_mem>>
      %dma_start3A_119 = tpu.memref_squeeze %dma_start3A_118 : memref<1x!tpu.dma_semaphore, #tpu.memory_space<semaphore_mem>> -> memref<!tpu.dma_semaphore, #tpu.memory_space<semaphore_mem>>
      tpu.enqueue_indirect_dma source(%arg5 : memref<128x16xf32, #tpu.memory_space<vmem>>) target(%dma_start3A_117 : memref<10112x16xf32, #tpu.memory_space<vmem_shared>>) offsets(%dma_start3A_114 : memref<128xi32, #tpu.memory_space<vmem>>) semaphore(%dma_start3A_119 : memref<!tpu.dma_semaphore, #tpu.memory_space<semaphore_mem>>) {add = true}
      %mul3A_120 = arith.constant 8 : i32
      %mul3A_121 = arith.muli %add3A_105, %mul3A_120 : i32
      %add3A_122 = arith.constant 1 : i32
      %add3A_123 = arith.addi %mul3A_121, %add3A_122 : i32
      %gt3A_124 = arith.constant 0 : i32
      %gt3A_125 = arith.cmpi sgt, %add3A_105, %gt3A_124 : i32
      %convert_element_type3A_126 = arith.extui %gt3A_125 : i1 to i32
      %cond3A_127 = arith.constant 0 : i32
      %cond3A_128 = arith.cmpi ne, %convert_element_type3A_126, %cond3A_127 : i32
      scf.if %cond3A_128 {
        %dma_wait3A_246 = arith.constant 1 : i32
        %dma_wait3A_247 = arith.constant 0 : i32
        %dma_wait3A_248 = tpu.memref_slice %arg4[%add3A_123, %dma_wait3A_247] : memref<80x128xi32, #tpu.memory_space<vmem>> -> memref<1x128xi32, #tpu.memory_space<vmem>>
        %dma_wait3A_249 = tpu.memref_squeeze %dma_wait3A_248 : memref<1x128xi32, #tpu.memory_space<vmem>> -> memref<128xi32, #tpu.memory_space<vmem>>
        %dma_wait3A_250 = arith.constant 0 : i32
        %dma_wait3A_251 = arith.constant 0 : i32
        %dma_wait3A_252 = tpu.memref_slice %arg7[%dma_wait3A_250, %dma_wait3A_251] : memref<10112x16xf32, #tpu.memory_space<vmem_shared>> -> memref<10112x16xf32, #tpu.memory_space<vmem_shared>>
        %dma_wait3A_253 = tpu.memref_slice %arg8[%dma_wait3A_246] : memref<8x!tpu.dma_semaphore, #tpu.memory_space<semaphore_mem>> -> memref<1x!tpu.dma_semaphore, #tpu.memory_space<semaphore_mem>>
        %dma_wait3A_254 = tpu.memref_squeeze %dma_wait3A_253 : memref<1x!tpu.dma_semaphore, #tpu.memory_space<semaphore_mem>> -> memref<!tpu.dma_semaphore, #tpu.memory_space<semaphore_mem>>
        tpu.wait_indirect_dma semaphore(%dma_wait3A_254 : memref<!tpu.dma_semaphore, #tpu.memory_space<semaphore_mem>>) src(%arg5 : memref<128x16xf32, #tpu.memory_space<vmem>>) dst(%dma_wait3A_252 : memref<10112x16xf32, #tpu.memory_space<vmem_shared>>)
      } else {
      }
      %dma_start3A_129 = arith.constant 1 : i32
      %dma_start3A_130 = arith.constant 0 : i32
      %dma_start3A_131 = tpu.memref_slice %arg4[%add3A_123, %dma_start3A_130] : memref<80x128xi32, #tpu.memory_space<vmem>> -> memref<1x128xi32, #tpu.memory_space<vmem>>
      %dma_start3A_132 = tpu.memref_squeeze %dma_start3A_131 : memref<1x128xi32, #tpu.memory_space<vmem>> -> memref<128xi32, #tpu.memory_space<vmem>>
      %dma_start3A_133 = arith.constant 0 : i32
      %dma_start3A_134 = arith.constant 0 : i32
      %dma_start3A_135 = tpu.memref_slice %arg7[%dma_start3A_133, %dma_start3A_134] : memref<10112x16xf32, #tpu.memory_space<vmem_shared>> -> memref<10112x16xf32, #tpu.memory_space<vmem_shared>>
      %dma_start3A_136 = tpu.memref_slice %arg8[%dma_start3A_129] : memref<8x!tpu.dma_semaphore, #tpu.memory_space<semaphore_mem>> -> memref<1x!tpu.dma_semaphore, #tpu.memory_space<semaphore_mem>>
      %dma_start3A_137 = tpu.memref_squeeze %dma_start3A_136 : memref<1x!tpu.dma_semaphore, #tpu.memory_space<semaphore_mem>> -> memref<!tpu.dma_semaphore, #tpu.memory_space<semaphore_mem>>
      tpu.enqueue_indirect_dma source(%arg5 : memref<128x16xf32, #tpu.memory_space<vmem>>) target(%dma_start3A_135 : memref<10112x16xf32, #tpu.memory_space<vmem_shared>>) offsets(%dma_start3A_132 : memref<128xi32, #tpu.memory_space<vmem>>) semaphore(%dma_start3A_137 : memref<!tpu.dma_semaphore, #tpu.memory_space<semaphore_mem>>) {add = true}
      %mul3A_138 = arith.constant 8 : i32
      %mul3A_139 = arith.muli %add3A_105, %mul3A_138 : i32
      %add3A_140 = arith.constant 2 : i32
      %add3A_141 = arith.addi %mul3A_139, %add3A_140 : i32
      %gt3A_142 = arith.constant 0 : i32
      %gt3A_143 = arith.cmpi sgt, %add3A_105, %gt3A_142 : i32
      %convert_element_type3A_144 = arith.extui %gt3A_143 : i1 to i32
      %cond3A_145 = arith.constant 0 : i32
      %cond3A_146 = arith.cmpi ne, %convert_element_type3A_144, %cond3A_145 : i32
      scf.if %cond3A_146 {
        %dma_wait3A_246 = arith.constant 2 : i32
        %dma_wait3A_247 = arith.constant 0 : i32
        %dma_wait3A_248 = tpu.memref_slice %arg4[%add3A_141, %dma_wait3A_247] : memref<80x128xi32, #tpu.memory_space<vmem>> -> memref<1x128xi32, #tpu.memory_space<vmem>>
        %dma_wait3A_249 = tpu.memref_squeeze %dma_wait3A_248 : memref<1x128xi32, #tpu.memory_space<vmem>> -> memref<128xi32, #tpu.memory_space<vmem>>
        %dma_wait3A_250 = arith.constant 0 : i32
        %dma_wait3A_251 = arith.constant 0 : i32
        %dma_wait3A_252 = tpu.memref_slice %arg7[%dma_wait3A_250, %dma_wait3A_251] : memref<10112x16xf32, #tpu.memory_space<vmem_shared>> -> memref<10112x16xf32, #tpu.memory_space<vmem_shared>>
        %dma_wait3A_253 = tpu.memref_slice %arg8[%dma_wait3A_246] : memref<8x!tpu.dma_semaphore, #tpu.memory_space<semaphore_mem>> -> memref<1x!tpu.dma_semaphore, #tpu.memory_space<semaphore_mem>>
        %dma_wait3A_254 = tpu.memref_squeeze %dma_wait3A_253 : memref<1x!tpu.dma_semaphore, #tpu.memory_space<semaphore_mem>> -> memref<!tpu.dma_semaphore, #tpu.memory_space<semaphore_mem>>
        tpu.wait_indirect_dma semaphore(%dma_wait3A_254 : memref<!tpu.dma_semaphore, #tpu.memory_space<semaphore_mem>>) src(%arg5 : memref<128x16xf32, #tpu.memory_space<vmem>>) dst(%dma_wait3A_252 : memref<10112x16xf32, #tpu.memory_space<vmem_shared>>)
      } else {
      }
      %dma_start3A_147 = arith.constant 2 : i32
      %dma_start3A_148 = arith.constant 0 : i32
      %dma_start3A_149 = tpu.memref_slice %arg4[%add3A_141, %dma_start3A_148] : memref<80x128xi32, #tpu.memory_space<vmem>> -> memref<1x128xi32, #tpu.memory_space<vmem>>
      %dma_start3A_150 = tpu.memref_squeeze %dma_start3A_149 : memref<1x128xi32, #tpu.memory_space<vmem>> -> memref<128xi32, #tpu.memory_space<vmem>>
      %dma_start3A_151 = arith.constant 0 : i32
      %dma_start3A_152 = arith.constant 0 : i32
      %dma_start3A_153 = tpu.memref_slice %arg7[%dma_start3A_151, %dma_start3A_152] : memref<10112x16xf32, #tpu.memory_space<vmem_shared>> -> memref<10112x16xf32, #tpu.memory_space<vmem_shared>>
      %dma_start3A_154 = tpu.memref_slice %arg8[%dma_start3A_147] : memref<8x!tpu.dma_semaphore, #tpu.memory_space<semaphore_mem>> -> memref<1x!tpu.dma_semaphore, #tpu.memory_space<semaphore_mem>>
      %dma_start3A_155 = tpu.memref_squeeze %dma_start3A_154 : memref<1x!tpu.dma_semaphore, #tpu.memory_space<semaphore_mem>> -> memref<!tpu.dma_semaphore, #tpu.memory_space<semaphore_mem>>
      tpu.enqueue_indirect_dma source(%arg5 : memref<128x16xf32, #tpu.memory_space<vmem>>) target(%dma_start3A_153 : memref<10112x16xf32, #tpu.memory_space<vmem_shared>>) offsets(%dma_start3A_150 : memref<128xi32, #tpu.memory_space<vmem>>) semaphore(%dma_start3A_155 : memref<!tpu.dma_semaphore, #tpu.memory_space<semaphore_mem>>) {add = true}
      %mul3A_156 = arith.constant 8 : i32
      %mul3A_157 = arith.muli %add3A_105, %mul3A_156 : i32
      %add3A_158 = arith.constant 3 : i32
      %add3A_159 = arith.addi %mul3A_157, %add3A_158 : i32
      %gt3A_160 = arith.constant 0 : i32
      %gt3A_161 = arith.cmpi sgt, %add3A_105, %gt3A_160 : i32
      %convert_element_type3A_162 = arith.extui %gt3A_161 : i1 to i32
      %cond3A_163 = arith.constant 0 : i32
      %cond3A_164 = arith.cmpi ne, %convert_element_type3A_162, %cond3A_163 : i32
      scf.if %cond3A_164 {
        %dma_wait3A_246 = arith.constant 3 : i32
        %dma_wait3A_247 = arith.constant 0 : i32
        %dma_wait3A_248 = tpu.memref_slice %arg4[%add3A_159, %dma_wait3A_247] : memref<80x128xi32, #tpu.memory_space<vmem>> -> memref<1x128xi32, #tpu.memory_space<vmem>>
        %dma_wait3A_249 = tpu.memref_squeeze %dma_wait3A_248 : memref<1x128xi32, #tpu.memory_space<vmem>> -> memref<128xi32, #tpu.memory_space<vmem>>
        %dma_wait3A_250 = arith.constant 0 : i32
        %dma_wait3A_251 = arith.constant 0 : i32
        %dma_wait3A_252 = tpu.memref_slice %arg7[%dma_wait3A_250, %dma_wait3A_251] : memref<10112x16xf32, #tpu.memory_space<vmem_shared>> -> memref<10112x16xf32, #tpu.memory_space<vmem_shared>>
        %dma_wait3A_253 = tpu.memref_slice %arg8[%dma_wait3A_246] : memref<8x!tpu.dma_semaphore, #tpu.memory_space<semaphore_mem>> -> memref<1x!tpu.dma_semaphore, #tpu.memory_space<semaphore_mem>>
        %dma_wait3A_254 = tpu.memref_squeeze %dma_wait3A_253 : memref<1x!tpu.dma_semaphore, #tpu.memory_space<semaphore_mem>> -> memref<!tpu.dma_semaphore, #tpu.memory_space<semaphore_mem>>
        tpu.wait_indirect_dma semaphore(%dma_wait3A_254 : memref<!tpu.dma_semaphore, #tpu.memory_space<semaphore_mem>>) src(%arg5 : memref<128x16xf32, #tpu.memory_space<vmem>>) dst(%dma_wait3A_252 : memref<10112x16xf32, #tpu.memory_space<vmem_shared>>)
      } else {
      }
      %dma_start3A_165 = arith.constant 3 : i32
      %dma_start3A_166 = arith.constant 0 : i32
      %dma_start3A_167 = tpu.memref_slice %arg4[%add3A_159, %dma_start3A_166] : memref<80x128xi32, #tpu.memory_space<vmem>> -> memref<1x128xi32, #tpu.memory_space<vmem>>
      %dma_start3A_168 = tpu.memref_squeeze %dma_start3A_167 : memref<1x128xi32, #tpu.memory_space<vmem>> -> memref<128xi32, #tpu.memory_space<vmem>>
      %dma_start3A_169 = arith.constant 0 : i32
      %dma_start3A_170 = arith.constant 0 : i32
      %dma_start3A_171 = tpu.memref_slice %arg7[%dma_start3A_169, %dma_start3A_170] : memref<10112x16xf32, #tpu.memory_space<vmem_shared>> -> memref<10112x16xf32, #tpu.memory_space<vmem_shared>>
      %dma_start3A_172 = tpu.memref_slice %arg8[%dma_start3A_165] : memref<8x!tpu.dma_semaphore, #tpu.memory_space<semaphore_mem>> -> memref<1x!tpu.dma_semaphore, #tpu.memory_space<semaphore_mem>>
      %dma_start3A_173 = tpu.memref_squeeze %dma_start3A_172 : memref<1x!tpu.dma_semaphore, #tpu.memory_space<semaphore_mem>> -> memref<!tpu.dma_semaphore, #tpu.memory_space<semaphore_mem>>
      tpu.enqueue_indirect_dma source(%arg5 : memref<128x16xf32, #tpu.memory_space<vmem>>) target(%dma_start3A_171 : memref<10112x16xf32, #tpu.memory_space<vmem_shared>>) offsets(%dma_start3A_168 : memref<128xi32, #tpu.memory_space<vmem>>) semaphore(%dma_start3A_173 : memref<!tpu.dma_semaphore, #tpu.memory_space<semaphore_mem>>) {add = true}
      %mul3A_174 = arith.constant 8 : i32
      %mul3A_175 = arith.muli %add3A_105, %mul3A_174 : i32
      %add3A_176 = arith.constant 4 : i32
      %add3A_177 = arith.addi %mul3A_175, %add3A_176 : i32
      %gt3A_178 = arith.constant 0 : i32
      %gt3A_179 = arith.cmpi sgt, %add3A_105, %gt3A_178 : i32
      %convert_element_type3A_180 = arith.extui %gt3A_179 : i1 to i32
      %cond3A_181 = arith.constant 0 : i32
      %cond3A_182 = arith.cmpi ne, %convert_element_type3A_180, %cond3A_181 : i32
      scf.if %cond3A_182 {
        %dma_wait3A_246 = arith.constant 4 : i32
        %dma_wait3A_247 = arith.constant 0 : i32
        %dma_wait3A_248 = tpu.memref_slice %arg4[%add3A_177, %dma_wait3A_247] : memref<80x128xi32, #tpu.memory_space<vmem>> -> memref<1x128xi32, #tpu.memory_space<vmem>>
        %dma_wait3A_249 = tpu.memref_squeeze %dma_wait3A_248 : memref<1x128xi32, #tpu.memory_space<vmem>> -> memref<128xi32, #tpu.memory_space<vmem>>
        %dma_wait3A_250 = arith.constant 0 : i32
        %dma_wait3A_251 = arith.constant 0 : i32
        %dma_wait3A_252 = tpu.memref_slice %arg7[%dma_wait3A_250, %dma_wait3A_251] : memref<10112x16xf32, #tpu.memory_space<vmem_shared>> -> memref<10112x16xf32, #tpu.memory_space<vmem_shared>>
        %dma_wait3A_253 = tpu.memref_slice %arg8[%dma_wait3A_246] : memref<8x!tpu.dma_semaphore, #tpu.memory_space<semaphore_mem>> -> memref<1x!tpu.dma_semaphore, #tpu.memory_space<semaphore_mem>>
        %dma_wait3A_254 = tpu.memref_squeeze %dma_wait3A_253 : memref<1x!tpu.dma_semaphore, #tpu.memory_space<semaphore_mem>> -> memref<!tpu.dma_semaphore, #tpu.memory_space<semaphore_mem>>
        tpu.wait_indirect_dma semaphore(%dma_wait3A_254 : memref<!tpu.dma_semaphore, #tpu.memory_space<semaphore_mem>>) src(%arg5 : memref<128x16xf32, #tpu.memory_space<vmem>>) dst(%dma_wait3A_252 : memref<10112x16xf32, #tpu.memory_space<vmem_shared>>)
      } else {
      }
      %dma_start3A_183 = arith.constant 4 : i32
      %dma_start3A_184 = arith.constant 0 : i32
      %dma_start3A_185 = tpu.memref_slice %arg4[%add3A_177, %dma_start3A_184] : memref<80x128xi32, #tpu.memory_space<vmem>> -> memref<1x128xi32, #tpu.memory_space<vmem>>
      %dma_start3A_186 = tpu.memref_squeeze %dma_start3A_185 : memref<1x128xi32, #tpu.memory_space<vmem>> -> memref<128xi32, #tpu.memory_space<vmem>>
      %dma_start3A_187 = arith.constant 0 : i32
      %dma_start3A_188 = arith.constant 0 : i32
      %dma_start3A_189 = tpu.memref_slice %arg7[%dma_start3A_187, %dma_start3A_188] : memref<10112x16xf32, #tpu.memory_space<vmem_shared>> -> memref<10112x16xf32, #tpu.memory_space<vmem_shared>>
      %dma_start3A_190 = tpu.memref_slice %arg8[%dma_start3A_183] : memref<8x!tpu.dma_semaphore, #tpu.memory_space<semaphore_mem>> -> memref<1x!tpu.dma_semaphore, #tpu.memory_space<semaphore_mem>>
      %dma_start3A_191 = tpu.memref_squeeze %dma_start3A_190 : memref<1x!tpu.dma_semaphore, #tpu.memory_space<semaphore_mem>> -> memref<!tpu.dma_semaphore, #tpu.memory_space<semaphore_mem>>
      tpu.enqueue_indirect_dma source(%arg5 : memref<128x16xf32, #tpu.memory_space<vmem>>) target(%dma_start3A_189 : memref<10112x16xf32, #tpu.memory_space<vmem_shared>>) offsets(%dma_start3A_186 : memref<128xi32, #tpu.memory_space<vmem>>) semaphore(%dma_start3A_191 : memref<!tpu.dma_semaphore, #tpu.memory_space<semaphore_mem>>) {add = true}
      %mul3A_192 = arith.constant 8 : i32
      %mul3A_193 = arith.muli %add3A_105, %mul3A_192 : i32
      %add3A_194 = arith.constant 5 : i32
      %add3A_195 = arith.addi %mul3A_193, %add3A_194 : i32
      %gt3A_196 = arith.constant 0 : i32
      %gt3A_197 = arith.cmpi sgt, %add3A_105, %gt3A_196 : i32
      %convert_element_type3A_198 = arith.extui %gt3A_197 : i1 to i32
      %cond3A_199 = arith.constant 0 : i32
      %cond3A_200 = arith.cmpi ne, %convert_element_type3A_198, %cond3A_199 : i32
      scf.if %cond3A_200 {
        %dma_wait3A_246 = arith.constant 5 : i32
        %dma_wait3A_247 = arith.constant 0 : i32
        %dma_wait3A_248 = tpu.memref_slice %arg4[%add3A_195, %dma_wait3A_247] : memref<80x128xi32, #tpu.memory_space<vmem>> -> memref<1x128xi32, #tpu.memory_space<vmem>>
        %dma_wait3A_249 = tpu.memref_squeeze %dma_wait3A_248 : memref<1x128xi32, #tpu.memory_space<vmem>> -> memref<128xi32, #tpu.memory_space<vmem>>
        %dma_wait3A_250 = arith.constant 0 : i32
        %dma_wait3A_251 = arith.constant 0 : i32
        %dma_wait3A_252 = tpu.memref_slice %arg7[%dma_wait3A_250, %dma_wait3A_251] : memref<10112x16xf32, #tpu.memory_space<vmem_shared>> -> memref<10112x16xf32, #tpu.memory_space<vmem_shared>>
        %dma_wait3A_253 = tpu.memref_slice %arg8[%dma_wait3A_246] : memref<8x!tpu.dma_semaphore, #tpu.memory_space<semaphore_mem>> -> memref<1x!tpu.dma_semaphore, #tpu.memory_space<semaphore_mem>>
        %dma_wait3A_254 = tpu.memref_squeeze %dma_wait3A_253 : memref<1x!tpu.dma_semaphore, #tpu.memory_space<semaphore_mem>> -> memref<!tpu.dma_semaphore, #tpu.memory_space<semaphore_mem>>
        tpu.wait_indirect_dma semaphore(%dma_wait3A_254 : memref<!tpu.dma_semaphore, #tpu.memory_space<semaphore_mem>>) src(%arg5 : memref<128x16xf32, #tpu.memory_space<vmem>>) dst(%dma_wait3A_252 : memref<10112x16xf32, #tpu.memory_space<vmem_shared>>)
      } else {
      }
      %dma_start3A_201 = arith.constant 5 : i32
      %dma_start3A_202 = arith.constant 0 : i32
      %dma_start3A_203 = tpu.memref_slice %arg4[%add3A_195, %dma_start3A_202] : memref<80x128xi32, #tpu.memory_space<vmem>> -> memref<1x128xi32, #tpu.memory_space<vmem>>
      %dma_start3A_204 = tpu.memref_squeeze %dma_start3A_203 : memref<1x128xi32, #tpu.memory_space<vmem>> -> memref<128xi32, #tpu.memory_space<vmem>>
      %dma_start3A_205 = arith.constant 0 : i32
      %dma_start3A_206 = arith.constant 0 : i32
      %dma_start3A_207 = tpu.memref_slice %arg7[%dma_start3A_205, %dma_start3A_206] : memref<10112x16xf32, #tpu.memory_space<vmem_shared>> -> memref<10112x16xf32, #tpu.memory_space<vmem_shared>>
      %dma_start3A_208 = tpu.memref_slice %arg8[%dma_start3A_201] : memref<8x!tpu.dma_semaphore, #tpu.memory_space<semaphore_mem>> -> memref<1x!tpu.dma_semaphore, #tpu.memory_space<semaphore_mem>>
      %dma_start3A_209 = tpu.memref_squeeze %dma_start3A_208 : memref<1x!tpu.dma_semaphore, #tpu.memory_space<semaphore_mem>> -> memref<!tpu.dma_semaphore, #tpu.memory_space<semaphore_mem>>
      tpu.enqueue_indirect_dma source(%arg5 : memref<128x16xf32, #tpu.memory_space<vmem>>) target(%dma_start3A_207 : memref<10112x16xf32, #tpu.memory_space<vmem_shared>>) offsets(%dma_start3A_204 : memref<128xi32, #tpu.memory_space<vmem>>) semaphore(%dma_start3A_209 : memref<!tpu.dma_semaphore, #tpu.memory_space<semaphore_mem>>) {add = true}
      %mul3A_210 = arith.constant 8 : i32
      %mul3A_211 = arith.muli %add3A_105, %mul3A_210 : i32
      %add3A_212 = arith.constant 6 : i32
      %add3A_213 = arith.addi %mul3A_211, %add3A_212 : i32
      %gt3A_214 = arith.constant 0 : i32
      %gt3A_215 = arith.cmpi sgt, %add3A_105, %gt3A_214 : i32
      %convert_element_type3A_216 = arith.extui %gt3A_215 : i1 to i32
      %cond3A_217 = arith.constant 0 : i32
      %cond3A_218 = arith.cmpi ne, %convert_element_type3A_216, %cond3A_217 : i32
      scf.if %cond3A_218 {
        %dma_wait3A_246 = arith.constant 6 : i32
        %dma_wait3A_247 = arith.constant 0 : i32
        %dma_wait3A_248 = tpu.memref_slice %arg4[%add3A_213, %dma_wait3A_247] : memref<80x128xi32, #tpu.memory_space<vmem>> -> memref<1x128xi32, #tpu.memory_space<vmem>>
        %dma_wait3A_249 = tpu.memref_squeeze %dma_wait3A_248 : memref<1x128xi32, #tpu.memory_space<vmem>> -> memref<128xi32, #tpu.memory_space<vmem>>
        %dma_wait3A_250 = arith.constant 0 : i32
        %dma_wait3A_251 = arith.constant 0 : i32
        %dma_wait3A_252 = tpu.memref_slice %arg7[%dma_wait3A_250, %dma_wait3A_251] : memref<10112x16xf32, #tpu.memory_space<vmem_shared>> -> memref<10112x16xf32, #tpu.memory_space<vmem_shared>>
        %dma_wait3A_253 = tpu.memref_slice %arg8[%dma_wait3A_246] : memref<8x!tpu.dma_semaphore, #tpu.memory_space<semaphore_mem>> -> memref<1x!tpu.dma_semaphore, #tpu.memory_space<semaphore_mem>>
        %dma_wait3A_254 = tpu.memref_squeeze %dma_wait3A_253 : memref<1x!tpu.dma_semaphore, #tpu.memory_space<semaphore_mem>> -> memref<!tpu.dma_semaphore, #tpu.memory_space<semaphore_mem>>
        tpu.wait_indirect_dma semaphore(%dma_wait3A_254 : memref<!tpu.dma_semaphore, #tpu.memory_space<semaphore_mem>>) src(%arg5 : memref<128x16xf32, #tpu.memory_space<vmem>>) dst(%dma_wait3A_252 : memref<10112x16xf32, #tpu.memory_space<vmem_shared>>)
      } else {
      }
      %dma_start3A_219 = arith.constant 6 : i32
      %dma_start3A_220 = arith.constant 0 : i32
      %dma_start3A_221 = tpu.memref_slice %arg4[%add3A_213, %dma_start3A_220] : memref<80x128xi32, #tpu.memory_space<vmem>> -> memref<1x128xi32, #tpu.memory_space<vmem>>
      %dma_start3A_222 = tpu.memref_squeeze %dma_start3A_221 : memref<1x128xi32, #tpu.memory_space<vmem>> -> memref<128xi32, #tpu.memory_space<vmem>>
      %dma_start3A_223 = arith.constant 0 : i32
      %dma_start3A_224 = arith.constant 0 : i32
      %dma_start3A_225 = tpu.memref_slice %arg7[%dma_start3A_223, %dma_start3A_224] : memref<10112x16xf32, #tpu.memory_space<vmem_shared>> -> memref<10112x16xf32, #tpu.memory_space<vmem_shared>>
      %dma_start3A_226 = tpu.memref_slice %arg8[%dma_start3A_219] : memref<8x!tpu.dma_semaphore, #tpu.memory_space<semaphore_mem>> -> memref<1x!tpu.dma_semaphore, #tpu.memory_space<semaphore_mem>>
      %dma_start3A_227 = tpu.memref_squeeze %dma_start3A_226 : memref<1x!tpu.dma_semaphore, #tpu.memory_space<semaphore_mem>> -> memref<!tpu.dma_semaphore, #tpu.memory_space<semaphore_mem>>
      tpu.enqueue_indirect_dma source(%arg5 : memref<128x16xf32, #tpu.memory_space<vmem>>) target(%dma_start3A_225 : memref<10112x16xf32, #tpu.memory_space<vmem_shared>>) offsets(%dma_start3A_222 : memref<128xi32, #tpu.memory_space<vmem>>) semaphore(%dma_start3A_227 : memref<!tpu.dma_semaphore, #tpu.memory_space<semaphore_mem>>) {add = true}
      %mul3A_228 = arith.constant 8 : i32
      %mul3A_229 = arith.muli %add3A_105, %mul3A_228 : i32
      %add3A_230 = arith.constant 7 : i32
      %add3A_231 = arith.addi %mul3A_229, %add3A_230 : i32
      %gt3A_232 = arith.constant 0 : i32
      %gt3A_233 = arith.cmpi sgt, %add3A_105, %gt3A_232 : i32
      %convert_element_type3A_234 = arith.extui %gt3A_233 : i1 to i32
      %cond3A_235 = arith.constant 0 : i32
      %cond3A_236 = arith.cmpi ne, %convert_element_type3A_234, %cond3A_235 : i32
      scf.if %cond3A_236 {
        %dma_wait3A_246 = arith.constant 7 : i32
        %dma_wait3A_247 = arith.constant 0 : i32
        %dma_wait3A_248 = tpu.memref_slice %arg4[%add3A_231, %dma_wait3A_247] : memref<80x128xi32, #tpu.memory_space<vmem>> -> memref<1x128xi32, #tpu.memory_space<vmem>>
        %dma_wait3A_249 = tpu.memref_squeeze %dma_wait3A_248 : memref<1x128xi32, #tpu.memory_space<vmem>> -> memref<128xi32, #tpu.memory_space<vmem>>
        %dma_wait3A_250 = arith.constant 0 : i32
        %dma_wait3A_251 = arith.constant 0 : i32
        %dma_wait3A_252 = tpu.memref_slice %arg7[%dma_wait3A_250, %dma_wait3A_251] : memref<10112x16xf32, #tpu.memory_space<vmem_shared>> -> memref<10112x16xf32, #tpu.memory_space<vmem_shared>>
        %dma_wait3A_253 = tpu.memref_slice %arg8[%dma_wait3A_246] : memref<8x!tpu.dma_semaphore, #tpu.memory_space<semaphore_mem>> -> memref<1x!tpu.dma_semaphore, #tpu.memory_space<semaphore_mem>>
        %dma_wait3A_254 = tpu.memref_squeeze %dma_wait3A_253 : memref<1x!tpu.dma_semaphore, #tpu.memory_space<semaphore_mem>> -> memref<!tpu.dma_semaphore, #tpu.memory_space<semaphore_mem>>
        tpu.wait_indirect_dma semaphore(%dma_wait3A_254 : memref<!tpu.dma_semaphore, #tpu.memory_space<semaphore_mem>>) src(%arg5 : memref<128x16xf32, #tpu.memory_space<vmem>>) dst(%dma_wait3A_252 : memref<10112x16xf32, #tpu.memory_space<vmem_shared>>)
      } else {
      }
      %dma_start3A_237 = arith.constant 7 : i32
      %dma_start3A_238 = arith.constant 0 : i32
      %dma_start3A_239 = tpu.memref_slice %arg4[%add3A_231, %dma_start3A_238] : memref<80x128xi32, #tpu.memory_space<vmem>> -> memref<1x128xi32, #tpu.memory_space<vmem>>
      %dma_start3A_240 = tpu.memref_squeeze %dma_start3A_239 : memref<1x128xi32, #tpu.memory_space<vmem>> -> memref<128xi32, #tpu.memory_space<vmem>>
      %dma_start3A_241 = arith.constant 0 : i32
      %dma_start3A_242 = arith.constant 0 : i32
      %dma_start3A_243 = tpu.memref_slice %arg7[%dma_start3A_241, %dma_start3A_242] : memref<10112x16xf32, #tpu.memory_space<vmem_shared>> -> memref<10112x16xf32, #tpu.memory_space<vmem_shared>>
      %dma_start3A_244 = tpu.memref_slice %arg8[%dma_start3A_237] : memref<8x!tpu.dma_semaphore, #tpu.memory_space<semaphore_mem>> -> memref<1x!tpu.dma_semaphore, #tpu.memory_space<semaphore_mem>>
      %dma_start3A_245 = tpu.memref_squeeze %dma_start3A_244 : memref<1x!tpu.dma_semaphore, #tpu.memory_space<semaphore_mem>> -> memref<!tpu.dma_semaphore, #tpu.memory_space<semaphore_mem>>
      tpu.enqueue_indirect_dma source(%arg5 : memref<128x16xf32, #tpu.memory_space<vmem>>) target(%dma_start3A_243 : memref<10112x16xf32, #tpu.memory_space<vmem_shared>>) offsets(%dma_start3A_240 : memref<128xi32, #tpu.memory_space<vmem>>) semaphore(%dma_start3A_245 : memref<!tpu.dma_semaphore, #tpu.memory_space<semaphore_mem>>) {add = true}
    }
    %scan3A_18 = arith.constant 10 : i32
    %dma_wait3A = arith.constant 72 : i32
    %dma_wait3A_19 = arith.constant 0 : i32
    %dma_wait3A_20 = arith.constant 0 : i32
    %dma_wait3A_21 = tpu.memref_slice %arg4[%dma_wait3A, %dma_wait3A_20] : memref<80x128xi32, #tpu.memory_space<vmem>> -> memref<1x128xi32, #tpu.memory_space<vmem>>
    %dma_wait3A_22 = tpu.memref_squeeze %dma_wait3A_21 : memref<1x128xi32, #tpu.memory_space<vmem>> -> memref<128xi32, #tpu.memory_space<vmem>>
    %dma_wait3A_23 = arith.constant 0 : i32
    %dma_wait3A_24 = arith.constant 0 : i32
    %dma_wait3A_25 = tpu.memref_slice %arg7[%dma_wait3A_23, %dma_wait3A_24] : memref<10112x16xf32, #tpu.memory_space<vmem_shared>> -> memref<10112x16xf32, #tpu.memory_space<vmem_shared>>
    %dma_wait3A_26 = tpu.memref_slice %arg8[%dma_wait3A_19] : memref<8x!tpu.dma_semaphore, #tpu.memory_space<semaphore_mem>> -> memref<1x!tpu.dma_semaphore, #tpu.memory_space<semaphore_mem>>
    %dma_wait3A_27 = tpu.memref_squeeze %dma_wait3A_26 : memref<1x!tpu.dma_semaphore, #tpu.memory_space<semaphore_mem>> -> memref<!tpu.dma_semaphore, #tpu.memory_space<semaphore_mem>>
    tpu.wait_indirect_dma semaphore(%dma_wait3A_27 : memref<!tpu.dma_semaphore, #tpu.memory_space<semaphore_mem>>) src(%arg5 : memref<128x16xf32, #tpu.memory_space<vmem>>) dst(%dma_wait3A_25 : memref<10112x16xf32, #tpu.memory_space<vmem_shared>>)
    %dma_wait3A_28 = arith.constant 73 : i32
    %dma_wait3A_29 = arith.constant 1 : i32
    %dma_wait3A_30 = arith.constant 0 : i32
    %dma_wait3A_31 = tpu.memref_slice %arg4[%dma_wait3A_28, %dma_wait3A_30] : memref<80x128xi32, #tpu.memory_space<vmem>> -> memref<1x128xi32, #tpu.memory_space<vmem>>
    %dma_wait3A_32 = tpu.memref_squeeze %dma_wait3A_31 : memref<1x128xi32, #tpu.memory_space<vmem>> -> memref<128xi32, #tpu.memory_space<vmem>>
    %dma_wait3A_33 = arith.constant 0 : i32
    %dma_wait3A_34 = arith.constant 0 : i32
    %dma_wait3A_35 = tpu.memref_slice %arg7[%dma_wait3A_33, %dma_wait3A_34] : memref<10112x16xf32, #tpu.memory_space<vmem_shared>> -> memref<10112x16xf32, #tpu.memory_space<vmem_shared>>
    %dma_wait3A_36 = tpu.memref_slice %arg8[%dma_wait3A_29] : memref<8x!tpu.dma_semaphore, #tpu.memory_space<semaphore_mem>> -> memref<1x!tpu.dma_semaphore, #tpu.memory_space<semaphore_mem>>
    %dma_wait3A_37 = tpu.memref_squeeze %dma_wait3A_36 : memref<1x!tpu.dma_semaphore, #tpu.memory_space<semaphore_mem>> -> memref<!tpu.dma_semaphore, #tpu.memory_space<semaphore_mem>>
    tpu.wait_indirect_dma semaphore(%dma_wait3A_37 : memref<!tpu.dma_semaphore, #tpu.memory_space<semaphore_mem>>) src(%arg5 : memref<128x16xf32, #tpu.memory_space<vmem>>) dst(%dma_wait3A_35 : memref<10112x16xf32, #tpu.memory_space<vmem_shared>>)
    %dma_wait3A_38 = arith.constant 74 : i32
    %dma_wait3A_39 = arith.constant 2 : i32
    %dma_wait3A_40 = arith.constant 0 : i32
    %dma_wait3A_41 = tpu.memref_slice %arg4[%dma_wait3A_38, %dma_wait3A_40] : memref<80x128xi32, #tpu.memory_space<vmem>> -> memref<1x128xi32, #tpu.memory_space<vmem>>
    %dma_wait3A_42 = tpu.memref_squeeze %dma_wait3A_41 : memref<1x128xi32, #tpu.memory_space<vmem>> -> memref<128xi32, #tpu.memory_space<vmem>>
    %dma_wait3A_43 = arith.constant 0 : i32
    %dma_wait3A_44 = arith.constant 0 : i32
    %dma_wait3A_45 = tpu.memref_slice %arg7[%dma_wait3A_43, %dma_wait3A_44] : memref<10112x16xf32, #tpu.memory_space<vmem_shared>> -> memref<10112x16xf32, #tpu.memory_space<vmem_shared>>
    %dma_wait3A_46 = tpu.memref_slice %arg8[%dma_wait3A_39] : memref<8x!tpu.dma_semaphore, #tpu.memory_space<semaphore_mem>> -> memref<1x!tpu.dma_semaphore, #tpu.memory_space<semaphore_mem>>
    %dma_wait3A_47 = tpu.memref_squeeze %dma_wait3A_46 : memref<1x!tpu.dma_semaphore, #tpu.memory_space<semaphore_mem>> -> memref<!tpu.dma_semaphore, #tpu.memory_space<semaphore_mem>>
    tpu.wait_indirect_dma semaphore(%dma_wait3A_47 : memref<!tpu.dma_semaphore, #tpu.memory_space<semaphore_mem>>) src(%arg5 : memref<128x16xf32, #tpu.memory_space<vmem>>) dst(%dma_wait3A_45 : memref<10112x16xf32, #tpu.memory_space<vmem_shared>>)
    %dma_wait3A_48 = arith.constant 75 : i32
    %dma_wait3A_49 = arith.constant 3 : i32
    %dma_wait3A_50 = arith.constant 0 : i32
    %dma_wait3A_51 = tpu.memref_slice %arg4[%dma_wait3A_48, %dma_wait3A_50] : memref<80x128xi32, #tpu.memory_space<vmem>> -> memref<1x128xi32, #tpu.memory_space<vmem>>
    %dma_wait3A_52 = tpu.memref_squeeze %dma_wait3A_51 : memref<1x128xi32, #tpu.memory_space<vmem>> -> memref<128xi32, #tpu.memory_space<vmem>>
    %dma_wait3A_53 = arith.constant 0 : i32
    %dma_wait3A_54 = arith.constant 0 : i32
    %dma_wait3A_55 = tpu.memref_slice %arg7[%dma_wait3A_53, %dma_wait3A_54] : memref<10112x16xf32, #tpu.memory_space<vmem_shared>> -> memref<10112x16xf32, #tpu.memory_space<vmem_shared>>
    %dma_wait3A_56 = tpu.memref_slice %arg8[%dma_wait3A_49] : memref<8x!tpu.dma_semaphore, #tpu.memory_space<semaphore_mem>> -> memref<1x!tpu.dma_semaphore, #tpu.memory_space<semaphore_mem>>
    %dma_wait3A_57 = tpu.memref_squeeze %dma_wait3A_56 : memref<1x!tpu.dma_semaphore, #tpu.memory_space<semaphore_mem>> -> memref<!tpu.dma_semaphore, #tpu.memory_space<semaphore_mem>>
    tpu.wait_indirect_dma semaphore(%dma_wait3A_57 : memref<!tpu.dma_semaphore, #tpu.memory_space<semaphore_mem>>) src(%arg5 : memref<128x16xf32, #tpu.memory_space<vmem>>) dst(%dma_wait3A_55 : memref<10112x16xf32, #tpu.memory_space<vmem_shared>>)
    %dma_wait3A_58 = arith.constant 76 : i32
    %dma_wait3A_59 = arith.constant 4 : i32
    %dma_wait3A_60 = arith.constant 0 : i32
    %dma_wait3A_61 = tpu.memref_slice %arg4[%dma_wait3A_58, %dma_wait3A_60] : memref<80x128xi32, #tpu.memory_space<vmem>> -> memref<1x128xi32, #tpu.memory_space<vmem>>
    %dma_wait3A_62 = tpu.memref_squeeze %dma_wait3A_61 : memref<1x128xi32, #tpu.memory_space<vmem>> -> memref<128xi32, #tpu.memory_space<vmem>>
    %dma_wait3A_63 = arith.constant 0 : i32
    %dma_wait3A_64 = arith.constant 0 : i32
    %dma_wait3A_65 = tpu.memref_slice %arg7[%dma_wait3A_63, %dma_wait3A_64] : memref<10112x16xf32, #tpu.memory_space<vmem_shared>> -> memref<10112x16xf32, #tpu.memory_space<vmem_shared>>
    %dma_wait3A_66 = tpu.memref_slice %arg8[%dma_wait3A_59] : memref<8x!tpu.dma_semaphore, #tpu.memory_space<semaphore_mem>> -> memref<1x!tpu.dma_semaphore, #tpu.memory_space<semaphore_mem>>
    %dma_wait3A_67 = tpu.memref_squeeze %dma_wait3A_66 : memref<1x!tpu.dma_semaphore, #tpu.memory_space<semaphore_mem>> -> memref<!tpu.dma_semaphore, #tpu.memory_space<semaphore_mem>>
    tpu.wait_indirect_dma semaphore(%dma_wait3A_67 : memref<!tpu.dma_semaphore, #tpu.memory_space<semaphore_mem>>) src(%arg5 : memref<128x16xf32, #tpu.memory_space<vmem>>) dst(%dma_wait3A_65 : memref<10112x16xf32, #tpu.memory_space<vmem_shared>>)
    %dma_wait3A_68 = arith.constant 77 : i32
    %dma_wait3A_69 = arith.constant 5 : i32
    %dma_wait3A_70 = arith.constant 0 : i32
    %dma_wait3A_71 = tpu.memref_slice %arg4[%dma_wait3A_68, %dma_wait3A_70] : memref<80x128xi32, #tpu.memory_space<vmem>> -> memref<1x128xi32, #tpu.memory_space<vmem>>
    %dma_wait3A_72 = tpu.memref_squeeze %dma_wait3A_71 : memref<1x128xi32, #tpu.memory_space<vmem>> -> memref<128xi32, #tpu.memory_space<vmem>>
    %dma_wait3A_73 = arith.constant 0 : i32
    %dma_wait3A_74 = arith.constant 0 : i32
    %dma_wait3A_75 = tpu.memref_slice %arg7[%dma_wait3A_73, %dma_wait3A_74] : memref<10112x16xf32, #tpu.memory_space<vmem_shared>> -> memref<10112x16xf32, #tpu.memory_space<vmem_shared>>
    %dma_wait3A_76 = tpu.memref_slice %arg8[%dma_wait3A_69] : memref<8x!tpu.dma_semaphore, #tpu.memory_space<semaphore_mem>> -> memref<1x!tpu.dma_semaphore, #tpu.memory_space<semaphore_mem>>
    %dma_wait3A_77 = tpu.memref_squeeze %dma_wait3A_76 : memref<1x!tpu.dma_semaphore, #tpu.memory_space<semaphore_mem>> -> memref<!tpu.dma_semaphore, #tpu.memory_space<semaphore_mem>>
    tpu.wait_indirect_dma semaphore(%dma_wait3A_77 : memref<!tpu.dma_semaphore, #tpu.memory_space<semaphore_mem>>) src(%arg5 : memref<128x16xf32, #tpu.memory_space<vmem>>) dst(%dma_wait3A_75 : memref<10112x16xf32, #tpu.memory_space<vmem_shared>>)
    %dma_wait3A_78 = arith.constant 78 : i32
    %dma_wait3A_79 = arith.constant 6 : i32
    %dma_wait3A_80 = arith.constant 0 : i32
    %dma_wait3A_81 = tpu.memref_slice %arg4[%dma_wait3A_78, %dma_wait3A_80] : memref<80x128xi32, #tpu.memory_space<vmem>> -> memref<1x128xi32, #tpu.memory_space<vmem>>
    %dma_wait3A_82 = tpu.memref_squeeze %dma_wait3A_81 : memref<1x128xi32, #tpu.memory_space<vmem>> -> memref<128xi32, #tpu.memory_space<vmem>>
    %dma_wait3A_83 = arith.constant 0 : i32
    %dma_wait3A_84 = arith.constant 0 : i32
    %dma_wait3A_85 = tpu.memref_slice %arg7[%dma_wait3A_83, %dma_wait3A_84] : memref<10112x16xf32, #tpu.memory_space<vmem_shared>> -> memref<10112x16xf32, #tpu.memory_space<vmem_shared>>
    %dma_wait3A_86 = tpu.memref_slice %arg8[%dma_wait3A_79] : memref<8x!tpu.dma_semaphore, #tpu.memory_space<semaphore_mem>> -> memref<1x!tpu.dma_semaphore, #tpu.memory_space<semaphore_mem>>
    %dma_wait3A_87 = tpu.memref_squeeze %dma_wait3A_86 : memref<1x!tpu.dma_semaphore, #tpu.memory_space<semaphore_mem>> -> memref<!tpu.dma_semaphore, #tpu.memory_space<semaphore_mem>>
    tpu.wait_indirect_dma semaphore(%dma_wait3A_87 : memref<!tpu.dma_semaphore, #tpu.memory_space<semaphore_mem>>) src(%arg5 : memref<128x16xf32, #tpu.memory_space<vmem>>) dst(%dma_wait3A_85 : memref<10112x16xf32, #tpu.memory_space<vmem_shared>>)
    %dma_wait3A_88 = arith.constant 79 : i32
    %dma_wait3A_89 = arith.constant 7 : i32
    %dma_wait3A_90 = arith.constant 0 : i32
    %dma_wait3A_91 = tpu.memref_slice %arg4[%dma_wait3A_88, %dma_wait3A_90] : memref<80x128xi32, #tpu.memory_space<vmem>> -> memref<1x128xi32, #tpu.memory_space<vmem>>
    %dma_wait3A_92 = tpu.memref_squeeze %dma_wait3A_91 : memref<1x128xi32, #tpu.memory_space<vmem>> -> memref<128xi32, #tpu.memory_space<vmem>>
    %dma_wait3A_93 = arith.constant 0 : i32
    %dma_wait3A_94 = arith.constant 0 : i32
    %dma_wait3A_95 = tpu.memref_slice %arg7[%dma_wait3A_93, %dma_wait3A_94] : memref<10112x16xf32, #tpu.memory_space<vmem_shared>> -> memref<10112x16xf32, #tpu.memory_space<vmem_shared>>
    %dma_wait3A_96 = tpu.memref_slice %arg8[%dma_wait3A_89] : memref<8x!tpu.dma_semaphore, #tpu.memory_space<semaphore_mem>> -> memref<1x!tpu.dma_semaphore, #tpu.memory_space<semaphore_mem>>
    %dma_wait3A_97 = tpu.memref_squeeze %dma_wait3A_96 : memref<1x!tpu.dma_semaphore, #tpu.memory_space<semaphore_mem>> -> memref<!tpu.dma_semaphore, #tpu.memory_space<semaphore_mem>>
    tpu.wait_indirect_dma semaphore(%dma_wait3A_97 : memref<!tpu.dma_semaphore, #tpu.memory_space<semaphore_mem>>) src(%arg5 : memref<128x16xf32, #tpu.memory_space<vmem>>) dst(%dma_wait3A_95 : memref<10112x16xf32, #tpu.memory_space<vmem_shared>>)
    %barrier3A_98 = arith.constant 0 : index
    tpu.barrier barrier_id(%barrier3A_98)
    %mul3A_99 = arith.constant 632 : i32
    %mul3A_100 = arith.muli %arg1, %mul3A_99 : i32
    "tpu.region"() ({
      %run_scoped3A = tpu.sem_alloc : memref<!tpu.dma_semaphore, #tpu.memory_space<semaphore_mem>>
      %dma_start3A = arith.constant 0 : i32
      %dma_start3A_101 = arith.constant 0 : i32
      %dma_start3A_102 = tpu.memref_slice %arg3[%arg0, %dma_start3A, %dma_start3A_101] : memref<2x10112x16xf32, #tpu.memory_space<hbm>> -> memref<1x10112x16xf32, #tpu.memory_space<hbm>>
      %dma_start3A_103 = tpu.memref_squeeze %dma_start3A_102 : memref<1x10112x16xf32, #tpu.memory_space<hbm>> -> memref<10112x16xf32, #tpu.memory_space<hbm>>
      %dma_start3A_104 = arith.constant 0 : i32
      %dma_start3A_105 = tpu.memref_slice %dma_start3A_103[%mul3A_100, %dma_start3A_104] : memref<10112x16xf32, #tpu.memory_space<hbm>> -> memref<632x16xf32, #tpu.memory_space<hbm>>
      %dma_start3A_106 = arith.constant 0 : i32
      %dma_start3A_107 = tpu.memref_slice %arg7[%mul3A_100, %dma_start3A_106] : memref<10112x16xf32, #tpu.memory_space<vmem_shared>> -> memref<632x16xf32, #tpu.memory_space<vmem_shared>>
      tpu.enqueue_dma source(%dma_start3A_107 : memref<632x16xf32, #tpu.memory_space<vmem_shared>>) target(%dma_start3A_105 : memref<632x16xf32, #tpu.memory_space<hbm>>) target_semaphore(%run_scoped3A : memref<!tpu.dma_semaphore, #tpu.memory_space<semaphore_mem>>)
      %dma_wait3A_108 = arith.constant 0 : i32
      %dma_wait3A_109 = arith.constant 0 : i32
      %dma_wait3A_110 = tpu.memref_slice %arg3[%arg0, %dma_wait3A_108, %dma_wait3A_109] : memref<2x10112x16xf32, #tpu.memory_space<hbm>> -> memref<1x10112x16xf32, #tpu.memory_space<hbm>>
      %dma_wait3A_111 = tpu.memref_squeeze %dma_wait3A_110 : memref<1x10112x16xf32, #tpu.memory_space<hbm>> -> memref<10112x16xf32, #tpu.memory_space<hbm>>
      %dma_wait3A_112 = arith.constant 0 : i32
      %dma_wait3A_113 = tpu.memref_slice %dma_wait3A_111[%mul3A_100, %dma_wait3A_112] : memref<10112x16xf32, #tpu.memory_space<hbm>> -> memref<632x16xf32, #tpu.memory_space<hbm>>
      %dma_wait3A_114 = arith.constant 0 : i32
      %dma_wait3A_115 = tpu.memref_slice %arg7[%mul3A_100, %dma_wait3A_114] : memref<10112x16xf32, #tpu.memory_space<vmem_shared>> -> memref<632x16xf32, #tpu.memory_space<vmem_shared>>
      tpu.wait_dma2 semaphore(%run_scoped3A : memref<!tpu.dma_semaphore, #tpu.memory_space<semaphore_mem>>) src(%dma_wait3A_115 : memref<632x16xf32, #tpu.memory_space<vmem_shared>>) dst(%dma_wait3A_113 : memref<632x16xf32, #tpu.memory_space<hbm>>)
      tpu.yield
    }) : () -> ()
    return
  }
}

#map = affine_map<(d0, d1) -> (0, 0)>
#map1 = affine_map<(d0, d1) -> (0, 0, 0)>
module attributes {stable_mosaic.version = 14 : i64} {
  func.func @_agg_body(%arg0: i32, %arg1: i32, %arg2: memref<10000x32xf32, #tpu.memory_space<hbm>>, %arg3: memref<2560x128xi32, #tpu.memory_space<hbm>>, %arg4: memref<2560x128xi32, #tpu.memory_space<hbm>>, %arg5: memref<2x10112x32xf32, #tpu.memory_space<hbm>>, %arg6: memref<80x128xi32, #tpu.memory_space<vmem>>, %arg7: memref<80x128xi32, #tpu.memory_space<vmem>>, %arg8: memref<8x128x32xf32, #tpu.memory_space<vmem>>, %arg9: memref<632x32xf32, #tpu.memory_space<vmem>>, %arg10: memref<10112x32xf32, #tpu.memory_space<vmem_shared>>, %arg11: memref<8x!tpu.dma_semaphore, #tpu.memory_space<semaphore_mem>>, %arg12: memref<8x!tpu.dma_semaphore, #tpu.memory_space<semaphore_mem>>) attributes {dimension_semantics = [#tpu.dimension_semantics<core_parallel>, #tpu.dimension_semantics<subcore_parallel>], iteration_bounds = array<i64: 2, 16>, scalar_prefetch = 0 : i64, scratch_operands = 7 : i64, tpu.core_type = #tpu.core_type<sc_vector_subcore>, window_params = [{transform_indices = #map}, {transform_indices = #map}, {transform_indices = #map}, {transform_indices = #map1}]} {
    %mul3A = arith.constant 2 : i32
    %mul3A_0 = arith.muli %arg1, %mul3A : i32
    %add3A = arith.addi %mul3A_0, %arg0 : i32
    %mul3A_1 = arith.constant 80 : i32
    %mul3A_2 = arith.muli %add3A, %mul3A_1 : i32
    "tpu.region"() ({
      %run_scoped3A = tpu.sem_alloc : memref<!tpu.dma_semaphore, #tpu.memory_space<semaphore_mem>>
      %dma_start3A_557 = arith.constant 0 : i32
      %dma_start3A_558 = tpu.memref_slice %arg3[%mul3A_2, %dma_start3A_557] : memref<2560x128xi32, #tpu.memory_space<hbm>> -> memref<80x128xi32, #tpu.memory_space<hbm>>
      %dma_start3A_559 = arith.constant 0 : i32
      %dma_start3A_560 = tpu.memref_slice %arg3[%mul3A_2, %dma_start3A_559] : memref<2560x128xi32, #tpu.memory_space<hbm>> -> memref<80x128xi32, #tpu.memory_space<hbm>>
      tpu.enqueue_dma source(%dma_start3A_560 : memref<80x128xi32, #tpu.memory_space<hbm>>) target(%arg6 : memref<80x128xi32, #tpu.memory_space<vmem>>) target_semaphore(%run_scoped3A : memref<!tpu.dma_semaphore, #tpu.memory_space<semaphore_mem>>)
      %dma_wait3A_561 = arith.constant 0 : i32
      %dma_wait3A_562 = tpu.memref_slice %arg3[%mul3A_2, %dma_wait3A_561] : memref<2560x128xi32, #tpu.memory_space<hbm>> -> memref<80x128xi32, #tpu.memory_space<hbm>>
      %dma_wait3A_563 = arith.constant 0 : i32
      %dma_wait3A_564 = tpu.memref_slice %arg3[%mul3A_2, %dma_wait3A_563] : memref<2560x128xi32, #tpu.memory_space<hbm>> -> memref<80x128xi32, #tpu.memory_space<hbm>>
      tpu.wait_dma2 semaphore(%run_scoped3A : memref<!tpu.dma_semaphore, #tpu.memory_space<semaphore_mem>>) src(%dma_wait3A_564 : memref<80x128xi32, #tpu.memory_space<hbm>>) dst(%arg6 : memref<80x128xi32, #tpu.memory_space<vmem>>)
      tpu.yield
    }) : () -> ()
    %mul3A_3 = arith.constant 80 : i32
    %mul3A_4 = arith.muli %add3A, %mul3A_3 : i32
    "tpu.region"() ({
      %run_scoped3A = tpu.sem_alloc : memref<!tpu.dma_semaphore, #tpu.memory_space<semaphore_mem>>
      %dma_start3A_557 = arith.constant 0 : i32
      %dma_start3A_558 = tpu.memref_slice %arg4[%mul3A_4, %dma_start3A_557] : memref<2560x128xi32, #tpu.memory_space<hbm>> -> memref<80x128xi32, #tpu.memory_space<hbm>>
      %dma_start3A_559 = arith.constant 0 : i32
      %dma_start3A_560 = tpu.memref_slice %arg4[%mul3A_4, %dma_start3A_559] : memref<2560x128xi32, #tpu.memory_space<hbm>> -> memref<80x128xi32, #tpu.memory_space<hbm>>
      tpu.enqueue_dma source(%dma_start3A_560 : memref<80x128xi32, #tpu.memory_space<hbm>>) target(%arg7 : memref<80x128xi32, #tpu.memory_space<vmem>>) target_semaphore(%run_scoped3A : memref<!tpu.dma_semaphore, #tpu.memory_space<semaphore_mem>>)
      %dma_wait3A_561 = arith.constant 0 : i32
      %dma_wait3A_562 = tpu.memref_slice %arg4[%mul3A_4, %dma_wait3A_561] : memref<2560x128xi32, #tpu.memory_space<hbm>> -> memref<80x128xi32, #tpu.memory_space<hbm>>
      %dma_wait3A_563 = arith.constant 0 : i32
      %dma_wait3A_564 = tpu.memref_slice %arg4[%mul3A_4, %dma_wait3A_563] : memref<2560x128xi32, #tpu.memory_space<hbm>> -> memref<80x128xi32, #tpu.memory_space<hbm>>
      tpu.wait_dma2 semaphore(%run_scoped3A : memref<!tpu.dma_semaphore, #tpu.memory_space<semaphore_mem>>) src(%dma_wait3A_564 : memref<80x128xi32, #tpu.memory_space<hbm>>) dst(%arg7 : memref<80x128xi32, #tpu.memory_space<vmem>>)
      tpu.yield
    }) : () -> ()
    %dma_start3A = arith.constant 0 : i32
    %dma_start3A_5 = arith.constant 0 : i32
    %dma_start3A_6 = arith.constant 0 : i32
    %dma_start3A_7 = arith.constant 0 : i32
    %dma_start3A_8 = arith.constant 0 : i32
    %dma_start3A_9 = tpu.memref_slice %arg8[%dma_start3A_5, %dma_start3A_7, %dma_start3A_8] : memref<8x128x32xf32, #tpu.memory_space<vmem>> -> memref<1x128x32xf32, #tpu.memory_space<vmem>>
    %dma_start3A_10 = tpu.memref_squeeze %dma_start3A_9 : memref<1x128x32xf32, #tpu.memory_space<vmem>> -> memref<128x32xf32, #tpu.memory_space<vmem>>
    %dma_start3A_11 = arith.constant 0 : i32
    %dma_start3A_12 = tpu.memref_slice %arg6[%dma_start3A, %dma_start3A_11] : memref<80x128xi32, #tpu.memory_space<vmem>> -> memref<1x128xi32, #tpu.memory_space<vmem>>
    %dma_start3A_13 = tpu.memref_squeeze %dma_start3A_12 : memref<1x128xi32, #tpu.memory_space<vmem>> -> memref<128xi32, #tpu.memory_space<vmem>>
    %dma_start3A_14 = arith.constant 0 : i32
    %dma_start3A_15 = arith.constant 0 : i32
    %dma_start3A_16 = tpu.memref_slice %arg2[%dma_start3A_14, %dma_start3A_15] : memref<10000x32xf32, #tpu.memory_space<hbm>> -> memref<10000x32xf32, #tpu.memory_space<hbm>>
    %dma_start3A_17 = tpu.memref_slice %arg11[%dma_start3A_6] : memref<8x!tpu.dma_semaphore, #tpu.memory_space<semaphore_mem>> -> memref<1x!tpu.dma_semaphore, #tpu.memory_space<semaphore_mem>>
    %dma_start3A_18 = tpu.memref_squeeze %dma_start3A_17 : memref<1x!tpu.dma_semaphore, #tpu.memory_space<semaphore_mem>> -> memref<!tpu.dma_semaphore, #tpu.memory_space<semaphore_mem>>
    tpu.enqueue_indirect_dma source(%dma_start3A_16 : memref<10000x32xf32, #tpu.memory_space<hbm>>) target(%dma_start3A_10 : memref<128x32xf32, #tpu.memory_space<vmem>>) offsets(%dma_start3A_13 : memref<128xi32, #tpu.memory_space<vmem>>) semaphore(%dma_start3A_18 : memref<!tpu.dma_semaphore, #tpu.memory_space<semaphore_mem>>)
    %dma_start3A_19 = arith.constant 1 : i32
    %dma_start3A_20 = arith.constant 1 : i32
    %dma_start3A_21 = arith.constant 1 : i32
    %dma_start3A_22 = arith.constant 0 : i32
    %dma_start3A_23 = arith.constant 0 : i32
    %dma_start3A_24 = tpu.memref_slice %arg8[%dma_start3A_20, %dma_start3A_22, %dma_start3A_23] : memref<8x128x32xf32, #tpu.memory_space<vmem>> -> memref<1x128x32xf32, #tpu.memory_space<vmem>>
    %dma_start3A_25 = tpu.memref_squeeze %dma_start3A_24 : memref<1x128x32xf32, #tpu.memory_space<vmem>> -> memref<128x32xf32, #tpu.memory_space<vmem>>
    %dma_start3A_26 = arith.constant 0 : i32
    %dma_start3A_27 = tpu.memref_slice %arg6[%dma_start3A_19, %dma_start3A_26] : memref<80x128xi32, #tpu.memory_space<vmem>> -> memref<1x128xi32, #tpu.memory_space<vmem>>
    %dma_start3A_28 = tpu.memref_squeeze %dma_start3A_27 : memref<1x128xi32, #tpu.memory_space<vmem>> -> memref<128xi32, #tpu.memory_space<vmem>>
    %dma_start3A_29 = arith.constant 0 : i32
    %dma_start3A_30 = arith.constant 0 : i32
    %dma_start3A_31 = tpu.memref_slice %arg2[%dma_start3A_29, %dma_start3A_30] : memref<10000x32xf32, #tpu.memory_space<hbm>> -> memref<10000x32xf32, #tpu.memory_space<hbm>>
    %dma_start3A_32 = tpu.memref_slice %arg11[%dma_start3A_21] : memref<8x!tpu.dma_semaphore, #tpu.memory_space<semaphore_mem>> -> memref<1x!tpu.dma_semaphore, #tpu.memory_space<semaphore_mem>>
    %dma_start3A_33 = tpu.memref_squeeze %dma_start3A_32 : memref<1x!tpu.dma_semaphore, #tpu.memory_space<semaphore_mem>> -> memref<!tpu.dma_semaphore, #tpu.memory_space<semaphore_mem>>
    tpu.enqueue_indirect_dma source(%dma_start3A_31 : memref<10000x32xf32, #tpu.memory_space<hbm>>) target(%dma_start3A_25 : memref<128x32xf32, #tpu.memory_space<vmem>>) offsets(%dma_start3A_28 : memref<128xi32, #tpu.memory_space<vmem>>) semaphore(%dma_start3A_33 : memref<!tpu.dma_semaphore, #tpu.memory_space<semaphore_mem>>)
    %dma_start3A_34 = arith.constant 2 : i32
    %dma_start3A_35 = arith.constant 2 : i32
    %dma_start3A_36 = arith.constant 2 : i32
    %dma_start3A_37 = arith.constant 0 : i32
    %dma_start3A_38 = arith.constant 0 : i32
    %dma_start3A_39 = tpu.memref_slice %arg8[%dma_start3A_35, %dma_start3A_37, %dma_start3A_38] : memref<8x128x32xf32, #tpu.memory_space<vmem>> -> memref<1x128x32xf32, #tpu.memory_space<vmem>>
    %dma_start3A_40 = tpu.memref_squeeze %dma_start3A_39 : memref<1x128x32xf32, #tpu.memory_space<vmem>> -> memref<128x32xf32, #tpu.memory_space<vmem>>
    %dma_start3A_41 = arith.constant 0 : i32
    %dma_start3A_42 = tpu.memref_slice %arg6[%dma_start3A_34, %dma_start3A_41] : memref<80x128xi32, #tpu.memory_space<vmem>> -> memref<1x128xi32, #tpu.memory_space<vmem>>
    %dma_start3A_43 = tpu.memref_squeeze %dma_start3A_42 : memref<1x128xi32, #tpu.memory_space<vmem>> -> memref<128xi32, #tpu.memory_space<vmem>>
    %dma_start3A_44 = arith.constant 0 : i32
    %dma_start3A_45 = arith.constant 0 : i32
    %dma_start3A_46 = tpu.memref_slice %arg2[%dma_start3A_44, %dma_start3A_45] : memref<10000x32xf32, #tpu.memory_space<hbm>> -> memref<10000x32xf32, #tpu.memory_space<hbm>>
    %dma_start3A_47 = tpu.memref_slice %arg11[%dma_start3A_36] : memref<8x!tpu.dma_semaphore, #tpu.memory_space<semaphore_mem>> -> memref<1x!tpu.dma_semaphore, #tpu.memory_space<semaphore_mem>>
    %dma_start3A_48 = tpu.memref_squeeze %dma_start3A_47 : memref<1x!tpu.dma_semaphore, #tpu.memory_space<semaphore_mem>> -> memref<!tpu.dma_semaphore, #tpu.memory_space<semaphore_mem>>
    tpu.enqueue_indirect_dma source(%dma_start3A_46 : memref<10000x32xf32, #tpu.memory_space<hbm>>) target(%dma_start3A_40 : memref<128x32xf32, #tpu.memory_space<vmem>>) offsets(%dma_start3A_43 : memref<128xi32, #tpu.memory_space<vmem>>) semaphore(%dma_start3A_48 : memref<!tpu.dma_semaphore, #tpu.memory_space<semaphore_mem>>)
    %dma_start3A_49 = arith.constant 3 : i32
    %dma_start3A_50 = arith.constant 3 : i32
    %dma_start3A_51 = arith.constant 3 : i32
    %dma_start3A_52 = arith.constant 0 : i32
    %dma_start3A_53 = arith.constant 0 : i32
    %dma_start3A_54 = tpu.memref_slice %arg8[%dma_start3A_50, %dma_start3A_52, %dma_start3A_53] : memref<8x128x32xf32, #tpu.memory_space<vmem>> -> memref<1x128x32xf32, #tpu.memory_space<vmem>>
    %dma_start3A_55 = tpu.memref_squeeze %dma_start3A_54 : memref<1x128x32xf32, #tpu.memory_space<vmem>> -> memref<128x32xf32, #tpu.memory_space<vmem>>
    %dma_start3A_56 = arith.constant 0 : i32
    %dma_start3A_57 = tpu.memref_slice %arg6[%dma_start3A_49, %dma_start3A_56] : memref<80x128xi32, #tpu.memory_space<vmem>> -> memref<1x128xi32, #tpu.memory_space<vmem>>
    %dma_start3A_58 = tpu.memref_squeeze %dma_start3A_57 : memref<1x128xi32, #tpu.memory_space<vmem>> -> memref<128xi32, #tpu.memory_space<vmem>>
    %dma_start3A_59 = arith.constant 0 : i32
    %dma_start3A_60 = arith.constant 0 : i32
    %dma_start3A_61 = tpu.memref_slice %arg2[%dma_start3A_59, %dma_start3A_60] : memref<10000x32xf32, #tpu.memory_space<hbm>> -> memref<10000x32xf32, #tpu.memory_space<hbm>>
    %dma_start3A_62 = tpu.memref_slice %arg11[%dma_start3A_51] : memref<8x!tpu.dma_semaphore, #tpu.memory_space<semaphore_mem>> -> memref<1x!tpu.dma_semaphore, #tpu.memory_space<semaphore_mem>>
    %dma_start3A_63 = tpu.memref_squeeze %dma_start3A_62 : memref<1x!tpu.dma_semaphore, #tpu.memory_space<semaphore_mem>> -> memref<!tpu.dma_semaphore, #tpu.memory_space<semaphore_mem>>
    tpu.enqueue_indirect_dma source(%dma_start3A_61 : memref<10000x32xf32, #tpu.memory_space<hbm>>) target(%dma_start3A_55 : memref<128x32xf32, #tpu.memory_space<vmem>>) offsets(%dma_start3A_58 : memref<128xi32, #tpu.memory_space<vmem>>) semaphore(%dma_start3A_63 : memref<!tpu.dma_semaphore, #tpu.memory_space<semaphore_mem>>)
    %scan3A = arith.constant 0 : i32
    %scan3A_64 = arith.constant 632 : i32
    %scan3A_65 = arith.addi %scan3A, %scan3A_64 : i32
    %scan3A_66 = arith.constant 1 : i32
    scf.for %scan3A_557 = %scan3A to %scan3A_65 step %scan3A_66  : i32 {
      %mul3A_558 = arith.constant 1 : i32
      %mul3A_559 = arith.muli %scan3A_557, %mul3A_558 : i32
      %add3A_560 = arith.constant 0 : i32
      %add3A_561 = arith.addi %add3A_560, %mul3A_559 : i32
      %broadcast_in_dim3A = arith.constant 0.000000e+00 : f32
      %broadcast_in_dim3A_562 = vector.broadcast %broadcast_in_dim3A : f32 to vector<16xf32>
      %swap3A = arith.index_cast %add3A_561 : i32 to index
      %swap3A_563 = arith.constant 0 : index
      %swap3A_564 = tpu.vector_load %arg9[%swap3A, %swap3A_563] {strides = array<i32>} : memref<632x32xf32, #tpu.memory_space<vmem>>, vector<1x16xf32>,
      %swap3A_565 = vector.shape_cast %swap3A_564 : vector<1x16xf32> to vector<16xf32>
      %swap3A_566 = vector.shape_cast %broadcast_in_dim3A_562 : vector<16xf32> to vector<1x16xf32>
      tpu.vector_store %arg9[%swap3A, %swap3A_563], %swap3A_566 {strides = array<i32>} : memref<632x32xf32, #tpu.memory_space<vmem>>, vector<1x16xf32>,
      %broadcast_in_dim3A_567 = arith.constant 0.000000e+00 : f32
      %broadcast_in_dim3A_568 = vector.broadcast %broadcast_in_dim3A_567 : f32 to vector<16xf32>
      %swap3A_569 = arith.index_cast %add3A_561 : i32 to index
      %swap3A_570 = arith.constant 16 : index
      %swap3A_571 = tpu.vector_load %arg9[%swap3A_569, %swap3A_570] {strides = array<i32>} : memref<632x32xf32, #tpu.memory_space<vmem>>, vector<1x16xf32>,
      %swap3A_572 = vector.shape_cast %swap3A_571 : vector<1x16xf32> to vector<16xf32>
      %swap3A_573 = vector.shape_cast %broadcast_in_dim3A_568 : vector<16xf32> to vector<1x16xf32>
      tpu.vector_store %arg9[%swap3A_569, %swap3A_570], %swap3A_573 {strides = array<i32>} : memref<632x32xf32, #tpu.memory_space<vmem>>, vector<1x16xf32>,
    }
    %scan3A_67 = arith.constant 632 : i32
    %mul3A_68 = arith.constant 632 : i32
    %mul3A_69 = arith.muli %arg1, %mul3A_68 : i32
    "tpu.region"() ({
      %run_scoped3A = tpu.sem_alloc : memref<!tpu.dma_semaphore, #tpu.memory_space<semaphore_mem>>
      %dma_start3A_557 = arith.constant 0 : i32
      %dma_start3A_558 = tpu.memref_slice %arg10[%mul3A_69, %dma_start3A_557] : memref<10112x32xf32, #tpu.memory_space<vmem_shared>> -> memref<632x32xf32, #tpu.memory_space<vmem_shared>>
      %dma_start3A_559 = arith.constant 0 : i32
      %dma_start3A_560 = tpu.memref_slice %arg10[%mul3A_69, %dma_start3A_559] : memref<10112x32xf32, #tpu.memory_space<vmem_shared>> -> memref<632x32xf32, #tpu.memory_space<vmem_shared>>
      tpu.enqueue_dma source(%arg9 : memref<632x32xf32, #tpu.memory_space<vmem>>) target(%dma_start3A_560 : memref<632x32xf32, #tpu.memory_space<vmem_shared>>) target_semaphore(%run_scoped3A : memref<!tpu.dma_semaphore, #tpu.memory_space<semaphore_mem>>)
      %dma_wait3A_561 = arith.constant 0 : i32
      %dma_wait3A_562 = tpu.memref_slice %arg10[%mul3A_69, %dma_wait3A_561] : memref<10112x32xf32, #tpu.memory_space<vmem_shared>> -> memref<632x32xf32, #tpu.memory_space<vmem_shared>>
      %dma_wait3A_563 = arith.constant 0 : i32
      %dma_wait3A_564 = tpu.memref_slice %arg10[%mul3A_69, %dma_wait3A_563] : memref<10112x32xf32, #tpu.memory_space<vmem_shared>> -> memref<632x32xf32, #tpu.memory_space<vmem_shared>>
      tpu.wait_dma2 semaphore(%run_scoped3A : memref<!tpu.dma_semaphore, #tpu.memory_space<semaphore_mem>>) src(%arg9 : memref<632x32xf32, #tpu.memory_space<vmem>>) dst(%dma_wait3A_564 : memref<632x32xf32, #tpu.memory_space<vmem_shared>>)
      tpu.yield
    }) : () -> ()
    %barrier3A = arith.constant 0 : index
    tpu.barrier barrier_id(%barrier3A)
    %scan3A_70 = arith.constant 0 : i32
    %scan3A_71 = arith.constant 9 : i32
    %scan3A_72 = arith.addi %scan3A_70, %scan3A_71 : i32
    %scan3A_73 = arith.constant 1 : i32
    scf.for %scan3A_557 = %scan3A_70 to %scan3A_72 step %scan3A_73  : i32 {
      %mul3A_558 = arith.constant 1 : i32
      %mul3A_559 = arith.muli %scan3A_557, %mul3A_558 : i32
      %add3A_560 = arith.constant 0 : i32
      %add3A_561 = arith.addi %add3A_560, %mul3A_559 : i32
      %mul3A_562 = arith.constant 8 : i32
      %mul3A_563 = arith.muli %add3A_561, %mul3A_562 : i32
      %add3A_564 = arith.constant 0 : i32
      %add3A_565 = arith.addi %mul3A_563, %add3A_564 : i32
      %add3A_566 = arith.constant 4 : i32
      %add3A_567 = arith.addi %add3A_565, %add3A_566 : i32
      %mul3A_568 = arith.constant 8 : i32
      %mul3A_569 = arith.muli %add3A_561, %mul3A_568 : i32
      %add3A_570 = arith.constant 0 : i32
      %add3A_571 = arith.addi %mul3A_569, %add3A_570 : i32
      %gt3A = arith.constant 0 : i32
      %gt3A_572 = arith.cmpi sgt, %add3A_561, %gt3A : i32
      %convert_element_type3A = arith.extui %gt3A_572 : i1 to i32
      %cond3A = arith.constant 0 : i32
      %cond3A_573 = arith.cmpi ne, %convert_element_type3A, %cond3A : i32
      scf.if %cond3A_573 {
        %sub3A_1058 = arith.constant 8 : i32
        %sub3A_1059 = arith.subi %add3A_567, %sub3A_1058 : i32
        %dma_wait3A_1060 = arith.constant 4 : i32
        %dma_wait3A_1061 = arith.constant 4 : i32
        %dma_wait3A_1062 = arith.constant 0 : i32
        %dma_wait3A_1063 = arith.constant 0 : i32
        %dma_wait3A_1064 = tpu.memref_slice %arg8[%dma_wait3A_1060, %dma_wait3A_1062, %dma_wait3A_1063] : memref<8x128x32xf32, #tpu.memory_space<vmem>> -> memref<1x128x32xf32, #tpu.memory_space<vmem>>
        %dma_wait3A_1065 = tpu.memref_squeeze %dma_wait3A_1064 : memref<1x128x32xf32, #tpu.memory_space<vmem>> -> memref<128x32xf32, #tpu.memory_space<vmem>>
        %dma_wait3A_1066 = arith.constant 0 : i32
        %dma_wait3A_1067 = tpu.memref_slice %arg7[%sub3A_1059, %dma_wait3A_1066] : memref<80x128xi32, #tpu.memory_space<vmem>> -> memref<1x128xi32, #tpu.memory_space<vmem>>
        %dma_wait3A_1068 = tpu.memref_squeeze %dma_wait3A_1067 : memref<1x128xi32, #tpu.memory_space<vmem>> -> memref<128xi32, #tpu.memory_space<vmem>>
        %dma_wait3A_1069 = arith.constant 0 : i32
        %dma_wait3A_1070 = arith.constant 0 : i32
        %dma_wait3A_1071 = tpu.memref_slice %arg10[%dma_wait3A_1069, %dma_wait3A_1070] : memref<10112x32xf32, #tpu.memory_space<vmem_shared>> -> memref<10112x32xf32, #tpu.memory_space<vmem_shared>>
        %dma_wait3A_1072 = tpu.memref_slice %arg12[%dma_wait3A_1061] : memref<8x!tpu.dma_semaphore, #tpu.memory_space<semaphore_mem>> -> memref<1x!tpu.dma_semaphore, #tpu.memory_space<semaphore_mem>>
        %dma_wait3A_1073 = tpu.memref_squeeze %dma_wait3A_1072 : memref<1x!tpu.dma_semaphore, #tpu.memory_space<semaphore_mem>> -> memref<!tpu.dma_semaphore, #tpu.memory_space<semaphore_mem>>
        tpu.wait_indirect_dma semaphore(%dma_wait3A_1073 : memref<!tpu.dma_semaphore, #tpu.memory_space<semaphore_mem>>) src(%dma_wait3A_1065 : memref<128x32xf32, #tpu.memory_space<vmem>>) dst(%dma_wait3A_1071 : memref<10112x32xf32, #tpu.memory_space<vmem_shared>>)
      } else {
      }
      %dma_start3A_574 = arith.constant 4 : i32
      %dma_start3A_575 = arith.constant 4 : i32
      %dma_start3A_576 = arith.constant 0 : i32
      %dma_start3A_577 = arith.constant 0 : i32
      %dma_start3A_578 = tpu.memref_slice %arg8[%dma_start3A_574, %dma_start3A_576, %dma_start3A_577] : memref<8x128x32xf32, #tpu.memory_space<vmem>> -> memref<1x128x32xf32, #tpu.memory_space<vmem>>
      %dma_start3A_579 = tpu.memref_squeeze %dma_start3A_578 : memref<1x128x32xf32, #tpu.memory_space<vmem>> -> memref<128x32xf32, #tpu.memory_space<vmem>>
      %dma_start3A_580 = arith.constant 0 : i32
      %dma_start3A_581 = tpu.memref_slice %arg6[%add3A_567, %dma_start3A_580] : memref<80x128xi32, #tpu.memory_space<vmem>> -> memref<1x128xi32, #tpu.memory_space<vmem>>
      %dma_start3A_582 = tpu.memref_squeeze %dma_start3A_581 : memref<1x128xi32, #tpu.memory_space<vmem>> -> memref<128xi32, #tpu.memory_space<vmem>>
      %dma_start3A_583 = arith.constant 0 : i32
      %dma_start3A_584 = arith.constant 0 : i32
      %dma_start3A_585 = tpu.memref_slice %arg2[%dma_start3A_583, %dma_start3A_584] : memref<10000x32xf32, #tpu.memory_space<hbm>> -> memref<10000x32xf32, #tpu.memory_space<hbm>>
      %dma_start3A_586 = tpu.memref_slice %arg11[%dma_start3A_575] : memref<8x!tpu.dma_semaphore, #tpu.memory_space<semaphore_mem>> -> memref<1x!tpu.dma_semaphore, #tpu.memory_space<semaphore_mem>>
      %dma_start3A_587 = tpu.memref_squeeze %dma_start3A_586 : memref<1x!tpu.dma_semaphore, #tpu.memory_space<semaphore_mem>> -> memref<!tpu.dma_semaphore, #tpu.memory_space<semaphore_mem>>
      tpu.enqueue_indirect_dma source(%dma_start3A_585 : memref<10000x32xf32, #tpu.memory_space<hbm>>) target(%dma_start3A_579 : memref<128x32xf32, #tpu.memory_space<vmem>>) offsets(%dma_start3A_582 : memref<128xi32, #tpu.memory_space<vmem>>) semaphore(%dma_start3A_587 : memref<!tpu.dma_semaphore, #tpu.memory_space<semaphore_mem>>)
      %dma_wait3A_588 = arith.constant 0 : i32
      %dma_wait3A_589 = arith.constant 0 : i32
      %dma_wait3A_590 = arith.constant 0 : i32
      %dma_wait3A_591 = arith.constant 0 : i32
      %dma_wait3A_592 = tpu.memref_slice %arg8[%dma_wait3A_588, %dma_wait3A_590, %dma_wait3A_591] : memref<8x128x32xf32, #tpu.memory_space<vmem>> -> memref<1x128x32xf32, #tpu.memory_space<vmem>>
      %dma_wait3A_593 = tpu.memref_squeeze %dma_wait3A_592 : memref<1x128x32xf32, #tpu.memory_space<vmem>> -> memref<128x32xf32, #tpu.memory_space<vmem>>
      %dma_wait3A_594 = arith.constant 0 : i32
      %dma_wait3A_595 = tpu.memref_slice %arg6[%add3A_571, %dma_wait3A_594] : memref<80x128xi32, #tpu.memory_space<vmem>> -> memref<1x128xi32, #tpu.memory_space<vmem>>
      %dma_wait3A_596 = tpu.memref_squeeze %dma_wait3A_595 : memref<1x128xi32, #tpu.memory_space<vmem>> -> memref<128xi32, #tpu.memory_space<vmem>>
      %dma_wait3A_597 = arith.constant 0 : i32
      %dma_wait3A_598 = arith.constant 0 : i32
      %dma_wait3A_599 = tpu.memref_slice %arg2[%dma_wait3A_597, %dma_wait3A_598] : memref<10000x32xf32, #tpu.memory_space<hbm>> -> memref<10000x32xf32, #tpu.memory_space<hbm>>
      %dma_wait3A_600 = tpu.memref_slice %arg11[%dma_wait3A_589] : memref<8x!tpu.dma_semaphore, #tpu.memory_space<semaphore_mem>> -> memref<1x!tpu.dma_semaphore, #tpu.memory_space<semaphore_mem>>
      %dma_wait3A_601 = tpu.memref_squeeze %dma_wait3A_600 : memref<1x!tpu.dma_semaphore, #tpu.memory_space<semaphore_mem>> -> memref<!tpu.dma_semaphore, #tpu.memory_space<semaphore_mem>>
      tpu.wait_indirect_dma semaphore(%dma_wait3A_601 : memref<!tpu.dma_semaphore, #tpu.memory_space<semaphore_mem>>) src(%dma_wait3A_599 : memref<10000x32xf32, #tpu.memory_space<hbm>>) dst(%dma_wait3A_593 : memref<128x32xf32, #tpu.memory_space<vmem>>)
      %dma_start3A_602 = arith.constant 0 : i32
      %dma_start3A_603 = arith.constant 0 : i32
      %dma_start3A_604 = arith.constant 0 : i32
      %dma_start3A_605 = arith.constant 0 : i32
      %dma_start3A_606 = tpu.memref_slice %arg8[%dma_start3A_602, %dma_start3A_604, %dma_start3A_605] : memref<8x128x32xf32, #tpu.memory_space<vmem>> -> memref<1x128x32xf32, #tpu.memory_space<vmem>>
      %dma_start3A_607 = tpu.memref_squeeze %dma_start3A_606 : memref<1x128x32xf32, #tpu.memory_space<vmem>> -> memref<128x32xf32, #tpu.memory_space<vmem>>
      %dma_start3A_608 = arith.constant 0 : i32
      %dma_start3A_609 = tpu.memref_slice %arg7[%add3A_571, %dma_start3A_608] : memref<80x128xi32, #tpu.memory_space<vmem>> -> memref<1x128xi32, #tpu.memory_space<vmem>>
      %dma_start3A_610 = tpu.memref_squeeze %dma_start3A_609 : memref<1x128xi32, #tpu.memory_space<vmem>> -> memref<128xi32, #tpu.memory_space<vmem>>
      %dma_start3A_611 = arith.constant 0 : i32
      %dma_start3A_612 = arith.constant 0 : i32
      %dma_start3A_613 = tpu.memref_slice %arg10[%dma_start3A_611, %dma_start3A_612] : memref<10112x32xf32, #tpu.memory_space<vmem_shared>> -> memref<10112x32xf32, #tpu.memory_space<vmem_shared>>
      %dma_start3A_614 = tpu.memref_slice %arg12[%dma_start3A_603] : memref<8x!tpu.dma_semaphore, #tpu.memory_space<semaphore_mem>> -> memref<1x!tpu.dma_semaphore, #tpu.memory_space<semaphore_mem>>
      %dma_start3A_615 = tpu.memref_squeeze %dma_start3A_614 : memref<1x!tpu.dma_semaphore, #tpu.memory_space<semaphore_mem>> -> memref<!tpu.dma_semaphore, #tpu.memory_space<semaphore_mem>>
      tpu.enqueue_indirect_dma source(%dma_start3A_607 : memref<128x32xf32, #tpu.memory_space<vmem>>) target(%dma_start3A_613 : memref<10112x32xf32, #tpu.memory_space<vmem_shared>>) offsets(%dma_start3A_610 : memref<128xi32, #tpu.memory_space<vmem>>) semaphore(%dma_start3A_615 : memref<!tpu.dma_semaphore, #tpu.memory_space<semaphore_mem>>) {add = true}
      %mul3A_616 = arith.constant 8 : i32
      %mul3A_617 = arith.muli %add3A_561, %mul3A_616 : i32
      %add3A_618 = arith.constant 1 : i32
      %add3A_619 = arith.addi %mul3A_617, %add3A_618 : i32
      %add3A_620 = arith.constant 4 : i32
      %add3A_621 = arith.addi %add3A_619, %add3A_620 : i32
      %mul3A_622 = arith.constant 8 : i32
      %mul3A_623 = arith.muli %add3A_561, %mul3A_622 : i32
      %add3A_624 = arith.constant 1 : i32
      %add3A_625 = arith.addi %mul3A_623, %add3A_624 : i32
      %gt3A_626 = arith.constant 0 : i32
      %gt3A_627 = arith.cmpi sgt, %add3A_561, %gt3A_626 : i32
      %convert_element_type3A_628 = arith.extui %gt3A_627 : i1 to i32
      %cond3A_629 = arith.constant 0 : i32
      %cond3A_630 = arith.cmpi ne, %convert_element_type3A_628, %cond3A_629 : i32
      scf.if %cond3A_630 {
        %sub3A_1058 = arith.constant 8 : i32
        %sub3A_1059 = arith.subi %add3A_621, %sub3A_1058 : i32
        %dma_wait3A_1060 = arith.constant 5 : i32
        %dma_wait3A_1061 = arith.constant 5 : i32
        %dma_wait3A_1062 = arith.constant 0 : i32
        %dma_wait3A_1063 = arith.constant 0 : i32
        %dma_wait3A_1064 = tpu.memref_slice %arg8[%dma_wait3A_1060, %dma_wait3A_1062, %dma_wait3A_1063] : memref<8x128x32xf32, #tpu.memory_space<vmem>> -> memref<1x128x32xf32, #tpu.memory_space<vmem>>
        %dma_wait3A_1065 = tpu.memref_squeeze %dma_wait3A_1064 : memref<1x128x32xf32, #tpu.memory_space<vmem>> -> memref<128x32xf32, #tpu.memory_space<vmem>>
        %dma_wait3A_1066 = arith.constant 0 : i32
        %dma_wait3A_1067 = tpu.memref_slice %arg7[%sub3A_1059, %dma_wait3A_1066] : memref<80x128xi32, #tpu.memory_space<vmem>> -> memref<1x128xi32, #tpu.memory_space<vmem>>
        %dma_wait3A_1068 = tpu.memref_squeeze %dma_wait3A_1067 : memref<1x128xi32, #tpu.memory_space<vmem>> -> memref<128xi32, #tpu.memory_space<vmem>>
        %dma_wait3A_1069 = arith.constant 0 : i32
        %dma_wait3A_1070 = arith.constant 0 : i32
        %dma_wait3A_1071 = tpu.memref_slice %arg10[%dma_wait3A_1069, %dma_wait3A_1070] : memref<10112x32xf32, #tpu.memory_space<vmem_shared>> -> memref<10112x32xf32, #tpu.memory_space<vmem_shared>>
        %dma_wait3A_1072 = tpu.memref_slice %arg12[%dma_wait3A_1061] : memref<8x!tpu.dma_semaphore, #tpu.memory_space<semaphore_mem>> -> memref<1x!tpu.dma_semaphore, #tpu.memory_space<semaphore_mem>>
        %dma_wait3A_1073 = tpu.memref_squeeze %dma_wait3A_1072 : memref<1x!tpu.dma_semaphore, #tpu.memory_space<semaphore_mem>> -> memref<!tpu.dma_semaphore, #tpu.memory_space<semaphore_mem>>
        tpu.wait_indirect_dma semaphore(%dma_wait3A_1073 : memref<!tpu.dma_semaphore, #tpu.memory_space<semaphore_mem>>) src(%dma_wait3A_1065 : memref<128x32xf32, #tpu.memory_space<vmem>>) dst(%dma_wait3A_1071 : memref<10112x32xf32, #tpu.memory_space<vmem_shared>>)
      } else {
      }
      %dma_start3A_631 = arith.constant 5 : i32
      %dma_start3A_632 = arith.constant 5 : i32
      %dma_start3A_633 = arith.constant 0 : i32
      %dma_start3A_634 = arith.constant 0 : i32
      %dma_start3A_635 = tpu.memref_slice %arg8[%dma_start3A_631, %dma_start3A_633, %dma_start3A_634] : memref<8x128x32xf32, #tpu.memory_space<vmem>> -> memref<1x128x32xf32, #tpu.memory_space<vmem>>
      %dma_start3A_636 = tpu.memref_squeeze %dma_start3A_635 : memref<1x128x32xf32, #tpu.memory_space<vmem>> -> memref<128x32xf32, #tpu.memory_space<vmem>>
      %dma_start3A_637 = arith.constant 0 : i32
      %dma_start3A_638 = tpu.memref_slice %arg6[%add3A_621, %dma_start3A_637] : memref<80x128xi32, #tpu.memory_space<vmem>> -> memref<1x128xi32, #tpu.memory_space<vmem>>
      %dma_start3A_639 = tpu.memref_squeeze %dma_start3A_638 : memref<1x128xi32, #tpu.memory_space<vmem>> -> memref<128xi32, #tpu.memory_space<vmem>>
      %dma_start3A_640 = arith.constant 0 : i32
      %dma_start3A_641 = arith.constant 0 : i32
      %dma_start3A_642 = tpu.memref_slice %arg2[%dma_start3A_640, %dma_start3A_641] : memref<10000x32xf32, #tpu.memory_space<hbm>> -> memref<10000x32xf32, #tpu.memory_space<hbm>>
      %dma_start3A_643 = tpu.memref_slice %arg11[%dma_start3A_632] : memref<8x!tpu.dma_semaphore, #tpu.memory_space<semaphore_mem>> -> memref<1x!tpu.dma_semaphore, #tpu.memory_space<semaphore_mem>>
      %dma_start3A_644 = tpu.memref_squeeze %dma_start3A_643 : memref<1x!tpu.dma_semaphore, #tpu.memory_space<semaphore_mem>> -> memref<!tpu.dma_semaphore, #tpu.memory_space<semaphore_mem>>
      tpu.enqueue_indirect_dma source(%dma_start3A_642 : memref<10000x32xf32, #tpu.memory_space<hbm>>) target(%dma_start3A_636 : memref<128x32xf32, #tpu.memory_space<vmem>>) offsets(%dma_start3A_639 : memref<128xi32, #tpu.memory_space<vmem>>) semaphore(%dma_start3A_644 : memref<!tpu.dma_semaphore, #tpu.memory_space<semaphore_mem>>)
      %dma_wait3A_645 = arith.constant 1 : i32
      %dma_wait3A_646 = arith.constant 1 : i32
      %dma_wait3A_647 = arith.constant 0 : i32
      %dma_wait3A_648 = arith.constant 0 : i32
      %dma_wait3A_649 = tpu.memref_slice %arg8[%dma_wait3A_645, %dma_wait3A_647, %dma_wait3A_648] : memref<8x128x32xf32, #tpu.memory_space<vmem>> -> memref<1x128x32xf32, #tpu.memory_space<vmem>>
      %dma_wait3A_650 = tpu.memref_squeeze %dma_wait3A_649 : memref<1x128x32xf32, #tpu.memory_space<vmem>> -> memref<128x32xf32, #tpu.memory_space<vmem>>
      %dma_wait3A_651 = arith.constant 0 : i32
      %dma_wait3A_652 = tpu.memref_slice %arg6[%add3A_625, %dma_wait3A_651] : memref<80x128xi32, #tpu.memory_space<vmem>> -> memref<1x128xi32, #tpu.memory_space<vmem>>
      %dma_wait3A_653 = tpu.memref_squeeze %dma_wait3A_652 : memref<1x128xi32, #tpu.memory_space<vmem>> -> memref<128xi32, #tpu.memory_space<vmem>>
      %dma_wait3A_654 = arith.constant 0 : i32
      %dma_wait3A_655 = arith.constant 0 : i32
      %dma_wait3A_656 = tpu.memref_slice %arg2[%dma_wait3A_654, %dma_wait3A_655] : memref<10000x32xf32, #tpu.memory_space<hbm>> -> memref<10000x32xf32, #tpu.memory_space<hbm>>
      %dma_wait3A_657 = tpu.memref_slice %arg11[%dma_wait3A_646] : memref<8x!tpu.dma_semaphore, #tpu.memory_space<semaphore_mem>> -> memref<1x!tpu.dma_semaphore, #tpu.memory_space<semaphore_mem>>
      %dma_wait3A_658 = tpu.memref_squeeze %dma_wait3A_657 : memref<1x!tpu.dma_semaphore, #tpu.memory_space<semaphore_mem>> -> memref<!tpu.dma_semaphore, #tpu.memory_space<semaphore_mem>>
      tpu.wait_indirect_dma semaphore(%dma_wait3A_658 : memref<!tpu.dma_semaphore, #tpu.memory_space<semaphore_mem>>) src(%dma_wait3A_656 : memref<10000x32xf32, #tpu.memory_space<hbm>>) dst(%dma_wait3A_650 : memref<128x32xf32, #tpu.memory_space<vmem>>)
      %dma_start3A_659 = arith.constant 1 : i32
      %dma_start3A_660 = arith.constant 1 : i32
      %dma_start3A_661 = arith.constant 0 : i32
      %dma_start3A_662 = arith.constant 0 : i32
      %dma_start3A_663 = tpu.memref_slice %arg8[%dma_start3A_659, %dma_start3A_661, %dma_start3A_662] : memref<8x128x32xf32, #tpu.memory_space<vmem>> -> memref<1x128x32xf32, #tpu.memory_space<vmem>>
      %dma_start3A_664 = tpu.memref_squeeze %dma_start3A_663 : memref<1x128x32xf32, #tpu.memory_space<vmem>> -> memref<128x32xf32, #tpu.memory_space<vmem>>
      %dma_start3A_665 = arith.constant 0 : i32
      %dma_start3A_666 = tpu.memref_slice %arg7[%add3A_625, %dma_start3A_665] : memref<80x128xi32, #tpu.memory_space<vmem>> -> memref<1x128xi32, #tpu.memory_space<vmem>>
      %dma_start3A_667 = tpu.memref_squeeze %dma_start3A_666 : memref<1x128xi32, #tpu.memory_space<vmem>> -> memref<128xi32, #tpu.memory_space<vmem>>
      %dma_start3A_668 = arith.constant 0 : i32
      %dma_start3A_669 = arith.constant 0 : i32
      %dma_start3A_670 = tpu.memref_slice %arg10[%dma_start3A_668, %dma_start3A_669] : memref<10112x32xf32, #tpu.memory_space<vmem_shared>> -> memref<10112x32xf32, #tpu.memory_space<vmem_shared>>
      %dma_start3A_671 = tpu.memref_slice %arg12[%dma_start3A_660] : memref<8x!tpu.dma_semaphore, #tpu.memory_space<semaphore_mem>> -> memref<1x!tpu.dma_semaphore, #tpu.memory_space<semaphore_mem>>
      %dma_start3A_672 = tpu.memref_squeeze %dma_start3A_671 : memref<1x!tpu.dma_semaphore, #tpu.memory_space<semaphore_mem>> -> memref<!tpu.dma_semaphore, #tpu.memory_space<semaphore_mem>>
      tpu.enqueue_indirect_dma source(%dma_start3A_664 : memref<128x32xf32, #tpu.memory_space<vmem>>) target(%dma_start3A_670 : memref<10112x32xf32, #tpu.memory_space<vmem_shared>>) offsets(%dma_start3A_667 : memref<128xi32, #tpu.memory_space<vmem>>) semaphore(%dma_start3A_672 : memref<!tpu.dma_semaphore, #tpu.memory_space<semaphore_mem>>) {add = true}
      %mul3A_673 = arith.constant 8 : i32
      %mul3A_674 = arith.muli %add3A_561, %mul3A_673 : i32
      %add3A_675 = arith.constant 2 : i32
      %add3A_676 = arith.addi %mul3A_674, %add3A_675 : i32
      %add3A_677 = arith.constant 4 : i32
      %add3A_678 = arith.addi %add3A_676, %add3A_677 : i32
      %mul3A_679 = arith.constant 8 : i32
      %mul3A_680 = arith.muli %add3A_561, %mul3A_679 : i32
      %add3A_681 = arith.constant 2 : i32
      %add3A_682 = arith.addi %mul3A_680, %add3A_681 : i32
      %gt3A_683 = arith.constant 0 : i32
      %gt3A_684 = arith.cmpi sgt, %add3A_561, %gt3A_683 : i32
      %convert_element_type3A_685 = arith.extui %gt3A_684 : i1 to i32
      %cond3A_686 = arith.constant 0 : i32
      %cond3A_687 = arith.cmpi ne, %convert_element_type3A_685, %cond3A_686 : i32
      scf.if %cond3A_687 {
        %sub3A_1058 = arith.constant 8 : i32
        %sub3A_1059 = arith.subi %add3A_678, %sub3A_1058 : i32
        %dma_wait3A_1060 = arith.constant 6 : i32
        %dma_wait3A_1061 = arith.constant 6 : i32
        %dma_wait3A_1062 = arith.constant 0 : i32
        %dma_wait3A_1063 = arith.constant 0 : i32
        %dma_wait3A_1064 = tpu.memref_slice %arg8[%dma_wait3A_1060, %dma_wait3A_1062, %dma_wait3A_1063] : memref<8x128x32xf32, #tpu.memory_space<vmem>> -> memref<1x128x32xf32, #tpu.memory_space<vmem>>
        %dma_wait3A_1065 = tpu.memref_squeeze %dma_wait3A_1064 : memref<1x128x32xf32, #tpu.memory_space<vmem>> -> memref<128x32xf32, #tpu.memory_space<vmem>>
        %dma_wait3A_1066 = arith.constant 0 : i32
        %dma_wait3A_1067 = tpu.memref_slice %arg7[%sub3A_1059, %dma_wait3A_1066] : memref<80x128xi32, #tpu.memory_space<vmem>> -> memref<1x128xi32, #tpu.memory_space<vmem>>
        %dma_wait3A_1068 = tpu.memref_squeeze %dma_wait3A_1067 : memref<1x128xi32, #tpu.memory_space<vmem>> -> memref<128xi32, #tpu.memory_space<vmem>>
        %dma_wait3A_1069 = arith.constant 0 : i32
        %dma_wait3A_1070 = arith.constant 0 : i32
        %dma_wait3A_1071 = tpu.memref_slice %arg10[%dma_wait3A_1069, %dma_wait3A_1070] : memref<10112x32xf32, #tpu.memory_space<vmem_shared>> -> memref<10112x32xf32, #tpu.memory_space<vmem_shared>>
        %dma_wait3A_1072 = tpu.memref_slice %arg12[%dma_wait3A_1061] : memref<8x!tpu.dma_semaphore, #tpu.memory_space<semaphore_mem>> -> memref<1x!tpu.dma_semaphore, #tpu.memory_space<semaphore_mem>>
        %dma_wait3A_1073 = tpu.memref_squeeze %dma_wait3A_1072 : memref<1x!tpu.dma_semaphore, #tpu.memory_space<semaphore_mem>> -> memref<!tpu.dma_semaphore, #tpu.memory_space<semaphore_mem>>
        tpu.wait_indirect_dma semaphore(%dma_wait3A_1073 : memref<!tpu.dma_semaphore, #tpu.memory_space<semaphore_mem>>) src(%dma_wait3A_1065 : memref<128x32xf32, #tpu.memory_space<vmem>>) dst(%dma_wait3A_1071 : memref<10112x32xf32, #tpu.memory_space<vmem_shared>>)
      } else {
      }
      %dma_start3A_688 = arith.constant 6 : i32
      %dma_start3A_689 = arith.constant 6 : i32
      %dma_start3A_690 = arith.constant 0 : i32
      %dma_start3A_691 = arith.constant 0 : i32
      %dma_start3A_692 = tpu.memref_slice %arg8[%dma_start3A_688, %dma_start3A_690, %dma_start3A_691] : memref<8x128x32xf32, #tpu.memory_space<vmem>> -> memref<1x128x32xf32, #tpu.memory_space<vmem>>
      %dma_start3A_693 = tpu.memref_squeeze %dma_start3A_692 : memref<1x128x32xf32, #tpu.memory_space<vmem>> -> memref<128x32xf32, #tpu.memory_space<vmem>>
      %dma_start3A_694 = arith.constant 0 : i32
      %dma_start3A_695 = tpu.memref_slice %arg6[%add3A_678, %dma_start3A_694] : memref<80x128xi32, #tpu.memory_space<vmem>> -> memref<1x128xi32, #tpu.memory_space<vmem>>
      %dma_start3A_696 = tpu.memref_squeeze %dma_start3A_695 : memref<1x128xi32, #tpu.memory_space<vmem>> -> memref<128xi32, #tpu.memory_space<vmem>>
      %dma_start3A_697 = arith.constant 0 : i32
      %dma_start3A_698 = arith.constant 0 : i32
      %dma_start3A_699 = tpu.memref_slice %arg2[%dma_start3A_697, %dma_start3A_698] : memref<10000x32xf32, #tpu.memory_space<hbm>> -> memref<10000x32xf32, #tpu.memory_space<hbm>>
      %dma_start3A_700 = tpu.memref_slice %arg11[%dma_start3A_689] : memref<8x!tpu.dma_semaphore, #tpu.memory_space<semaphore_mem>> -> memref<1x!tpu.dma_semaphore, #tpu.memory_space<semaphore_mem>>
      %dma_start3A_701 = tpu.memref_squeeze %dma_start3A_700 : memref<1x!tpu.dma_semaphore, #tpu.memory_space<semaphore_mem>> -> memref<!tpu.dma_semaphore, #tpu.memory_space<semaphore_mem>>
      tpu.enqueue_indirect_dma source(%dma_start3A_699 : memref<10000x32xf32, #tpu.memory_space<hbm>>) target(%dma_start3A_693 : memref<128x32xf32, #tpu.memory_space<vmem>>) offsets(%dma_start3A_696 : memref<128xi32, #tpu.memory_space<vmem>>) semaphore(%dma_start3A_701 : memref<!tpu.dma_semaphore, #tpu.memory_space<semaphore_mem>>)
      %dma_wait3A_702 = arith.constant 2 : i32
      %dma_wait3A_703 = arith.constant 2 : i32
      %dma_wait3A_704 = arith.constant 0 : i32
      %dma_wait3A_705 = arith.constant 0 : i32
      %dma_wait3A_706 = tpu.memref_slice %arg8[%dma_wait3A_702, %dma_wait3A_704, %dma_wait3A_705] : memref<8x128x32xf32, #tpu.memory_space<vmem>> -> memref<1x128x32xf32, #tpu.memory_space<vmem>>
      %dma_wait3A_707 = tpu.memref_squeeze %dma_wait3A_706 : memref<1x128x32xf32, #tpu.memory_space<vmem>> -> memref<128x32xf32, #tpu.memory_space<vmem>>
      %dma_wait3A_708 = arith.constant 0 : i32
      %dma_wait3A_709 = tpu.memref_slice %arg6[%add3A_682, %dma_wait3A_708] : memref<80x128xi32, #tpu.memory_space<vmem>> -> memref<1x128xi32, #tpu.memory_space<vmem>>
      %dma_wait3A_710 = tpu.memref_squeeze %dma_wait3A_709 : memref<1x128xi32, #tpu.memory_space<vmem>> -> memref<128xi32, #tpu.memory_space<vmem>>
      %dma_wait3A_711 = arith.constant 0 : i32
      %dma_wait3A_712 = arith.constant 0 : i32
      %dma_wait3A_713 = tpu.memref_slice %arg2[%dma_wait3A_711, %dma_wait3A_712] : memref<10000x32xf32, #tpu.memory_space<hbm>> -> memref<10000x32xf32, #tpu.memory_space<hbm>>
      %dma_wait3A_714 = tpu.memref_slice %arg11[%dma_wait3A_703] : memref<8x!tpu.dma_semaphore, #tpu.memory_space<semaphore_mem>> -> memref<1x!tpu.dma_semaphore, #tpu.memory_space<semaphore_mem>>
      %dma_wait3A_715 = tpu.memref_squeeze %dma_wait3A_714 : memref<1x!tpu.dma_semaphore, #tpu.memory_space<semaphore_mem>> -> memref<!tpu.dma_semaphore, #tpu.memory_space<semaphore_mem>>
      tpu.wait_indirect_dma semaphore(%dma_wait3A_715 : memref<!tpu.dma_semaphore, #tpu.memory_space<semaphore_mem>>) src(%dma_wait3A_713 : memref<10000x32xf32, #tpu.memory_space<hbm>>) dst(%dma_wait3A_707 : memref<128x32xf32, #tpu.memory_space<vmem>>)
      %dma_start3A_716 = arith.constant 2 : i32
      %dma_start3A_717 = arith.constant 2 : i32
      %dma_start3A_718 = arith.constant 0 : i32
      %dma_start3A_719 = arith.constant 0 : i32
      %dma_start3A_720 = tpu.memref_slice %arg8[%dma_start3A_716, %dma_start3A_718, %dma_start3A_719] : memref<8x128x32xf32, #tpu.memory_space<vmem>> -> memref<1x128x32xf32, #tpu.memory_space<vmem>>
      %dma_start3A_721 = tpu.memref_squeeze %dma_start3A_720 : memref<1x128x32xf32, #tpu.memory_space<vmem>> -> memref<128x32xf32, #tpu.memory_space<vmem>>
      %dma_start3A_722 = arith.constant 0 : i32
      %dma_start3A_723 = tpu.memref_slice %arg7[%add3A_682, %dma_start3A_722] : memref<80x128xi32, #tpu.memory_space<vmem>> -> memref<1x128xi32, #tpu.memory_space<vmem>>
      %dma_start3A_724 = tpu.memref_squeeze %dma_start3A_723 : memref<1x128xi32, #tpu.memory_space<vmem>> -> memref<128xi32, #tpu.memory_space<vmem>>
      %dma_start3A_725 = arith.constant 0 : i32
      %dma_start3A_726 = arith.constant 0 : i32
      %dma_start3A_727 = tpu.memref_slice %arg10[%dma_start3A_725, %dma_start3A_726] : memref<10112x32xf32, #tpu.memory_space<vmem_shared>> -> memref<10112x32xf32, #tpu.memory_space<vmem_shared>>
      %dma_start3A_728 = tpu.memref_slice %arg12[%dma_start3A_717] : memref<8x!tpu.dma_semaphore, #tpu.memory_space<semaphore_mem>> -> memref<1x!tpu.dma_semaphore, #tpu.memory_space<semaphore_mem>>
      %dma_start3A_729 = tpu.memref_squeeze %dma_start3A_728 : memref<1x!tpu.dma_semaphore, #tpu.memory_space<semaphore_mem>> -> memref<!tpu.dma_semaphore, #tpu.memory_space<semaphore_mem>>
      tpu.enqueue_indirect_dma source(%dma_start3A_721 : memref<128x32xf32, #tpu.memory_space<vmem>>) target(%dma_start3A_727 : memref<10112x32xf32, #tpu.memory_space<vmem_shared>>) offsets(%dma_start3A_724 : memref<128xi32, #tpu.memory_space<vmem>>) semaphore(%dma_start3A_729 : memref<!tpu.dma_semaphore, #tpu.memory_space<semaphore_mem>>) {add = true}
      %mul3A_730 = arith.constant 8 : i32
      %mul3A_731 = arith.muli %add3A_561, %mul3A_730 : i32
      %add3A_732 = arith.constant 3 : i32
      %add3A_733 = arith.addi %mul3A_731, %add3A_732 : i32
      %add3A_734 = arith.constant 4 : i32
      %add3A_735 = arith.addi %add3A_733, %add3A_734 : i32
      %mul3A_736 = arith.constant 8 : i32
      %mul3A_737 = arith.muli %add3A_561, %mul3A_736 : i32
      %add3A_738 = arith.constant 3 : i32
      %add3A_739 = arith.addi %mul3A_737, %add3A_738 : i32
      %gt3A_740 = arith.constant 0 : i32
      %gt3A_741 = arith.cmpi sgt, %add3A_561, %gt3A_740 : i32
      %convert_element_type3A_742 = arith.extui %gt3A_741 : i1 to i32
      %cond3A_743 = arith.constant 0 : i32
      %cond3A_744 = arith.cmpi ne, %convert_element_type3A_742, %cond3A_743 : i32
      scf.if %cond3A_744 {
        %sub3A_1058 = arith.constant 8 : i32
        %sub3A_1059 = arith.subi %add3A_735, %sub3A_1058 : i32
        %dma_wait3A_1060 = arith.constant 7 : i32
        %dma_wait3A_1061 = arith.constant 7 : i32
        %dma_wait3A_1062 = arith.constant 0 : i32
        %dma_wait3A_1063 = arith.constant 0 : i32
        %dma_wait3A_1064 = tpu.memref_slice %arg8[%dma_wait3A_1060, %dma_wait3A_1062, %dma_wait3A_1063] : memref<8x128x32xf32, #tpu.memory_space<vmem>> -> memref<1x128x32xf32, #tpu.memory_space<vmem>>
        %dma_wait3A_1065 = tpu.memref_squeeze %dma_wait3A_1064 : memref<1x128x32xf32, #tpu.memory_space<vmem>> -> memref<128x32xf32, #tpu.memory_space<vmem>>
        %dma_wait3A_1066 = arith.constant 0 : i32
        %dma_wait3A_1067 = tpu.memref_slice %arg7[%sub3A_1059, %dma_wait3A_1066] : memref<80x128xi32, #tpu.memory_space<vmem>> -> memref<1x128xi32, #tpu.memory_space<vmem>>
        %dma_wait3A_1068 = tpu.memref_squeeze %dma_wait3A_1067 : memref<1x128xi32, #tpu.memory_space<vmem>> -> memref<128xi32, #tpu.memory_space<vmem>>
        %dma_wait3A_1069 = arith.constant 0 : i32
        %dma_wait3A_1070 = arith.constant 0 : i32
        %dma_wait3A_1071 = tpu.memref_slice %arg10[%dma_wait3A_1069, %dma_wait3A_1070] : memref<10112x32xf32, #tpu.memory_space<vmem_shared>> -> memref<10112x32xf32, #tpu.memory_space<vmem_shared>>
        %dma_wait3A_1072 = tpu.memref_slice %arg12[%dma_wait3A_1061] : memref<8x!tpu.dma_semaphore, #tpu.memory_space<semaphore_mem>> -> memref<1x!tpu.dma_semaphore, #tpu.memory_space<semaphore_mem>>
        %dma_wait3A_1073 = tpu.memref_squeeze %dma_wait3A_1072 : memref<1x!tpu.dma_semaphore, #tpu.memory_space<semaphore_mem>> -> memref<!tpu.dma_semaphore, #tpu.memory_space<semaphore_mem>>
        tpu.wait_indirect_dma semaphore(%dma_wait3A_1073 : memref<!tpu.dma_semaphore, #tpu.memory_space<semaphore_mem>>) src(%dma_wait3A_1065 : memref<128x32xf32, #tpu.memory_space<vmem>>) dst(%dma_wait3A_1071 : memref<10112x32xf32, #tpu.memory_space<vmem_shared>>)
      } else {
      }
      %dma_start3A_745 = arith.constant 7 : i32
      %dma_start3A_746 = arith.constant 7 : i32
      %dma_start3A_747 = arith.constant 0 : i32
      %dma_start3A_748 = arith.constant 0 : i32
      %dma_start3A_749 = tpu.memref_slice %arg8[%dma_start3A_745, %dma_start3A_747, %dma_start3A_748] : memref<8x128x32xf32, #tpu.memory_space<vmem>> -> memref<1x128x32xf32, #tpu.memory_space<vmem>>
      %dma_start3A_750 = tpu.memref_squeeze %dma_start3A_749 : memref<1x128x32xf32, #tpu.memory_space<vmem>> -> memref<128x32xf32, #tpu.memory_space<vmem>>
      %dma_start3A_751 = arith.constant 0 : i32
      %dma_start3A_752 = tpu.memref_slice %arg6[%add3A_735, %dma_start3A_751] : memref<80x128xi32, #tpu.memory_space<vmem>> -> memref<1x128xi32, #tpu.memory_space<vmem>>
      %dma_start3A_753 = tpu.memref_squeeze %dma_start3A_752 : memref<1x128xi32, #tpu.memory_space<vmem>> -> memref<128xi32, #tpu.memory_space<vmem>>
      %dma_start3A_754 = arith.constant 0 : i32
      %dma_start3A_755 = arith.constant 0 : i32
      %dma_start3A_756 = tpu.memref_slice %arg2[%dma_start3A_754, %dma_start3A_755] : memref<10000x32xf32, #tpu.memory_space<hbm>> -> memref<10000x32xf32, #tpu.memory_space<hbm>>
      %dma_start3A_757 = tpu.memref_slice %arg11[%dma_start3A_746] : memref<8x!tpu.dma_semaphore, #tpu.memory_space<semaphore_mem>> -> memref<1x!tpu.dma_semaphore, #tpu.memory_space<semaphore_mem>>
      %dma_start3A_758 = tpu.memref_squeeze %dma_start3A_757 : memref<1x!tpu.dma_semaphore, #tpu.memory_space<semaphore_mem>> -> memref<!tpu.dma_semaphore, #tpu.memory_space<semaphore_mem>>
      tpu.enqueue_indirect_dma source(%dma_start3A_756 : memref<10000x32xf32, #tpu.memory_space<hbm>>) target(%dma_start3A_750 : memref<128x32xf32, #tpu.memory_space<vmem>>) offsets(%dma_start3A_753 : memref<128xi32, #tpu.memory_space<vmem>>) semaphore(%dma_start3A_758 : memref<!tpu.dma_semaphore, #tpu.memory_space<semaphore_mem>>)
      %dma_wait3A_759 = arith.constant 3 : i32
      %dma_wait3A_760 = arith.constant 3 : i32
      %dma_wait3A_761 = arith.constant 0 : i32
      %dma_wait3A_762 = arith.constant 0 : i32
      %dma_wait3A_763 = tpu.memref_slice %arg8[%dma_wait3A_759, %dma_wait3A_761, %dma_wait3A_762] : memref<8x128x32xf32, #tpu.memory_space<vmem>> -> memref<1x128x32xf32, #tpu.memory_space<vmem>>
      %dma_wait3A_764 = tpu.memref_squeeze %dma_wait3A_763 : memref<1x128x32xf32, #tpu.memory_space<vmem>> -> memref<128x32xf32, #tpu.memory_space<vmem>>
      %dma_wait3A_765 = arith.constant 0 : i32
      %dma_wait3A_766 = tpu.memref_slice %arg6[%add3A_739, %dma_wait3A_765] : memref<80x128xi32, #tpu.memory_space<vmem>> -> memref<1x128xi32, #tpu.memory_space<vmem>>
      %dma_wait3A_767 = tpu.memref_squeeze %dma_wait3A_766 : memref<1x128xi32, #tpu.memory_space<vmem>> -> memref<128xi32, #tpu.memory_space<vmem>>
      %dma_wait3A_768 = arith.constant 0 : i32
      %dma_wait3A_769 = arith.constant 0 : i32
      %dma_wait3A_770 = tpu.memref_slice %arg2[%dma_wait3A_768, %dma_wait3A_769] : memref<10000x32xf32, #tpu.memory_space<hbm>> -> memref<10000x32xf32, #tpu.memory_space<hbm>>
      %dma_wait3A_771 = tpu.memref_slice %arg11[%dma_wait3A_760] : memref<8x!tpu.dma_semaphore, #tpu.memory_space<semaphore_mem>> -> memref<1x!tpu.dma_semaphore, #tpu.memory_space<semaphore_mem>>
      %dma_wait3A_772 = tpu.memref_squeeze %dma_wait3A_771 : memref<1x!tpu.dma_semaphore, #tpu.memory_space<semaphore_mem>> -> memref<!tpu.dma_semaphore, #tpu.memory_space<semaphore_mem>>
      tpu.wait_indirect_dma semaphore(%dma_wait3A_772 : memref<!tpu.dma_semaphore, #tpu.memory_space<semaphore_mem>>) src(%dma_wait3A_770 : memref<10000x32xf32, #tpu.memory_space<hbm>>) dst(%dma_wait3A_764 : memref<128x32xf32, #tpu.memory_space<vmem>>)
      %dma_start3A_773 = arith.constant 3 : i32
      %dma_start3A_774 = arith.constant 3 : i32
      %dma_start3A_775 = arith.constant 0 : i32
      %dma_start3A_776 = arith.constant 0 : i32
      %dma_start3A_777 = tpu.memref_slice %arg8[%dma_start3A_773, %dma_start3A_775, %dma_start3A_776] : memref<8x128x32xf32, #tpu.memory_space<vmem>> -> memref<1x128x32xf32, #tpu.memory_space<vmem>>
      %dma_start3A_778 = tpu.memref_squeeze %dma_start3A_777 : memref<1x128x32xf32, #tpu.memory_space<vmem>> -> memref<128x32xf32, #tpu.memory_space<vmem>>
      %dma_start3A_779 = arith.constant 0 : i32
      %dma_start3A_780 = tpu.memref_slice %arg7[%add3A_739, %dma_start3A_779] : memref<80x128xi32, #tpu.memory_space<vmem>> -> memref<1x128xi32, #tpu.memory_space<vmem>>
      %dma_start3A_781 = tpu.memref_squeeze %dma_start3A_780 : memref<1x128xi32, #tpu.memory_space<vmem>> -> memref<128xi32, #tpu.memory_space<vmem>>
      %dma_start3A_782 = arith.constant 0 : i32
      %dma_start3A_783 = arith.constant 0 : i32
      %dma_start3A_784 = tpu.memref_slice %arg10[%dma_start3A_782, %dma_start3A_783] : memref<10112x32xf32, #tpu.memory_space<vmem_shared>> -> memref<10112x32xf32, #tpu.memory_space<vmem_shared>>
      %dma_start3A_785 = tpu.memref_slice %arg12[%dma_start3A_774] : memref<8x!tpu.dma_semaphore, #tpu.memory_space<semaphore_mem>> -> memref<1x!tpu.dma_semaphore, #tpu.memory_space<semaphore_mem>>
      %dma_start3A_786 = tpu.memref_squeeze %dma_start3A_785 : memref<1x!tpu.dma_semaphore, #tpu.memory_space<semaphore_mem>> -> memref<!tpu.dma_semaphore, #tpu.memory_space<semaphore_mem>>
      tpu.enqueue_indirect_dma source(%dma_start3A_778 : memref<128x32xf32, #tpu.memory_space<vmem>>) target(%dma_start3A_784 : memref<10112x32xf32, #tpu.memory_space<vmem_shared>>) offsets(%dma_start3A_781 : memref<128xi32, #tpu.memory_space<vmem>>) semaphore(%dma_start3A_786 : memref<!tpu.dma_semaphore, #tpu.memory_space<semaphore_mem>>) {add = true}
      %mul3A_787 = arith.constant 8 : i32
      %mul3A_788 = arith.muli %add3A_561, %mul3A_787 : i32
      %add3A_789 = arith.constant 4 : i32
      %add3A_790 = arith.addi %mul3A_788, %add3A_789 : i32
      %add3A_791 = arith.constant 4 : i32
      %add3A_792 = arith.addi %add3A_790, %add3A_791 : i32
      %mul3A_793 = arith.constant 8 : i32
      %mul3A_794 = arith.muli %add3A_561, %mul3A_793 : i32
      %add3A_795 = arith.constant 4 : i32
      %add3A_796 = arith.addi %mul3A_794, %add3A_795 : i32
      %sub3A = arith.constant 8 : i32
      %sub3A_797 = arith.subi %add3A_792, %sub3A : i32
      %dma_wait3A_798 = arith.constant 0 : i32
      %dma_wait3A_799 = arith.constant 0 : i32
      %dma_wait3A_800 = arith.constant 0 : i32
      %dma_wait3A_801 = arith.constant 0 : i32
      %dma_wait3A_802 = tpu.memref_slice %arg8[%dma_wait3A_798, %dma_wait3A_800, %dma_wait3A_801] : memref<8x128x32xf32, #tpu.memory_space<vmem>> -> memref<1x128x32xf32, #tpu.memory_space<vmem>>
      %dma_wait3A_803 = tpu.memref_squeeze %dma_wait3A_802 : memref<1x128x32xf32, #tpu.memory_space<vmem>> -> memref<128x32xf32, #tpu.memory_space<vmem>>
      %dma_wait3A_804 = arith.constant 0 : i32
      %dma_wait3A_805 = tpu.memref_slice %arg7[%sub3A_797, %dma_wait3A_804] : memref<80x128xi32, #tpu.memory_space<vmem>> -> memref<1x128xi32, #tpu.memory_space<vmem>>
      %dma_wait3A_806 = tpu.memref_squeeze %dma_wait3A_805 : memref<1x128xi32, #tpu.memory_space<vmem>> -> memref<128xi32, #tpu.memory_space<vmem>>
      %dma_wait3A_807 = arith.constant 0 : i32
      %dma_wait3A_808 = arith.constant 0 : i32
      %dma_wait3A_809 = tpu.memref_slice %arg10[%dma_wait3A_807, %dma_wait3A_808] : memref<10112x32xf32, #tpu.memory_space<vmem_shared>> -> memref<10112x32xf32, #tpu.memory_space<vmem_shared>>
      %dma_wait3A_810 = tpu.memref_slice %arg12[%dma_wait3A_799] : memref<8x!tpu.dma_semaphore, #tpu.memory_space<semaphore_mem>> -> memref<1x!tpu.dma_semaphore, #tpu.memory_space<semaphore_mem>>
      %dma_wait3A_811 = tpu.memref_squeeze %dma_wait3A_810 : memref<1x!tpu.dma_semaphore, #tpu.memory_space<semaphore_mem>> -> memref<!tpu.dma_semaphore, #tpu.memory_space<semaphore_mem>>
      tpu.wait_indirect_dma semaphore(%dma_wait3A_811 : memref<!tpu.dma_semaphore, #tpu.memory_space<semaphore_mem>>) src(%dma_wait3A_803 : memref<128x32xf32, #tpu.memory_space<vmem>>) dst(%dma_wait3A_809 : memref<10112x32xf32, #tpu.memory_space<vmem_shared>>)
      %dma_start3A_812 = arith.constant 0 : i32
      %dma_start3A_813 = arith.constant 0 : i32
      %dma_start3A_814 = arith.constant 0 : i32
      %dma_start3A_815 = arith.constant 0 : i32
      %dma_start3A_816 = tpu.memref_slice %arg8[%dma_start3A_812, %dma_start3A_814, %dma_start3A_815] : memref<8x128x32xf32, #tpu.memory_space<vmem>> -> memref<1x128x32xf32, #tpu.memory_space<vmem>>
      %dma_start3A_817 = tpu.memref_squeeze %dma_start3A_816 : memref<1x128x32xf32, #tpu.memory_space<vmem>> -> memref<128x32xf32, #tpu.memory_space<vmem>>
      %dma_start3A_818 = arith.constant 0 : i32
      %dma_start3A_819 = tpu.memref_slice %arg6[%add3A_792, %dma_start3A_818] : memref<80x128xi32, #tpu.memory_space<vmem>> -> memref<1x128xi32, #tpu.memory_space<vmem>>
      %dma_start3A_820 = tpu.memref_squeeze %dma_start3A_819 : memref<1x128xi32, #tpu.memory_space<vmem>> -> memref<128xi32, #tpu.memory_space<vmem>>
      %dma_start3A_821 = arith.constant 0 : i32
      %dma_start3A_822 = arith.constant 0 : i32
      %dma_start3A_823 = tpu.memref_slice %arg2[%dma_start3A_821, %dma_start3A_822] : memref<10000x32xf32, #tpu.memory_space<hbm>> -> memref<10000x32xf32, #tpu.memory_space<hbm>>
      %dma_start3A_824 = tpu.memref_slice %arg11[%dma_start3A_813] : memref<8x!tpu.dma_semaphore, #tpu.memory_space<semaphore_mem>> -> memref<1x!tpu.dma_semaphore, #tpu.memory_space<semaphore_mem>>
      %dma_start3A_825 = tpu.memref_squeeze %dma_start3A_824 : memref<1x!tpu.dma_semaphore, #tpu.memory_space<semaphore_mem>> -> memref<!tpu.dma_semaphore, #tpu.memory_space<semaphore_mem>>
      tpu.enqueue_indirect_dma source(%dma_start3A_823 : memref<10000x32xf32, #tpu.memory_space<hbm>>) target(%dma_start3A_817 : memref<128x32xf32, #tpu.memory_space<vmem>>) offsets(%dma_start3A_820 : memref<128xi32, #tpu.memory_space<vmem>>) semaphore(%dma_start3A_825 : memref<!tpu.dma_semaphore, #tpu.memory_space<semaphore_mem>>)
      %dma_wait3A_826 = arith.constant 4 : i32
      %dma_wait3A_827 = arith.constant 4 : i32
      %dma_wait3A_828 = arith.constant 0 : i32
      %dma_wait3A_829 = arith.constant 0 : i32
      %dma_wait3A_830 = tpu.memref_slice %arg8[%dma_wait3A_826, %dma_wait3A_828, %dma_wait3A_829] : memref<8x128x32xf32, #tpu.memory_space<vmem>> -> memref<1x128x32xf32, #tpu.memory_space<vmem>>
      %dma_wait3A_831 = tpu.memref_squeeze %dma_wait3A_830 : memref<1x128x32xf32, #tpu.memory_space<vmem>> -> memref<128x32xf32, #tpu.memory_space<vmem>>
      %dma_wait3A_832 = arith.constant 0 : i32
      %dma_wait3A_833 = tpu.memref_slice %arg6[%add3A_796, %dma_wait3A_832] : memref<80x128xi32, #tpu.memory_space<vmem>> -> memref<1x128xi32, #tpu.memory_space<vmem>>
      %dma_wait3A_834 = tpu.memref_squeeze %dma_wait3A_833 : memref<1x128xi32, #tpu.memory_space<vmem>> -> memref<128xi32, #tpu.memory_space<vmem>>
      %dma_wait3A_835 = arith.constant 0 : i32
      %dma_wait3A_836 = arith.constant 0 : i32
      %dma_wait3A_837 = tpu.memref_slice %arg2[%dma_wait3A_835, %dma_wait3A_836] : memref<10000x32xf32, #tpu.memory_space<hbm>> -> memref<10000x32xf32, #tpu.memory_space<hbm>>
      %dma_wait3A_838 = tpu.memref_slice %arg11[%dma_wait3A_827] : memref<8x!tpu.dma_semaphore, #tpu.memory_space<semaphore_mem>> -> memref<1x!tpu.dma_semaphore, #tpu.memory_space<semaphore_mem>>
      %dma_wait3A_839 = tpu.memref_squeeze %dma_wait3A_838 : memref<1x!tpu.dma_semaphore, #tpu.memory_space<semaphore_mem>> -> memref<!tpu.dma_semaphore, #tpu.memory_space<semaphore_mem>>
      tpu.wait_indirect_dma semaphore(%dma_wait3A_839 : memref<!tpu.dma_semaphore, #tpu.memory_space<semaphore_mem>>) src(%dma_wait3A_837 : memref<10000x32xf32, #tpu.memory_space<hbm>>) dst(%dma_wait3A_831 : memref<128x32xf32, #tpu.memory_space<vmem>>)
      %dma_start3A_840 = arith.constant 4 : i32
      %dma_start3A_841 = arith.constant 4 : i32
      %dma_start3A_842 = arith.constant 0 : i32
      %dma_start3A_843 = arith.constant 0 : i32
      %dma_start3A_844 = tpu.memref_slice %arg8[%dma_start3A_840, %dma_start3A_842, %dma_start3A_843] : memref<8x128x32xf32, #tpu.memory_space<vmem>> -> memref<1x128x32xf32, #tpu.memory_space<vmem>>
      %dma_start3A_845 = tpu.memref_squeeze %dma_start3A_844 : memref<1x128x32xf32, #tpu.memory_space<vmem>> -> memref<128x32xf32, #tpu.memory_space<vmem>>
      %dma_start3A_846 = arith.constant 0 : i32
      %dma_start3A_847 = tpu.memref_slice %arg7[%add3A_796, %dma_start3A_846] : memref<80x128xi32, #tpu.memory_space<vmem>> -> memref<1x128xi32, #tpu.memory_space<vmem>>
      %dma_start3A_848 = tpu.memref_squeeze %dma_start3A_847 : memref<1x128xi32, #tpu.memory_space<vmem>> -> memref<128xi32, #tpu.memory_space<vmem>>
      %dma_start3A_849 = arith.constant 0 : i32
      %dma_start3A_850 = arith.constant 0 : i32
      %dma_start3A_851 = tpu.memref_slice %arg10[%dma_start3A_849, %dma_start3A_850] : memref<10112x32xf32, #tpu.memory_space<vmem_shared>> -> memref<10112x32xf32, #tpu.memory_space<vmem_shared>>
      %dma_start3A_852 = tpu.memref_slice %arg12[%dma_start3A_841] : memref<8x!tpu.dma_semaphore, #tpu.memory_space<semaphore_mem>> -> memref<1x!tpu.dma_semaphore, #tpu.memory_space<semaphore_mem>>
      %dma_start3A_853 = tpu.memref_squeeze %dma_start3A_852 : memref<1x!tpu.dma_semaphore, #tpu.memory_space<semaphore_mem>> -> memref<!tpu.dma_semaphore, #tpu.memory_space<semaphore_mem>>
      tpu.enqueue_indirect_dma source(%dma_start3A_845 : memref<128x32xf32, #tpu.memory_space<vmem>>) target(%dma_start3A_851 : memref<10112x32xf32, #tpu.memory_space<vmem_shared>>) offsets(%dma_start3A_848 : memref<128xi32, #tpu.memory_space<vmem>>) semaphore(%dma_start3A_853 : memref<!tpu.dma_semaphore, #tpu.memory_space<semaphore_mem>>) {add = true}
      %mul3A_854 = arith.constant 8 : i32
      %mul3A_855 = arith.muli %add3A_561, %mul3A_854 : i32
      %add3A_856 = arith.constant 5 : i32
      %add3A_857 = arith.addi %mul3A_855, %add3A_856 : i32
      %add3A_858 = arith.constant 4 : i32
      %add3A_859 = arith.addi %add3A_857, %add3A_858 : i32
      %mul3A_860 = arith.constant 8 : i32
      %mul3A_861 = arith.muli %add3A_561, %mul3A_860 : i32
      %add3A_862 = arith.constant 5 : i32
      %add3A_863 = arith.addi %mul3A_861, %add3A_862 : i32
      %sub3A_864 = arith.constant 8 : i32
      %sub3A_865 = arith.subi %add3A_859, %sub3A_864 : i32
      %dma_wait3A_866 = arith.constant 1 : i32
      %dma_wait3A_867 = arith.constant 1 : i32
      %dma_wait3A_868 = arith.constant 0 : i32
      %dma_wait3A_869 = arith.constant 0 : i32
      %dma_wait3A_870 = tpu.memref_slice %arg8[%dma_wait3A_866, %dma_wait3A_868, %dma_wait3A_869] : memref<8x128x32xf32, #tpu.memory_space<vmem>> -> memref<1x128x32xf32, #tpu.memory_space<vmem>>
      %dma_wait3A_871 = tpu.memref_squeeze %dma_wait3A_870 : memref<1x128x32xf32, #tpu.memory_space<vmem>> -> memref<128x32xf32, #tpu.memory_space<vmem>>
      %dma_wait3A_872 = arith.constant 0 : i32
      %dma_wait3A_873 = tpu.memref_slice %arg7[%sub3A_865, %dma_wait3A_872] : memref<80x128xi32, #tpu.memory_space<vmem>> -> memref<1x128xi32, #tpu.memory_space<vmem>>
      %dma_wait3A_874 = tpu.memref_squeeze %dma_wait3A_873 : memref<1x128xi32, #tpu.memory_space<vmem>> -> memref<128xi32, #tpu.memory_space<vmem>>
      %dma_wait3A_875 = arith.constant 0 : i32
      %dma_wait3A_876 = arith.constant 0 : i32
      %dma_wait3A_877 = tpu.memref_slice %arg10[%dma_wait3A_875, %dma_wait3A_876] : memref<10112x32xf32, #tpu.memory_space<vmem_shared>> -> memref<10112x32xf32, #tpu.memory_space<vmem_shared>>
      %dma_wait3A_878 = tpu.memref_slice %arg12[%dma_wait3A_867] : memref<8x!tpu.dma_semaphore, #tpu.memory_space<semaphore_mem>> -> memref<1x!tpu.dma_semaphore, #tpu.memory_space<semaphore_mem>>
      %dma_wait3A_879 = tpu.memref_squeeze %dma_wait3A_878 : memref<1x!tpu.dma_semaphore, #tpu.memory_space<semaphore_mem>> -> memref<!tpu.dma_semaphore, #tpu.memory_space<semaphore_mem>>
      tpu.wait_indirect_dma semaphore(%dma_wait3A_879 : memref<!tpu.dma_semaphore, #tpu.memory_space<semaphore_mem>>) src(%dma_wait3A_871 : memref<128x32xf32, #tpu.memory_space<vmem>>) dst(%dma_wait3A_877 : memref<10112x32xf32, #tpu.memory_space<vmem_shared>>)
      %dma_start3A_880 = arith.constant 1 : i32
      %dma_start3A_881 = arith.constant 1 : i32
      %dma_start3A_882 = arith.constant 0 : i32
      %dma_start3A_883 = arith.constant 0 : i32
      %dma_start3A_884 = tpu.memref_slice %arg8[%dma_start3A_880, %dma_start3A_882, %dma_start3A_883] : memref<8x128x32xf32, #tpu.memory_space<vmem>> -> memref<1x128x32xf32, #tpu.memory_space<vmem>>
      %dma_start3A_885 = tpu.memref_squeeze %dma_start3A_884 : memref<1x128x32xf32, #tpu.memory_space<vmem>> -> memref<128x32xf32, #tpu.memory_space<vmem>>
      %dma_start3A_886 = arith.constant 0 : i32
      %dma_start3A_887 = tpu.memref_slice %arg6[%add3A_859, %dma_start3A_886] : memref<80x128xi32, #tpu.memory_space<vmem>> -> memref<1x128xi32, #tpu.memory_space<vmem>>
      %dma_start3A_888 = tpu.memref_squeeze %dma_start3A_887 : memref<1x128xi32, #tpu.memory_space<vmem>> -> memref<128xi32, #tpu.memory_space<vmem>>
      %dma_start3A_889 = arith.constant 0 : i32
      %dma_start3A_890 = arith.constant 0 : i32
      %dma_start3A_891 = tpu.memref_slice %arg2[%dma_start3A_889, %dma_start3A_890] : memref<10000x32xf32, #tpu.memory_space<hbm>> -> memref<10000x32xf32, #tpu.memory_space<hbm>>
      %dma_start3A_892 = tpu.memref_slice %arg11[%dma_start3A_881] : memref<8x!tpu.dma_semaphore, #tpu.memory_space<semaphore_mem>> -> memref<1x!tpu.dma_semaphore, #tpu.memory_space<semaphore_mem>>
      %dma_start3A_893 = tpu.memref_squeeze %dma_start3A_892 : memref<1x!tpu.dma_semaphore, #tpu.memory_space<semaphore_mem>> -> memref<!tpu.dma_semaphore, #tpu.memory_space<semaphore_mem>>
      tpu.enqueue_indirect_dma source(%dma_start3A_891 : memref<10000x32xf32, #tpu.memory_space<hbm>>) target(%dma_start3A_885 : memref<128x32xf32, #tpu.memory_space<vmem>>) offsets(%dma_start3A_888 : memref<128xi32, #tpu.memory_space<vmem>>) semaphore(%dma_start3A_893 : memref<!tpu.dma_semaphore, #tpu.memory_space<semaphore_mem>>)
      %dma_wait3A_894 = arith.constant 5 : i32
      %dma_wait3A_895 = arith.constant 5 : i32
      %dma_wait3A_896 = arith.constant 0 : i32
      %dma_wait3A_897 = arith.constant 0 : i32
      %dma_wait3A_898 = tpu.memref_slice %arg8[%dma_wait3A_894, %dma_wait3A_896, %dma_wait3A_897] : memref<8x128x32xf32, #tpu.memory_space<vmem>> -> memref<1x128x32xf32, #tpu.memory_space<vmem>>
      %dma_wait3A_899 = tpu.memref_squeeze %dma_wait3A_898 : memref<1x128x32xf32, #tpu.memory_space<vmem>> -> memref<128x32xf32, #tpu.memory_space<vmem>>
      %dma_wait3A_900 = arith.constant 0 : i32
      %dma_wait3A_901 = tpu.memref_slice %arg6[%add3A_863, %dma_wait3A_900] : memref<80x128xi32, #tpu.memory_space<vmem>> -> memref<1x128xi32, #tpu.memory_space<vmem>>
      %dma_wait3A_902 = tpu.memref_squeeze %dma_wait3A_901 : memref<1x128xi32, #tpu.memory_space<vmem>> -> memref<128xi32, #tpu.memory_space<vmem>>
      %dma_wait3A_903 = arith.constant 0 : i32
      %dma_wait3A_904 = arith.constant 0 : i32
      %dma_wait3A_905 = tpu.memref_slice %arg2[%dma_wait3A_903, %dma_wait3A_904] : memref<10000x32xf32, #tpu.memory_space<hbm>> -> memref<10000x32xf32, #tpu.memory_space<hbm>>
      %dma_wait3A_906 = tpu.memref_slice %arg11[%dma_wait3A_895] : memref<8x!tpu.dma_semaphore, #tpu.memory_space<semaphore_mem>> -> memref<1x!tpu.dma_semaphore, #tpu.memory_space<semaphore_mem>>
      %dma_wait3A_907 = tpu.memref_squeeze %dma_wait3A_906 : memref<1x!tpu.dma_semaphore, #tpu.memory_space<semaphore_mem>> -> memref<!tpu.dma_semaphore, #tpu.memory_space<semaphore_mem>>
      tpu.wait_indirect_dma semaphore(%dma_wait3A_907 : memref<!tpu.dma_semaphore, #tpu.memory_space<semaphore_mem>>) src(%dma_wait3A_905 : memref<10000x32xf32, #tpu.memory_space<hbm>>) dst(%dma_wait3A_899 : memref<128x32xf32, #tpu.memory_space<vmem>>)
      %dma_start3A_908 = arith.constant 5 : i32
      %dma_start3A_909 = arith.constant 5 : i32
      %dma_start3A_910 = arith.constant 0 : i32
      %dma_start3A_911 = arith.constant 0 : i32
      %dma_start3A_912 = tpu.memref_slice %arg8[%dma_start3A_908, %dma_start3A_910, %dma_start3A_911] : memref<8x128x32xf32, #tpu.memory_space<vmem>> -> memref<1x128x32xf32, #tpu.memory_space<vmem>>
      %dma_start3A_913 = tpu.memref_squeeze %dma_start3A_912 : memref<1x128x32xf32, #tpu.memory_space<vmem>> -> memref<128x32xf32, #tpu.memory_space<vmem>>
      %dma_start3A_914 = arith.constant 0 : i32
      %dma_start3A_915 = tpu.memref_slice %arg7[%add3A_863, %dma_start3A_914] : memref<80x128xi32, #tpu.memory_space<vmem>> -> memref<1x128xi32, #tpu.memory_space<vmem>>
      %dma_start3A_916 = tpu.memref_squeeze %dma_start3A_915 : memref<1x128xi32, #tpu.memory_space<vmem>> -> memref<128xi32, #tpu.memory_space<vmem>>
      %dma_start3A_917 = arith.constant 0 : i32
      %dma_start3A_918 = arith.constant 0 : i32
      %dma_start3A_919 = tpu.memref_slice %arg10[%dma_start3A_917, %dma_start3A_918] : memref<10112x32xf32, #tpu.memory_space<vmem_shared>> -> memref<10112x32xf32, #tpu.memory_space<vmem_shared>>
      %dma_start3A_920 = tpu.memref_slice %arg12[%dma_start3A_909] : memref<8x!tpu.dma_semaphore, #tpu.memory_space<semaphore_mem>> -> memref<1x!tpu.dma_semaphore, #tpu.memory_space<semaphore_mem>>
      %dma_start3A_921 = tpu.memref_squeeze %dma_start3A_920 : memref<1x!tpu.dma_semaphore, #tpu.memory_space<semaphore_mem>> -> memref<!tpu.dma_semaphore, #tpu.memory_space<semaphore_mem>>
      tpu.enqueue_indirect_dma source(%dma_start3A_913 : memref<128x32xf32, #tpu.memory_space<vmem>>) target(%dma_start3A_919 : memref<10112x32xf32, #tpu.memory_space<vmem_shared>>) offsets(%dma_start3A_916 : memref<128xi32, #tpu.memory_space<vmem>>) semaphore(%dma_start3A_921 : memref<!tpu.dma_semaphore, #tpu.memory_space<semaphore_mem>>) {add = true}
      %mul3A_922 = arith.constant 8 : i32
      %mul3A_923 = arith.muli %add3A_561, %mul3A_922 : i32
      %add3A_924 = arith.constant 6 : i32
      %add3A_925 = arith.addi %mul3A_923, %add3A_924 : i32
      %add3A_926 = arith.constant 4 : i32
      %add3A_927 = arith.addi %add3A_925, %add3A_926 : i32
      %mul3A_928 = arith.constant 8 : i32
      %mul3A_929 = arith.muli %add3A_561, %mul3A_928 : i32
      %add3A_930 = arith.constant 6 : i32
      %add3A_931 = arith.addi %mul3A_929, %add3A_930 : i32
      %sub3A_932 = arith.constant 8 : i32
      %sub3A_933 = arith.subi %add3A_927, %sub3A_932 : i32
      %dma_wait3A_934 = arith.constant 2 : i32
      %dma_wait3A_935 = arith.constant 2 : i32
      %dma_wait3A_936 = arith.constant 0 : i32
      %dma_wait3A_937 = arith.constant 0 : i32
      %dma_wait3A_938 = tpu.memref_slice %arg8[%dma_wait3A_934, %dma_wait3A_936, %dma_wait3A_937] : memref<8x128x32xf32, #tpu.memory_space<vmem>> -> memref<1x128x32xf32, #tpu.memory_space<vmem>>
      %dma_wait3A_939 = tpu.memref_squeeze %dma_wait3A_938 : memref<1x128x32xf32, #tpu.memory_space<vmem>> -> memref<128x32xf32, #tpu.memory_space<vmem>>
      %dma_wait3A_940 = arith.constant 0 : i32
      %dma_wait3A_941 = tpu.memref_slice %arg7[%sub3A_933, %dma_wait3A_940] : memref<80x128xi32, #tpu.memory_space<vmem>> -> memref<1x128xi32, #tpu.memory_space<vmem>>
      %dma_wait3A_942 = tpu.memref_squeeze %dma_wait3A_941 : memref<1x128xi32, #tpu.memory_space<vmem>> -> memref<128xi32, #tpu.memory_space<vmem>>
      %dma_wait3A_943 = arith.constant 0 : i32
      %dma_wait3A_944 = arith.constant 0 : i32
      %dma_wait3A_945 = tpu.memref_slice %arg10[%dma_wait3A_943, %dma_wait3A_944] : memref<10112x32xf32, #tpu.memory_space<vmem_shared>> -> memref<10112x32xf32, #tpu.memory_space<vmem_shared>>
      %dma_wait3A_946 = tpu.memref_slice %arg12[%dma_wait3A_935] : memref<8x!tpu.dma_semaphore, #tpu.memory_space<semaphore_mem>> -> memref<1x!tpu.dma_semaphore, #tpu.memory_space<semaphore_mem>>
      %dma_wait3A_947 = tpu.memref_squeeze %dma_wait3A_946 : memref<1x!tpu.dma_semaphore, #tpu.memory_space<semaphore_mem>> -> memref<!tpu.dma_semaphore, #tpu.memory_space<semaphore_mem>>
      tpu.wait_indirect_dma semaphore(%dma_wait3A_947 : memref<!tpu.dma_semaphore, #tpu.memory_space<semaphore_mem>>) src(%dma_wait3A_939 : memref<128x32xf32, #tpu.memory_space<vmem>>) dst(%dma_wait3A_945 : memref<10112x32xf32, #tpu.memory_space<vmem_shared>>)
      %dma_start3A_948 = arith.constant 2 : i32
      %dma_start3A_949 = arith.constant 2 : i32
      %dma_start3A_950 = arith.constant 0 : i32
      %dma_start3A_951 = arith.constant 0 : i32
      %dma_start3A_952 = tpu.memref_slice %arg8[%dma_start3A_948, %dma_start3A_950, %dma_start3A_951] : memref<8x128x32xf32, #tpu.memory_space<vmem>> -> memref<1x128x32xf32, #tpu.memory_space<vmem>>
      %dma_start3A_953 = tpu.memref_squeeze %dma_start3A_952 : memref<1x128x32xf32, #tpu.memory_space<vmem>> -> memref<128x32xf32, #tpu.memory_space<vmem>>
      %dma_start3A_954 = arith.constant 0 : i32
      %dma_start3A_955 = tpu.memref_slice %arg6[%add3A_927, %dma_start3A_954] : memref<80x128xi32, #tpu.memory_space<vmem>> -> memref<1x128xi32, #tpu.memory_space<vmem>>
      %dma_start3A_956 = tpu.memref_squeeze %dma_start3A_955 : memref<1x128xi32, #tpu.memory_space<vmem>> -> memref<128xi32, #tpu.memory_space<vmem>>
      %dma_start3A_957 = arith.constant 0 : i32
      %dma_start3A_958 = arith.constant 0 : i32
      %dma_start3A_959 = tpu.memref_slice %arg2[%dma_start3A_957, %dma_start3A_958] : memref<10000x32xf32, #tpu.memory_space<hbm>> -> memref<10000x32xf32, #tpu.memory_space<hbm>>
      %dma_start3A_960 = tpu.memref_slice %arg11[%dma_start3A_949] : memref<8x!tpu.dma_semaphore, #tpu.memory_space<semaphore_mem>> -> memref<1x!tpu.dma_semaphore, #tpu.memory_space<semaphore_mem>>
      %dma_start3A_961 = tpu.memref_squeeze %dma_start3A_960 : memref<1x!tpu.dma_semaphore, #tpu.memory_space<semaphore_mem>> -> memref<!tpu.dma_semaphore, #tpu.memory_space<semaphore_mem>>
      tpu.enqueue_indirect_dma source(%dma_start3A_959 : memref<10000x32xf32, #tpu.memory_space<hbm>>) target(%dma_start3A_953 : memref<128x32xf32, #tpu.memory_space<vmem>>) offsets(%dma_start3A_956 : memref<128xi32, #tpu.memory_space<vmem>>) semaphore(%dma_start3A_961 : memref<!tpu.dma_semaphore, #tpu.memory_space<semaphore_mem>>)
      %dma_wait3A_962 = arith.constant 6 : i32
      %dma_wait3A_963 = arith.constant 6 : i32
      %dma_wait3A_964 = arith.constant 0 : i32
      %dma_wait3A_965 = arith.constant 0 : i32
      %dma_wait3A_966 = tpu.memref_slice %arg8[%dma_wait3A_962, %dma_wait3A_964, %dma_wait3A_965] : memref<8x128x32xf32, #tpu.memory_space<vmem>> -> memref<1x128x32xf32, #tpu.memory_space<vmem>>
      %dma_wait3A_967 = tpu.memref_squeeze %dma_wait3A_966 : memref<1x128x32xf32, #tpu.memory_space<vmem>> -> memref<128x32xf32, #tpu.memory_space<vmem>>
      %dma_wait3A_968 = arith.constant 0 : i32
      %dma_wait3A_969 = tpu.memref_slice %arg6[%add3A_931, %dma_wait3A_968] : memref<80x128xi32, #tpu.memory_space<vmem>> -> memref<1x128xi32, #tpu.memory_space<vmem>>
      %dma_wait3A_970 = tpu.memref_squeeze %dma_wait3A_969 : memref<1x128xi32, #tpu.memory_space<vmem>> -> memref<128xi32, #tpu.memory_space<vmem>>
      %dma_wait3A_971 = arith.constant 0 : i32
      %dma_wait3A_972 = arith.constant 0 : i32
      %dma_wait3A_973 = tpu.memref_slice %arg2[%dma_wait3A_971, %dma_wait3A_972] : memref<10000x32xf32, #tpu.memory_space<hbm>> -> memref<10000x32xf32, #tpu.memory_space<hbm>>
      %dma_wait3A_974 = tpu.memref_slice %arg11[%dma_wait3A_963] : memref<8x!tpu.dma_semaphore, #tpu.memory_space<semaphore_mem>> -> memref<1x!tpu.dma_semaphore, #tpu.memory_space<semaphore_mem>>
      %dma_wait3A_975 = tpu.memref_squeeze %dma_wait3A_974 : memref<1x!tpu.dma_semaphore, #tpu.memory_space<semaphore_mem>> -> memref<!tpu.dma_semaphore, #tpu.memory_space<semaphore_mem>>
      tpu.wait_indirect_dma semaphore(%dma_wait3A_975 : memref<!tpu.dma_semaphore, #tpu.memory_space<semaphore_mem>>) src(%dma_wait3A_973 : memref<10000x32xf32, #tpu.memory_space<hbm>>) dst(%dma_wait3A_967 : memref<128x32xf32, #tpu.memory_space<vmem>>)
      %dma_start3A_976 = arith.constant 6 : i32
      %dma_start3A_977 = arith.constant 6 : i32
      %dma_start3A_978 = arith.constant 0 : i32
      %dma_start3A_979 = arith.constant 0 : i32
      %dma_start3A_980 = tpu.memref_slice %arg8[%dma_start3A_976, %dma_start3A_978, %dma_start3A_979] : memref<8x128x32xf32, #tpu.memory_space<vmem>> -> memref<1x128x32xf32, #tpu.memory_space<vmem>>
      %dma_start3A_981 = tpu.memref_squeeze %dma_start3A_980 : memref<1x128x32xf32, #tpu.memory_space<vmem>> -> memref<128x32xf32, #tpu.memory_space<vmem>>
      %dma_start3A_982 = arith.constant 0 : i32
      %dma_start3A_983 = tpu.memref_slice %arg7[%add3A_931, %dma_start3A_982] : memref<80x128xi32, #tpu.memory_space<vmem>> -> memref<1x128xi32, #tpu.memory_space<vmem>>
      %dma_start3A_984 = tpu.memref_squeeze %dma_start3A_983 : memref<1x128xi32, #tpu.memory_space<vmem>> -> memref<128xi32, #tpu.memory_space<vmem>>
      %dma_start3A_985 = arith.constant 0 : i32
      %dma_start3A_986 = arith.constant 0 : i32
      %dma_start3A_987 = tpu.memref_slice %arg10[%dma_start3A_985, %dma_start3A_986] : memref<10112x32xf32, #tpu.memory_space<vmem_shared>> -> memref<10112x32xf32, #tpu.memory_space<vmem_shared>>
      %dma_start3A_988 = tpu.memref_slice %arg12[%dma_start3A_977] : memref<8x!tpu.dma_semaphore, #tpu.memory_space<semaphore_mem>> -> memref<1x!tpu.dma_semaphore, #tpu.memory_space<semaphore_mem>>
      %dma_start3A_989 = tpu.memref_squeeze %dma_start3A_988 : memref<1x!tpu.dma_semaphore, #tpu.memory_space<semaphore_mem>> -> memref<!tpu.dma_semaphore, #tpu.memory_space<semaphore_mem>>
      tpu.enqueue_indirect_dma source(%dma_start3A_981 : memref<128x32xf32, #tpu.memory_space<vmem>>) target(%dma_start3A_987 : memref<10112x32xf32, #tpu.memory_space<vmem_shared>>) offsets(%dma_start3A_984 : memref<128xi32, #tpu.memory_space<vmem>>) semaphore(%dma_start3A_989 : memref<!tpu.dma_semaphore, #tpu.memory_space<semaphore_mem>>) {add = true}
      %mul3A_990 = arith.constant 8 : i32
      %mul3A_991 = arith.muli %add3A_561, %mul3A_990 : i32
      %add3A_992 = arith.constant 7 : i32
      %add3A_993 = arith.addi %mul3A_991, %add3A_992 : i32
      %add3A_994 = arith.constant 4 : i32
      %add3A_995 = arith.addi %add3A_993, %add3A_994 : i32
      %mul3A_996 = arith.constant 8 : i32
      %mul3A_997 = arith.muli %add3A_561, %mul3A_996 : i32
      %add3A_998 = arith.constant 7 : i32
      %add3A_999 = arith.addi %mul3A_997, %add3A_998 : i32
      %sub3A_1000 = arith.constant 8 : i32
      %sub3A_1001 = arith.subi %add3A_995, %sub3A_1000 : i32
      %dma_wait3A_1002 = arith.constant 3 : i32
      %dma_wait3A_1003 = arith.constant 3 : i32
      %dma_wait3A_1004 = arith.constant 0 : i32
      %dma_wait3A_1005 = arith.constant 0 : i32
      %dma_wait3A_1006 = tpu.memref_slice %arg8[%dma_wait3A_1002, %dma_wait3A_1004, %dma_wait3A_1005] : memref<8x128x32xf32, #tpu.memory_space<vmem>> -> memref<1x128x32xf32, #tpu.memory_space<vmem>>
      %dma_wait3A_1007 = tpu.memref_squeeze %dma_wait3A_1006 : memref<1x128x32xf32, #tpu.memory_space<vmem>> -> memref<128x32xf32, #tpu.memory_space<vmem>>
      %dma_wait3A_1008 = arith.constant 0 : i32
      %dma_wait3A_1009 = tpu.memref_slice %arg7[%sub3A_1001, %dma_wait3A_1008] : memref<80x128xi32, #tpu.memory_space<vmem>> -> memref<1x128xi32, #tpu.memory_space<vmem>>
      %dma_wait3A_1010 = tpu.memref_squeeze %dma_wait3A_1009 : memref<1x128xi32, #tpu.memory_space<vmem>> -> memref<128xi32, #tpu.memory_space<vmem>>
      %dma_wait3A_1011 = arith.constant 0 : i32
      %dma_wait3A_1012 = arith.constant 0 : i32
      %dma_wait3A_1013 = tpu.memref_slice %arg10[%dma_wait3A_1011, %dma_wait3A_1012] : memref<10112x32xf32, #tpu.memory_space<vmem_shared>> -> memref<10112x32xf32, #tpu.memory_space<vmem_shared>>
      %dma_wait3A_1014 = tpu.memref_slice %arg12[%dma_wait3A_1003] : memref<8x!tpu.dma_semaphore, #tpu.memory_space<semaphore_mem>> -> memref<1x!tpu.dma_semaphore, #tpu.memory_space<semaphore_mem>>
      %dma_wait3A_1015 = tpu.memref_squeeze %dma_wait3A_1014 : memref<1x!tpu.dma_semaphore, #tpu.memory_space<semaphore_mem>> -> memref<!tpu.dma_semaphore, #tpu.memory_space<semaphore_mem>>
      tpu.wait_indirect_dma semaphore(%dma_wait3A_1015 : memref<!tpu.dma_semaphore, #tpu.memory_space<semaphore_mem>>) src(%dma_wait3A_1007 : memref<128x32xf32, #tpu.memory_space<vmem>>) dst(%dma_wait3A_1013 : memref<10112x32xf32, #tpu.memory_space<vmem_shared>>)
      %dma_start3A_1016 = arith.constant 3 : i32
      %dma_start3A_1017 = arith.constant 3 : i32
      %dma_start3A_1018 = arith.constant 0 : i32
      %dma_start3A_1019 = arith.constant 0 : i32
      %dma_start3A_1020 = tpu.memref_slice %arg8[%dma_start3A_1016, %dma_start3A_1018, %dma_start3A_1019] : memref<8x128x32xf32, #tpu.memory_space<vmem>> -> memref<1x128x32xf32, #tpu.memory_space<vmem>>
      %dma_start3A_1021 = tpu.memref_squeeze %dma_start3A_1020 : memref<1x128x32xf32, #tpu.memory_space<vmem>> -> memref<128x32xf32, #tpu.memory_space<vmem>>
      %dma_start3A_1022 = arith.constant 0 : i32
      %dma_start3A_1023 = tpu.memref_slice %arg6[%add3A_995, %dma_start3A_1022] : memref<80x128xi32, #tpu.memory_space<vmem>> -> memref<1x128xi32, #tpu.memory_space<vmem>>
      %dma_start3A_1024 = tpu.memref_squeeze %dma_start3A_1023 : memref<1x128xi32, #tpu.memory_space<vmem>> -> memref<128xi32, #tpu.memory_space<vmem>>
      %dma_start3A_1025 = arith.constant 0 : i32
      %dma_start3A_1026 = arith.constant 0 : i32
      %dma_start3A_1027 = tpu.memref_slice %arg2[%dma_start3A_1025, %dma_start3A_1026] : memref<10000x32xf32, #tpu.memory_space<hbm>> -> memref<10000x32xf32, #tpu.memory_space<hbm>>
      %dma_start3A_1028 = tpu.memref_slice %arg11[%dma_start3A_1017] : memref<8x!tpu.dma_semaphore, #tpu.memory_space<semaphore_mem>> -> memref<1x!tpu.dma_semaphore, #tpu.memory_space<semaphore_mem>>
      %dma_start3A_1029 = tpu.memref_squeeze %dma_start3A_1028 : memref<1x!tpu.dma_semaphore, #tpu.memory_space<semaphore_mem>> -> memref<!tpu.dma_semaphore, #tpu.memory_space<semaphore_mem>>
      tpu.enqueue_indirect_dma source(%dma_start3A_1027 : memref<10000x32xf32, #tpu.memory_space<hbm>>) target(%dma_start3A_1021 : memref<128x32xf32, #tpu.memory_space<vmem>>) offsets(%dma_start3A_1024 : memref<128xi32, #tpu.memory_space<vmem>>) semaphore(%dma_start3A_1029 : memref<!tpu.dma_semaphore, #tpu.memory_space<semaphore_mem>>)
      %dma_wait3A_1030 = arith.constant 7 : i32
      %dma_wait3A_1031 = arith.constant 7 : i32
      %dma_wait3A_1032 = arith.constant 0 : i32
      %dma_wait3A_1033 = arith.constant 0 : i32
      %dma_wait3A_1034 = tpu.memref_slice %arg8[%dma_wait3A_1030, %dma_wait3A_1032, %dma_wait3A_1033] : memref<8x128x32xf32, #tpu.memory_space<vmem>> -> memref<1x128x32xf32, #tpu.memory_space<vmem>>
      %dma_wait3A_1035 = tpu.memref_squeeze %dma_wait3A_1034 : memref<1x128x32xf32, #tpu.memory_space<vmem>> -> memref<128x32xf32, #tpu.memory_space<vmem>>
      %dma_wait3A_1036 = arith.constant 0 : i32
      %dma_wait3A_1037 = tpu.memref_slice %arg6[%add3A_999, %dma_wait3A_1036] : memref<80x128xi32, #tpu.memory_space<vmem>> -> memref<1x128xi32, #tpu.memory_space<vmem>>
      %dma_wait3A_1038 = tpu.memref_squeeze %dma_wait3A_1037 : memref<1x128xi32, #tpu.memory_space<vmem>> -> memref<128xi32, #tpu.memory_space<vmem>>
      %dma_wait3A_1039 = arith.constant 0 : i32
      %dma_wait3A_1040 = arith.constant 0 : i32
      %dma_wait3A_1041 = tpu.memref_slice %arg2[%dma_wait3A_1039, %dma_wait3A_1040] : memref<10000x32xf32, #tpu.memory_space<hbm>> -> memref<10000x32xf32, #tpu.memory_space<hbm>>
      %dma_wait3A_1042 = tpu.memref_slice %arg11[%dma_wait3A_1031] : memref<8x!tpu.dma_semaphore, #tpu.memory_space<semaphore_mem>> -> memref<1x!tpu.dma_semaphore, #tpu.memory_space<semaphore_mem>>
      %dma_wait3A_1043 = tpu.memref_squeeze %dma_wait3A_1042 : memref<1x!tpu.dma_semaphore, #tpu.memory_space<semaphore_mem>> -> memref<!tpu.dma_semaphore, #tpu.memory_space<semaphore_mem>>
      tpu.wait_indirect_dma semaphore(%dma_wait3A_1043 : memref<!tpu.dma_semaphore, #tpu.memory_space<semaphore_mem>>) src(%dma_wait3A_1041 : memref<10000x32xf32, #tpu.memory_space<hbm>>) dst(%dma_wait3A_1035 : memref<128x32xf32, #tpu.memory_space<vmem>>)
      %dma_start3A_1044 = arith.constant 7 : i32
      %dma_start3A_1045 = arith.constant 7 : i32
      %dma_start3A_1046 = arith.constant 0 : i32
      %dma_start3A_1047 = arith.constant 0 : i32
      %dma_start3A_1048 = tpu.memref_slice %arg8[%dma_start3A_1044, %dma_start3A_1046, %dma_start3A_1047] : memref<8x128x32xf32, #tpu.memory_space<vmem>> -> memref<1x128x32xf32, #tpu.memory_space<vmem>>
      %dma_start3A_1049 = tpu.memref_squeeze %dma_start3A_1048 : memref<1x128x32xf32, #tpu.memory_space<vmem>> -> memref<128x32xf32, #tpu.memory_space<vmem>>
      %dma_start3A_1050 = arith.constant 0 : i32
      %dma_start3A_1051 = tpu.memref_slice %arg7[%add3A_999, %dma_start3A_1050] : memref<80x128xi32, #tpu.memory_space<vmem>> -> memref<1x128xi32, #tpu.memory_space<vmem>>
      %dma_start3A_1052 = tpu.memref_squeeze %dma_start3A_1051 : memref<1x128xi32, #tpu.memory_space<vmem>> -> memref<128xi32, #tpu.memory_space<vmem>>
      %dma_start3A_1053 = arith.constant 0 : i32
      %dma_start3A_1054 = arith.constant 0 : i32
      %dma_start3A_1055 = tpu.memref_slice %arg10[%dma_start3A_1053, %dma_start3A_1054] : memref<10112x32xf32, #tpu.memory_space<vmem_shared>> -> memref<10112x32xf32, #tpu.memory_space<vmem_shared>>
      %dma_start3A_1056 = tpu.memref_slice %arg12[%dma_start3A_1045] : memref<8x!tpu.dma_semaphore, #tpu.memory_space<semaphore_mem>> -> memref<1x!tpu.dma_semaphore, #tpu.memory_space<semaphore_mem>>
      %dma_start3A_1057 = tpu.memref_squeeze %dma_start3A_1056 : memref<1x!tpu.dma_semaphore, #tpu.memory_space<semaphore_mem>> -> memref<!tpu.dma_semaphore, #tpu.memory_space<semaphore_mem>>
      tpu.enqueue_indirect_dma source(%dma_start3A_1049 : memref<128x32xf32, #tpu.memory_space<vmem>>) target(%dma_start3A_1055 : memref<10112x32xf32, #tpu.memory_space<vmem_shared>>) offsets(%dma_start3A_1052 : memref<128xi32, #tpu.memory_space<vmem>>) semaphore(%dma_start3A_1057 : memref<!tpu.dma_semaphore, #tpu.memory_space<semaphore_mem>>) {add = true}
    }
    %scan3A_74 = arith.constant 9 : i32
    %dma_wait3A = arith.constant 4 : i32
    %dma_wait3A_75 = arith.constant 68 : i32
    %dma_wait3A_76 = arith.constant 4 : i32
    %dma_wait3A_77 = arith.constant 0 : i32
    %dma_wait3A_78 = arith.constant 0 : i32
    %dma_wait3A_79 = tpu.memref_slice %arg8[%dma_wait3A, %dma_wait3A_77, %dma_wait3A_78] : memref<8x128x32xf32, #tpu.memory_space<vmem>> -> memref<1x128x32xf32, #tpu.memory_space<vmem>>
    %dma_wait3A_80 = tpu.memref_squeeze %dma_wait3A_79 : memref<1x128x32xf32, #tpu.memory_space<vmem>> -> memref<128x32xf32, #tpu.memory_space<vmem>>
    %dma_wait3A_81 = arith.constant 0 : i32
    %dma_wait3A_82 = tpu.memref_slice %arg7[%dma_wait3A_75, %dma_wait3A_81] : memref<80x128xi32, #tpu.memory_space<vmem>> -> memref<1x128xi32, #tpu.memory_space<vmem>>
    %dma_wait3A_83 = tpu.memref_squeeze %dma_wait3A_82 : memref<1x128xi32, #tpu.memory_space<vmem>> -> memref<128xi32, #tpu.memory_space<vmem>>
    %dma_wait3A_84 = arith.constant 0 : i32
    %dma_wait3A_85 = arith.constant 0 : i32
    %dma_wait3A_86 = tpu.memref_slice %arg10[%dma_wait3A_84, %dma_wait3A_85] : memref<10112x32xf32, #tpu.memory_space<vmem_shared>> -> memref<10112x32xf32, #tpu.memory_space<vmem_shared>>
    %dma_wait3A_87 = tpu.memref_slice %arg12[%dma_wait3A_76] : memref<8x!tpu.dma_semaphore, #tpu.memory_space<semaphore_mem>> -> memref<1x!tpu.dma_semaphore, #tpu.memory_space<semaphore_mem>>
    %dma_wait3A_88 = tpu.memref_squeeze %dma_wait3A_87 : memref<1x!tpu.dma_semaphore, #tpu.memory_space<semaphore_mem>> -> memref<!tpu.dma_semaphore, #tpu.memory_space<semaphore_mem>>
    tpu.wait_indirect_dma semaphore(%dma_wait3A_88 : memref<!tpu.dma_semaphore, #tpu.memory_space<semaphore_mem>>) src(%dma_wait3A_80 : memref<128x32xf32, #tpu.memory_space<vmem>>) dst(%dma_wait3A_86 : memref<10112x32xf32, #tpu.memory_space<vmem_shared>>)
    %dma_start3A_89 = arith.constant 76 : i32
    %dma_start3A_90 = arith.constant 4 : i32
    %dma_start3A_91 = arith.constant 4 : i32
    %dma_start3A_92 = arith.constant 0 : i32
    %dma_start3A_93 = arith.constant 0 : i32
    %dma_start3A_94 = tpu.memref_slice %arg8[%dma_start3A_90, %dma_start3A_92, %dma_start3A_93] : memref<8x128x32xf32, #tpu.memory_space<vmem>> -> memref<1x128x32xf32, #tpu.memory_space<vmem>>
    %dma_start3A_95 = tpu.memref_squeeze %dma_start3A_94 : memref<1x128x32xf32, #tpu.memory_space<vmem>> -> memref<128x32xf32, #tpu.memory_space<vmem>>
    %dma_start3A_96 = arith.constant 0 : i32
    %dma_start3A_97 = tpu.memref_slice %arg6[%dma_start3A_89, %dma_start3A_96] : memref<80x128xi32, #tpu.memory_space<vmem>> -> memref<1x128xi32, #tpu.memory_space<vmem>>
    %dma_start3A_98 = tpu.memref_squeeze %dma_start3A_97 : memref<1x128xi32, #tpu.memory_space<vmem>> -> memref<128xi32, #tpu.memory_space<vmem>>
    %dma_start3A_99 = arith.constant 0 : i32
    %dma_start3A_100 = arith.constant 0 : i32
    %dma_start3A_101 = tpu.memref_slice %arg2[%dma_start3A_99, %dma_start3A_100] : memref<10000x32xf32, #tpu.memory_space<hbm>> -> memref<10000x32xf32, #tpu.memory_space<hbm>>
    %dma_start3A_102 = tpu.memref_slice %arg11[%dma_start3A_91] : memref<8x!tpu.dma_semaphore, #tpu.memory_space<semaphore_mem>> -> memref<1x!tpu.dma_semaphore, #tpu.memory_space<semaphore_mem>>
    %dma_start3A_103 = tpu.memref_squeeze %dma_start3A_102 : memref<1x!tpu.dma_semaphore, #tpu.memory_space<semaphore_mem>> -> memref<!tpu.dma_semaphore, #tpu.memory_space<semaphore_mem>>
    tpu.enqueue_indirect_dma source(%dma_start3A_101 : memref<10000x32xf32, #tpu.memory_space<hbm>>) target(%dma_start3A_95 : memref<128x32xf32, #tpu.memory_space<vmem>>) offsets(%dma_start3A_98 : memref<128xi32, #tpu.memory_space<vmem>>) semaphore(%dma_start3A_103 : memref<!tpu.dma_semaphore, #tpu.memory_space<semaphore_mem>>)
    %dma_wait3A_104 = arith.constant 5 : i32
    %dma_wait3A_105 = arith.constant 69 : i32
    %dma_wait3A_106 = arith.constant 5 : i32
    %dma_wait3A_107 = arith.constant 0 : i32
    %dma_wait3A_108 = arith.constant 0 : i32
    %dma_wait3A_109 = tpu.memref_slice %arg8[%dma_wait3A_104, %dma_wait3A_107, %dma_wait3A_108] : memref<8x128x32xf32, #tpu.memory_space<vmem>> -> memref<1x128x32xf32, #tpu.memory_space<vmem>>
    %dma_wait3A_110 = tpu.memref_squeeze %dma_wait3A_109 : memref<1x128x32xf32, #tpu.memory_space<vmem>> -> memref<128x32xf32, #tpu.memory_space<vmem>>
    %dma_wait3A_111 = arith.constant 0 : i32
    %dma_wait3A_112 = tpu.memref_slice %arg7[%dma_wait3A_105, %dma_wait3A_111] : memref<80x128xi32, #tpu.memory_space<vmem>> -> memref<1x128xi32, #tpu.memory_space<vmem>>
    %dma_wait3A_113 = tpu.memref_squeeze %dma_wait3A_112 : memref<1x128xi32, #tpu.memory_space<vmem>> -> memref<128xi32, #tpu.memory_space<vmem>>
    %dma_wait3A_114 = arith.constant 0 : i32
    %dma_wait3A_115 = arith.constant 0 : i32
    %dma_wait3A_116 = tpu.memref_slice %arg10[%dma_wait3A_114, %dma_wait3A_115] : memref<10112x32xf32, #tpu.memory_space<vmem_shared>> -> memref<10112x32xf32, #tpu.memory_space<vmem_shared>>
    %dma_wait3A_117 = tpu.memref_slice %arg12[%dma_wait3A_106] : memref<8x!tpu.dma_semaphore, #tpu.memory_space<semaphore_mem>> -> memref<1x!tpu.dma_semaphore, #tpu.memory_space<semaphore_mem>>
    %dma_wait3A_118 = tpu.memref_squeeze %dma_wait3A_117 : memref<1x!tpu.dma_semaphore, #tpu.memory_space<semaphore_mem>> -> memref<!tpu.dma_semaphore, #tpu.memory_space<semaphore_mem>>
    tpu.wait_indirect_dma semaphore(%dma_wait3A_118 : memref<!tpu.dma_semaphore, #tpu.memory_space<semaphore_mem>>) src(%dma_wait3A_110 : memref<128x32xf32, #tpu.memory_space<vmem>>) dst(%dma_wait3A_116 : memref<10112x32xf32, #tpu.memory_space<vmem_shared>>)
    %dma_start3A_119 = arith.constant 77 : i32
    %dma_start3A_120 = arith.constant 5 : i32
    %dma_start3A_121 = arith.constant 5 : i32
    %dma_start3A_122 = arith.constant 0 : i32
    %dma_start3A_123 = arith.constant 0 : i32
    %dma_start3A_124 = tpu.memref_slice %arg8[%dma_start3A_120, %dma_start3A_122, %dma_start3A_123] : memref<8x128x32xf32, #tpu.memory_space<vmem>> -> memref<1x128x32xf32, #tpu.memory_space<vmem>>
    %dma_start3A_125 = tpu.memref_squeeze %dma_start3A_124 : memref<1x128x32xf32, #tpu.memory_space<vmem>> -> memref<128x32xf32, #tpu.memory_space<vmem>>
    %dma_start3A_126 = arith.constant 0 : i32
    %dma_start3A_127 = tpu.memref_slice %arg6[%dma_start3A_119, %dma_start3A_126] : memref<80x128xi32, #tpu.memory_space<vmem>> -> memref<1x128xi32, #tpu.memory_space<vmem>>
    %dma_start3A_128 = tpu.memref_squeeze %dma_start3A_127 : memref<1x128xi32, #tpu.memory_space<vmem>> -> memref<128xi32, #tpu.memory_space<vmem>>
    %dma_start3A_129 = arith.constant 0 : i32
    %dma_start3A_130 = arith.constant 0 : i32
    %dma_start3A_131 = tpu.memref_slice %arg2[%dma_start3A_129, %dma_start3A_130] : memref<10000x32xf32, #tpu.memory_space<hbm>> -> memref<10000x32xf32, #tpu.memory_space<hbm>>
    %dma_start3A_132 = tpu.memref_slice %arg11[%dma_start3A_121] : memref<8x!tpu.dma_semaphore, #tpu.memory_space<semaphore_mem>> -> memref<1x!tpu.dma_semaphore, #tpu.memory_space<semaphore_mem>>
    %dma_start3A_133 = tpu.memref_squeeze %dma_start3A_132 : memref<1x!tpu.dma_semaphore, #tpu.memory_space<semaphore_mem>> -> memref<!tpu.dma_semaphore, #tpu.memory_space<semaphore_mem>>
    tpu.enqueue_indirect_dma source(%dma_start3A_131 : memref<10000x32xf32, #tpu.memory_space<hbm>>) target(%dma_start3A_125 : memref<128x32xf32, #tpu.memory_space<vmem>>) offsets(%dma_start3A_128 : memref<128xi32, #tpu.memory_space<vmem>>) semaphore(%dma_start3A_133 : memref<!tpu.dma_semaphore, #tpu.memory_space<semaphore_mem>>)
    %dma_wait3A_134 = arith.constant 6 : i32
    %dma_wait3A_135 = arith.constant 70 : i32
    %dma_wait3A_136 = arith.constant 6 : i32
    %dma_wait3A_137 = arith.constant 0 : i32
    %dma_wait3A_138 = arith.constant 0 : i32
    %dma_wait3A_139 = tpu.memref_slice %arg8[%dma_wait3A_134, %dma_wait3A_137, %dma_wait3A_138] : memref<8x128x32xf32, #tpu.memory_space<vmem>> -> memref<1x128x32xf32, #tpu.memory_space<vmem>>
    %dma_wait3A_140 = tpu.memref_squeeze %dma_wait3A_139 : memref<1x128x32xf32, #tpu.memory_space<vmem>> -> memref<128x32xf32, #tpu.memory_space<vmem>>
    %dma_wait3A_141 = arith.constant 0 : i32
    %dma_wait3A_142 = tpu.memref_slice %arg7[%dma_wait3A_135, %dma_wait3A_141] : memref<80x128xi32, #tpu.memory_space<vmem>> -> memref<1x128xi32, #tpu.memory_space<vmem>>
    %dma_wait3A_143 = tpu.memref_squeeze %dma_wait3A_142 : memref<1x128xi32, #tpu.memory_space<vmem>> -> memref<128xi32, #tpu.memory_space<vmem>>
    %dma_wait3A_144 = arith.constant 0 : i32
    %dma_wait3A_145 = arith.constant 0 : i32
    %dma_wait3A_146 = tpu.memref_slice %arg10[%dma_wait3A_144, %dma_wait3A_145] : memref<10112x32xf32, #tpu.memory_space<vmem_shared>> -> memref<10112x32xf32, #tpu.memory_space<vmem_shared>>
    %dma_wait3A_147 = tpu.memref_slice %arg12[%dma_wait3A_136] : memref<8x!tpu.dma_semaphore, #tpu.memory_space<semaphore_mem>> -> memref<1x!tpu.dma_semaphore, #tpu.memory_space<semaphore_mem>>
    %dma_wait3A_148 = tpu.memref_squeeze %dma_wait3A_147 : memref<1x!tpu.dma_semaphore, #tpu.memory_space<semaphore_mem>> -> memref<!tpu.dma_semaphore, #tpu.memory_space<semaphore_mem>>
    tpu.wait_indirect_dma semaphore(%dma_wait3A_148 : memref<!tpu.dma_semaphore, #tpu.memory_space<semaphore_mem>>) src(%dma_wait3A_140 : memref<128x32xf32, #tpu.memory_space<vmem>>) dst(%dma_wait3A_146 : memref<10112x32xf32, #tpu.memory_space<vmem_shared>>)
    %dma_start3A_149 = arith.constant 78 : i32
    %dma_start3A_150 = arith.constant 6 : i32
    %dma_start3A_151 = arith.constant 6 : i32
    %dma_start3A_152 = arith.constant 0 : i32
    %dma_start3A_153 = arith.constant 0 : i32
    %dma_start3A_154 = tpu.memref_slice %arg8[%dma_start3A_150, %dma_start3A_152, %dma_start3A_153] : memref<8x128x32xf32, #tpu.memory_space<vmem>> -> memref<1x128x32xf32, #tpu.memory_space<vmem>>
    %dma_start3A_155 = tpu.memref_squeeze %dma_start3A_154 : memref<1x128x32xf32, #tpu.memory_space<vmem>> -> memref<128x32xf32, #tpu.memory_space<vmem>>
    %dma_start3A_156 = arith.constant 0 : i32
    %dma_start3A_157 = tpu.memref_slice %arg6[%dma_start3A_149, %dma_start3A_156] : memref<80x128xi32, #tpu.memory_space<vmem>> -> memref<1x128xi32, #tpu.memory_space<vmem>>
    %dma_start3A_158 = tpu.memref_squeeze %dma_start3A_157 : memref<1x128xi32, #tpu.memory_space<vmem>> -> memref<128xi32, #tpu.memory_space<vmem>>
    %dma_start3A_159 = arith.constant 0 : i32
    %dma_start3A_160 = arith.constant 0 : i32
    %dma_start3A_161 = tpu.memref_slice %arg2[%dma_start3A_159, %dma_start3A_160] : memref<10000x32xf32, #tpu.memory_space<hbm>> -> memref<10000x32xf32, #tpu.memory_space<hbm>>
    %dma_start3A_162 = tpu.memref_slice %arg11[%dma_start3A_151] : memref<8x!tpu.dma_semaphore, #tpu.memory_space<semaphore_mem>> -> memref<1x!tpu.dma_semaphore, #tpu.memory_space<semaphore_mem>>
    %dma_start3A_163 = tpu.memref_squeeze %dma_start3A_162 : memref<1x!tpu.dma_semaphore, #tpu.memory_space<semaphore_mem>> -> memref<!tpu.dma_semaphore, #tpu.memory_space<semaphore_mem>>
    tpu.enqueue_indirect_dma source(%dma_start3A_161 : memref<10000x32xf32, #tpu.memory_space<hbm>>) target(%dma_start3A_155 : memref<128x32xf32, #tpu.memory_space<vmem>>) offsets(%dma_start3A_158 : memref<128xi32, #tpu.memory_space<vmem>>) semaphore(%dma_start3A_163 : memref<!tpu.dma_semaphore, #tpu.memory_space<semaphore_mem>>)
    %dma_wait3A_164 = arith.constant 7 : i32
    %dma_wait3A_165 = arith.constant 71 : i32
    %dma_wait3A_166 = arith.constant 7 : i32
    %dma_wait3A_167 = arith.constant 0 : i32
    %dma_wait3A_168 = arith.constant 0 : i32
    %dma_wait3A_169 = tpu.memref_slice %arg8[%dma_wait3A_164, %dma_wait3A_167, %dma_wait3A_168] : memref<8x128x32xf32, #tpu.memory_space<vmem>> -> memref<1x128x32xf32, #tpu.memory_space<vmem>>
    %dma_wait3A_170 = tpu.memref_squeeze %dma_wait3A_169 : memref<1x128x32xf32, #tpu.memory_space<vmem>> -> memref<128x32xf32, #tpu.memory_space<vmem>>
    %dma_wait3A_171 = arith.constant 0 : i32
    %dma_wait3A_172 = tpu.memref_slice %arg7[%dma_wait3A_165, %dma_wait3A_171] : memref<80x128xi32, #tpu.memory_space<vmem>> -> memref<1x128xi32, #tpu.memory_space<vmem>>
    %dma_wait3A_173 = tpu.memref_squeeze %dma_wait3A_172 : memref<1x128xi32, #tpu.memory_space<vmem>> -> memref<128xi32, #tpu.memory_space<vmem>>
    %dma_wait3A_174 = arith.constant 0 : i32
    %dma_wait3A_175 = arith.constant 0 : i32
    %dma_wait3A_176 = tpu.memref_slice %arg10[%dma_wait3A_174, %dma_wait3A_175] : memref<10112x32xf32, #tpu.memory_space<vmem_shared>> -> memref<10112x32xf32, #tpu.memory_space<vmem_shared>>
    %dma_wait3A_177 = tpu.memref_slice %arg12[%dma_wait3A_166] : memref<8x!tpu.dma_semaphore, #tpu.memory_space<semaphore_mem>> -> memref<1x!tpu.dma_semaphore, #tpu.memory_space<semaphore_mem>>
    %dma_wait3A_178 = tpu.memref_squeeze %dma_wait3A_177 : memref<1x!tpu.dma_semaphore, #tpu.memory_space<semaphore_mem>> -> memref<!tpu.dma_semaphore, #tpu.memory_space<semaphore_mem>>
    tpu.wait_indirect_dma semaphore(%dma_wait3A_178 : memref<!tpu.dma_semaphore, #tpu.memory_space<semaphore_mem>>) src(%dma_wait3A_170 : memref<128x32xf32, #tpu.memory_space<vmem>>) dst(%dma_wait3A_176 : memref<10112x32xf32, #tpu.memory_space<vmem_shared>>)
    %dma_start3A_179 = arith.constant 79 : i32
    %dma_start3A_180 = arith.constant 7 : i32
    %dma_start3A_181 = arith.constant 7 : i32
    %dma_start3A_182 = arith.constant 0 : i32
    %dma_start3A_183 = arith.constant 0 : i32
    %dma_start3A_184 = tpu.memref_slice %arg8[%dma_start3A_180, %dma_start3A_182, %dma_start3A_183] : memref<8x128x32xf32, #tpu.memory_space<vmem>> -> memref<1x128x32xf32, #tpu.memory_space<vmem>>
    %dma_start3A_185 = tpu.memref_squeeze %dma_start3A_184 : memref<1x128x32xf32, #tpu.memory_space<vmem>> -> memref<128x32xf32, #tpu.memory_space<vmem>>
    %dma_start3A_186 = arith.constant 0 : i32
    %dma_start3A_187 = tpu.memref_slice %arg6[%dma_start3A_179, %dma_start3A_186] : memref<80x128xi32, #tpu.memory_space<vmem>> -> memref<1x128xi32, #tpu.memory_space<vmem>>
    %dma_start3A_188 = tpu.memref_squeeze %dma_start3A_187 : memref<1x128xi32, #tpu.memory_space<vmem>> -> memref<128xi32, #tpu.memory_space<vmem>>
    %dma_start3A_189 = arith.constant 0 : i32
    %dma_start3A_190 = arith.constant 0 : i32
    %dma_start3A_191 = tpu.memref_slice %arg2[%dma_start3A_189, %dma_start3A_190] : memref<10000x32xf32, #tpu.memory_space<hbm>> -> memref<10000x32xf32, #tpu.memory_space<hbm>>
    %dma_start3A_192 = tpu.memref_slice %arg11[%dma_start3A_181] : memref<8x!tpu.dma_semaphore, #tpu.memory_space<semaphore_mem>> -> memref<1x!tpu.dma_semaphore, #tpu.memory_space<semaphore_mem>>
    %dma_start3A_193 = tpu.memref_squeeze %dma_start3A_192 : memref<1x!tpu.dma_semaphore, #tpu.memory_space<semaphore_mem>> -> memref<!tpu.dma_semaphore, #tpu.memory_space<semaphore_mem>>
    tpu.enqueue_indirect_dma source(%dma_start3A_191 : memref<10000x32xf32, #tpu.memory_space<hbm>>) target(%dma_start3A_185 : memref<128x32xf32, #tpu.memory_space<vmem>>) offsets(%dma_start3A_188 : memref<128xi32, #tpu.memory_space<vmem>>) semaphore(%dma_start3A_193 : memref<!tpu.dma_semaphore, #tpu.memory_space<semaphore_mem>>)
    %dma_wait3A_194 = arith.constant 72 : i32
    %dma_wait3A_195 = arith.constant 0 : i32
    %dma_wait3A_196 = arith.constant 0 : i32
    %dma_wait3A_197 = arith.constant 0 : i32
    %dma_wait3A_198 = arith.constant 0 : i32
    %dma_wait3A_199 = tpu.memref_slice %arg8[%dma_wait3A_195, %dma_wait3A_197, %dma_wait3A_198] : memref<8x128x32xf32, #tpu.memory_space<vmem>> -> memref<1x128x32xf32, #tpu.memory_space<vmem>>
    %dma_wait3A_200 = tpu.memref_squeeze %dma_wait3A_199 : memref<1x128x32xf32, #tpu.memory_space<vmem>> -> memref<128x32xf32, #tpu.memory_space<vmem>>
    %dma_wait3A_201 = arith.constant 0 : i32
    %dma_wait3A_202 = tpu.memref_slice %arg6[%dma_wait3A_194, %dma_wait3A_201] : memref<80x128xi32, #tpu.memory_space<vmem>> -> memref<1x128xi32, #tpu.memory_space<vmem>>
    %dma_wait3A_203 = tpu.memref_squeeze %dma_wait3A_202 : memref<1x128xi32, #tpu.memory_space<vmem>> -> memref<128xi32, #tpu.memory_space<vmem>>
    %dma_wait3A_204 = arith.constant 0 : i32
    %dma_wait3A_205 = arith.constant 0 : i32
    %dma_wait3A_206 = tpu.memref_slice %arg2[%dma_wait3A_204, %dma_wait3A_205] : memref<10000x32xf32, #tpu.memory_space<hbm>> -> memref<10000x32xf32, #tpu.memory_space<hbm>>
    %dma_wait3A_207 = tpu.memref_slice %arg11[%dma_wait3A_196] : memref<8x!tpu.dma_semaphore, #tpu.memory_space<semaphore_mem>> -> memref<1x!tpu.dma_semaphore, #tpu.memory_space<semaphore_mem>>
    %dma_wait3A_208 = tpu.memref_squeeze %dma_wait3A_207 : memref<1x!tpu.dma_semaphore, #tpu.memory_space<semaphore_mem>> -> memref<!tpu.dma_semaphore, #tpu.memory_space<semaphore_mem>>
    tpu.wait_indirect_dma semaphore(%dma_wait3A_208 : memref<!tpu.dma_semaphore, #tpu.memory_space<semaphore_mem>>) src(%dma_wait3A_206 : memref<10000x32xf32, #tpu.memory_space<hbm>>) dst(%dma_wait3A_200 : memref<128x32xf32, #tpu.memory_space<vmem>>)
    %dma_start3A_209 = arith.constant 0 : i32
    %dma_start3A_210 = arith.constant 72 : i32
    %dma_start3A_211 = arith.constant 0 : i32
    %dma_start3A_212 = arith.constant 0 : i32
    %dma_start3A_213 = arith.constant 0 : i32
    %dma_start3A_214 = tpu.memref_slice %arg8[%dma_start3A_209, %dma_start3A_212, %dma_start3A_213] : memref<8x128x32xf32, #tpu.memory_space<vmem>> -> memref<1x128x32xf32, #tpu.memory_space<vmem>>
    %dma_start3A_215 = tpu.memref_squeeze %dma_start3A_214 : memref<1x128x32xf32, #tpu.memory_space<vmem>> -> memref<128x32xf32, #tpu.memory_space<vmem>>
    %dma_start3A_216 = arith.constant 0 : i32
    %dma_start3A_217 = tpu.memref_slice %arg7[%dma_start3A_210, %dma_start3A_216] : memref<80x128xi32, #tpu.memory_space<vmem>> -> memref<1x128xi32, #tpu.memory_space<vmem>>
    %dma_start3A_218 = tpu.memref_squeeze %dma_start3A_217 : memref<1x128xi32, #tpu.memory_space<vmem>> -> memref<128xi32, #tpu.memory_space<vmem>>
    %dma_start3A_219 = arith.constant 0 : i32
    %dma_start3A_220 = arith.constant 0 : i32
    %dma_start3A_221 = tpu.memref_slice %arg10[%dma_start3A_219, %dma_start3A_220] : memref<10112x32xf32, #tpu.memory_space<vmem_shared>> -> memref<10112x32xf32, #tpu.memory_space<vmem_shared>>
    %dma_start3A_222 = tpu.memref_slice %arg12[%dma_start3A_211] : memref<8x!tpu.dma_semaphore, #tpu.memory_space<semaphore_mem>> -> memref<1x!tpu.dma_semaphore, #tpu.memory_space<semaphore_mem>>
    %dma_start3A_223 = tpu.memref_squeeze %dma_start3A_222 : memref<1x!tpu.dma_semaphore, #tpu.memory_space<semaphore_mem>> -> memref<!tpu.dma_semaphore, #tpu.memory_space<semaphore_mem>>
    tpu.enqueue_indirect_dma source(%dma_start3A_215 : memref<128x32xf32, #tpu.memory_space<vmem>>) target(%dma_start3A_221 : memref<10112x32xf32, #tpu.memory_space<vmem_shared>>) offsets(%dma_start3A_218 : memref<128xi32, #tpu.memory_space<vmem>>) semaphore(%dma_start3A_223 : memref<!tpu.dma_semaphore, #tpu.memory_space<semaphore_mem>>) {add = true}
    %dma_wait3A_224 = arith.constant 73 : i32
    %dma_wait3A_225 = arith.constant 1 : i32
    %dma_wait3A_226 = arith.constant 1 : i32
    %dma_wait3A_227 = arith.constant 0 : i32
    %dma_wait3A_228 = arith.constant 0 : i32
    %dma_wait3A_229 = tpu.memref_slice %arg8[%dma_wait3A_225, %dma_wait3A_227, %dma_wait3A_228] : memref<8x128x32xf32, #tpu.memory_space<vmem>> -> memref<1x128x32xf32, #tpu.memory_space<vmem>>
    %dma_wait3A_230 = tpu.memref_squeeze %dma_wait3A_229 : memref<1x128x32xf32, #tpu.memory_space<vmem>> -> memref<128x32xf32, #tpu.memory_space<vmem>>
    %dma_wait3A_231 = arith.constant 0 : i32
    %dma_wait3A_232 = tpu.memref_slice %arg6[%dma_wait3A_224, %dma_wait3A_231] : memref<80x128xi32, #tpu.memory_space<vmem>> -> memref<1x128xi32, #tpu.memory_space<vmem>>
    %dma_wait3A_233 = tpu.memref_squeeze %dma_wait3A_232 : memref<1x128xi32, #tpu.memory_space<vmem>> -> memref<128xi32, #tpu.memory_space<vmem>>
    %dma_wait3A_234 = arith.constant 0 : i32
    %dma_wait3A_235 = arith.constant 0 : i32
    %dma_wait3A_236 = tpu.memref_slice %arg2[%dma_wait3A_234, %dma_wait3A_235] : memref<10000x32xf32, #tpu.memory_space<hbm>> -> memref<10000x32xf32, #tpu.memory_space<hbm>>
    %dma_wait3A_237 = tpu.memref_slice %arg11[%dma_wait3A_226] : memref<8x!tpu.dma_semaphore, #tpu.memory_space<semaphore_mem>> -> memref<1x!tpu.dma_semaphore, #tpu.memory_space<semaphore_mem>>
    %dma_wait3A_238 = tpu.memref_squeeze %dma_wait3A_237 : memref<1x!tpu.dma_semaphore, #tpu.memory_space<semaphore_mem>> -> memref<!tpu.dma_semaphore, #tpu.memory_space<semaphore_mem>>
    tpu.wait_indirect_dma semaphore(%dma_wait3A_238 : memref<!tpu.dma_semaphore, #tpu.memory_space<semaphore_mem>>) src(%dma_wait3A_236 : memref<10000x32xf32, #tpu.memory_space<hbm>>) dst(%dma_wait3A_230 : memref<128x32xf32, #tpu.memory_space<vmem>>)
    %dma_start3A_239 = arith.constant 1 : i32
    %dma_start3A_240 = arith.constant 73 : i32
    %dma_start3A_241 = arith.constant 1 : i32
    %dma_start3A_242 = arith.constant 0 : i32
    %dma_start3A_243 = arith.constant 0 : i32
    %dma_start3A_244 = tpu.memref_slice %arg8[%dma_start3A_239, %dma_start3A_242, %dma_start3A_243] : memref<8x128x32xf32, #tpu.memory_space<vmem>> -> memref<1x128x32xf32, #tpu.memory_space<vmem>>
    %dma_start3A_245 = tpu.memref_squeeze %dma_start3A_244 : memref<1x128x32xf32, #tpu.memory_space<vmem>> -> memref<128x32xf32, #tpu.memory_space<vmem>>
    %dma_start3A_246 = arith.constant 0 : i32
    %dma_start3A_247 = tpu.memref_slice %arg7[%dma_start3A_240, %dma_start3A_246] : memref<80x128xi32, #tpu.memory_space<vmem>> -> memref<1x128xi32, #tpu.memory_space<vmem>>
    %dma_start3A_248 = tpu.memref_squeeze %dma_start3A_247 : memref<1x128xi32, #tpu.memory_space<vmem>> -> memref<128xi32, #tpu.memory_space<vmem>>
    %dma_start3A_249 = arith.constant 0 : i32
    %dma_start3A_250 = arith.constant 0 : i32
    %dma_start3A_251 = tpu.memref_slice %arg10[%dma_start3A_249, %dma_start3A_250] : memref<10112x32xf32, #tpu.memory_space<vmem_shared>> -> memref<10112x32xf32, #tpu.memory_space<vmem_shared>>
    %dma_start3A_252 = tpu.memref_slice %arg12[%dma_start3A_241] : memref<8x!tpu.dma_semaphore, #tpu.memory_space<semaphore_mem>> -> memref<1x!tpu.dma_semaphore, #tpu.memory_space<semaphore_mem>>
    %dma_start3A_253 = tpu.memref_squeeze %dma_start3A_252 : memref<1x!tpu.dma_semaphore, #tpu.memory_space<semaphore_mem>> -> memref<!tpu.dma_semaphore, #tpu.memory_space<semaphore_mem>>
    tpu.enqueue_indirect_dma source(%dma_start3A_245 : memref<128x32xf32, #tpu.memory_space<vmem>>) target(%dma_start3A_251 : memref<10112x32xf32, #tpu.memory_space<vmem_shared>>) offsets(%dma_start3A_248 : memref<128xi32, #tpu.memory_space<vmem>>) semaphore(%dma_start3A_253 : memref<!tpu.dma_semaphore, #tpu.memory_space<semaphore_mem>>) {add = true}
    %dma_wait3A_254 = arith.constant 74 : i32
    %dma_wait3A_255 = arith.constant 2 : i32
    %dma_wait3A_256 = arith.constant 2 : i32
    %dma_wait3A_257 = arith.constant 0 : i32
    %dma_wait3A_258 = arith.constant 0 : i32
    %dma_wait3A_259 = tpu.memref_slice %arg8[%dma_wait3A_255, %dma_wait3A_257, %dma_wait3A_258] : memref<8x128x32xf32, #tpu.memory_space<vmem>> -> memref<1x128x32xf32, #tpu.memory_space<vmem>>
    %dma_wait3A_260 = tpu.memref_squeeze %dma_wait3A_259 : memref<1x128x32xf32, #tpu.memory_space<vmem>> -> memref<128x32xf32, #tpu.memory_space<vmem>>
    %dma_wait3A_261 = arith.constant 0 : i32
    %dma_wait3A_262 = tpu.memref_slice %arg6[%dma_wait3A_254, %dma_wait3A_261] : memref<80x128xi32, #tpu.memory_space<vmem>> -> memref<1x128xi32, #tpu.memory_space<vmem>>
    %dma_wait3A_263 = tpu.memref_squeeze %dma_wait3A_262 : memref<1x128xi32, #tpu.memory_space<vmem>> -> memref<128xi32, #tpu.memory_space<vmem>>
    %dma_wait3A_264 = arith.constant 0 : i32
    %dma_wait3A_265 = arith.constant 0 : i32
    %dma_wait3A_266 = tpu.memref_slice %arg2[%dma_wait3A_264, %dma_wait3A_265] : memref<10000x32xf32, #tpu.memory_space<hbm>> -> memref<10000x32xf32, #tpu.memory_space<hbm>>
    %dma_wait3A_267 = tpu.memref_slice %arg11[%dma_wait3A_256] : memref<8x!tpu.dma_semaphore, #tpu.memory_space<semaphore_mem>> -> memref<1x!tpu.dma_semaphore, #tpu.memory_space<semaphore_mem>>
    %dma_wait3A_268 = tpu.memref_squeeze %dma_wait3A_267 : memref<1x!tpu.dma_semaphore, #tpu.memory_space<semaphore_mem>> -> memref<!tpu.dma_semaphore, #tpu.memory_space<semaphore_mem>>
    tpu.wait_indirect_dma semaphore(%dma_wait3A_268 : memref<!tpu.dma_semaphore, #tpu.memory_space<semaphore_mem>>) src(%dma_wait3A_266 : memref<10000x32xf32, #tpu.memory_space<hbm>>) dst(%dma_wait3A_260 : memref<128x32xf32, #tpu.memory_space<vmem>>)
    %dma_start3A_269 = arith.constant 2 : i32
    %dma_start3A_270 = arith.constant 74 : i32
    %dma_start3A_271 = arith.constant 2 : i32
    %dma_start3A_272 = arith.constant 0 : i32
    %dma_start3A_273 = arith.constant 0 : i32
    %dma_start3A_274 = tpu.memref_slice %arg8[%dma_start3A_269, %dma_start3A_272, %dma_start3A_273] : memref<8x128x32xf32, #tpu.memory_space<vmem>> -> memref<1x128x32xf32, #tpu.memory_space<vmem>>
    %dma_start3A_275 = tpu.memref_squeeze %dma_start3A_274 : memref<1x128x32xf32, #tpu.memory_space<vmem>> -> memref<128x32xf32, #tpu.memory_space<vmem>>
    %dma_start3A_276 = arith.constant 0 : i32
    %dma_start3A_277 = tpu.memref_slice %arg7[%dma_start3A_270, %dma_start3A_276] : memref<80x128xi32, #tpu.memory_space<vmem>> -> memref<1x128xi32, #tpu.memory_space<vmem>>
    %dma_start3A_278 = tpu.memref_squeeze %dma_start3A_277 : memref<1x128xi32, #tpu.memory_space<vmem>> -> memref<128xi32, #tpu.memory_space<vmem>>
    %dma_start3A_279 = arith.constant 0 : i32
    %dma_start3A_280 = arith.constant 0 : i32
    %dma_start3A_281 = tpu.memref_slice %arg10[%dma_start3A_279, %dma_start3A_280] : memref<10112x32xf32, #tpu.memory_space<vmem_shared>> -> memref<10112x32xf32, #tpu.memory_space<vmem_shared>>
    %dma_start3A_282 = tpu.memref_slice %arg12[%dma_start3A_271] : memref<8x!tpu.dma_semaphore, #tpu.memory_space<semaphore_mem>> -> memref<1x!tpu.dma_semaphore, #tpu.memory_space<semaphore_mem>>
    %dma_start3A_283 = tpu.memref_squeeze %dma_start3A_282 : memref<1x!tpu.dma_semaphore, #tpu.memory_space<semaphore_mem>> -> memref<!tpu.dma_semaphore, #tpu.memory_space<semaphore_mem>>
    tpu.enqueue_indirect_dma source(%dma_start3A_275 : memref<128x32xf32, #tpu.memory_space<vmem>>) target(%dma_start3A_281 : memref<10112x32xf32, #tpu.memory_space<vmem_shared>>) offsets(%dma_start3A_278 : memref<128xi32, #tpu.memory_space<vmem>>) semaphore(%dma_start3A_283 : memref<!tpu.dma_semaphore, #tpu.memory_space<semaphore_mem>>) {add = true}
    %dma_wait3A_284 = arith.constant 75 : i32
    %dma_wait3A_285 = arith.constant 3 : i32
    %dma_wait3A_286 = arith.constant 3 : i32
    %dma_wait3A_287 = arith.constant 0 : i32
    %dma_wait3A_288 = arith.constant 0 : i32
    %dma_wait3A_289 = tpu.memref_slice %arg8[%dma_wait3A_285, %dma_wait3A_287, %dma_wait3A_288] : memref<8x128x32xf32, #tpu.memory_space<vmem>> -> memref<1x128x32xf32, #tpu.memory_space<vmem>>
    %dma_wait3A_290 = tpu.memref_squeeze %dma_wait3A_289 : memref<1x128x32xf32, #tpu.memory_space<vmem>> -> memref<128x32xf32, #tpu.memory_space<vmem>>
    %dma_wait3A_291 = arith.constant 0 : i32
    %dma_wait3A_292 = tpu.memref_slice %arg6[%dma_wait3A_284, %dma_wait3A_291] : memref<80x128xi32, #tpu.memory_space<vmem>> -> memref<1x128xi32, #tpu.memory_space<vmem>>
    %dma_wait3A_293 = tpu.memref_squeeze %dma_wait3A_292 : memref<1x128xi32, #tpu.memory_space<vmem>> -> memref<128xi32, #tpu.memory_space<vmem>>
    %dma_wait3A_294 = arith.constant 0 : i32
    %dma_wait3A_295 = arith.constant 0 : i32
    %dma_wait3A_296 = tpu.memref_slice %arg2[%dma_wait3A_294, %dma_wait3A_295] : memref<10000x32xf32, #tpu.memory_space<hbm>> -> memref<10000x32xf32, #tpu.memory_space<hbm>>
    %dma_wait3A_297 = tpu.memref_slice %arg11[%dma_wait3A_286] : memref<8x!tpu.dma_semaphore, #tpu.memory_space<semaphore_mem>> -> memref<1x!tpu.dma_semaphore, #tpu.memory_space<semaphore_mem>>
    %dma_wait3A_298 = tpu.memref_squeeze %dma_wait3A_297 : memref<1x!tpu.dma_semaphore, #tpu.memory_space<semaphore_mem>> -> memref<!tpu.dma_semaphore, #tpu.memory_space<semaphore_mem>>
    tpu.wait_indirect_dma semaphore(%dma_wait3A_298 : memref<!tpu.dma_semaphore, #tpu.memory_space<semaphore_mem>>) src(%dma_wait3A_296 : memref<10000x32xf32, #tpu.memory_space<hbm>>) dst(%dma_wait3A_290 : memref<128x32xf32, #tpu.memory_space<vmem>>)
    %dma_start3A_299 = arith.constant 3 : i32
    %dma_start3A_300 = arith.constant 75 : i32
    %dma_start3A_301 = arith.constant 3 : i32
    %dma_start3A_302 = arith.constant 0 : i32
    %dma_start3A_303 = arith.constant 0 : i32
    %dma_start3A_304 = tpu.memref_slice %arg8[%dma_start3A_299, %dma_start3A_302, %dma_start3A_303] : memref<8x128x32xf32, #tpu.memory_space<vmem>> -> memref<1x128x32xf32, #tpu.memory_space<vmem>>
    %dma_start3A_305 = tpu.memref_squeeze %dma_start3A_304 : memref<1x128x32xf32, #tpu.memory_space<vmem>> -> memref<128x32xf32, #tpu.memory_space<vmem>>
    %dma_start3A_306 = arith.constant 0 : i32
    %dma_start3A_307 = tpu.memref_slice %arg7[%dma_start3A_300, %dma_start3A_306] : memref<80x128xi32, #tpu.memory_space<vmem>> -> memref<1x128xi32, #tpu.memory_space<vmem>>
    %dma_start3A_308 = tpu.memref_squeeze %dma_start3A_307 : memref<1x128xi32, #tpu.memory_space<vmem>> -> memref<128xi32, #tpu.memory_space<vmem>>
    %dma_start3A_309 = arith.constant 0 : i32
    %dma_start3A_310 = arith.constant 0 : i32
    %dma_start3A_311 = tpu.memref_slice %arg10[%dma_start3A_309, %dma_start3A_310] : memref<10112x32xf32, #tpu.memory_space<vmem_shared>> -> memref<10112x32xf32, #tpu.memory_space<vmem_shared>>
    %dma_start3A_312 = tpu.memref_slice %arg12[%dma_start3A_301] : memref<8x!tpu.dma_semaphore, #tpu.memory_space<semaphore_mem>> -> memref<1x!tpu.dma_semaphore, #tpu.memory_space<semaphore_mem>>
    %dma_start3A_313 = tpu.memref_squeeze %dma_start3A_312 : memref<1x!tpu.dma_semaphore, #tpu.memory_space<semaphore_mem>> -> memref<!tpu.dma_semaphore, #tpu.memory_space<semaphore_mem>>
    tpu.enqueue_indirect_dma source(%dma_start3A_305 : memref<128x32xf32, #tpu.memory_space<vmem>>) target(%dma_start3A_311 : memref<10112x32xf32, #tpu.memory_space<vmem_shared>>) offsets(%dma_start3A_308 : memref<128xi32, #tpu.memory_space<vmem>>) semaphore(%dma_start3A_313 : memref<!tpu.dma_semaphore, #tpu.memory_space<semaphore_mem>>) {add = true}
    %dma_wait3A_314 = arith.constant 76 : i32
    %dma_wait3A_315 = arith.constant 4 : i32
    %dma_wait3A_316 = arith.constant 4 : i32
    %dma_wait3A_317 = arith.constant 0 : i32
    %dma_wait3A_318 = arith.constant 0 : i32
    %dma_wait3A_319 = tpu.memref_slice %arg8[%dma_wait3A_315, %dma_wait3A_317, %dma_wait3A_318] : memref<8x128x32xf32, #tpu.memory_space<vmem>> -> memref<1x128x32xf32, #tpu.memory_space<vmem>>
    %dma_wait3A_320 = tpu.memref_squeeze %dma_wait3A_319 : memref<1x128x32xf32, #tpu.memory_space<vmem>> -> memref<128x32xf32, #tpu.memory_space<vmem>>
    %dma_wait3A_321 = arith.constant 0 : i32
    %dma_wait3A_322 = tpu.memref_slice %arg6[%dma_wait3A_314, %dma_wait3A_321] : memref<80x128xi32, #tpu.memory_space<vmem>> -> memref<1x128xi32, #tpu.memory_space<vmem>>
    %dma_wait3A_323 = tpu.memref_squeeze %dma_wait3A_322 : memref<1x128xi32, #tpu.memory_space<vmem>> -> memref<128xi32, #tpu.memory_space<vmem>>
    %dma_wait3A_324 = arith.constant 0 : i32
    %dma_wait3A_325 = arith.constant 0 : i32
    %dma_wait3A_326 = tpu.memref_slice %arg2[%dma_wait3A_324, %dma_wait3A_325] : memref<10000x32xf32, #tpu.memory_space<hbm>> -> memref<10000x32xf32, #tpu.memory_space<hbm>>
    %dma_wait3A_327 = tpu.memref_slice %arg11[%dma_wait3A_316] : memref<8x!tpu.dma_semaphore, #tpu.memory_space<semaphore_mem>> -> memref<1x!tpu.dma_semaphore, #tpu.memory_space<semaphore_mem>>
    %dma_wait3A_328 = tpu.memref_squeeze %dma_wait3A_327 : memref<1x!tpu.dma_semaphore, #tpu.memory_space<semaphore_mem>> -> memref<!tpu.dma_semaphore, #tpu.memory_space<semaphore_mem>>
    tpu.wait_indirect_dma semaphore(%dma_wait3A_328 : memref<!tpu.dma_semaphore, #tpu.memory_space<semaphore_mem>>) src(%dma_wait3A_326 : memref<10000x32xf32, #tpu.memory_space<hbm>>) dst(%dma_wait3A_320 : memref<128x32xf32, #tpu.memory_space<vmem>>)
    %dma_start3A_329 = arith.constant 4 : i32
    %dma_start3A_330 = arith.constant 76 : i32
    %dma_start3A_331 = arith.constant 4 : i32
    %dma_start3A_332 = arith.constant 0 : i32
    %dma_start3A_333 = arith.constant 0 : i32
    %dma_start3A_334 = tpu.memref_slice %arg8[%dma_start3A_329, %dma_start3A_332, %dma_start3A_333] : memref<8x128x32xf32, #tpu.memory_space<vmem>> -> memref<1x128x32xf32, #tpu.memory_space<vmem>>
    %dma_start3A_335 = tpu.memref_squeeze %dma_start3A_334 : memref<1x128x32xf32, #tpu.memory_space<vmem>> -> memref<128x32xf32, #tpu.memory_space<vmem>>
    %dma_start3A_336 = arith.constant 0 : i32
    %dma_start3A_337 = tpu.memref_slice %arg7[%dma_start3A_330, %dma_start3A_336] : memref<80x128xi32, #tpu.memory_space<vmem>> -> memref<1x128xi32, #tpu.memory_space<vmem>>
    %dma_start3A_338 = tpu.memref_squeeze %dma_start3A_337 : memref<1x128xi32, #tpu.memory_space<vmem>> -> memref<128xi32, #tpu.memory_space<vmem>>
    %dma_start3A_339 = arith.constant 0 : i32
    %dma_start3A_340 = arith.constant 0 : i32
    %dma_start3A_341 = tpu.memref_slice %arg10[%dma_start3A_339, %dma_start3A_340] : memref<10112x32xf32, #tpu.memory_space<vmem_shared>> -> memref<10112x32xf32, #tpu.memory_space<vmem_shared>>
    %dma_start3A_342 = tpu.memref_slice %arg12[%dma_start3A_331] : memref<8x!tpu.dma_semaphore, #tpu.memory_space<semaphore_mem>> -> memref<1x!tpu.dma_semaphore, #tpu.memory_space<semaphore_mem>>
    %dma_start3A_343 = tpu.memref_squeeze %dma_start3A_342 : memref<1x!tpu.dma_semaphore, #tpu.memory_space<semaphore_mem>> -> memref<!tpu.dma_semaphore, #tpu.memory_space<semaphore_mem>>
    tpu.enqueue_indirect_dma source(%dma_start3A_335 : memref<128x32xf32, #tpu.memory_space<vmem>>) target(%dma_start3A_341 : memref<10112x32xf32, #tpu.memory_space<vmem_shared>>) offsets(%dma_start3A_338 : memref<128xi32, #tpu.memory_space<vmem>>) semaphore(%dma_start3A_343 : memref<!tpu.dma_semaphore, #tpu.memory_space<semaphore_mem>>) {add = true}
    %dma_wait3A_344 = arith.constant 77 : i32
    %dma_wait3A_345 = arith.constant 5 : i32
    %dma_wait3A_346 = arith.constant 5 : i32
    %dma_wait3A_347 = arith.constant 0 : i32
    %dma_wait3A_348 = arith.constant 0 : i32
    %dma_wait3A_349 = tpu.memref_slice %arg8[%dma_wait3A_345, %dma_wait3A_347, %dma_wait3A_348] : memref<8x128x32xf32, #tpu.memory_space<vmem>> -> memref<1x128x32xf32, #tpu.memory_space<vmem>>
    %dma_wait3A_350 = tpu.memref_squeeze %dma_wait3A_349 : memref<1x128x32xf32, #tpu.memory_space<vmem>> -> memref<128x32xf32, #tpu.memory_space<vmem>>
    %dma_wait3A_351 = arith.constant 0 : i32
    %dma_wait3A_352 = tpu.memref_slice %arg6[%dma_wait3A_344, %dma_wait3A_351] : memref<80x128xi32, #tpu.memory_space<vmem>> -> memref<1x128xi32, #tpu.memory_space<vmem>>
    %dma_wait3A_353 = tpu.memref_squeeze %dma_wait3A_352 : memref<1x128xi32, #tpu.memory_space<vmem>> -> memref<128xi32, #tpu.memory_space<vmem>>
    %dma_wait3A_354 = arith.constant 0 : i32
    %dma_wait3A_355 = arith.constant 0 : i32
    %dma_wait3A_356 = tpu.memref_slice %arg2[%dma_wait3A_354, %dma_wait3A_355] : memref<10000x32xf32, #tpu.memory_space<hbm>> -> memref<10000x32xf32, #tpu.memory_space<hbm>>
    %dma_wait3A_357 = tpu.memref_slice %arg11[%dma_wait3A_346] : memref<8x!tpu.dma_semaphore, #tpu.memory_space<semaphore_mem>> -> memref<1x!tpu.dma_semaphore, #tpu.memory_space<semaphore_mem>>
    %dma_wait3A_358 = tpu.memref_squeeze %dma_wait3A_357 : memref<1x!tpu.dma_semaphore, #tpu.memory_space<semaphore_mem>> -> memref<!tpu.dma_semaphore, #tpu.memory_space<semaphore_mem>>
    tpu.wait_indirect_dma semaphore(%dma_wait3A_358 : memref<!tpu.dma_semaphore, #tpu.memory_space<semaphore_mem>>) src(%dma_wait3A_356 : memref<10000x32xf32, #tpu.memory_space<hbm>>) dst(%dma_wait3A_350 : memref<128x32xf32, #tpu.memory_space<vmem>>)
    %dma_start3A_359 = arith.constant 5 : i32
    %dma_start3A_360 = arith.constant 77 : i32
    %dma_start3A_361 = arith.constant 5 : i32
    %dma_start3A_362 = arith.constant 0 : i32
    %dma_start3A_363 = arith.constant 0 : i32
    %dma_start3A_364 = tpu.memref_slice %arg8[%dma_start3A_359, %dma_start3A_362, %dma_start3A_363] : memref<8x128x32xf32, #tpu.memory_space<vmem>> -> memref<1x128x32xf32, #tpu.memory_space<vmem>>
    %dma_start3A_365 = tpu.memref_squeeze %dma_start3A_364 : memref<1x128x32xf32, #tpu.memory_space<vmem>> -> memref<128x32xf32, #tpu.memory_space<vmem>>
    %dma_start3A_366 = arith.constant 0 : i32
    %dma_start3A_367 = tpu.memref_slice %arg7[%dma_start3A_360, %dma_start3A_366] : memref<80x128xi32, #tpu.memory_space<vmem>> -> memref<1x128xi32, #tpu.memory_space<vmem>>
    %dma_start3A_368 = tpu.memref_squeeze %dma_start3A_367 : memref<1x128xi32, #tpu.memory_space<vmem>> -> memref<128xi32, #tpu.memory_space<vmem>>
    %dma_start3A_369 = arith.constant 0 : i32
    %dma_start3A_370 = arith.constant 0 : i32
    %dma_start3A_371 = tpu.memref_slice %arg10[%dma_start3A_369, %dma_start3A_370] : memref<10112x32xf32, #tpu.memory_space<vmem_shared>> -> memref<10112x32xf32, #tpu.memory_space<vmem_shared>>
    %dma_start3A_372 = tpu.memref_slice %arg12[%dma_start3A_361] : memref<8x!tpu.dma_semaphore, #tpu.memory_space<semaphore_mem>> -> memref<1x!tpu.dma_semaphore, #tpu.memory_space<semaphore_mem>>
    %dma_start3A_373 = tpu.memref_squeeze %dma_start3A_372 : memref<1x!tpu.dma_semaphore, #tpu.memory_space<semaphore_mem>> -> memref<!tpu.dma_semaphore, #tpu.memory_space<semaphore_mem>>
    tpu.enqueue_indirect_dma source(%dma_start3A_365 : memref<128x32xf32, #tpu.memory_space<vmem>>) target(%dma_start3A_371 : memref<10112x32xf32, #tpu.memory_space<vmem_shared>>) offsets(%dma_start3A_368 : memref<128xi32, #tpu.memory_space<vmem>>) semaphore(%dma_start3A_373 : memref<!tpu.dma_semaphore, #tpu.memory_space<semaphore_mem>>) {add = true}
    %dma_wait3A_374 = arith.constant 78 : i32
    %dma_wait3A_375 = arith.constant 6 : i32
    %dma_wait3A_376 = arith.constant 6 : i32
    %dma_wait3A_377 = arith.constant 0 : i32
    %dma_wait3A_378 = arith.constant 0 : i32
    %dma_wait3A_379 = tpu.memref_slice %arg8[%dma_wait3A_375, %dma_wait3A_377, %dma_wait3A_378] : memref<8x128x32xf32, #tpu.memory_space<vmem>> -> memref<1x128x32xf32, #tpu.memory_space<vmem>>
    %dma_wait3A_380 = tpu.memref_squeeze %dma_wait3A_379 : memref<1x128x32xf32, #tpu.memory_space<vmem>> -> memref<128x32xf32, #tpu.memory_space<vmem>>
    %dma_wait3A_381 = arith.constant 0 : i32
    %dma_wait3A_382 = tpu.memref_slice %arg6[%dma_wait3A_374, %dma_wait3A_381] : memref<80x128xi32, #tpu.memory_space<vmem>> -> memref<1x128xi32, #tpu.memory_space<vmem>>
    %dma_wait3A_383 = tpu.memref_squeeze %dma_wait3A_382 : memref<1x128xi32, #tpu.memory_space<vmem>> -> memref<128xi32, #tpu.memory_space<vmem>>
    %dma_wait3A_384 = arith.constant 0 : i32
    %dma_wait3A_385 = arith.constant 0 : i32
    %dma_wait3A_386 = tpu.memref_slice %arg2[%dma_wait3A_384, %dma_wait3A_385] : memref<10000x32xf32, #tpu.memory_space<hbm>> -> memref<10000x32xf32, #tpu.memory_space<hbm>>
    %dma_wait3A_387 = tpu.memref_slice %arg11[%dma_wait3A_376] : memref<8x!tpu.dma_semaphore, #tpu.memory_space<semaphore_mem>> -> memref<1x!tpu.dma_semaphore, #tpu.memory_space<semaphore_mem>>
    %dma_wait3A_388 = tpu.memref_squeeze %dma_wait3A_387 : memref<1x!tpu.dma_semaphore, #tpu.memory_space<semaphore_mem>> -> memref<!tpu.dma_semaphore, #tpu.memory_space<semaphore_mem>>
    tpu.wait_indirect_dma semaphore(%dma_wait3A_388 : memref<!tpu.dma_semaphore, #tpu.memory_space<semaphore_mem>>) src(%dma_wait3A_386 : memref<10000x32xf32, #tpu.memory_space<hbm>>) dst(%dma_wait3A_380 : memref<128x32xf32, #tpu.memory_space<vmem>>)
    %dma_start3A_389 = arith.constant 6 : i32
    %dma_start3A_390 = arith.constant 78 : i32
    %dma_start3A_391 = arith.constant 6 : i32
    %dma_start3A_392 = arith.constant 0 : i32
    %dma_start3A_393 = arith.constant 0 : i32
    %dma_start3A_394 = tpu.memref_slice %arg8[%dma_start3A_389, %dma_start3A_392, %dma_start3A_393] : memref<8x128x32xf32, #tpu.memory_space<vmem>> -> memref<1x128x32xf32, #tpu.memory_space<vmem>>
    %dma_start3A_395 = tpu.memref_squeeze %dma_start3A_394 : memref<1x128x32xf32, #tpu.memory_space<vmem>> -> memref<128x32xf32, #tpu.memory_space<vmem>>
    %dma_start3A_396 = arith.constant 0 : i32
    %dma_start3A_397 = tpu.memref_slice %arg7[%dma_start3A_390, %dma_start3A_396] : memref<80x128xi32, #tpu.memory_space<vmem>> -> memref<1x128xi32, #tpu.memory_space<vmem>>
    %dma_start3A_398 = tpu.memref_squeeze %dma_start3A_397 : memref<1x128xi32, #tpu.memory_space<vmem>> -> memref<128xi32, #tpu.memory_space<vmem>>
    %dma_start3A_399 = arith.constant 0 : i32
    %dma_start3A_400 = arith.constant 0 : i32
    %dma_start3A_401 = tpu.memref_slice %arg10[%dma_start3A_399, %dma_start3A_400] : memref<10112x32xf32, #tpu.memory_space<vmem_shared>> -> memref<10112x32xf32, #tpu.memory_space<vmem_shared>>
    %dma_start3A_402 = tpu.memref_slice %arg12[%dma_start3A_391] : memref<8x!tpu.dma_semaphore, #tpu.memory_space<semaphore_mem>> -> memref<1x!tpu.dma_semaphore, #tpu.memory_space<semaphore_mem>>
    %dma_start3A_403 = tpu.memref_squeeze %dma_start3A_402 : memref<1x!tpu.dma_semaphore, #tpu.memory_space<semaphore_mem>> -> memref<!tpu.dma_semaphore, #tpu.memory_space<semaphore_mem>>
    tpu.enqueue_indirect_dma source(%dma_start3A_395 : memref<128x32xf32, #tpu.memory_space<vmem>>) target(%dma_start3A_401 : memref<10112x32xf32, #tpu.memory_space<vmem_shared>>) offsets(%dma_start3A_398 : memref<128xi32, #tpu.memory_space<vmem>>) semaphore(%dma_start3A_403 : memref<!tpu.dma_semaphore, #tpu.memory_space<semaphore_mem>>) {add = true}
    %dma_wait3A_404 = arith.constant 79 : i32
    %dma_wait3A_405 = arith.constant 7 : i32
    %dma_wait3A_406 = arith.constant 7 : i32
    %dma_wait3A_407 = arith.constant 0 : i32
    %dma_wait3A_408 = arith.constant 0 : i32
    %dma_wait3A_409 = tpu.memref_slice %arg8[%dma_wait3A_405, %dma_wait3A_407, %dma_wait3A_408] : memref<8x128x32xf32, #tpu.memory_space<vmem>> -> memref<1x128x32xf32, #tpu.memory_space<vmem>>
    %dma_wait3A_410 = tpu.memref_squeeze %dma_wait3A_409 : memref<1x128x32xf32, #tpu.memory_space<vmem>> -> memref<128x32xf32, #tpu.memory_space<vmem>>
    %dma_wait3A_411 = arith.constant 0 : i32
    %dma_wait3A_412 = tpu.memref_slice %arg6[%dma_wait3A_404, %dma_wait3A_411] : memref<80x128xi32, #tpu.memory_space<vmem>> -> memref<1x128xi32, #tpu.memory_space<vmem>>
    %dma_wait3A_413 = tpu.memref_squeeze %dma_wait3A_412 : memref<1x128xi32, #tpu.memory_space<vmem>> -> memref<128xi32, #tpu.memory_space<vmem>>
    %dma_wait3A_414 = arith.constant 0 : i32
    %dma_wait3A_415 = arith.constant 0 : i32
    %dma_wait3A_416 = tpu.memref_slice %arg2[%dma_wait3A_414, %dma_wait3A_415] : memref<10000x32xf32, #tpu.memory_space<hbm>> -> memref<10000x32xf32, #tpu.memory_space<hbm>>
    %dma_wait3A_417 = tpu.memref_slice %arg11[%dma_wait3A_406] : memref<8x!tpu.dma_semaphore, #tpu.memory_space<semaphore_mem>> -> memref<1x!tpu.dma_semaphore, #tpu.memory_space<semaphore_mem>>
    %dma_wait3A_418 = tpu.memref_squeeze %dma_wait3A_417 : memref<1x!tpu.dma_semaphore, #tpu.memory_space<semaphore_mem>> -> memref<!tpu.dma_semaphore, #tpu.memory_space<semaphore_mem>>
    tpu.wait_indirect_dma semaphore(%dma_wait3A_418 : memref<!tpu.dma_semaphore, #tpu.memory_space<semaphore_mem>>) src(%dma_wait3A_416 : memref<10000x32xf32, #tpu.memory_space<hbm>>) dst(%dma_wait3A_410 : memref<128x32xf32, #tpu.memory_space<vmem>>)
    %dma_start3A_419 = arith.constant 7 : i32
    %dma_start3A_420 = arith.constant 79 : i32
    %dma_start3A_421 = arith.constant 7 : i32
    %dma_start3A_422 = arith.constant 0 : i32
    %dma_start3A_423 = arith.constant 0 : i32
    %dma_start3A_424 = tpu.memref_slice %arg8[%dma_start3A_419, %dma_start3A_422, %dma_start3A_423] : memref<8x128x32xf32, #tpu.memory_space<vmem>> -> memref<1x128x32xf32, #tpu.memory_space<vmem>>
    %dma_start3A_425 = tpu.memref_squeeze %dma_start3A_424 : memref<1x128x32xf32, #tpu.memory_space<vmem>> -> memref<128x32xf32, #tpu.memory_space<vmem>>
    %dma_start3A_426 = arith.constant 0 : i32
    %dma_start3A_427 = tpu.memref_slice %arg7[%dma_start3A_420, %dma_start3A_426] : memref<80x128xi32, #tpu.memory_space<vmem>> -> memref<1x128xi32, #tpu.memory_space<vmem>>
    %dma_start3A_428 = tpu.memref_squeeze %dma_start3A_427 : memref<1x128xi32, #tpu.memory_space<vmem>> -> memref<128xi32, #tpu.memory_space<vmem>>
    %dma_start3A_429 = arith.constant 0 : i32
    %dma_start3A_430 = arith.constant 0 : i32
    %dma_start3A_431 = tpu.memref_slice %arg10[%dma_start3A_429, %dma_start3A_430] : memref<10112x32xf32, #tpu.memory_space<vmem_shared>> -> memref<10112x32xf32, #tpu.memory_space<vmem_shared>>
    %dma_start3A_432 = tpu.memref_slice %arg12[%dma_start3A_421] : memref<8x!tpu.dma_semaphore, #tpu.memory_space<semaphore_mem>> -> memref<1x!tpu.dma_semaphore, #tpu.memory_space<semaphore_mem>>
    %dma_start3A_433 = tpu.memref_squeeze %dma_start3A_432 : memref<1x!tpu.dma_semaphore, #tpu.memory_space<semaphore_mem>> -> memref<!tpu.dma_semaphore, #tpu.memory_space<semaphore_mem>>
    tpu.enqueue_indirect_dma source(%dma_start3A_425 : memref<128x32xf32, #tpu.memory_space<vmem>>) target(%dma_start3A_431 : memref<10112x32xf32, #tpu.memory_space<vmem_shared>>) offsets(%dma_start3A_428 : memref<128xi32, #tpu.memory_space<vmem>>) semaphore(%dma_start3A_433 : memref<!tpu.dma_semaphore, #tpu.memory_space<semaphore_mem>>) {add = true}
    %dma_wait3A_434 = arith.constant 0 : i32
    %dma_wait3A_435 = arith.constant 72 : i32
    %dma_wait3A_436 = arith.constant 0 : i32
    %dma_wait3A_437 = arith.constant 0 : i32
    %dma_wait3A_438 = arith.constant 0 : i32
    %dma_wait3A_439 = tpu.memref_slice %arg8[%dma_wait3A_434, %dma_wait3A_437, %dma_wait3A_438] : memref<8x128x32xf32, #tpu.memory_space<vmem>> -> memref<1x128x32xf32, #tpu.memory_space<vmem>>
    %dma_wait3A_440 = tpu.memref_squeeze %dma_wait3A_439 : memref<1x128x32xf32, #tpu.memory_space<vmem>> -> memref<128x32xf32, #tpu.memory_space<vmem>>
    %dma_wait3A_441 = arith.constant 0 : i32
    %dma_wait3A_442 = tpu.memref_slice %arg7[%dma_wait3A_435, %dma_wait3A_441] : memref<80x128xi32, #tpu.memory_space<vmem>> -> memref<1x128xi32, #tpu.memory_space<vmem>>
    %dma_wait3A_443 = tpu.memref_squeeze %dma_wait3A_442 : memref<1x128xi32, #tpu.memory_space<vmem>> -> memref<128xi32, #tpu.memory_space<vmem>>
    %dma_wait3A_444 = arith.constant 0 : i32
    %dma_wait3A_445 = arith.constant 0 : i32
    %dma_wait3A_446 = tpu.memref_slice %arg10[%dma_wait3A_444, %dma_wait3A_445] : memref<10112x32xf32, #tpu.memory_space<vmem_shared>> -> memref<10112x32xf32, #tpu.memory_space<vmem_shared>>
    %dma_wait3A_447 = tpu.memref_slice %arg12[%dma_wait3A_436] : memref<8x!tpu.dma_semaphore, #tpu.memory_space<semaphore_mem>> -> memref<1x!tpu.dma_semaphore, #tpu.memory_space<semaphore_mem>>
    %dma_wait3A_448 = tpu.memref_squeeze %dma_wait3A_447 : memref<1x!tpu.dma_semaphore, #tpu.memory_space<semaphore_mem>> -> memref<!tpu.dma_semaphore, #tpu.memory_space<semaphore_mem>>
    tpu.wait_indirect_dma semaphore(%dma_wait3A_448 : memref<!tpu.dma_semaphore, #tpu.memory_space<semaphore_mem>>) src(%dma_wait3A_440 : memref<128x32xf32, #tpu.memory_space<vmem>>) dst(%dma_wait3A_446 : memref<10112x32xf32, #tpu.memory_space<vmem_shared>>)
    %dma_wait3A_449 = arith.constant 1 : i32
    %dma_wait3A_450 = arith.constant 73 : i32
    %dma_wait3A_451 = arith.constant 1 : i32
    %dma_wait3A_452 = arith.constant 0 : i32
    %dma_wait3A_453 = arith.constant 0 : i32
    %dma_wait3A_454 = tpu.memref_slice %arg8[%dma_wait3A_449, %dma_wait3A_452, %dma_wait3A_453] : memref<8x128x32xf32, #tpu.memory_space<vmem>> -> memref<1x128x32xf32, #tpu.memory_space<vmem>>
    %dma_wait3A_455 = tpu.memref_squeeze %dma_wait3A_454 : memref<1x128x32xf32, #tpu.memory_space<vmem>> -> memref<128x32xf32, #tpu.memory_space<vmem>>
    %dma_wait3A_456 = arith.constant 0 : i32
    %dma_wait3A_457 = tpu.memref_slice %arg7[%dma_wait3A_450, %dma_wait3A_456] : memref<80x128xi32, #tpu.memory_space<vmem>> -> memref<1x128xi32, #tpu.memory_space<vmem>>
    %dma_wait3A_458 = tpu.memref_squeeze %dma_wait3A_457 : memref<1x128xi32, #tpu.memory_space<vmem>> -> memref<128xi32, #tpu.memory_space<vmem>>
    %dma_wait3A_459 = arith.constant 0 : i32
    %dma_wait3A_460 = arith.constant 0 : i32
    %dma_wait3A_461 = tpu.memref_slice %arg10[%dma_wait3A_459, %dma_wait3A_460] : memref<10112x32xf32, #tpu.memory_space<vmem_shared>> -> memref<10112x32xf32, #tpu.memory_space<vmem_shared>>
    %dma_wait3A_462 = tpu.memref_slice %arg12[%dma_wait3A_451] : memref<8x!tpu.dma_semaphore, #tpu.memory_space<semaphore_mem>> -> memref<1x!tpu.dma_semaphore, #tpu.memory_space<semaphore_mem>>
    %dma_wait3A_463 = tpu.memref_squeeze %dma_wait3A_462 : memref<1x!tpu.dma_semaphore, #tpu.memory_space<semaphore_mem>> -> memref<!tpu.dma_semaphore, #tpu.memory_space<semaphore_mem>>
    tpu.wait_indirect_dma semaphore(%dma_wait3A_463 : memref<!tpu.dma_semaphore, #tpu.memory_space<semaphore_mem>>) src(%dma_wait3A_455 : memref<128x32xf32, #tpu.memory_space<vmem>>) dst(%dma_wait3A_461 : memref<10112x32xf32, #tpu.memory_space<vmem_shared>>)
    %dma_wait3A_464 = arith.constant 2 : i32
    %dma_wait3A_465 = arith.constant 74 : i32
    %dma_wait3A_466 = arith.constant 2 : i32
    %dma_wait3A_467 = arith.constant 0 : i32
    %dma_wait3A_468 = arith.constant 0 : i32
    %dma_wait3A_469 = tpu.memref_slice %arg8[%dma_wait3A_464, %dma_wait3A_467, %dma_wait3A_468] : memref<8x128x32xf32, #tpu.memory_space<vmem>> -> memref<1x128x32xf32, #tpu.memory_space<vmem>>
    %dma_wait3A_470 = tpu.memref_squeeze %dma_wait3A_469 : memref<1x128x32xf32, #tpu.memory_space<vmem>> -> memref<128x32xf32, #tpu.memory_space<vmem>>
    %dma_wait3A_471 = arith.constant 0 : i32
    %dma_wait3A_472 = tpu.memref_slice %arg7[%dma_wait3A_465, %dma_wait3A_471] : memref<80x128xi32, #tpu.memory_space<vmem>> -> memref<1x128xi32, #tpu.memory_space<vmem>>
    %dma_wait3A_473 = tpu.memref_squeeze %dma_wait3A_472 : memref<1x128xi32, #tpu.memory_space<vmem>> -> memref<128xi32, #tpu.memory_space<vmem>>
    %dma_wait3A_474 = arith.constant 0 : i32
    %dma_wait3A_475 = arith.constant 0 : i32
    %dma_wait3A_476 = tpu.memref_slice %arg10[%dma_wait3A_474, %dma_wait3A_475] : memref<10112x32xf32, #tpu.memory_space<vmem_shared>> -> memref<10112x32xf32, #tpu.memory_space<vmem_shared>>
    %dma_wait3A_477 = tpu.memref_slice %arg12[%dma_wait3A_466] : memref<8x!tpu.dma_semaphore, #tpu.memory_space<semaphore_mem>> -> memref<1x!tpu.dma_semaphore, #tpu.memory_space<semaphore_mem>>
    %dma_wait3A_478 = tpu.memref_squeeze %dma_wait3A_477 : memref<1x!tpu.dma_semaphore, #tpu.memory_space<semaphore_mem>> -> memref<!tpu.dma_semaphore, #tpu.memory_space<semaphore_mem>>
    tpu.wait_indirect_dma semaphore(%dma_wait3A_478 : memref<!tpu.dma_semaphore, #tpu.memory_space<semaphore_mem>>) src(%dma_wait3A_470 : memref<128x32xf32, #tpu.memory_space<vmem>>) dst(%dma_wait3A_476 : memref<10112x32xf32, #tpu.memory_space<vmem_shared>>)
    %dma_wait3A_479 = arith.constant 3 : i32
    %dma_wait3A_480 = arith.constant 75 : i32
    %dma_wait3A_481 = arith.constant 3 : i32
    %dma_wait3A_482 = arith.constant 0 : i32
    %dma_wait3A_483 = arith.constant 0 : i32
    %dma_wait3A_484 = tpu.memref_slice %arg8[%dma_wait3A_479, %dma_wait3A_482, %dma_wait3A_483] : memref<8x128x32xf32, #tpu.memory_space<vmem>> -> memref<1x128x32xf32, #tpu.memory_space<vmem>>
    %dma_wait3A_485 = tpu.memref_squeeze %dma_wait3A_484 : memref<1x128x32xf32, #tpu.memory_space<vmem>> -> memref<128x32xf32, #tpu.memory_space<vmem>>
    %dma_wait3A_486 = arith.constant 0 : i32
    %dma_wait3A_487 = tpu.memref_slice %arg7[%dma_wait3A_480, %dma_wait3A_486] : memref<80x128xi32, #tpu.memory_space<vmem>> -> memref<1x128xi32, #tpu.memory_space<vmem>>
    %dma_wait3A_488 = tpu.memref_squeeze %dma_wait3A_487 : memref<1x128xi32, #tpu.memory_space<vmem>> -> memref<128xi32, #tpu.memory_space<vmem>>
    %dma_wait3A_489 = arith.constant 0 : i32
    %dma_wait3A_490 = arith.constant 0 : i32
    %dma_wait3A_491 = tpu.memref_slice %arg10[%dma_wait3A_489, %dma_wait3A_490] : memref<10112x32xf32, #tpu.memory_space<vmem_shared>> -> memref<10112x32xf32, #tpu.memory_space<vmem_shared>>
    %dma_wait3A_492 = tpu.memref_slice %arg12[%dma_wait3A_481] : memref<8x!tpu.dma_semaphore, #tpu.memory_space<semaphore_mem>> -> memref<1x!tpu.dma_semaphore, #tpu.memory_space<semaphore_mem>>
    %dma_wait3A_493 = tpu.memref_squeeze %dma_wait3A_492 : memref<1x!tpu.dma_semaphore, #tpu.memory_space<semaphore_mem>> -> memref<!tpu.dma_semaphore, #tpu.memory_space<semaphore_mem>>
    tpu.wait_indirect_dma semaphore(%dma_wait3A_493 : memref<!tpu.dma_semaphore, #tpu.memory_space<semaphore_mem>>) src(%dma_wait3A_485 : memref<128x32xf32, #tpu.memory_space<vmem>>) dst(%dma_wait3A_491 : memref<10112x32xf32, #tpu.memory_space<vmem_shared>>)
    %dma_wait3A_494 = arith.constant 4 : i32
    %dma_wait3A_495 = arith.constant 76 : i32
    %dma_wait3A_496 = arith.constant 4 : i32
    %dma_wait3A_497 = arith.constant 0 : i32
    %dma_wait3A_498 = arith.constant 0 : i32
    %dma_wait3A_499 = tpu.memref_slice %arg8[%dma_wait3A_494, %dma_wait3A_497, %dma_wait3A_498] : memref<8x128x32xf32, #tpu.memory_space<vmem>> -> memref<1x128x32xf32, #tpu.memory_space<vmem>>
    %dma_wait3A_500 = tpu.memref_squeeze %dma_wait3A_499 : memref<1x128x32xf32, #tpu.memory_space<vmem>> -> memref<128x32xf32, #tpu.memory_space<vmem>>
    %dma_wait3A_501 = arith.constant 0 : i32
    %dma_wait3A_502 = tpu.memref_slice %arg7[%dma_wait3A_495, %dma_wait3A_501] : memref<80x128xi32, #tpu.memory_space<vmem>> -> memref<1x128xi32, #tpu.memory_space<vmem>>
    %dma_wait3A_503 = tpu.memref_squeeze %dma_wait3A_502 : memref<1x128xi32, #tpu.memory_space<vmem>> -> memref<128xi32, #tpu.memory_space<vmem>>
    %dma_wait3A_504 = arith.constant 0 : i32
    %dma_wait3A_505 = arith.constant 0 : i32
    %dma_wait3A_506 = tpu.memref_slice %arg10[%dma_wait3A_504, %dma_wait3A_505] : memref<10112x32xf32, #tpu.memory_space<vmem_shared>> -> memref<10112x32xf32, #tpu.memory_space<vmem_shared>>
    %dma_wait3A_507 = tpu.memref_slice %arg12[%dma_wait3A_496] : memref<8x!tpu.dma_semaphore, #tpu.memory_space<semaphore_mem>> -> memref<1x!tpu.dma_semaphore, #tpu.memory_space<semaphore_mem>>
    %dma_wait3A_508 = tpu.memref_squeeze %dma_wait3A_507 : memref<1x!tpu.dma_semaphore, #tpu.memory_space<semaphore_mem>> -> memref<!tpu.dma_semaphore, #tpu.memory_space<semaphore_mem>>
    tpu.wait_indirect_dma semaphore(%dma_wait3A_508 : memref<!tpu.dma_semaphore, #tpu.memory_space<semaphore_mem>>) src(%dma_wait3A_500 : memref<128x32xf32, #tpu.memory_space<vmem>>) dst(%dma_wait3A_506 : memref<10112x32xf32, #tpu.memory_space<vmem_shared>>)
    %dma_wait3A_509 = arith.constant 5 : i32
    %dma_wait3A_510 = arith.constant 77 : i32
    %dma_wait3A_511 = arith.constant 5 : i32
    %dma_wait3A_512 = arith.constant 0 : i32
    %dma_wait3A_513 = arith.constant 0 : i32
    %dma_wait3A_514 = tpu.memref_slice %arg8[%dma_wait3A_509, %dma_wait3A_512, %dma_wait3A_513] : memref<8x128x32xf32, #tpu.memory_space<vmem>> -> memref<1x128x32xf32, #tpu.memory_space<vmem>>
    %dma_wait3A_515 = tpu.memref_squeeze %dma_wait3A_514 : memref<1x128x32xf32, #tpu.memory_space<vmem>> -> memref<128x32xf32, #tpu.memory_space<vmem>>
    %dma_wait3A_516 = arith.constant 0 : i32
    %dma_wait3A_517 = tpu.memref_slice %arg7[%dma_wait3A_510, %dma_wait3A_516] : memref<80x128xi32, #tpu.memory_space<vmem>> -> memref<1x128xi32, #tpu.memory_space<vmem>>
    %dma_wait3A_518 = tpu.memref_squeeze %dma_wait3A_517 : memref<1x128xi32, #tpu.memory_space<vmem>> -> memref<128xi32, #tpu.memory_space<vmem>>
    %dma_wait3A_519 = arith.constant 0 : i32
    %dma_wait3A_520 = arith.constant 0 : i32
    %dma_wait3A_521 = tpu.memref_slice %arg10[%dma_wait3A_519, %dma_wait3A_520] : memref<10112x32xf32, #tpu.memory_space<vmem_shared>> -> memref<10112x32xf32, #tpu.memory_space<vmem_shared>>
    %dma_wait3A_522 = tpu.memref_slice %arg12[%dma_wait3A_511] : memref<8x!tpu.dma_semaphore, #tpu.memory_space<semaphore_mem>> -> memref<1x!tpu.dma_semaphore, #tpu.memory_space<semaphore_mem>>
    %dma_wait3A_523 = tpu.memref_squeeze %dma_wait3A_522 : memref<1x!tpu.dma_semaphore, #tpu.memory_space<semaphore_mem>> -> memref<!tpu.dma_semaphore, #tpu.memory_space<semaphore_mem>>
    tpu.wait_indirect_dma semaphore(%dma_wait3A_523 : memref<!tpu.dma_semaphore, #tpu.memory_space<semaphore_mem>>) src(%dma_wait3A_515 : memref<128x32xf32, #tpu.memory_space<vmem>>) dst(%dma_wait3A_521 : memref<10112x32xf32, #tpu.memory_space<vmem_shared>>)
    %dma_wait3A_524 = arith.constant 6 : i32
    %dma_wait3A_525 = arith.constant 78 : i32
    %dma_wait3A_526 = arith.constant 6 : i32
    %dma_wait3A_527 = arith.constant 0 : i32
    %dma_wait3A_528 = arith.constant 0 : i32
    %dma_wait3A_529 = tpu.memref_slice %arg8[%dma_wait3A_524, %dma_wait3A_527, %dma_wait3A_528] : memref<8x128x32xf32, #tpu.memory_space<vmem>> -> memref<1x128x32xf32, #tpu.memory_space<vmem>>
    %dma_wait3A_530 = tpu.memref_squeeze %dma_wait3A_529 : memref<1x128x32xf32, #tpu.memory_space<vmem>> -> memref<128x32xf32, #tpu.memory_space<vmem>>
    %dma_wait3A_531 = arith.constant 0 : i32
    %dma_wait3A_532 = tpu.memref_slice %arg7[%dma_wait3A_525, %dma_wait3A_531] : memref<80x128xi32, #tpu.memory_space<vmem>> -> memref<1x128xi32, #tpu.memory_space<vmem>>
    %dma_wait3A_533 = tpu.memref_squeeze %dma_wait3A_532 : memref<1x128xi32, #tpu.memory_space<vmem>> -> memref<128xi32, #tpu.memory_space<vmem>>
    %dma_wait3A_534 = arith.constant 0 : i32
    %dma_wait3A_535 = arith.constant 0 : i32
    %dma_wait3A_536 = tpu.memref_slice %arg10[%dma_wait3A_534, %dma_wait3A_535] : memref<10112x32xf32, #tpu.memory_space<vmem_shared>> -> memref<10112x32xf32, #tpu.memory_space<vmem_shared>>
    %dma_wait3A_537 = tpu.memref_slice %arg12[%dma_wait3A_526] : memref<8x!tpu.dma_semaphore, #tpu.memory_space<semaphore_mem>> -> memref<1x!tpu.dma_semaphore, #tpu.memory_space<semaphore_mem>>
    %dma_wait3A_538 = tpu.memref_squeeze %dma_wait3A_537 : memref<1x!tpu.dma_semaphore, #tpu.memory_space<semaphore_mem>> -> memref<!tpu.dma_semaphore, #tpu.memory_space<semaphore_mem>>
    tpu.wait_indirect_dma semaphore(%dma_wait3A_538 : memref<!tpu.dma_semaphore, #tpu.memory_space<semaphore_mem>>) src(%dma_wait3A_530 : memref<128x32xf32, #tpu.memory_space<vmem>>) dst(%dma_wait3A_536 : memref<10112x32xf32, #tpu.memory_space<vmem_shared>>)
    %dma_wait3A_539 = arith.constant 7 : i32
    %dma_wait3A_540 = arith.constant 79 : i32
    %dma_wait3A_541 = arith.constant 7 : i32
    %dma_wait3A_542 = arith.constant 0 : i32
    %dma_wait3A_543 = arith.constant 0 : i32
    %dma_wait3A_544 = tpu.memref_slice %arg8[%dma_wait3A_539, %dma_wait3A_542, %dma_wait3A_543] : memref<8x128x32xf32, #tpu.memory_space<vmem>> -> memref<1x128x32xf32, #tpu.memory_space<vmem>>
    %dma_wait3A_545 = tpu.memref_squeeze %dma_wait3A_544 : memref<1x128x32xf32, #tpu.memory_space<vmem>> -> memref<128x32xf32, #tpu.memory_space<vmem>>
    %dma_wait3A_546 = arith.constant 0 : i32
    %dma_wait3A_547 = tpu.memref_slice %arg7[%dma_wait3A_540, %dma_wait3A_546] : memref<80x128xi32, #tpu.memory_space<vmem>> -> memref<1x128xi32, #tpu.memory_space<vmem>>
    %dma_wait3A_548 = tpu.memref_squeeze %dma_wait3A_547 : memref<1x128xi32, #tpu.memory_space<vmem>> -> memref<128xi32, #tpu.memory_space<vmem>>
    %dma_wait3A_549 = arith.constant 0 : i32
    %dma_wait3A_550 = arith.constant 0 : i32
    %dma_wait3A_551 = tpu.memref_slice %arg10[%dma_wait3A_549, %dma_wait3A_550] : memref<10112x32xf32, #tpu.memory_space<vmem_shared>> -> memref<10112x32xf32, #tpu.memory_space<vmem_shared>>
    %dma_wait3A_552 = tpu.memref_slice %arg12[%dma_wait3A_541] : memref<8x!tpu.dma_semaphore, #tpu.memory_space<semaphore_mem>> -> memref<1x!tpu.dma_semaphore, #tpu.memory_space<semaphore_mem>>
    %dma_wait3A_553 = tpu.memref_squeeze %dma_wait3A_552 : memref<1x!tpu.dma_semaphore, #tpu.memory_space<semaphore_mem>> -> memref<!tpu.dma_semaphore, #tpu.memory_space<semaphore_mem>>
    tpu.wait_indirect_dma semaphore(%dma_wait3A_553 : memref<!tpu.dma_semaphore, #tpu.memory_space<semaphore_mem>>) src(%dma_wait3A_545 : memref<128x32xf32, #tpu.memory_space<vmem>>) dst(%dma_wait3A_551 : memref<10112x32xf32, #tpu.memory_space<vmem_shared>>)
    %barrier3A_554 = arith.constant 0 : index
    tpu.barrier barrier_id(%barrier3A_554)
    %mul3A_555 = arith.constant 632 : i32
    %mul3A_556 = arith.muli %arg1, %mul3A_555 : i32
    "tpu.region"() ({
      %run_scoped3A = tpu.sem_alloc : memref<!tpu.dma_semaphore, #tpu.memory_space<semaphore_mem>>
      %dma_start3A_557 = arith.constant 0 : i32
      %dma_start3A_558 = arith.constant 0 : i32
      %dma_start3A_559 = tpu.memref_slice %arg5[%arg0, %dma_start3A_557, %dma_start3A_558] : memref<2x10112x32xf32, #tpu.memory_space<hbm>> -> memref<1x10112x32xf32, #tpu.memory_space<hbm>>
      %dma_start3A_560 = tpu.memref_squeeze %dma_start3A_559 : memref<1x10112x32xf32, #tpu.memory_space<hbm>> -> memref<10112x32xf32, #tpu.memory_space<hbm>>
      %dma_start3A_561 = arith.constant 0 : i32
      %dma_start3A_562 = tpu.memref_slice %dma_start3A_560[%mul3A_556, %dma_start3A_561] : memref<10112x32xf32, #tpu.memory_space<hbm>> -> memref<632x32xf32, #tpu.memory_space<hbm>>
      %dma_start3A_563 = arith.constant 0 : i32
      %dma_start3A_564 = tpu.memref_slice %arg10[%mul3A_556, %dma_start3A_563] : memref<10112x32xf32, #tpu.memory_space<vmem_shared>> -> memref<632x32xf32, #tpu.memory_space<vmem_shared>>
      tpu.enqueue_dma source(%dma_start3A_564 : memref<632x32xf32, #tpu.memory_space<vmem_shared>>) target(%dma_start3A_562 : memref<632x32xf32, #tpu.memory_space<hbm>>) target_semaphore(%run_scoped3A : memref<!tpu.dma_semaphore, #tpu.memory_space<semaphore_mem>>)
      %dma_wait3A_565 = arith.constant 0 : i32
      %dma_wait3A_566 = arith.constant 0 : i32
      %dma_wait3A_567 = tpu.memref_slice %arg5[%arg0, %dma_wait3A_565, %dma_wait3A_566] : memref<2x10112x32xf32, #tpu.memory_space<hbm>> -> memref<1x10112x32xf32, #tpu.memory_space<hbm>>
      %dma_wait3A_568 = tpu.memref_squeeze %dma_wait3A_567 : memref<1x10112x32xf32, #tpu.memory_space<hbm>> -> memref<10112x32xf32, #tpu.memory_space<hbm>>
      %dma_wait3A_569 = arith.constant 0 : i32
      %dma_wait3A_570 = tpu.memref_slice %dma_wait3A_568[%mul3A_556, %dma_wait3A_569] : memref<10112x32xf32, #tpu.memory_space<hbm>> -> memref<632x32xf32, #tpu.memory_space<hbm>>
      %dma_wait3A_571 = arith.constant 0 : i32
      %dma_wait3A_572 = tpu.memref_slice %arg10[%mul3A_556, %dma_wait3A_571] : memref<10112x32xf32, #tpu.memory_space<vmem_shared>> -> memref<632x32xf32, #tpu.memory_space<vmem_shared>>
      tpu.wait_dma2 semaphore(%run_scoped3A : memref<!tpu.dma_semaphore, #tpu.memory_space<semaphore_mem>>) src(%dma_wait3A_572 : memref<632x32xf32, #tpu.memory_space<vmem_shared>>) dst(%dma_wait3A_570 : memref<632x32xf32, #tpu.memory_space<hbm>>)
      tpu.yield
    }) : () -> ()
    return
  }
}

module attributes {stable_mosaic.version = 14 : i64} {
  func.func @_mm1_body(%arg0: i32, %arg1: memref<1000x128xf32, #tpu.memory_space<vmem>>, %arg2: memref<128x32xf32, #tpu.memory_space<vmem>>, %arg3: memref<1000x32xf32, #tpu.memory_space<vmem>>) attributes {dimension_semantics = [#tpu.dimension_semantics<arbitrary>], iteration_bounds = array<i64: 10>, scalar_prefetch = 0 : i64, scratch_operands = 0 : i64, tpu.core_type = #tpu.core_type<tc>, window_params = [{transform_indices = @transform_0, window_bounds = array<i64: 1000, 128>}, {pipeline_mode = #tpu.pipeline_mode<synchronous>, transform_indices = @transform_1, window_bounds = array<i64: 128, 32>}, {transform_indices = @transform_2, window_bounds = array<i64: 1000, 32>}]} {
    %get3A = arith.constant 0 : index
    %get3A_0 = arith.constant 0 : index
    %get3A_1 = vector.load %arg1[%get3A, %get3A_0] : memref<1000x128xf32, #tpu.memory_space<vmem>>, vector<1000x128xf32>
    %get3A_2 = arith.constant 0 : index
    %get3A_3 = arith.constant 0 : index
    %get3A_4 = vector.load %arg2[%get3A_2, %get3A_3] : memref<128x32xf32, #tpu.memory_space<vmem>>, vector<128x32xf32>
    %dot_general3A = arith.constant dense<0.000000e+00> : vector<1000x32xf32>
    %dot_general3A_5 = tpu.matmul %get3A_1, %get3A_4, %dot_general3A {dimension_numbers = #tpu.dot_dimension_numbers<[1], [0], [0], [1], [0, 0, 1, 1], [], []>, transpose_lhs_hint = false} : vector<1000x128xf32>, vector<128x32xf32>, vector<1000x32xf32> -> vector<1000x32xf32>
    %swap3A = arith.constant 0 : index
    %swap3A_6 = arith.constant 0 : index
    %swap3A_7 = vector.load %arg3[%swap3A, %swap3A_6] : memref<1000x32xf32, #tpu.memory_space<vmem>>, vector<1000x32xf32>
    tpu.vector_store %arg3[%swap3A, %swap3A_6], %dot_general3A_5 {strides = array<i32>} : memref<1000x32xf32, #tpu.memory_space<vmem>>, vector<1000x32xf32>,
    return
  }
  func.func @transform_0(%arg0: i32) -> (i32, i32) {
    %c0_i32 = arith.constant 0 : i32
    %c0_i32_0 = arith.constant 0 : i32
    return %arg0, %c0_i32 : i32, i32
  }
  func.func @transform_1(%arg0: i32) -> (i32, i32) {
    %c0_i32 = arith.constant 0 : i32
    %c0_i32_0 = arith.constant 0 : i32
    %c0_i32_1 = arith.constant 0 : i32
    return %c0_i32, %c0_i32_0 : i32, i32
  }
  func.func @transform_2(%arg0: i32) -> (i32, i32) {
    %c0_i32 = arith.constant 0 : i32
    %c0_i32_0 = arith.constant 0 : i32
    return %arg0, %c0_i32 : i32, i32
  }
}

module attributes {stable_mosaic.version = 14 : i64} {
  func.func @_scale1_body(%arg0: i32, %arg1: memref<2x1000x16xf32, #tpu.memory_space<vmem>>, %arg2: memref<1000x32xf32, #tpu.memory_space<vmem>>, %arg3: memref<1000x32xf32, #tpu.memory_space<vmem>>, %arg4: memref<1000x1xf32, #tpu.memory_space<vmem>>) attributes {dimension_semantics = [#tpu.dimension_semantics<arbitrary>], iteration_bounds = array<i64: 10>, scalar_prefetch = 0 : i64, scratch_operands = 0 : i64, tpu.core_type = #tpu.core_type<tc>, window_params = [{transform_indices = @transform_0, window_bounds = array<i64: 2, 1000, 16>}, {transform_indices = @transform_1, window_bounds = array<i64: 1000, 32>}, {transform_indices = @transform_2, window_bounds = array<i64: 1000, 32>}, {transform_indices = @transform_3, window_bounds = array<i64: 1000, 1>}]} {
    %get3A = arith.constant 0 : index
    %get3A_0 = arith.constant 0 : index
    %get3A_1 = arith.constant 0 : index
    %get3A_2 = vector.load %arg1[%get3A, %get3A_0, %get3A_1] : memref<2x1000x16xf32, #tpu.memory_space<vmem>>, vector<1x1000x1xf32>
    %get3A_3 = vector.shape_cast %get3A_2 : vector<1x1000x1xf32> to vector<1000xf32>
    %get3A_4 = arith.constant 1 : index
    %get3A_5 = arith.constant 0 : index
    %get3A_6 = arith.constant 0 : index
    %get3A_7 = vector.load %arg1[%get3A_4, %get3A_5, %get3A_6] : memref<2x1000x16xf32, #tpu.memory_space<vmem>>, vector<1x1000x1xf32>
    %get3A_8 = vector.shape_cast %get3A_7 : vector<1x1000x1xf32> to vector<1000xf32>
    %add3A = arith.addf %get3A_3, %get3A_8 : vector<1000xf32>
    %add3A_9 = arith.constant 1.000000e+00 : f32
    %add3A_10 = vector.broadcast %add3A_9 : f32 to vector<1000xf32>
    %add3A_11 = arith.addf %add3A, %add3A_10 : vector<1000xf32>
    %rsqrt3A = math.rsqrt %add3A_11 : vector<1000xf32>
    %broadcast_in_dim3A = vector.shape_cast %rsqrt3A : vector<1000xf32> to vector<1000x1xf32>
    %swap3A = arith.constant 0 : index
    %swap3A_12 = arith.constant 0 : index
    %swap3A_13 = vector.load %arg4[%swap3A, %swap3A_12] : memref<1000x1xf32, #tpu.memory_space<vmem>>, vector<1000x1xf32>
    tpu.vector_store %arg4[%swap3A, %swap3A_12], %broadcast_in_dim3A {strides = array<i32>} : memref<1000x1xf32, #tpu.memory_space<vmem>>, vector<1000x1xf32>,
    %get3A_14 = arith.constant 0 : index
    %get3A_15 = arith.constant 0 : index
    %get3A_16 = vector.load %arg2[%get3A_14, %get3A_15] : memref<1000x32xf32, #tpu.memory_space<vmem>>, vector<1000x32xf32>
    %broadcast_in_dim3A_17 = vector.shape_cast %rsqrt3A : vector<1000xf32> to vector<1000x1xf32>
    %mul3A = vector.broadcast %broadcast_in_dim3A_17 : vector<1000x1xf32> to vector<1000x32xf32>
    %mul3A_18 = arith.mulf %get3A_16, %mul3A : vector<1000x32xf32>
    %swap3A_19 = arith.constant 0 : index
    %swap3A_20 = arith.constant 0 : index
    %swap3A_21 = vector.load %arg3[%swap3A_19, %swap3A_20] : memref<1000x32xf32, #tpu.memory_space<vmem>>, vector<1000x32xf32>
    tpu.vector_store %arg3[%swap3A_19, %swap3A_20], %mul3A_18 {strides = array<i32>} : memref<1000x32xf32, #tpu.memory_space<vmem>>, vector<1000x32xf32>,
    return
  }
  func.func @transform_0(%arg0: i32) -> (i32, i32, i32) {
    %c0_i32 = arith.constant 0 : i32
    %c0_i32_0 = arith.constant 0 : i32
    %c0_i32_1 = arith.constant 0 : i32
    return %c0_i32, %arg0, %c0_i32_0 : i32, i32, i32
  }
  func.func @transform_1(%arg0: i32) -> (i32, i32) {
    %c0_i32 = arith.constant 0 : i32
    %c0_i32_0 = arith.constant 0 : i32
    return %arg0, %c0_i32 : i32, i32
  }
  func.func @transform_2(%arg0: i32) -> (i32, i32) {
    %c0_i32 = arith.constant 0 : i32
    %c0_i32_0 = arith.constant 0 : i32
    return %arg0, %c0_i32 : i32, i32
  }
  func.func @transform_3(%arg0: i32) -> (i32, i32) {
    %c0_i32 = arith.constant 0 : i32
    %c0_i32_0 = arith.constant 0 : i32
    return %arg0, %c0_i32 : i32, i32
  }
}

module attributes {stable_mosaic.version = 14 : i64} {
  func.func @_comb1_body(%arg0: i32, %arg1: memref<2x1000x32xf32, #tpu.memory_space<vmem>>, %arg2: memref<1000x32xf32, #tpu.memory_space<vmem>>, %arg3: memref<1000x1xf32, #tpu.memory_space<vmem>>, %arg4: memref<1x32xf32, #tpu.memory_space<vmem>>, %arg5: memref<32x16xf32, #tpu.memory_space<vmem>>, %arg6: memref<1000x16xf32, #tpu.memory_space<vmem>>) attributes {dimension_semantics = [#tpu.dimension_semantics<arbitrary>], iteration_bounds = array<i64: 10>, scalar_prefetch = 0 : i64, scratch_operands = 0 : i64, tpu.core_type = #tpu.core_type<tc>, window_params = [{transform_indices = @transform_0, window_bounds = array<i64: 2, 1000, 32>}, {transform_indices = @transform_1, window_bounds = array<i64: 1000, 32>}, {transform_indices = @transform_2, window_bounds = array<i64: 1000, 1>}, {pipeline_mode = #tpu.pipeline_mode<synchronous>, transform_indices = @transform_3, window_bounds = array<i64: 1, 32>}, {pipeline_mode = #tpu.pipeline_mode<synchronous>, transform_indices = @transform_4, window_bounds = array<i64: 32, 16>}, {transform_indices = @transform_5, window_bounds = array<i64: 1000, 16>}]} {
    %get3A = arith.constant 0 : index
    %get3A_0 = arith.constant 0 : index
    %get3A_1 = vector.load %arg3[%get3A, %get3A_0] : memref<1000x1xf32, #tpu.memory_space<vmem>>, vector<1000x1xf32>
    %get3A_2 = arith.constant 0 : index
    %get3A_3 = arith.constant 0 : index
    %get3A_4 = arith.constant 0 : index
    %get3A_5 = vector.load %arg1[%get3A_2, %get3A_3, %get3A_4] : memref<2x1000x32xf32, #tpu.memory_space<vmem>>, vector<1x1000x32xf32>
    %get3A_6 = vector.shape_cast %get3A_5 : vector<1x1000x32xf32> to vector<1000x32xf32>
    %get3A_7 = arith.constant 1 : index
    %get3A_8 = arith.constant 0 : index
    %get3A_9 = arith.constant 0 : index
    %get3A_10 = vector.load %arg1[%get3A_7, %get3A_8, %get3A_9] : memref<2x1000x32xf32, #tpu.memory_space<vmem>>, vector<1x1000x32xf32>
    %get3A_11 = vector.shape_cast %get3A_10 : vector<1x1000x32xf32> to vector<1000x32xf32>
    %add3A = arith.addf %get3A_6, %get3A_11 : vector<1000x32xf32>
    %get3A_12 = arith.constant 0 : index
    %get3A_13 = arith.constant 0 : index
    %get3A_14 = vector.load %arg2[%get3A_12, %get3A_13] : memref<1000x32xf32, #tpu.memory_space<vmem>>, vector<1000x32xf32>
    %add3A_15 = arith.addf %add3A, %get3A_14 : vector<1000x32xf32>
    %mul3A = vector.broadcast %get3A_1 : vector<1000x1xf32> to vector<1000x32xf32>
    %mul3A_16 = arith.mulf %add3A_15, %mul3A : vector<1000x32xf32>
    %get3A_17 = arith.constant 0 : index
    %get3A_18 = arith.constant 0 : index
    %get3A_19 = vector.load %arg4[%get3A_17, %get3A_18] : memref<1x32xf32, #tpu.memory_space<vmem>>, vector<1x32xf32>
    %add3A_20 = vector.broadcast %get3A_19 : vector<1x32xf32> to vector<1000x32xf32>
    %add3A_21 = arith.addf %mul3A_16, %add3A_20 : vector<1000x32xf32>
    %max3A = arith.constant 0.000000e+00 : f32
    %max3A_22 = vector.broadcast %max3A : f32 to vector<1000x32xf32>
    %max3A_23 = arith.maximumf %add3A_21, %max3A_22 : vector<1000x32xf32>
    %get3A_24 = arith.constant 0 : index
    %get3A_25 = arith.constant 0 : index
    %get3A_26 = vector.load %arg5[%get3A_24, %get3A_25] : memref<32x16xf32, #tpu.memory_space<vmem>>, vector<32x16xf32>
    %dot_general3A = arith.constant dense<0.000000e+00> : vector<1000x16xf32>
    %dot_general3A_27 = tpu.matmul %max3A_23, %get3A_26, %dot_general3A {dimension_numbers = #tpu.dot_dimension_numbers<[1], [0], [0], [1], [0, 0, 1, 1], [], []>, transpose_lhs_hint = false} : vector<1000x32xf32>, vector<32x16xf32>, vector<1000x16xf32> -> vector<1000x16xf32>
    %mul3A_28 = vector.broadcast %get3A_1 : vector<1000x1xf32> to vector<1000x16xf32>
    %mul3A_29 = arith.mulf %dot_general3A_27, %mul3A_28 : vector<1000x16xf32>
    %swap3A = arith.constant 0 : index
    %swap3A_30 = arith.constant 0 : index
    %swap3A_31 = vector.load %arg6[%swap3A, %swap3A_30] : memref<1000x16xf32, #tpu.memory_space<vmem>>, vector<1000x16xf32>
    tpu.vector_store %arg6[%swap3A, %swap3A_30], %mul3A_29 {strides = array<i32>} : memref<1000x16xf32, #tpu.memory_space<vmem>>, vector<1000x16xf32>,
    return
  }
  func.func @transform_0(%arg0: i32) -> (i32, i32, i32) {
    %c0_i32 = arith.constant 0 : i32
    %c0_i32_0 = arith.constant 0 : i32
    %c0_i32_1 = arith.constant 0 : i32
    return %c0_i32, %arg0, %c0_i32_0 : i32, i32, i32
  }
  func.func @transform_1(%arg0: i32) -> (i32, i32) {
    %c0_i32 = arith.constant 0 : i32
    %c0_i32_0 = arith.constant 0 : i32
    return %arg0, %c0_i32 : i32, i32
  }
  func.func @transform_2(%arg0: i32) -> (i32, i32) {
    %c0_i32 = arith.constant 0 : i32
    %c0_i32_0 = arith.constant 0 : i32
    return %arg0, %c0_i32 : i32, i32
  }
  func.func @transform_3(%arg0: i32) -> (i32, i32) {
    %c0_i32 = arith.constant 0 : i32
    %c0_i32_0 = arith.constant 0 : i32
    %c0_i32_1 = arith.constant 0 : i32
    return %c0_i32, %c0_i32_0 : i32, i32
  }
  func.func @transform_4(%arg0: i32) -> (i32, i32) {
    %c0_i32 = arith.constant 0 : i32
    %c0_i32_0 = arith.constant 0 : i32
    %c0_i32_1 = arith.constant 0 : i32
    return %c0_i32, %c0_i32_0 : i32, i32
  }
  func.func @transform_5(%arg0: i32) -> (i32, i32) {
    %c0_i32 = arith.constant 0 : i32
    %c0_i32_0 = arith.constant 0 : i32
    return %arg0, %c0_i32 : i32, i32
  }
}

module attributes {stable_mosaic.version = 14 : i64} {
  func.func @_comb2_body(%arg0: i32, %arg1: memref<2x1000x16xf32, #tpu.memory_space<vmem>>, %arg2: memref<1000x16xf32, #tpu.memory_space<vmem>>, %arg3: memref<1000x1xf32, #tpu.memory_space<vmem>>, %arg4: memref<1x16xf32, #tpu.memory_space<vmem>>, %arg5: memref<1000x16xf32, #tpu.memory_space<vmem>>) attributes {dimension_semantics = [#tpu.dimension_semantics<arbitrary>], iteration_bounds = array<i64: 10>, scalar_prefetch = 0 : i64, scratch_operands = 0 : i64, tpu.core_type = #tpu.core_type<tc>, window_params = [{transform_indices = @transform_0, window_bounds = array<i64: 2, 1000, 16>}, {transform_indices = @transform_1, window_bounds = array<i64: 1000, 16>}, {transform_indices = @transform_2, window_bounds = array<i64: 1000, 1>}, {pipeline_mode = #tpu.pipeline_mode<synchronous>, transform_indices = @transform_3, window_bounds = array<i64: 1, 16>}, {transform_indices = @transform_4, window_bounds = array<i64: 1000, 16>}]} {
    %get3A = arith.constant 0 : index
    %get3A_0 = arith.constant 0 : index
    %get3A_1 = arith.constant 0 : index
    %get3A_2 = vector.load %arg1[%get3A, %get3A_0, %get3A_1] : memref<2x1000x16xf32, #tpu.memory_space<vmem>>, vector<1x1000x16xf32>
    %get3A_3 = vector.shape_cast %get3A_2 : vector<1x1000x16xf32> to vector<1000x16xf32>
    %get3A_4 = arith.constant 1 : index
    %get3A_5 = arith.constant 0 : index
    %get3A_6 = arith.constant 0 : index
    %get3A_7 = vector.load %arg1[%get3A_4, %get3A_5, %get3A_6] : memref<2x1000x16xf32, #tpu.memory_space<vmem>>, vector<1x1000x16xf32>
    %get3A_8 = vector.shape_cast %get3A_7 : vector<1x1000x16xf32> to vector<1000x16xf32>
    %add3A = arith.addf %get3A_3, %get3A_8 : vector<1000x16xf32>
    %get3A_9 = arith.constant 0 : index
    %get3A_10 = arith.constant 0 : index
    %get3A_11 = vector.load %arg2[%get3A_9, %get3A_10] : memref<1000x16xf32, #tpu.memory_space<vmem>>, vector<1000x16xf32>
    %add3A_12 = arith.addf %add3A, %get3A_11 : vector<1000x16xf32>
    %get3A_13 = arith.constant 0 : index
    %get3A_14 = arith.constant 0 : index
    %get3A_15 = vector.load %arg3[%get3A_13, %get3A_14] : memref<1000x1xf32, #tpu.memory_space<vmem>>, vector<1000x1xf32>
    %mul3A = vector.broadcast %get3A_15 : vector<1000x1xf32> to vector<1000x16xf32>
    %mul3A_16 = arith.mulf %add3A_12, %mul3A : vector<1000x16xf32>
    %get3A_17 = arith.constant 0 : index
    %get3A_18 = arith.constant 0 : index
    %get3A_19 = vector.load %arg4[%get3A_17, %get3A_18] : memref<1x16xf32, #tpu.memory_space<vmem>>, vector<1x16xf32>
    %add3A_20 = vector.broadcast %get3A_19 : vector<1x16xf32> to vector<1000x16xf32>
    %add3A_21 = arith.addf %mul3A_16, %add3A_20 : vector<1000x16xf32>
    %swap3A = arith.constant 0 : index
    %swap3A_22 = arith.constant 0 : index
    %swap3A_23 = vector.load %arg5[%swap3A, %swap3A_22] : memref<1000x16xf32, #tpu.memory_space<vmem>>, vector<1000x16xf32>
    tpu.vector_store %arg5[%swap3A, %swap3A_22], %add3A_21 {strides = array<i32>} : memref<1000x16xf32, #tpu.memory_space<vmem>>, vector<1000x16xf32>,
    return
  }
  func.func @transform_0(%arg0: i32) -> (i32, i32, i32) {
    %c0_i32 = arith.constant 0 : i32
    %c0_i32_0 = arith.constant 0 : i32
    %c0_i32_1 = arith.constant 0 : i32
    return %c0_i32, %arg0, %c0_i32_0 : i32, i32, i32
  }
  func.func @transform_1(%arg0: i32) -> (i32, i32) {
    %c0_i32 = arith.constant 0 : i32
    %c0_i32_0 = arith.constant 0 : i32
    return %arg0, %c0_i32 : i32, i32
  }
  func.func @transform_2(%arg0: i32) -> (i32, i32) {
    %c0_i32 = arith.constant 0 : i32
    %c0_i32_0 = arith.constant 0 : i32
    return %arg0, %c0_i32 : i32, i32
  }
  func.func @transform_3(%arg0: i32) -> (i32, i32) {
    %c0_i32 = arith.constant 0 : i32
    %c0_i32_0 = arith.constant 0 : i32
    %c0_i32_1 = arith.constant 0 : i32
    return %c0_i32, %c0_i32_0 : i32, i32
  }
  func.func @transform_4(%arg0: i32) -> (i32, i32) {
    %c0_i32 = arith.constant 0 : i32
    %c0_i32_0 = arith.constant 0 : i32
    return %arg0, %c0_i32 : i32, i32
  }
}

</mosaic_0001>

<sc_bundles>
// kernel: kernel.12.cloned.1.call-start
scs
__scs_entry_jumppad:
0x0: {  	(pc) =	sbr.rel $0x88, $3  }
0x1: {  	(tag) =	ssettag $0x0;
	lr =	simm.s32 $0x1  }
0x2: {  	[smem:$0x3F9B] =	sst lr;
	_ =	strace $0xD0000000  }
0x3: {  	_ = 	snop  }
0x4: {  	_ = 	snop  }
0x5: {  	_ = 	snop  }
0x6: {  	_ = 	snop  }
0x7: {  	_ = 	snop  }
__scs_overlays_trampoline_lowered:
0x8: {  	[smem:$0x3FAA] =	sst s0  }
0x9: {  	[smem:$0x3FAB] =	sst s1  }
0xa: {  	[smem:$0x3FAC] =	sst s2  }
0xb: {  	[smem:$0x3FAD] =	sst s3  }
0xc: {  	[smem:$0x3FAE] =	sst s4  }
0xd: {  	[smem:$0x3FAF] =	sst s5  }
0xe: {  	[smem:$0x3FB0] =	sst s6  }
0xf: {  	[smem:$0x3FB1] =	sst s7  }
0x10: {  	[smem:$0x3FB2] =	sst s8  }
0x11: {  	[smem:$0x3FB3] =	sst s9;
	s0 =	simm.s32 @!p0 $0x0  }
0x12: {  	s1 =	sld [smem:$0x3F99];
	s0 =	simm.s32 @p0 $0x1  }
0x13: {  	[smem:$0x3FB4] =	sst s0;
	s0 =	simm.s32 @!p1 $0x0  }
0x14: {  	s2 =	sld [smem:$0x3F98];
	s0 =	simm.s32 @p1 $0x1  }
0x15: {  	[smem:$0x3FB5] =	sst s0;
	s0 =	simm.s32 @!p2 $0x0  }
0x16: {  	s3 =	sld [smem:$0x3FDB];
	s0 =	simm.s32 @p2 $0x1  }
0x17: {  	s4 =	simm.s32 $0x1BF5;
	[smem:$0x3FB7] =	sst s0  }
0x18: {  	s0 =	sld [smem:$0x3F9A];
	_ =	swait.ge [sflag:s4], $0x0  }
0x19: {  	s7 =	sld [smem:$0x3F9B]  }
0x1a: {  	s8 =	sadd.s32 $0xFFFFE003, lr  }
0x1b: {  	s9 =	sadd.s32 $0xFFFFFEF7, lr;
	s5 =	simm.s32 $0xFFFFFFFF;
	p2 =	slt.u32 s8, $0xFFFFF086  }
0x1c: {  	p1 =	slt.u32 s9, $0xF7A;
	s5 =	simm.s32 @!p2 $0x0  }
0x1d: {  	s5 =	simm.s32 @p1 $0x1;
	p0 =	seq.s32 s7, s2  }
0x1e: {  	s7 =	smul.u32 @!p0 $0xF7A, s2;
	p2 =	seq.s32 @!p0 s5, $0x0  }
0x1f: {  	s9 =	smul.u32 $0xF7A, s1;
	s8 =	simm.s32 @!p0 $0x1BF5;
	p2 =	por !p2, p0  }
0x20: {  	[sflag:s8] =	ssyncset.s32 @!p0 $0xFFFFF086;
	s6 =	sadd.s32 @!p0 s3, s7;
	s7 =	simm.s32 @!p0 $0x108  }
0x21: {  	s3 =	sadd.s32 s3, s9;
	s6 =	sadd.s32 @!p0 $0x88, s6;
	s7 =	simm.s32 @p2 $0x1082  }
0x22: {  	[simem:s7], [sflag:s8] =	dma.local @!p0 [hbm:s6], $0xF7A  }
0x23: {  	s9 =	sor.u32 $0xD0000000, s2;
	s6 =	simm.s32 $0x108;
	_ =	swait.ge @!p0 [sflag:s8], $0x0  }
0x24: {  	s3 =	sadd.s32 $0x88, s3;
	s6 =	simm.s32 @!p1 $0x1082;
	[sflag:s4] =	ssyncset.s32 $0xFFFFF086  }
0x25: {  	[simem:s6], [sflag:s4] =	dma.local [hbm:s3], $0xF7A  }
0x26: {  	[smem:$0x3F9B] =	sst s1;
	(tag) =	ssettag s2;
	_ =	strace s9  }
0x27: {  	s1 =	sld [smem:$0x3FAB]  }
0x28: {  	s2 =	sld [smem:$0x3FAC]  }
0x29: {  	s4 =	sld [smem:$0x3FAE]  }
0x2a: {  	p0 =	seq.s32 s5, $0x0;
	s5 =	sld [smem:$0x3FAF]  }
0x2b: {  	s6 =	sld [smem:$0x3FB0]  }
0x2c: {  	s7 =	sld [smem:$0x3FB1]  }
0x2d: {  	s3 =	simm.s32 $0x108;
	s8 =	sld [smem:$0x3FB2]  }
0x2e: {  	s3 =	simm.s32 @!p0 $0x1082;
	s9 =	sld [smem:$0x3FB3]  }
0x2f: {  	lr =	sadd.s32 s0, s3;
	s0 =	sld [smem:$0x3FAA]  }
0x30: {  	s3 =	sld [smem:$0x3FAD]  }
0x31: {  	[smem:$0x3FB6] =	sst s10  }
0x32: {  	s10 =	sld [smem:$0x3FB4];
	_ =	sdelay $0x3  }
0x33: {  	p0 =	seq.s32 s10, $0x1;
	s10 =	sld [smem:$0x3FB6];
	_ =	sdelay $0x3  }
0x34: {  	[smem:$0x3FB6] =	sst s10  }
0x35: {  	s10 =	sld [smem:$0x3FB5];
	_ =	sdelay $0x3  }
0x36: {  	p1 =	seq.s32 s10, $0x1;
	s10 =	sld [smem:$0x3FB6];
	_ =	sdelay $0x3  }
0x37: {  	[smem:$0x3FB6] =	sst s10  }
0x38: {  	s10 =	sld [smem:$0x3FB7]  }
0x39: {  	_ = 	snop;
	(pc) =	sbr.ind lr, $3  }
0x3a: {  	_ = 	snop  }
0x3b: {  	_ = 	snop  }
0x3c: {  	p2 =	seq.s32 s10, $0x1;
	s10 =	sld [smem:$0x3FB6]  }
0x3d: {  	_ =	shalt  }
0x3e: {  	_ =	shalt  }
0x3f: {  	_ =	shalt  }
0x40: {  	_ =	shalt  }
0x41: {  	_ =	shalt  }
0x42: {  	_ =	shalt  }
0x43: {  	_ =	shalt  }
0x44: {  	_ =	shalt  }
0x45: {  	_ =	shalt  }
0x46: {  	_ =	shalt  }
0x47: {  	_ =	shalt  }
0x48: {  	_ =	shalt  }
0x49: {  	_ =	shalt  }
0x4a: {  	_ =	shalt  }
0x4b: {  	_ =	shalt  }
0x4c: {  	_ =	shalt  }
0x4d: {  	_ =	shalt  }
0x4e: {  	_ =	shalt  }
0x4f: {  	_ =	shalt  }
0x50: {  	_ =	shalt  }
0x51: {  	_ =	shalt  }
0x52: {  	_ =	shalt  }
0x53: {  	_ =	shalt  }
0x54: {  	_ =	shalt  }
0x55: {  	_ =	shalt  }
0x56: {  	_ =	shalt  }
0x57: {  	_ =	shalt  }
0x58: {  	_ =	shalt  }
0x59: {  	_ =	shalt  }
0x5a: {  	_ =	shalt  }
0x5b: {  	_ =	shalt  }
0x5c: {  	_ =	shalt  }
0x5d: {  	_ =	shalt  }
0x5e: {  	_ =	shalt  }
0x5f: {  	_ =	shalt  }
0x60: {  	_ =	shalt  }
0x61: {  	_ =	shalt  }
0x62: {  	_ =	shalt  }
0x63: {  	_ =	shalt  }
0x64: {  	_ =	shalt  }
0x65: {  	_ =	shalt  }
0x66: {  	_ =	shalt  }
0x67: {  	_ =	shalt  }
0x68: {  	_ =	shalt  }
0x69: {  	_ =	shalt  }
0x6a: {  	_ =	shalt  }
0x6b: {  	_ =	shalt  }
0x6c: {  	_ =	shalt  }
0x6d: {  	_ =	shalt  }
0x6e: {  	_ =	shalt  }
0x6f: {  	_ =	shalt  }
0x70: {  	_ =	shalt  }
0x71: {  	_ =	shalt  }
0x72: {  	_ =	shalt  }
0x73: {  	_ =	shalt  }
0x74: {  	_ =	shalt  }
0x75: {  	_ =	shalt  }
0x76: {  	_ =	shalt  }
0x77: {  	_ =	shalt  }
0x78: {  	_ =	shalt  }
0x79: {  	_ =	shalt  }
0x7a: {  	_ =	shalt  }
0x7b: {  	_ =	shalt  }
0x7c: {  	_ =	shalt  }
0x7d: {  	_ =	shalt  }
0x7e: {  	_ =	shalt  }
0x7f: {  	_ =	shalt  }
0x80: {  	_ =	shalt  }
0x81: {  	_ =	shalt  }
0x82: {  	_ =	shalt  }
0x83: {  	_ =	shalt  }
0x84: {  	_ =	shalt  }
0x85: {  	_ =	shalt  }
0x86: {  	_ =	shalt  }
0x87: {  	_ =	shalt  }
.Lfunc_end0:
.L_simem_size_0:
called_computation.1_lowered:
.L_overlay_start_0:
0x88: {  	s2 =	sld [smem:$0x3FD9]  }
0x89: {  	s3 =	sld [smem:$0x3FFE];
	_ =	sdelay $0x1  }
0x8a: {  	s1 =	srdreg.scid  }
0x8b: {  	s0 =	sand.u32 $0x1, s1  }
0x8c: {  	s16 =	sshll.u32 s0, $0xA;
	s2 =	sadd.s32 s3, s2  }
0x8d: {  	s2 =	sadd.s32 s2, s16  }
0x8e: {  	[smem:$0x3FC2] =	sst s2  }
0x8f: {  	_ = 	snop  }
0x90: {  	(tm) =	ssettm $0x1  }
0x91: {  	s17 =	sld [smem:$0x3FFB];
	_ =	sdelay $0x3  }
0x92: {  	_ =	strace s17  }
0x93: {  	s2 =	sld [smem:$0x3FFC];
	_ =	sdelay $0x3  }
0x94: {  	_ =	strace s2  }
0x95: {  	s2 =	sld [smem:$0x3FFD];
	_ =	sdelay $0x3  }
0x96: {  	_ =	strace s2  }
0x97: {  	_ =	strace $0x8FFFFFFF  }
0x98: {  	s18 =	sld [smem:$0x3FDB];
	_ =	sdelay $0x1  }
0x99: {  	s19 =	simm.s32 $_scs_section_size  }
0x9a: {  	s4 =	simm.s32 $_size__tile_overlayer_lowered;
	s5 =	simm.s32 $_tile_overlayer_lowered  }
0x9b: {  	s22 =	simm.s32 $0x1BFF;
	s21 =	sshll.u32 s5, $0x1;
	s2 =	sadd.s32 s19, s18  }
0x9c: {  	s6 =	simm.s32 $0x0;
	s20 =	sshll.u32 s4, $0x1;
	s4 =	sadd.s32 s21, s2  }
0x9d: {  	[timem:s6], [sflag:s22] =	dma.local [hbm:s4], s20  }
0x9e: {  	_ =	swait.ge [sflag:s22], s20  }
0x9f: {  	s3 =	ssub.s32 $0x0, s20;
	[sflag:s22] =	ssyncset.done $0x0  }
0xa0: {  	[sflag:s22] =	ssyncadd.s32 s3;
	_ =	sdelay $0x1  }
0xa1: {  	s23 =	simm.s32 $0x1B8B  }
0xa2: {  	_ =	swait.ge [sflag:s23], $0x1  }
0xa3: {  	[sflag:s23] =	ssyncset.done $0x0  }
0xa4: {  	s25 =	simm.s32 $0x1B8E;
	s24 =	sld [smem:$0x3FFE];
	[sflag:s23] =	ssyncadd.s32 $0xFFFFFFFF  }
0xa5: {  	s26 =	simm.s32 $execute0_lowered;
	[smem:$0x3FD2] =	sst s25  }
0xa6: {  	s4 =	sshll.u32 s26, $0x1;
	_ =	strace $0x80000049;
	[dreg:$0x1] =	wrdreg $0xFFFFFFFF  }
0xa7: {  	s28 =	simm.s32 $_size_execute0_lowered;
	s2 =	sadd.s32 s2, s4;
	[dreg:$0x0] =	wrdreg $0x0  }
0xa8: {  	s4 =	sshll.u32 s28, $0x1;
	[dreg:$0x2] =	wrdreg s2  }
0xa9: {  	[dreg:$0x3] =	wrdreg s4  }
0xaa: {  	[dreg:$0x4] =	wrdreg $0xC0  }
0xab: {  	_ =	task [dreg:s6], $0x5FFFF  }
0xac: {  	[dreg:$0x1] =	wrdreg $0xFFFFFFFF  }
0xad: {  	[dreg:$0x0] =	wrdreg $0x60  }
0xae: {  	[dreg:$0x2] =	wrdreg s24  }
0xaf: {  	[dreg:$0x3] =	wrdreg $0x11F000  }
0xb0: {  	[dreg:$0x4] =	wrdreg $0x9  }
0xb1: {  	_ =	task.clear_ibuf [dreg:s6], $0x5FFFF;
	_ =	strace $0x90000049  }
0xb2: {  	s29 =	simm.s32 $0x9;
	_ =	strace $0x8000004B  }
0xb3: {  	_ =	swait.ge [sflag:s29], $0x1  }
0xb4: {  	[sflag:s29] =	ssyncadd.s32 $0xFFFFFFFF  }
0xb5: {  	_ =	strace $0x9000004B  }
0xb6: {  	_ =	sfence  }
0xb7: {  	s30 =	sld [smem:$0x0];
	_ =	sdelay $0x2  }
0xb8: {  	s31 =	sshll.u32 s1, $0xD;
	s1 =	sshrl.u32 s1, $0x2  }
0xb9: {  	s3 =	sand.u32 $0x4000, s31;
	s1 =	sadd.s32 s1, s30  }
0xba: {  	s0 =	sor.u32 s3, s0;
	s1 =	sshll.u32 s1, $0x11  }
0xbb: {  	s0 =	sor.u32 s1, s0  }
0xbc: {  	s0 =	sadd.s32 $0x8F2B, s0  }
0xbd: {  	[sflag:s0] =	ssyncadd.remote.s32 $0x1  }
0xbe: {  	_ =	sfence.sel $0xFFFF  }
0xbf: {  	[dreg:$0x0] =	wrdreg $0xFFFFFFFF;
	(pc) =	sbr.abs _section_cstart, $3  }
0xc0: {  	[dreg:$0x1] =	wrdreg $0xFFFFFFFF  }
0xc1: {  	_ =	task.clear_ibuf [dreg:s6], $0x2FFFF;
	_ =	strace $0x9FFFFFFF  }
0xc2: {  	(tm) =	ssettm $0x7FFFFFFF  }
0xc3: {  	_ =	shalt  }
tec
execute0_lowered:
.L_overlay_start_1:
0x0: {  	(tag) =	ssettag $0x1  }
0x1: {  	s0 =	rddreg [dreg:$0x0];
	s1 =	srdreg.scid  }
0x2: {  	s6 =	stileid.u32;
	s2 =	rddreg [dreg:$0x1]  }
0x3: {  	s4 =	simm.s32 $0x0;
	s9 =	simm.s32 $0x11;
	s11 =	simm.s32 $0x80  }
0x4: {  	s12 =	simm.s32 $0x5000;
	s13 =	simm.s32 $0x6000;
	s15 =	simm.s32 $0x7000  }
0x5: {  	s17 =	simm.s32 $0x8000;
	s19 =	simm.s32 $0x9000;
	s20 =	simm.s32 $0x1  }
0x6: {  	s21 =	simm.s32 $0xA000;
	s22 =	simm.s32 $0x2;
	s23 =	simm.s32 $0xB000  }
0x7: {  	s28 =	simm.s32 $0x4;
	s29 =	simm.s32 $0x9;
	s30 =	simm.s32 $0x5  }
0x8: {  	s31 =	simm.s32 $0xA;
	s10 =	simm.s32 $0xB;
	s14 =	simm.s32 $0x7  }
0x9: {  	s16 =	simm.s32 $0xC;
	s18 =	simm.s32 $0x8;
	s8 =	simm.s32 $0x10  }
0xa: {  	s1 =	sand.u32 $0x1, s1;
	s3 =	sshll.u32 s6, $0x1;
	s6 =	smul.u32 $0x4F00, s6  }
0xb: {  	s3 =	sor.u32 s1, s3;
	s5 =	smul.u32 $0x9E00, s1;
	s1 =	ssub.s32 $0x2, s1  }
0xc: {  	[smem:$0x7FF] =	sst s4;
	s3 =	smul.u32 $0x500, s3;
	s24 =	sshrl.u32 s1, $0x1  }
0xd: {  	s4 =	sadd.s32 $0xB600, s0;
	_ =	strace $0x8000004A;
	s1 =	ssub.s32 s1, s24  }
0xe: {  	s26 =	sshrl.u32 s6, $0x3;
	s3 =	sadd.s32 s3, s0;
	s1 =	smax.u32 s1, $0x1  }
0xf: {  	s0 =	sadd.s32 s5, s0;
	s5 =	sadd.s32 s6, s2;
	[dreg:$0x6] =	wrdreg s1  }
0x10: {  	s24 =	simm.s32 $0x0;
	s25 =	sadd.s32 $0x15400, s3;
	[dreg:$0x5] =	wrdreg s5  }
0x11: {  	s3 =	sadd.s32 $0x1600, s3;
	s0 =	sadd.s32 $0x1F400, s0;
	[dreg:$0x3] =	wrdreg s25  }
0x12: {  	s1 =	simm.s32 $0x6;
	[dreg:$0x4] =	wrdreg s3;
	s0 =	sadd.s32 s26, s0  }
0x13: {  	v0 =	vimm.f32 $0.0e+00;
	s25 =	simm.s32 $0x3;
	s26 =	simm.s32 $0xC000;
	[dreg:$0x7] =	wrdreg s0  }
.LBB2_1:
0x14: {  	s0 =	simm.s32 $0x0;
	s3 =	rddreg [dreg:$0x3]  }
0x15: {  	[tilespmem:s0], [sflag:$0x11] =	stream.linear.gather [hbm4b:s3+s0], $0x2800, $0x38;
	[tilespmem:$0x16E00] =	vst v63  }
0x16: {  	_ =	swait.ge [sflag:s9], $0x2800  }
0x17: {  	[sflag:s9] =	ssyncset.done $0x0  }
0x18: {  	s6 =	simm.s32 $0x2800;
	s7 =	rddreg [dreg:$0x4];
	[sflag:s9] =	ssyncadd.s32 $0xFFFFD800  }
0x19: {  	[tilespmem:s6], [sflag:$0x11] =	stream.linear.gather [hbm4b:s7+s0], $0x2800, $0x38;
	[tilespmem:$0x16E00] =	vst v63  }
0x1a: {  	_ =	swait.ge [sflag:s9], $0x2800  }
0x1b: {  	[sflag:s9] =	ssyncset.done $0x0  }
0x1c: {  	[sflag:s9] =	ssyncadd.s32 $0xFFFFD800  }
0x1d: {  	[tilespmem:s12], [sflag:$0x1] =	stream.indirect.gather [hbm4b:s4+s11], $0x20, s0, s11, $0xb8;
	[tilespmem:$0x16E00] =	vst v63  }
0x1e: {  	_ = 	snop  }
0x1f: {  	[tilespmem:s13], [sflag:$0x2] =	stream.indirect.gather [hbm4b:s4+s11], $0x20, s11, s11, $0xb8;
	[tilespmem:$0x16E00] =	vst v63  }
0x20: {  	s6 =	simm.s32 $0x100  }
0x21: {  	[tilespmem:s15], [sflag:$0x3] =	stream.indirect.gather [hbm4b:s4+s11], $0x20, s6, s11, $0xb8;
	[tilespmem:$0x16E00] =	vst v63  }
0x22: {  	s3 =	simm.s32 $0x0;
	s7 =	simm.s32 $0x180;
	s0 =	simm.s32 $0x80  }
0x23: {  	[tilespmem:s17], [sflag:$0x4] =	stream.indirect.gather [hbm4b:s4+s11], $0x20, s7, s11, $0xb8;
	[tilespmem:$0x16E00] =	vst v63  }
.LBB2_2:
0x24: {  	p0 =	sne.s32 s0, $0x13B80;
	[tilespmem:s3+$0xD000] =	vst v0;
	s7 =	smov.u32 s0;
	s0 =	sadd.s32 $0x80, s0  }
.Ltmp0:
0x25: {  	[tilespmem:s3+$0xD010] =	vst v0;
	(pc) =	sbr.rel @p0 .LBB2_2-.Ltmp0, $2  }
0x26: {  	_ =	sdelay $0x2  }
0x27: {  	s3 =	sshra.s32 s7, $0x2  }
0x28: {  	[tilespmem:s3+$0xD000] =	vst v0  }
0x29: {  	[tilespmem:s3+$0xD010] =	vst v0;
	s0 =	simm.s32 $0xD000  }
0x2a: {  	[spmem:s5] =	stream.linear.scatter [tilespmem:s0], [sflag:$0x11], $0x4F00, $0x38;
	[tilespmem:$0x16E00] =	vst v63  }
0x2b: {  	_ =	swait.ge [sflag:s9], $0x4F00  }
0x2c: {  	[sflag:s9] =	ssyncset.done $0x0  }
0x2d: {  	p0 =	por $0x1, $0x1;
	[sflag:s9] =	ssyncadd.s32 $0xFFFFB100  }
0x2e: {  	s0 =	simm.s32 @!p0 $0xD;
	[bflag:$0x0] =	sbarrier.arrive $0xFFFF  }
0x2f: {  	_ =	swait.ge @!p0 [sflag:s0], $0x1000  }
0x30: {  	[sflag:s0] =	ssyncset.done @!p0 $0x0  }
0x31: {  	s3 =	simm.s32 $0x200;
	[sflag:s0] =	ssyncadd.s32 @!p0 $0xFFFFF000  }
0x32: {  	[tilespmem:s19], [sflag:$0x5] =	stream.indirect.gather [hbm4b:s4+s11], $0x20, s3, s11, $0xb8;
	[tilespmem:$0x16E00] =	vst v63  }
0x33: {  	_ =	swait.ge [sflag:s20], $0x1000  }
0x34: {  	[sflag:s20] =	ssyncset.done $0x0  }
0x35: {  	s5 =	simm.s32 $0x2800;
	s3 =	simm.s32 @!p0 $0xE;
	[sflag:s20] =	ssyncadd.s32 $0xFFFFF000  }
0x36: {  	[spmem:s2] =	stream.indirect.scatter.add.f32 [tilespmem:s12], [sflag:$0x9], $0x20, s5, s11, $0xb8;
	[tilespmem:$0x16E00] =	vst v63  }
0x37: {  	_ =	swait.ge @!p0 [sflag:s3], $0x1000  }
0x38: {  	[sflag:s3] =	ssyncset.done @!p0 $0x0  }
0x39: {  	s6 =	simm.s32 $0x280;
	[sflag:s3] =	ssyncadd.s32 @!p0 $0xFFFFF000  }
0x3a: {  	[tilespmem:s21], [sflag:$0x6] =	stream.indirect.gather [hbm4b:s4+s11], $0x20, s6, s11, $0xb8;
	[tilespmem:$0x16E00] =	vst v63  }
0x3b: {  	_ =	swait.ge [sflag:s22], $0x1000  }
0x3c: {  	[sflag:s22] =	ssyncset.done $0x0  }
0x3d: {  	s7 =	simm.s32 $0x2880;
	s3 =	simm.s32 @!p0 $0xF;
	[sflag:s22] =	ssyncadd.s32 $0xFFFFF000  }
0x3e: {  	[spmem:s2] =	stream.indirect.scatter.add.f32 [tilespmem:s13], [sflag:$0xA], $0x20, s7, s11, $0xb8;
	[tilespmem:$0x16E00] =	vst v63  }
0x3f: {  	_ =	swait.ge @!p0 [sflag:s3], $0x1000  }
0x40: {  	[sflag:s3] =	ssyncset.done @!p0 $0x0  }
0x41: {  	s5 =	simm.s32 $0x300;
	[sflag:s3] =	ssyncadd.s32 @!p0 $0xFFFFF000  }
0x42: {  	[tilespmem:s23], [sflag:$0x7] =	stream.indirect.gather [hbm4b:s4+s11], $0x20, s5, s11, $0xb8;
	[tilespmem:$0x16E00] =	vst v63  }
0x43: {  	_ =	swait.ge [sflag:s25], $0x1000  }
0x44: {  	[sflag:s25] =	ssyncset.done $0x0  }
0x45: {  	s6 =	simm.s32 $0x2900;
	s3 =	simm.s32 @!p0 $0x10;
	[sflag:s25] =	ssyncadd.s32 $0xFFFFF000  }
0x46: {  	[spmem:s2] =	stream.indirect.scatter.add.f32 [tilespmem:s15], [sflag:$0xB], $0x20, s6, s11, $0xb8;
	[tilespmem:$0x16E00] =	vst v63  }
0x47: {  	_ =	swait.ge @!p0 [sflag:s3], $0x1000  }
0x48: {  	[sflag:s3] =	ssyncset.done @!p0 $0x0  }
0x49: {  	s7 =	simm.s32 $0x380;
	[sflag:s3] =	ssyncadd.s32 @!p0 $0xFFFFF000  }
0x4a: {  	[tilespmem:s26], [sflag:$0x8] =	stream.indirect.gather [hbm4b:s4+s11], $0x20, s7, s11, $0xb8;
	[tilespmem:$0x16E00] =	vst v63  }
0x4b: {  	_ =	swait.ge [sflag:s28], $0x1000  }
0x4c: {  	[sflag:s28] =	ssyncset.done $0x0  }
0x4d: {  	s3 =	simm.s32 $0x2980;
	[sflag:s28] =	ssyncadd.s32 $0xFFFFF000  }
0x4e: {  	[spmem:s2] =	stream.indirect.scatter.add.f32 [tilespmem:s17], [sflag:$0xC], $0x20, s3, s11, $0xb8;
	[tilespmem:$0x16E00] =	vst v63  }
0x4f: {  	_ =	swait.ge [sflag:s29], $0x1000  }
0x50: {  	[sflag:s29] =	ssyncset.done $0x0  }
0x51: {  	s5 =	simm.s32 $0x400;
	[sflag:s29] =	ssyncadd.s32 $0xFFFFF000  }
0x52: {  	[tilespmem:s12], [sflag:$0x1] =	stream.indirect.gather [hbm4b:s4+s11], $0x20, s5, s11, $0xb8;
	[tilespmem:$0x16E00] =	vst v63  }
0x53: {  	_ =	swait.ge [sflag:s30], $0x1000  }
0x54: {  	[sflag:s30] =	ssyncset.done $0x0  }
0x55: {  	s6 =	simm.s32 $0x2A00;
	[sflag:s30] =	ssyncadd.s32 $0xFFFFF000  }
0x56: {  	[spmem:s2] =	stream.indirect.scatter.add.f32 [tilespmem:s19], [sflag:$0xD], $0x20, s6, s11, $0xb8;
	[tilespmem:$0x16E00] =	vst v63  }
0x57: {  	_ =	swait.ge [sflag:s31], $0x1000  }
0x58: {  	[sflag:s31] =	ssyncset.done $0x0  }
0x59: {  	s7 =	simm.s32 $0x480;
	[sflag:s31] =	ssyncadd.s32 $0xFFFFF000  }
0x5a: {  	[tilespmem:s13], [sflag:$0x2] =	stream.indirect.gather [hbm4b:s4+s11], $0x20, s7, s11, $0xb8;
	[tilespmem:$0x16E00] =	vst v63  }
0x5b: {  	_ =	swait.ge [sflag:s1], $0x1000  }
0x5c: {  	[sflag:s1] =	ssyncset.done $0x0  }
0x5d: {  	s3 =	simm.s32 $0x2A80;
	[sflag:s1] =	ssyncadd.s32 $0xFFFFF000  }
0x5e: {  	[spmem:s2] =	stream.indirect.scatter.add.f32 [tilespmem:s21], [sflag:$0xE], $0x20, s3, s11, $0xb8;
	[tilespmem:$0x16E00] =	vst v63  }
0x5f: {  	_ =	swait.ge [sflag:s10], $0x1000  }
0x60: {  	[sflag:s10] =	ssyncset.done $0x0  }
0x61: {  	s5 =	simm.s32 $0x500;
	[sflag:s10] =	ssyncadd.s32 $0xFFFFF000  }
0x62: {  	[tilespmem:s15], [sflag:$0x3] =	stream.indirect.gather [hbm4b:s4+s11], $0x20, s5, s11, $0xb8;
	[tilespmem:$0x16E00] =	vst v63  }
0x63: {  	_ =	swait.ge [sflag:s14], $0x1000  }
0x64: {  	[sflag:s14] =	ssyncset.done $0x0  }
0x65: {  	s6 =	simm.s32 $0x2B00;
	[sflag:s14] =	ssyncadd.s32 $0xFFFFF000  }
0x66: {  	[spmem:s2] =	stream.indirect.scatter.add.f32 [tilespmem:s23], [sflag:$0xF], $0x20, s6, s11, $0xb8;
	[tilespmem:$0x16E00] =	vst v63  }
0x67: {  	_ =	swait.ge [sflag:s16], $0x1000  }
0x68: {  	[sflag:s16] =	ssyncset.done $0x0  }
0x69: {  	s7 =	simm.s32 $0x580;
	[sflag:s16] =	ssyncadd.s32 $0xFFFFF000  }
0x6a: {  	[tilespmem:s17], [sflag:$0x4] =	stream.indirect.gather [hbm4b:s4+s11], $0x20, s7, s11, $0xb8;
	[tilespmem:$0x16E00] =	vst v63  }
0x6b: {  	p1 =	por $0x0, $0x0;
	s0 =	simm.s32 $0x2B80;
	_ =	swait.ge [sflag:s18], $0x1000  }
0x6c: {  	s3 =	simm.s32 $0x1000;
	s7 =	simm.s32 $0x2000;
	[sflag:s18] =	ssyncset.done $0x0  }
.LBB2_4:
0x6d: {  	s5 =	simm.s32 @!p1 $0xD  }
0x6e: {  	[sflag:s18] =	ssyncadd.s32 $0xFFFFF000;
	s6 =	smov.u32 s7;
	s7 =	sadd.s32 $0x1000, s7  }
0x6f: {  	[spmem:s2] =	stream.indirect.scatter.add.f32 [tilespmem:s26], [sflag:$0x10], $0x20, s0, s11, $0xb8;
	[tilespmem:$0x16E00] =	vst v63  }
0x70: {  	p0 =	sne.s32 s7, $0x9000;
	_ =	swait.ge @!p1 [sflag:s5], $0x1000  }
0x71: {  	s0 =	sshra.s32 s3, $0x2;
	s3 =	smov.u32 s6;
	[sflag:s5] =	ssyncset.done @!p1 $0x0  }
0x72: {  	[sflag:s5] =	ssyncadd.s32 @!p1 $0xFFFFF000;
	s5 =	sadd.s32 $0x200, s0  }
0x73: {  	[tilespmem:s19], [sflag:$0x5] =	stream.indirect.gather [hbm4b:s4+s11], $0x20, s5, s11, $0xb8;
	[tilespmem:$0x16E00] =	vst v63  }
0x74: {  	_ =	swait.ge [sflag:s20], $0x1000  }
0x75: {  	[sflag:s20] =	ssyncset.done $0x0  }
0x76: {  	s6 =	simm.s32 @!p1 $0xE;
	s5 =	sadd.s32 $0x2800, s0;
	[sflag:s20] =	ssyncadd.s32 $0xFFFFF000  }
0x77: {  	[spmem:s2] =	stream.indirect.scatter.add.f32 [tilespmem:s12], [sflag:$0x9], $0x20, s5, s11, $0xb8;
	[tilespmem:$0x16E00] =	vst v63  }
0x78: {  	_ =	swait.ge @!p1 [sflag:s6], $0x1000  }
0x79: {  	[sflag:s6] =	ssyncset.done @!p1 $0x0  }
0x7a: {  	s5 =	sadd.s32 $0x280, s0;
	[sflag:s6] =	ssyncadd.s32 @!p1 $0xFFFFF000  }
0x7b: {  	[tilespmem:s21], [sflag:$0x6] =	stream.indirect.gather [hbm4b:s4+s11], $0x20, s5, s11, $0xb8;
	[tilespmem:$0x16E00] =	vst v63  }
0x7c: {  	_ =	swait.ge [sflag:s22], $0x1000  }
0x7d: {  	[sflag:s22] =	ssyncset.done $0x0  }
0x7e: {  	s6 =	simm.s32 @!p1 $0xF;
	s5 =	sadd.s32 $0x2880, s0;
	[sflag:s22] =	ssyncadd.s32 $0xFFFFF000  }
0x7f: {  	[spmem:s2] =	stream.indirect.scatter.add.f32 [tilespmem:s13], [sflag:$0xA], $0x20, s5, s11, $0xb8;
	[tilespmem:$0x16E00] =	vst v63  }
0x80: {  	_ =	swait.ge @!p1 [sflag:s6], $0x1000  }
0x81: {  	[sflag:s6] =	ssyncset.done @!p1 $0x0  }
0x82: {  	s5 =	sadd.s32 $0x300, s0;
	[sflag:s6] =	ssyncadd.s32 @!p1 $0xFFFFF000  }
0x83: {  	[tilespmem:s23], [sflag:$0x7] =	stream.indirect.gather [hbm4b:s4+s11], $0x20, s5, s11, $0xb8;
	[tilespmem:$0x16E00] =	vst v63  }
0x84: {  	_ =	swait.ge [sflag:s25], $0x1000  }
0x85: {  	[sflag:s25] =	ssyncset.done $0x0  }
0x86: {  	s6 =	simm.s32 @!p1 $0x10;
	s5 =	sadd.s32 $0x2900, s0;
	[sflag:s25] =	ssyncadd.s32 $0xFFFFF000  }
0x87: {  	[spmem:s2] =	stream.indirect.scatter.add.f32 [tilespmem:s15], [sflag:$0xB], $0x20, s5, s11, $0xb8;
	[tilespmem:$0x16E00] =	vst v63  }
0x88: {  	_ =	swait.ge @!p1 [sflag:s6], $0x1000  }
0x89: {  	[sflag:s6] =	ssyncset.done @!p1 $0x0  }
0x8a: {  	s5 =	sadd.s32 $0x380, s0;
	[sflag:s6] =	ssyncadd.s32 @!p1 $0xFFFFF000  }
0x8b: {  	[tilespmem:s26], [sflag:$0x8] =	stream.indirect.gather [hbm4b:s4+s11], $0x20, s5, s11, $0xb8;
	[tilespmem:$0x16E00] =	vst v63  }
0x8c: {  	_ =	swait.ge [sflag:s28], $0x1000  }
0x8d: {  	[sflag:s28] =	ssyncset.done $0x0  }
0x8e: {  	s5 =	sadd.s32 $0x2980, s0;
	[sflag:s28] =	ssyncadd.s32 $0xFFFFF000  }
0x8f: {  	[spmem:s2] =	stream.indirect.scatter.add.f32 [tilespmem:s17], [sflag:$0xC], $0x20, s5, s11, $0xb8;
	[tilespmem:$0x16E00] =	vst v63  }
0x90: {  	_ =	swait.ge [sflag:s29], $0x1000  }
0x91: {  	[sflag:s29] =	ssyncset.done $0x0  }
0x92: {  	s5 =	sadd.s32 $0x400, s0;
	[sflag:s29] =	ssyncadd.s32 $0xFFFFF000  }
0x93: {  	[tilespmem:s12], [sflag:$0x1] =	stream.indirect.gather [hbm4b:s4+s11], $0x20, s5, s11, $0xb8;
	[tilespmem:$0x16E00] =	vst v63  }
0x94: {  	_ =	swait.ge [sflag:s30], $0x1000  }
0x95: {  	[sflag:s30] =	ssyncset.done $0x0  }
0x96: {  	s5 =	sadd.s32 $0x2A00, s0;
	[sflag:s30] =	ssyncadd.s32 $0xFFFFF000  }
0x97: {  	[spmem:s2] =	stream.indirect.scatter.add.f32 [tilespmem:s19], [sflag:$0xD], $0x20, s5, s11, $0xb8;
	[tilespmem:$0x16E00] =	vst v63  }
0x98: {  	_ =	swait.ge [sflag:s31], $0x1000  }
0x99: {  	[sflag:s31] =	ssyncset.done $0x0  }
0x9a: {  	s5 =	sadd.s32 $0x480, s0;
	[sflag:s31] =	ssyncadd.s32 $0xFFFFF000  }
0x9b: {  	[tilespmem:s13], [sflag:$0x2] =	stream.indirect.gather [hbm4b:s4+s11], $0x20, s5, s11, $0xb8;
	[tilespmem:$0x16E00] =	vst v63  }
0x9c: {  	_ =	swait.ge [sflag:s1], $0x1000  }
0x9d: {  	[sflag:s1] =	ssyncset.done $0x0  }
0x9e: {  	s5 =	sadd.s32 $0x2A80, s0;
	[sflag:s1] =	ssyncadd.s32 $0xFFFFF000  }
0x9f: {  	[spmem:s2] =	stream.indirect.scatter.add.f32 [tilespmem:s21], [sflag:$0xE], $0x20, s5, s11, $0xb8;
	[tilespmem:$0x16E00] =	vst v63  }
0xa0: {  	_ =	swait.ge [sflag:s10], $0x1000  }
0xa1: {  	[sflag:s10] =	ssyncset.done $0x0  }
0xa2: {  	s5 =	sadd.s32 $0x500, s0;
	[sflag:s10] =	ssyncadd.s32 $0xFFFFF000  }
0xa3: {  	[tilespmem:s15], [sflag:$0x3] =	stream.indirect.gather [hbm4b:s4+s11], $0x20, s5, s11, $0xb8;
	[tilespmem:$0x16E00] =	vst v63  }
0xa4: {  	_ =	swait.ge [sflag:s14], $0x1000  }
0xa5: {  	[sflag:s14] =	ssyncset.done $0x0  }
0xa6: {  	s5 =	sadd.s32 $0x2B00, s0;
	[sflag:s14] =	ssyncadd.s32 $0xFFFFF000  }
0xa7: {  	[spmem:s2] =	stream.indirect.scatter.add.f32 [tilespmem:s23], [sflag:$0xF], $0x20, s5, s11, $0xb8;
	[tilespmem:$0x16E00] =	vst v63  }
0xa8: {  	_ =	swait.ge [sflag:s16], $0x1000  }
.Ltmp1:
0xa9: {  	[sflag:s16] =	ssyncset.done $0x0;
	(pc) =	sbr.rel @p0 .LBB2_4-.Ltmp1, $4  }
0xaa: {  	s5 =	sadd.s32 $0x580, s0;
	[sflag:s16] =	ssyncadd.s32 $0xFFFFF000  }
0xab: {  	[tilespmem:s17], [sflag:$0x4] =	stream.indirect.gather [hbm4b:s4+s11], $0x20, s5, s11, $0xb8;
	[tilespmem:$0x16E00] =	vst v63  }
0xac: {  	_ =	swait.ge [sflag:s18], $0x1000  }
0xad: {  	p1 =	seq.s32 s3, $0x0;
	s0 =	sadd.s32 $0x2B80, s0;
	[sflag:s18] =	ssyncset.done $0x0  }
0xae: {  	[sflag:s18] =	ssyncadd.s32 $0xFFFFF000;
	s5 =	simm.s32 @!p1 $0xD  }
0xaf: {  	[spmem:s2] =	stream.indirect.scatter.add.f32 [tilespmem:s26], [sflag:$0x10], $0x20, s0, s11, $0xb8;
	[tilespmem:$0x16E00] =	vst v63  }
0xb0: {  	_ =	swait.ge @!p1 [sflag:s5], $0x1000  }
0xb1: {  	s0 =	sshra.s32 s3, $0x2;
	[sflag:s5] =	ssyncset.done @!p1 $0x0  }
0xb2: {  	s3 =	sadd.s32 $0x200, s0;
	[sflag:s5] =	ssyncadd.s32 @!p1 $0xFFFFF000  }
0xb3: {  	[tilespmem:s19], [sflag:$0x5] =	stream.indirect.gather [hbm4b:s4+s11], $0x20, s3, s11, $0xb8;
	[tilespmem:$0x16E00] =	vst v63  }
0xb4: {  	_ =	swait.ge [sflag:s20], $0x1000  }
0xb5: {  	[sflag:s20] =	ssyncset.done $0x0  }
0xb6: {  	s6 =	sadd.s32 $0x2800, s0;
	s3 =	simm.s32 @!p1 $0xE;
	[sflag:s20] =	ssyncadd.s32 $0xFFFFF000  }
0xb7: {  	[spmem:s2] =	stream.indirect.scatter.add.f32 [tilespmem:s12], [sflag:$0x9], $0x20, s6, s11, $0xb8;
	[tilespmem:$0x16E00] =	vst v63  }
0xb8: {  	_ =	swait.ge @!p1 [sflag:s3], $0x1000  }
0xb9: {  	[sflag:s3] =	ssyncset.done @!p1 $0x0  }
0xba: {  	s7 =	sadd.s32 $0x280, s0;
	[sflag:s3] =	ssyncadd.s32 @!p1 $0xFFFFF000  }
0xbb: {  	[tilespmem:s21], [sflag:$0x6] =	stream.indirect.gather [hbm4b:s4+s11], $0x20, s7, s11, $0xb8;
	[tilespmem:$0x16E00] =	vst v63  }
0xbc: {  	_ =	swait.ge [sflag:s22], $0x1000  }
0xbd: {  	[sflag:s22] =	ssyncset.done $0x0  }
0xbe: {  	s5 =	sadd.s32 $0x2880, s0;
	s3 =	simm.s32 @!p1 $0xF;
	[sflag:s22] =	ssyncadd.s32 $0xFFFFF000  }
0xbf: {  	[spmem:s2] =	stream.indirect.scatter.add.f32 [tilespmem:s13], [sflag:$0xA], $0x20, s5, s11, $0xb8;
	[tilespmem:$0x16E00] =	vst v63  }
0xc0: {  	_ =	swait.ge @!p1 [sflag:s3], $0x1000  }
0xc1: {  	[sflag:s3] =	ssyncset.done @!p1 $0x0  }
0xc2: {  	s6 =	sadd.s32 $0x300, s0;
	[sflag:s3] =	ssyncadd.s32 @!p1 $0xFFFFF000  }
0xc3: {  	[tilespmem:s23], [sflag:$0x7] =	stream.indirect.gather [hbm4b:s4+s11], $0x20, s6, s11, $0xb8;
	[tilespmem:$0x16E00] =	vst v63  }
0xc4: {  	_ =	swait.ge [sflag:s25], $0x1000  }
0xc5: {  	[sflag:s25] =	ssyncset.done $0x0  }
0xc6: {  	s7 =	sadd.s32 $0x2900, s0;
	s3 =	simm.s32 @!p1 $0x10;
	[sflag:s25] =	ssyncadd.s32 $0xFFFFF000  }
0xc7: {  	[spmem:s2] =	stream.indirect.scatter.add.f32 [tilespmem:s15], [sflag:$0xB], $0x20, s7, s11, $0xb8;
	[tilespmem:$0x16E00] =	vst v63  }
0xc8: {  	_ =	swait.ge @!p1 [sflag:s3], $0x1000  }
0xc9: {  	[sflag:s3] =	ssyncset.done @!p1 $0x0  }
0xca: {  	s5 =	sadd.s32 $0x380, s0;
	[sflag:s3] =	ssyncadd.s32 @!p1 $0xFFFFF000  }
0xcb: {  	[tilespmem:s26], [sflag:$0x8] =	stream.indirect.gather [hbm4b:s4+s11], $0x20, s5, s11, $0xb8;
	[tilespmem:$0x16E00] =	vst v63  }
0xcc: {  	_ =	swait.ge [sflag:s28], $0x1000  }
0xcd: {  	[sflag:s28] =	ssyncset.done $0x0  }
0xce: {  	s6 =	sadd.s32 $0x2980, s0;
	[sflag:s28] =	ssyncadd.s32 $0xFFFFF000  }
0xcf: {  	[spmem:s2] =	stream.indirect.scatter.add.f32 [tilespmem:s17], [sflag:$0xC], $0x20, s6, s11, $0xb8;
	[tilespmem:$0x16E00] =	vst v63  }
0xd0: {  	_ =	swait.ge [sflag:s29], $0x1000  }
0xd1: {  	[sflag:s29] =	ssyncset.done $0x0  }
0xd2: {  	s7 =	sadd.s32 $0x400, s0;
	[sflag:s29] =	ssyncadd.s32 $0xFFFFF000  }
0xd3: {  	[tilespmem:s12], [sflag:$0x1] =	stream.indirect.gather [hbm4b:s4+s11], $0x20, s7, s11, $0xb8;
	[tilespmem:$0x16E00] =	vst v63  }
0xd4: {  	_ =	swait.ge [sflag:s30], $0x1000  }
0xd5: {  	[sflag:s30] =	ssyncset.done $0x0  }
0xd6: {  	s5 =	sadd.s32 $0x2A00, s0;
	[sflag:s30] =	ssyncadd.s32 $0xFFFFF000  }
0xd7: {  	[spmem:s2] =	stream.indirect.scatter.add.f32 [tilespmem:s19], [sflag:$0xD], $0x20, s5, s11, $0xb8;
	[tilespmem:$0x16E00] =	vst v63  }
0xd8: {  	_ =	swait.ge [sflag:s31], $0x1000  }
0xd9: {  	[sflag:s31] =	ssyncset.done $0x0  }
0xda: {  	s6 =	sadd.s32 $0x480, s0;
	[sflag:s31] =	ssyncadd.s32 $0xFFFFF000  }
0xdb: {  	[tilespmem:s13], [sflag:$0x2] =	stream.indirect.gather [hbm4b:s4+s11], $0x20, s6, s11, $0xb8;
	[tilespmem:$0x16E00] =	vst v63  }
0xdc: {  	_ =	swait.ge [sflag:s1], $0x1000  }
0xdd: {  	[sflag:s1] =	ssyncset.done $0x0  }
0xde: {  	s7 =	sadd.s32 $0x2A80, s0;
	[sflag:s1] =	ssyncadd.s32 $0xFFFFF000  }
0xdf: {  	[spmem:s2] =	stream.indirect.scatter.add.f32 [tilespmem:s21], [sflag:$0xE], $0x20, s7, s11, $0xb8;
	[tilespmem:$0x16E00] =	vst v63  }
0xe0: {  	_ =	swait.ge [sflag:s10], $0x1000  }
0xe1: {  	[sflag:s10] =	ssyncset.done $0x0  }
0xe2: {  	s5 =	sadd.s32 $0x500, s0;
	[sflag:s10] =	ssyncadd.s32 $0xFFFFF000  }
0xe3: {  	[tilespmem:s15], [sflag:$0x3] =	stream.indirect.gather [hbm4b:s4+s11], $0x20, s5, s11, $0xb8;
	[tilespmem:$0x16E00] =	vst v63  }
0xe4: {  	_ =	swait.ge [sflag:s14], $0x1000  }
0xe5: {  	[sflag:s14] =	ssyncset.done $0x0  }
0xe6: {  	s6 =	sadd.s32 $0x2B00, s0;
	[sflag:s14] =	ssyncadd.s32 $0xFFFFF000  }
0xe7: {  	[spmem:s2] =	stream.indirect.scatter.add.f32 [tilespmem:s23], [sflag:$0xF], $0x20, s6, s11, $0xb8;
	[tilespmem:$0x16E00] =	vst v63  }
0xe8: {  	_ =	swait.ge [sflag:s16], $0x1000  }
0xe9: {  	[sflag:s16] =	ssyncset.done $0x0  }
0xea: {  	s7 =	sadd.s32 $0x580, s0;
	[sflag:s16] =	ssyncadd.s32 $0xFFFFF000  }
0xeb: {  	[tilespmem:s17], [sflag:$0x4] =	stream.indirect.gather [hbm4b:s4+s11], $0x20, s7, s11, $0xb8;
	[tilespmem:$0x16E00] =	vst v63  }
0xec: {  	_ =	swait.ge [sflag:s18], $0x1000  }
0xed: {  	[sflag:s18] =	ssyncset.done $0x0  }
0xee: {  	s0 =	sadd.s32 $0x2B80, s0;
	[sflag:s18] =	ssyncadd.s32 $0xFFFFF000  }
0xef: {  	[spmem:s2] =	stream.indirect.scatter.add.f32 [tilespmem:s26], [sflag:$0x10], $0x20, s0, s11, $0xb8;
	[tilespmem:$0x16E00] =	vst v63  }
0xf0: {  	s0 =	simm.s32 $0xD  }
0xf1: {  	_ =	swait.ge [sflag:s0], $0x1000  }
0xf2: {  	[sflag:s0] =	ssyncset.done $0x0  }
0xf3: {  	s3 =	simm.s32 $0xE;
	s5 =	simm.s32 $0x2600;
	[sflag:s0] =	ssyncadd.s32 $0xFFFFF000  }
0xf4: {  	[tilespmem:s19], [sflag:$0x5] =	stream.indirect.gather [hbm4b:s4+s11], $0x20, s5, s11, $0xb8;
	[tilespmem:$0x16E00] =	vst v63  }
0xf5: {  	_ =	swait.ge [sflag:s3], $0x1000  }
0xf6: {  	[sflag:s3] =	ssyncset.done $0x0  }
0xf7: {  	s6 =	simm.s32 $0x2680;
	s5 =	simm.s32 $0xF;
	[sflag:s3] =	ssyncadd.s32 $0xFFFFF000  }
0xf8: {  	[tilespmem:s21], [sflag:$0x6] =	stream.indirect.gather [hbm4b:s4+s11], $0x20, s6, s11, $0xb8;
	[tilespmem:$0x16E00] =	vst v63  }
0xf9: {  	_ =	swait.ge [sflag:s5], $0x1000  }
0xfa: {  	[sflag:s5] =	ssyncset.done $0x0  }
0xfb: {  	s6 =	simm.s32 $0x2700;
	[sflag:s5] =	ssyncadd.s32 $0xFFFFF000  }
0xfc: {  	[tilespmem:s23], [sflag:$0x7] =	stream.indirect.gather [hbm4b:s4+s11], $0x20, s6, s11, $0xb8;
	[tilespmem:$0x16E00] =	vst v63  }
0xfd: {  	_ =	swait.ge [sflag:s8], $0x1000  }
0xfe: {  	[sflag:s8] =	ssyncset.done $0x0  }
0xff: {  	s7 =	simm.s32 $0x2780;
	[sflag:s8] =	ssyncadd.s32 $0xFFFFF000  }
0x100: {  	[tilespmem:s26], [sflag:$0x8] =	stream.indirect.gather [hbm4b:s4+s11], $0x20, s7, s11, $0xb8;
	[tilespmem:$0x16E00] =	vst v63  }
0x101: {  	_ =	swait.ge [sflag:s20], $0x1000  }
0x102: {  	[sflag:s20] =	ssyncset.done $0x0  }
0x103: {  	s7 =	simm.s32 $0x4C00;
	[sflag:s20] =	ssyncadd.s32 $0xFFFFF000  }
0x104: {  	[spmem:s2] =	stream.indirect.scatter.add.f32 [tilespmem:s12], [sflag:$0x9], $0x20, s7, s11, $0xb8;
	[tilespmem:$0x16E00] =	vst v63  }
0x105: {  	_ =	swait.ge [sflag:s22], $0x1000  }
0x106: {  	[sflag:s22] =	ssyncset.done $0x0  }
0x107: {  	s7 =	simm.s32 $0x4C80;
	[sflag:s22] =	ssyncadd.s32 $0xFFFFF000  }
0x108: {  	[spmem:s2] =	stream.indirect.scatter.add.f32 [tilespmem:s13], [sflag:$0xA], $0x20, s7, s11, $0xb8;
	[tilespmem:$0x16E00] =	vst v63  }
0x109: {  	_ =	swait.ge [sflag:s25], $0x1000  }
0x10a: {  	[sflag:s25] =	ssyncset.done $0x0  }
0x10b: {  	s7 =	simm.s32 $0x4D00;
	[sflag:s25] =	ssyncadd.s32 $0xFFFFF000  }
0x10c: {  	[spmem:s2] =	stream.indirect.scatter.add.f32 [tilespmem:s15], [sflag:$0xB], $0x20, s7, s11, $0xb8;
	[tilespmem:$0x16E00] =	vst v63  }
0x10d: {  	_ =	swait.ge [sflag:s28], $0x1000  }
0x10e: {  	[sflag:s28] =	ssyncset.done $0x0  }
0x10f: {  	s7 =	simm.s32 $0x4D80;
	[sflag:s28] =	ssyncadd.s32 $0xFFFFF000  }
0x110: {  	[spmem:s2] =	stream.indirect.scatter.add.f32 [tilespmem:s17], [sflag:$0xC], $0x20, s7, s11, $0xb8;
	[tilespmem:$0x16E00] =	vst v63  }
0x111: {  	_ =	swait.ge [sflag:s30], $0x1000  }
0x112: {  	[sflag:s30] =	ssyncset.done $0x0  }
0x113: {  	s7 =	simm.s32 $0x4E00;
	[sflag:s30] =	ssyncadd.s32 $0xFFFFF000  }
0x114: {  	[spmem:s2] =	stream.indirect.scatter.add.f32 [tilespmem:s19], [sflag:$0xD], $0x20, s7, s11, $0xb8;
	[tilespmem:$0x16E00] =	vst v63  }
0x115: {  	_ =	swait.ge [sflag:s1], $0x1000  }
0x116: {  	[sflag:s1] =	ssyncset.done $0x0  }
0x117: {  	s7 =	simm.s32 $0x4E80;
	[sflag:s1] =	ssyncadd.s32 $0xFFFFF000  }
0x118: {  	[spmem:s2] =	stream.indirect.scatter.add.f32 [tilespmem:s21], [sflag:$0xE], $0x20, s7, s11, $0xb8;
	[tilespmem:$0x16E00] =	vst v63  }
0x119: {  	_ =	swait.ge [sflag:s14], $0x1000  }
0x11a: {  	[sflag:s14] =	ssyncset.done $0x0  }
0x11b: {  	s7 =	simm.s32 $0x4F00;
	[sflag:s14] =	ssyncadd.s32 $0xFFFFF000  }
0x11c: {  	[spmem:s2] =	stream.indirect.scatter.add.f32 [tilespmem:s23], [sflag:$0xF], $0x20, s7, s11, $0xb8;
	[tilespmem:$0x16E00] =	vst v63  }
0x11d: {  	_ =	swait.ge [sflag:s18], $0x1000  }
0x11e: {  	[sflag:s18] =	ssyncset.done $0x0  }
0x11f: {  	s7 =	simm.s32 $0x4F80;
	[sflag:s18] =	ssyncadd.s32 $0xFFFFF000  }
0x120: {  	[spmem:s2] =	stream.indirect.scatter.add.f32 [tilespmem:s26], [sflag:$0x10], $0x20, s7, s11, $0xb8;
	[tilespmem:$0x16E00] =	vst v63  }
0x121: {  	_ =	swait.ge [sflag:s29], $0x1000  }
0x122: {  	[sflag:s29] =	ssyncset.done $0x0  }
0x123: {  	[sflag:s29] =	ssyncadd.s32 $0xFFFFF000  }
0x124: {  	_ =	swait.ge [sflag:s31], $0x1000  }
0x125: {  	[sflag:s31] =	ssyncset.done $0x0  }
0x126: {  	[sflag:s31] =	ssyncadd.s32 $0xFFFFF000  }
0x127: {  	_ =	swait.ge [sflag:s10], $0x1000  }
0x128: {  	[sflag:s10] =	ssyncset.done $0x0  }
0x129: {  	[sflag:s10] =	ssyncadd.s32 $0xFFFFF000  }
0x12a: {  	_ =	swait.ge [sflag:s16], $0x1000  }
0x12b: {  	[sflag:s16] =	ssyncset.done $0x0  }
0x12c: {  	[sflag:s16] =	ssyncadd.s32 $0xFFFFF000  }
0x12d: {  	_ =	swait.ge [sflag:s0], $0x1000  }
0x12e: {  	[sflag:s0] =	ssyncset.done $0x0  }
0x12f: {  	[sflag:s0] =	ssyncadd.s32 $0xFFFFF000  }
0x130: {  	_ =	swait.ge [sflag:s3], $0x1000  }
0x131: {  	[sflag:s3] =	ssyncset.done $0x0  }
0x132: {  	[sflag:s3] =	ssyncadd.s32 $0xFFFFF000  }
0x133: {  	_ =	swait.ge [sflag:s5], $0x1000  }
0x134: {  	[sflag:s5] =	ssyncset.done $0x0  }
0x135: {  	[sflag:s5] =	ssyncadd.s32 $0xFFFFF000  }
0x136: {  	_ =	swait.ge [sflag:s8], $0x1000  }
0x137: {  	[sflag:s8] =	ssyncset.done $0x0  }
0x138: {  	[sflag:s8] =	ssyncadd.s32 $0xFFFFF000  }
0x139: {  	s5 =	stileid.u32;
	[bflag:$0x0] =	sbarrier.arrive $0xFFFF  }
0x13a: {  	s0 =	sshll.u32 s5, $0x6;
	s5 =	rddreg [dreg:$0x5]  }
0x13b: {  	s0 =	sor.u32 $0x1C11, s0;
	s7 =	rddreg [dreg:$0x7];
	s6 =	sshrl.u32 s5, $0x3  }
0x13c: {  	[hbm:s7], [sflag:s0] =	dma.local [spmem:s6], $0x9E0  }
0x13d: {  	_ =	swait.ge [sflag:s9], $0x9E0  }
0x13e: {  	s24 =	sadd.s32 $0x1, s24;
	s7 =	rddreg [dreg:$0x6]  }
0x13f: {  	p0 =	sne.s32 s24, s7  }
.Ltmp2:
0x140: {  	_ = 	snop;
	(pc) =	sbr.rel @p0 .LBB2_1-.Ltmp2, $3  }
0x141: {  	_ =	sdelay $0x1  }
0x142: {  	[sflag:s9] =	ssyncset.done $0x0  }
0x143: {  	[sflag:s9] =	ssyncadd.s32 $0xFFFFF620  }
0x144: {  	_ =	sfence.sel $0x180000  }
0x145: {  	[bflag:$0x0] =	sbarrier.arrive $0xFFFF  }
0x146: {  	_ =	strace $0x9000004A  }
0x147: {  	s0 =	stileid.u32;
	[bflag:$0x2] =	sbarrier.arrive $0xFFFF  }
0x148: {  	p0 =	sne.s32 s0, $0x0;
	s0 =	rddreg [dreg:$0x2]  }
0x149: {  	s0 =	sadd.s32 @!p0 $0x100000, s0  }
0x14a: {  	[sflag:s0] =	ssyncadd.tile.s32 @!p0 $0x1;
	_ =	shalt  }
.Lfunc_end2:
_tile_overlayer_lowered:
.L_overlay_start_2:
0x14b: {  	(tag) =	ssettag $0x2  }
0x14c: {  	s0 =	rddreg [dreg:$0x0];
	s2 =	stileid.u32  }
0x14d: {  	s1 =	rddreg [dreg:$0x1];
	p0 =	sne.s32 s2, $0x0  }
0x14e: {  	s3 =	rddreg [dreg:$0x2];
	[bflag:$0x3] =	sbarrier.arrive $0xFFFF;
	s2 =	simm.s32 @!p0 $0x1C11  }
0x14f: {  	[timem:s3], [sflag:s2] =	dma.local @!p0 [hbm:s0], s1  }
0x150: {  	s0 =	simm.s32 @!p0 $0x11  }
0x151: {  	_ =	swait.ge @!p0 [sflag:s0], s1  }
0x152: {  	s1 =	ssub.s32 @!p0 $0x0, s1;
	[sflag:s0] =	ssyncset.done @!p0 $0x0  }
0x153: {  	[sflag:s0] =	ssyncadd.s32 @!p0 s1  }
0x154: {  	[bflag:$0x3] =	sbarrier.arrive $0xFFFF  }
0x155: {  	_ =	shalt  }

// kernel: kernel.15.cloned.1.call-start
scs
__scs_entry_jumppad:
0x0: {  	(pc) =	sbr.rel $0x88, $3  }
0x1: {  	(tag) =	ssettag $0x0;
	lr =	simm.s32 $0x1  }
0x2: {  	[smem:$0x3F9B] =	sst lr;
	_ =	strace $0xD0000000  }
0x3: {  	_ = 	snop  }
0x4: {  	_ = 	snop  }
0x5: {  	_ = 	snop  }
0x6: {  	_ = 	snop  }
0x7: {  	_ = 	snop  }
__scs_overlays_trampoline_lowered:
0x8: {  	[smem:$0x3FAA] =	sst s0  }
0x9: {  	[smem:$0x3FAB] =	sst s1  }
0xa: {  	[smem:$0x3FAC] =	sst s2  }
0xb: {  	[smem:$0x3FAD] =	sst s3  }
0xc: {  	[smem:$0x3FAE] =	sst s4  }
0xd: {  	[smem:$0x3FAF] =	sst s5  }
0xe: {  	[smem:$0x3FB0] =	sst s6  }
0xf: {  	[smem:$0x3FB1] =	sst s7  }
0x10: {  	[smem:$0x3FB2] =	sst s8  }
0x11: {  	[smem:$0x3FB3] =	sst s9;
	s0 =	simm.s32 @!p0 $0x0  }
0x12: {  	s1 =	sld [smem:$0x3F99];
	s0 =	simm.s32 @p0 $0x1  }
0x13: {  	[smem:$0x3FB4] =	sst s0;
	s0 =	simm.s32 @!p1 $0x0  }
0x14: {  	s2 =	sld [smem:$0x3F98];
	s0 =	simm.s32 @p1 $0x1  }
0x15: {  	[smem:$0x3FB5] =	sst s0;
	s0 =	simm.s32 @!p2 $0x0  }
0x16: {  	s3 =	sld [smem:$0x3FDB];
	s0 =	simm.s32 @p2 $0x1  }
0x17: {  	s4 =	simm.s32 $0x1BF5;
	[smem:$0x3FB7] =	sst s0  }
0x18: {  	s0 =	sld [smem:$0x3F9A];
	_ =	swait.ge [sflag:s4], $0x0  }
0x19: {  	s7 =	sld [smem:$0x3F9B]  }
0x1a: {  	s8 =	sadd.s32 $0xFFFFE003, lr  }
0x1b: {  	s9 =	sadd.s32 $0xFFFFFEF7, lr;
	s5 =	simm.s32 $0xFFFFFFFF;
	p2 =	slt.u32 s8, $0xFFFFF086  }
0x1c: {  	p1 =	slt.u32 s9, $0xF7A;
	s5 =	simm.s32 @!p2 $0x0  }
0x1d: {  	s5 =	simm.s32 @p1 $0x1;
	p0 =	seq.s32 s7, s2  }
0x1e: {  	s7 =	smul.u32 @!p0 $0xF7A, s2;
	p2 =	seq.s32 @!p0 s5, $0x0  }
0x1f: {  	s9 =	smul.u32 $0xF7A, s1;
	s8 =	simm.s32 @!p0 $0x1BF5;
	p2 =	por !p2, p0  }
0x20: {  	[sflag:s8] =	ssyncset.s32 @!p0 $0xFFFFF086;
	s6 =	sadd.s32 @!p0 s3, s7;
	s7 =	simm.s32 @!p0 $0x108  }
0x21: {  	s3 =	sadd.s32 s3, s9;
	s6 =	sadd.s32 @!p0 $0x88, s6;
	s7 =	simm.s32 @p2 $0x1082  }
0x22: {  	[simem:s7], [sflag:s8] =	dma.local @!p0 [hbm:s6], $0xF7A  }
0x23: {  	s9 =	sor.u32 $0xD0000000, s2;
	s6 =	simm.s32 $0x108;
	_ =	swait.ge @!p0 [sflag:s8], $0x0  }
0x24: {  	s3 =	sadd.s32 $0x88, s3;
	s6 =	simm.s32 @!p1 $0x1082;
	[sflag:s4] =	ssyncset.s32 $0xFFFFF086  }
0x25: {  	[simem:s6], [sflag:s4] =	dma.local [hbm:s3], $0xF7A  }
0x26: {  	[smem:$0x3F9B] =	sst s1;
	(tag) =	ssettag s2;
	_ =	strace s9  }
0x27: {  	s1 =	sld [smem:$0x3FAB]  }
0x28: {  	s2 =	sld [smem:$0x3FAC]  }
0x29: {  	s4 =	sld [smem:$0x3FAE]  }
0x2a: {  	p0 =	seq.s32 s5, $0x0;
	s5 =	sld [smem:$0x3FAF]  }
0x2b: {  	s6 =	sld [smem:$0x3FB0]  }
0x2c: {  	s7 =	sld [smem:$0x3FB1]  }
0x2d: {  	s3 =	simm.s32 $0x108;
	s8 =	sld [smem:$0x3FB2]  }
0x2e: {  	s3 =	simm.s32 @!p0 $0x1082;
	s9 =	sld [smem:$0x3FB3]  }
0x2f: {  	lr =	sadd.s32 s0, s3;
	s0 =	sld [smem:$0x3FAA]  }
0x30: {  	s3 =	sld [smem:$0x3FAD]  }
0x31: {  	[smem:$0x3FB6] =	sst s10  }
0x32: {  	s10 =	sld [smem:$0x3FB4];
	_ =	sdelay $0x3  }
0x33: {  	p0 =	seq.s32 s10, $0x1;
	s10 =	sld [smem:$0x3FB6];
	_ =	sdelay $0x3  }
0x34: {  	[smem:$0x3FB6] =	sst s10  }
0x35: {  	s10 =	sld [smem:$0x3FB5];
	_ =	sdelay $0x3  }
0x36: {  	p1 =	seq.s32 s10, $0x1;
	s10 =	sld [smem:$0x3FB6];
	_ =	sdelay $0x3  }
0x37: {  	[smem:$0x3FB6] =	sst s10  }
0x38: {  	s10 =	sld [smem:$0x3FB7]  }
0x39: {  	_ = 	snop;
	(pc) =	sbr.ind lr, $3  }
0x3a: {  	_ = 	snop  }
0x3b: {  	_ = 	snop  }
0x3c: {  	p2 =	seq.s32 s10, $0x1;
	s10 =	sld [smem:$0x3FB6]  }
0x3d: {  	_ =	shalt  }
0x3e: {  	_ =	shalt  }
0x3f: {  	_ =	shalt  }
0x40: {  	_ =	shalt  }
0x41: {  	_ =	shalt  }
0x42: {  	_ =	shalt  }
0x43: {  	_ =	shalt  }
0x44: {  	_ =	shalt  }
0x45: {  	_ =	shalt  }
0x46: {  	_ =	shalt  }
0x47: {  	_ =	shalt  }
0x48: {  	_ =	shalt  }
0x49: {  	_ =	shalt  }
0x4a: {  	_ =	shalt  }
0x4b: {  	_ =	shalt  }
0x4c: {  	_ =	shalt  }
0x4d: {  	_ =	shalt  }
0x4e: {  	_ =	shalt  }
0x4f: {  	_ =	shalt  }
0x50: {  	_ =	shalt  }
0x51: {  	_ =	shalt  }
0x52: {  	_ =	shalt  }
0x53: {  	_ =	shalt  }
0x54: {  	_ =	shalt  }
0x55: {  	_ =	shalt  }
0x56: {  	_ =	shalt  }
0x57: {  	_ =	shalt  }
0x58: {  	_ =	shalt  }
0x59: {  	_ =	shalt  }
0x5a: {  	_ =	shalt  }
0x5b: {  	_ =	shalt  }
0x5c: {  	_ =	shalt  }
0x5d: {  	_ =	shalt  }
0x5e: {  	_ =	shalt  }
0x5f: {  	_ =	shalt  }
0x60: {  	_ =	shalt  }
0x61: {  	_ =	shalt  }
0x62: {  	_ =	shalt  }
0x63: {  	_ =	shalt  }
0x64: {  	_ =	shalt  }
0x65: {  	_ =	shalt  }
0x66: {  	_ =	shalt  }
0x67: {  	_ =	shalt  }
0x68: {  	_ =	shalt  }
0x69: {  	_ =	shalt  }
0x6a: {  	_ =	shalt  }
0x6b: {  	_ =	shalt  }
0x6c: {  	_ =	shalt  }
0x6d: {  	_ =	shalt  }
0x6e: {  	_ =	shalt  }
0x6f: {  	_ =	shalt  }
0x70: {  	_ =	shalt  }
0x71: {  	_ =	shalt  }
0x72: {  	_ =	shalt  }
0x73: {  	_ =	shalt  }
0x74: {  	_ =	shalt  }
0x75: {  	_ =	shalt  }
0x76: {  	_ =	shalt  }
0x77: {  	_ =	shalt  }
0x78: {  	_ =	shalt  }
0x79: {  	_ =	shalt  }
0x7a: {  	_ =	shalt  }
0x7b: {  	_ =	shalt  }
0x7c: {  	_ =	shalt  }
0x7d: {  	_ =	shalt  }
0x7e: {  	_ =	shalt  }
0x7f: {  	_ =	shalt  }
0x80: {  	_ =	shalt  }
0x81: {  	_ =	shalt  }
0x82: {  	_ =	shalt  }
0x83: {  	_ =	shalt  }
0x84: {  	_ =	shalt  }
0x85: {  	_ =	shalt  }
0x86: {  	_ =	shalt  }
0x87: {  	_ =	shalt  }
.Lfunc_end0:
.L_simem_size_0:
called_computation.2_lowered:
.L_overlay_start_0:
0x88: {  	s2 =	sld [smem:$0x3FD9]  }
0x89: {  	s3 =	sld [smem:$0x3FFE];
	_ =	sdelay $0x1  }
0x8a: {  	s1 =	srdreg.scid  }
0x8b: {  	s0 =	sand.u32 $0x1, s1  }
0x8c: {  	s17 =	sshll.u32 s0, $0xA;
	s2 =	sadd.s32 s3, s2  }
0x8d: {  	s2 =	sadd.s32 s2, s17  }
0x8e: {  	[smem:$0x3FC2] =	sst s2  }
0x8f: {  	_ = 	snop  }
0x90: {  	s2 =	sld [smem:$0x3FD0];
	(tm) =	ssettm $0x1  }
0x91: {  	s18 =	sld [smem:$0x3FFB];
	_ =	sdelay $0x3  }
0x92: {  	_ =	strace s18  }
0x93: {  	s3 =	sld [smem:$0x3FFC];
	_ =	sdelay $0x3  }
0x94: {  	_ =	strace s3  }
0x95: {  	s3 =	sld [smem:$0x3FFD];
	_ =	sdelay $0x3  }
0x96: {  	_ =	strace s3  }
0x97: {  	_ =	strace $0x8FFFFFFF  }
0x98: {  	s19 =	sld [smem:$0x3FDB];
	_ =	sdelay $0x1  }
0x99: {  	s4 =	simm.s32 $_scs_section_size  }
0x9a: {  	s5 =	simm.s32 $_size__tile_overlayer_lowered;
	s6 =	simm.s32 $_tile_overlayer_lowered  }
0x9b: {  	s22 =	simm.s32 $0x1BFF;
	s21 =	sshll.u32 s6, $0x1;
	s3 =	sadd.s32 s4, s19  }
0x9c: {  	s7 =	simm.s32 $0x0;
	s20 =	sshll.u32 s5, $0x1;
	s5 =	sadd.s32 s21, s3  }
0x9d: {  	[timem:s7], [sflag:s22] =	dma.local [hbm:s5], s20  }
0x9e: {  	_ =	swait.ge [sflag:s22], s20  }
0x9f: {  	s4 =	ssub.s32 $0x0, s20;
	[sflag:s22] =	ssyncset.done $0x0  }
0xa0: {  	[sflag:s22] =	ssyncadd.s32 s4;
	_ =	sdelay $0x1  }
0xa1: {  	s23 =	simm.s32 $0x1B8B  }
0xa2: {  	_ =	swait.ge [sflag:s23], $0x1  }
0xa3: {  	[sflag:s23] =	ssyncset.done $0x0  }
0xa4: {  	s25 =	simm.s32 $0x1B8E;
	s24 =	sld [smem:$0x3FFE];
	[sflag:s23] =	ssyncadd.s32 $0xFFFFFFFF  }
0xa5: {  	s26 =	simm.s32 $execute0_lowered;
	[smem:$0x3FD2] =	sst s25  }
0xa6: {  	s5 =	sshll.u32 s26, $0x1;
	_ =	strace $0x8000004C;
	[dreg:$0x1] =	wrdreg $0xFFFFFFFF  }
0xa7: {  	s28 =	simm.s32 $_size_execute0_lowered;
	s3 =	sadd.s32 s3, s5;
	[dreg:$0x0] =	wrdreg $0x0  }
0xa8: {  	s5 =	sshll.u32 s28, $0x1;
	[dreg:$0x2] =	wrdreg s3  }
0xa9: {  	[dreg:$0x3] =	wrdreg s5  }
0xaa: {  	[dreg:$0x4] =	wrdreg $0xC0  }
0xab: {  	_ =	task [dreg:s7], $0x5FFFF  }
0xac: {  	[dreg:$0x1] =	wrdreg $0xFFFFFFFF  }
0xad: {  	[dreg:$0x0] =	wrdreg $0x60  }
0xae: {  	[dreg:$0x2] =	wrdreg s2  }
0xaf: {  	[dreg:$0x3] =	wrdreg s24  }
0xb0: {  	[dreg:$0x4] =	wrdreg $0xB7800  }
0xb1: {  	[dreg:$0x5] =	wrdreg $0x9  }
0xb2: {  	_ =	task.clear_ibuf [dreg:s7], $0x6FFFF;
	_ =	strace $0x9000004C  }
0xb3: {  	s29 =	simm.s32 $0x9;
	_ =	strace $0x8000004E  }
0xb4: {  	_ =	swait.ge [sflag:s29], $0x1  }
0xb5: {  	[sflag:s29] =	ssyncadd.s32 $0xFFFFFFFF  }
0xb6: {  	_ =	strace $0x9000004E  }
0xb7: {  	_ =	sfence  }
0xb8: {  	s30 =	sld [smem:$0x0];
	_ =	sdelay $0x2  }
0xb9: {  	s31 =	sshll.u32 s1, $0xD;
	s1 =	sshrl.u32 s1, $0x2  }
0xba: {  	s3 =	sand.u32 $0x4000, s31;
	s1 =	sadd.s32 s1, s30  }
0xbb: {  	s0 =	sor.u32 s3, s0;
	s1 =	sshll.u32 s1, $0x11  }
0xbc: {  	s0 =	sor.u32 s1, s0  }
0xbd: {  	s0 =	sadd.s32 $0x8F2B, s0  }
0xbe: {  	[sflag:s0] =	ssyncadd.remote.s32 $0x1  }
0xbf: {  	_ =	sfence.sel $0xFFFF  }
0xc0: {  	[dreg:$0x0] =	wrdreg $0xFFFFFFFF;
	(pc) =	sbr.abs _section_cstart, $3  }
0xc1: {  	[dreg:$0x1] =	wrdreg $0xFFFFFFFF  }
0xc2: {  	_ =	task.clear_ibuf [dreg:s7], $0x2FFFF;
	_ =	strace $0x9FFFFFFF  }
0xc3: {  	(tm) =	ssettm $0x7FFFFFFF  }
tec
execute0_lowered:
.L_overlay_start_1:
0x0: {  	(tag) =	ssettag $0x1  }
0x1: {  	s1 =	rddreg [dreg:$0x0];
	s0 =	srdreg.scid  }
0x2: {  	s6 =	stileid.u32;
	s2 =	rddreg [dreg:$0x1]  }
0x3: {  	s3 =	rddreg [dreg:$0x2];
	s5 =	simm.s32 $0x0;
	s9 =	simm.s32 $0x11  }
0x4: {  	s11 =	simm.s32 $0x80;
	s12 =	simm.s32 $0x5000;
	s13 =	simm.s32 $0x5800  }
0x5: {  	s15 =	simm.s32 $0x6000;
	s17 =	simm.s32 $0x6800;
	s19 =	simm.s32 $0x7000  }
0x6: {  	s20 =	simm.s32 $0x1;
	s21 =	simm.s32 $0x7800;
	s28 =	simm.s32 $0x4  }
0x7: {  	s29 =	simm.s32 $0x9;
	s30 =	simm.s32 $0x5;
	s31 =	simm.s32 $0xA  }
0x8: {  	s10 =	simm.s32 $0xB;
	s14 =	simm.s32 $0x7;
	s16 =	simm.s32 $0xC  }
0x9: {  	s18 =	simm.s32 $0x8;
	s8 =	simm.s32 $0x10;
	s0 =	sand.u32 $0x1, s0  }
0xa: {  	s4 =	sshll.u32 s6, $0x1;
	[smem:$0x7FF] =	sst s5;
	s6 =	smul.u32 $0x2780, s6  }
0xb: {  	s4 =	sor.u32 s0, s4;
	s22 =	smul.u32 $0x4F00, s0;
	s0 =	ssub.s32 $0x2, s0  }
0xc: {  	_ =	strace $0x8000004D;
	s4 =	smul.u32 $0x500, s4;
	s23 =	sshrl.u32 s0, $0x1  }
0xd: {  	s5 =	sadd.s32 s6, s3;
	s25 =	sshrl.u32 s6, $0x3;
	s0 =	ssub.s32 s0, s23  }
0xe: {  	[dreg:$0x6] =	wrdreg s5;
	s4 =	sadd.s32 s4, s2;
	s0 =	smax.u32 s0, $0x1  }
0xf: {  	s23 =	simm.s32 $0x8000;
	s24 =	sadd.s32 $0x15400, s4;
	[dreg:$0x7] =	wrdreg s0  }
0x10: {  	s2 =	sadd.s32 s22, s2;
	s4 =	sadd.s32 $0x1600, s4;
	[dreg:$0x4] =	wrdreg s24  }
0x11: {  	s22 =	simm.s32 $0x2;
	s2 =	sadd.s32 $0xB600, s2;
	[dreg:$0x5] =	wrdreg s4  }
0x12: {  	s26 =	sadd.s32 s25, s2;
	s25 =	simm.s32 $0x3;
	s2 =	simm.s32 $0x6  }
0x13: {  	v0 =	vimm.f32 $0.0e+00;
	s24 =	simm.s32 $0x0;
	[dreg:$0x8] =	wrdreg s26;
	s26 =	simm.s32 $0x8800  }
.LBB2_1:
0x14: {  	s0 =	simm.s32 $0x0;
	s4 =	rddreg [dreg:$0x4]  }
0x15: {  	[tilespmem:s0], [sflag:$0x11] =	stream.linear.gather [hbm4b:s4+s0], $0x2800, $0x38;
	[tilespmem:$0xDF00] =	vst v63  }
0x16: {  	_ =	swait.ge [sflag:s9], $0x2800  }
0x17: {  	[sflag:s9] =	ssyncset.done $0x0  }
0x18: {  	s6 =	simm.s32 $0x2800;
	s7 =	rddreg [dreg:$0x5];
	[sflag:s9] =	ssyncadd.s32 $0xFFFFD800  }
0x19: {  	[tilespmem:s6], [sflag:$0x11] =	stream.linear.gather [hbm4b:s7+s0], $0x2800, $0x38;
	[tilespmem:$0xDF00] =	vst v63  }
0x1a: {  	_ =	swait.ge [sflag:s9], $0x2800  }
0x1b: {  	[sflag:s9] =	ssyncset.done $0x0  }
0x1c: {  	[sflag:s9] =	ssyncadd.s32 $0xFFFFD800  }
0x1d: {  	[tilespmem:s12], [sflag:$0x1] =	stream.indirect.gather [hbm4b:s1+s11], $0x10, s0, s11, $0xb8;
	[tilespmem:$0xDF00] =	vst v63  }
0x1e: {  	_ = 	snop  }
0x1f: {  	[tilespmem:s13], [sflag:$0x2] =	stream.indirect.gather [hbm4b:s1+s11], $0x10, s11, s11, $0xb8;
	[tilespmem:$0xDF00] =	vst v63  }
0x20: {  	s6 =	simm.s32 $0x100  }
0x21: {  	[tilespmem:s15], [sflag:$0x3] =	stream.indirect.gather [hbm4b:s1+s11], $0x10, s6, s11, $0xb8;
	[tilespmem:$0xDF00] =	vst v63  }
0x22: {  	s4 =	simm.s32 $0x0;
	s7 =	simm.s32 $0x180;
	s0 =	simm.s32 $0x40  }
0x23: {  	[tilespmem:s17], [sflag:$0x4] =	stream.indirect.gather [hbm4b:s1+s11], $0x10, s7, s11, $0xb8;
	[tilespmem:$0xDF00] =	vst v63  }
.LBB2_2:
0x24: {  	p0 =	sne.s32 s0, $0x9DC0;
	[tilespmem:s4+$0x9000] =	vst v0;
	s4 =	smov.u32 s0;
	s0 =	sadd.s32 $0x40, s0  }
.Ltmp0:
0x25: {  	(pc) =	sbr.rel @p0 .LBB2_2-.Ltmp0, $2  }
0x26: {  	_ =	sdelay $0x2  }
0x27: {  	s4 =	sshra.s32 s4, $0x2  }
0x28: {  	[tilespmem:s4+$0x9000] =	vst v0;
	s0 =	simm.s32 $0x9000  }
0x29: {  	[spmem:s5] =	stream.linear.scatter [tilespmem:s0], [sflag:$0x11], $0x2780, $0x38;
	[tilespmem:$0xDF00] =	vst v63  }
0x2a: {  	_ =	swait.ge [sflag:s9], $0x2780  }
0x2b: {  	[sflag:s9] =	ssyncset.done $0x0  }
0x2c: {  	p0 =	por $0x1, $0x1;
	[sflag:s9] =	ssyncadd.s32 $0xFFFFD880  }
0x2d: {  	s0 =	simm.s32 @!p0 $0xD;
	[bflag:$0x0] =	sbarrier.arrive $0xFFFF  }
0x2e: {  	_ =	swait.ge @!p0 [sflag:s0], $0x800  }
0x2f: {  	[sflag:s0] =	ssyncset.done @!p0 $0x0  }
0x30: {  	s4 =	simm.s32 $0x200;
	[sflag:s0] =	ssyncadd.s32 @!p0 $0xFFFFF800  }
0x31: {  	[tilespmem:s19], [sflag:$0x5] =	stream.indirect.gather [hbm4b:s1+s11], $0x10, s4, s11, $0xb8;
	[tilespmem:$0xDF00] =	vst v63  }
0x32: {  	_ =	swait.ge [sflag:s20], $0x800  }
0x33: {  	[sflag:s20] =	ssyncset.done $0x0  }
0x34: {  	s5 =	simm.s32 $0x2800;
	s4 =	simm.s32 @!p0 $0xE;
	[sflag:s20] =	ssyncadd.s32 $0xFFFFF800  }
0x35: {  	[spmem:s3] =	stream.indirect.scatter.add.f32 [tilespmem:s12], [sflag:$0x9], $0x10, s5, s11, $0xb8;
	[tilespmem:$0xDF00] =	vst v63  }
0x36: {  	_ =	swait.ge @!p0 [sflag:s4], $0x800  }
0x37: {  	[sflag:s4] =	ssyncset.done @!p0 $0x0  }
0x38: {  	s6 =	simm.s32 $0x280;
	[sflag:s4] =	ssyncadd.s32 @!p0 $0xFFFFF800  }
0x39: {  	[tilespmem:s21], [sflag:$0x6] =	stream.indirect.gather [hbm4b:s1+s11], $0x10, s6, s11, $0xb8;
	[tilespmem:$0xDF00] =	vst v63  }
0x3a: {  	_ =	swait.ge [sflag:s22], $0x800  }
0x3b: {  	[sflag:s22] =	ssyncset.done $0x0  }
0x3c: {  	s7 =	simm.s32 $0x2880;
	s4 =	simm.s32 @!p0 $0xF;
	[sflag:s22] =	ssyncadd.s32 $0xFFFFF800  }
0x3d: {  	[spmem:s3] =	stream.indirect.scatter.add.f32 [tilespmem:s13], [sflag:$0xA], $0x10, s7, s11, $0xb8;
	[tilespmem:$0xDF00] =	vst v63  }
0x3e: {  	_ =	swait.ge @!p0 [sflag:s4], $0x800  }
0x3f: {  	[sflag:s4] =	ssyncset.done @!p0 $0x0  }
0x40: {  	s5 =	simm.s32 $0x300;
	[sflag:s4] =	ssyncadd.s32 @!p0 $0xFFFFF800  }
0x41: {  	[tilespmem:s23], [sflag:$0x7] =	stream.indirect.gather [hbm4b:s1+s11], $0x10, s5, s11, $0xb8;
	[tilespmem:$0xDF00] =	vst v63  }
0x42: {  	_ =	swait.ge [sflag:s25], $0x800  }
0x43: {  	[sflag:s25] =	ssyncset.done $0x0  }
0x44: {  	s6 =	simm.s32 $0x2900;
	s4 =	simm.s32 @!p0 $0x10;
	[sflag:s25] =	ssyncadd.s32 $0xFFFFF800  }
0x45: {  	[spmem:s3] =	stream.indirect.scatter.add.f32 [tilespmem:s15], [sflag:$0xB], $0x10, s6, s11, $0xb8;
	[tilespmem:$0xDF00] =	vst v63  }
0x46: {  	_ =	swait.ge @!p0 [sflag:s4], $0x800  }
0x47: {  	[sflag:s4] =	ssyncset.done @!p0 $0x0  }
0x48: {  	s7 =	simm.s32 $0x380;
	[sflag:s4] =	ssyncadd.s32 @!p0 $0xFFFFF800  }
0x49: {  	[tilespmem:s26], [sflag:$0x8] =	stream.indirect.gather [hbm4b:s1+s11], $0x10, s7, s11, $0xb8;
	[tilespmem:$0xDF00] =	vst v63  }
0x4a: {  	_ =	swait.ge [sflag:s28], $0x800  }
0x4b: {  	[sflag:s28] =	ssyncset.done $0x0  }
0x4c: {  	s4 =	simm.s32 $0x2980;
	[sflag:s28] =	ssyncadd.s32 $0xFFFFF800  }
0x4d: {  	[spmem:s3] =	stream.indirect.scatter.add.f32 [tilespmem:s17], [sflag:$0xC], $0x10, s4, s11, $0xb8;
	[tilespmem:$0xDF00] =	vst v63  }
0x4e: {  	_ =	swait.ge [sflag:s29], $0x800  }
0x4f: {  	[sflag:s29] =	ssyncset.done $0x0  }
0x50: {  	s5 =	simm.s32 $0x400;
	[sflag:s29] =	ssyncadd.s32 $0xFFFFF800  }
0x51: {  	[tilespmem:s12], [sflag:$0x1] =	stream.indirect.gather [hbm4b:s1+s11], $0x10, s5, s11, $0xb8;
	[tilespmem:$0xDF00] =	vst v63  }
0x52: {  	_ =	swait.ge [sflag:s30], $0x800  }
0x53: {  	[sflag:s30] =	ssyncset.done $0x0  }
0x54: {  	s6 =	simm.s32 $0x2A00;
	[sflag:s30] =	ssyncadd.s32 $0xFFFFF800  }
0x55: {  	[spmem:s3] =	stream.indirect.scatter.add.f32 [tilespmem:s19], [sflag:$0xD], $0x10, s6, s11, $0xb8;
	[tilespmem:$0xDF00] =	vst v63  }
0x56: {  	_ =	swait.ge [sflag:s31], $0x800  }
0x57: {  	[sflag:s31] =	ssyncset.done $0x0  }
0x58: {  	s7 =	simm.s32 $0x480;
	[sflag:s31] =	ssyncadd.s32 $0xFFFFF800  }
0x59: {  	[tilespmem:s13], [sflag:$0x2] =	stream.indirect.gather [hbm4b:s1+s11], $0x10, s7, s11, $0xb8;
	[tilespmem:$0xDF00] =	vst v63  }
0x5a: {  	_ =	swait.ge [sflag:s2], $0x800  }
0x5b: {  	[sflag:s2] =	ssyncset.done $0x0  }
0x5c: {  	s4 =	simm.s32 $0x2A80;
	[sflag:s2] =	ssyncadd.s32 $0xFFFFF800  }
0x5d: {  	[spmem:s3] =	stream.indirect.scatter.add.f32 [tilespmem:s21], [sflag:$0xE], $0x10, s4, s11, $0xb8;
	[tilespmem:$0xDF00] =	vst v63  }
0x5e: {  	_ =	swait.ge [sflag:s10], $0x800  }
0x5f: {  	[sflag:s10] =	ssyncset.done $0x0  }
0x60: {  	s5 =	simm.s32 $0x500;
	[sflag:s10] =	ssyncadd.s32 $0xFFFFF800  }
0x61: {  	[tilespmem:s15], [sflag:$0x3] =	stream.indirect.gather [hbm4b:s1+s11], $0x10, s5, s11, $0xb8;
	[tilespmem:$0xDF00] =	vst v63  }
0x62: {  	_ =	swait.ge [sflag:s14], $0x800  }
0x63: {  	[sflag:s14] =	ssyncset.done $0x0  }
0x64: {  	s6 =	simm.s32 $0x2B00;
	[sflag:s14] =	ssyncadd.s32 $0xFFFFF800  }
0x65: {  	[spmem:s3] =	stream.indirect.scatter.add.f32 [tilespmem:s23], [sflag:$0xF], $0x10, s6, s11, $0xb8;
	[tilespmem:$0xDF00] =	vst v63  }
0x66: {  	_ =	swait.ge [sflag:s16], $0x800  }
0x67: {  	[sflag:s16] =	ssyncset.done $0x0  }
0x68: {  	s7 =	simm.s32 $0x580;
	[sflag:s16] =	ssyncadd.s32 $0xFFFFF800  }
0x69: {  	[tilespmem:s17], [sflag:$0x4] =	stream.indirect.gather [hbm4b:s1+s11], $0x10, s7, s11, $0xb8;
	[tilespmem:$0xDF00] =	vst v63  }
0x6a: {  	p1 =	por $0x0, $0x0;
	s0 =	simm.s32 $0x2B80;
	_ =	swait.ge [sflag:s18], $0x800  }
0x6b: {  	s4 =	simm.s32 $0x1000;
	s7 =	simm.s32 $0x2000;
	[sflag:s18] =	ssyncset.done $0x0  }
.LBB2_4:
0x6c: {  	s5 =	simm.s32 @!p1 $0xD  }
0x6d: {  	[sflag:s18] =	ssyncadd.s32 $0xFFFFF800;
	s6 =	smov.u32 s7;
	s7 =	sadd.s32 $0x1000, s7  }
0x6e: {  	[spmem:s3] =	stream.indirect.scatter.add.f32 [tilespmem:s26], [sflag:$0x10], $0x10, s0, s11, $0xb8;
	[tilespmem:$0xDF00] =	vst v63  }
0x6f: {  	p0 =	sne.s32 s7, $0x9000;
	_ =	swait.ge @!p1 [sflag:s5], $0x800  }
0x70: {  	s0 =	sshra.s32 s4, $0x2;
	s4 =	smov.u32 s6;
	[sflag:s5] =	ssyncset.done @!p1 $0x0  }
0x71: {  	[sflag:s5] =	ssyncadd.s32 @!p1 $0xFFFFF800;
	s5 =	sadd.s32 $0x200, s0  }
0x72: {  	[tilespmem:s19], [sflag:$0x5] =	stream.indirect.gather [hbm4b:s1+s11], $0x10, s5, s11, $0xb8;
	[tilespmem:$0xDF00] =	vst v63  }
0x73: {  	_ =	swait.ge [sflag:s20], $0x800  }
0x74: {  	[sflag:s20] =	ssyncset.done $0x0  }
0x75: {  	s6 =	simm.s32 @!p1 $0xE;
	s5 =	sadd.s32 $0x2800, s0;
	[sflag:s20] =	ssyncadd.s32 $0xFFFFF800  }
0x76: {  	[spmem:s3] =	stream.indirect.scatter.add.f32 [tilespmem:s12], [sflag:$0x9], $0x10, s5, s11, $0xb8;
	[tilespmem:$0xDF00] =	vst v63  }
0x77: {  	_ =	swait.ge @!p1 [sflag:s6], $0x800  }
0x78: {  	[sflag:s6] =	ssyncset.done @!p1 $0x0  }
0x79: {  	s5 =	sadd.s32 $0x280, s0;
	[sflag:s6] =	ssyncadd.s32 @!p1 $0xFFFFF800  }
0x7a: {  	[tilespmem:s21], [sflag:$0x6] =	stream.indirect.gather [hbm4b:s1+s11], $0x10, s5, s11, $0xb8;
	[tilespmem:$0xDF00] =	vst v63  }
0x7b: {  	_ =	swait.ge [sflag:s22], $0x800  }
0x7c: {  	[sflag:s22] =	ssyncset.done $0x0  }
0x7d: {  	s6 =	simm.s32 @!p1 $0xF;
	s5 =	sadd.s32 $0x2880, s0;
	[sflag:s22] =	ssyncadd.s32 $0xFFFFF800  }
0x7e: {  	[spmem:s3] =	stream.indirect.scatter.add.f32 [tilespmem:s13], [sflag:$0xA], $0x10, s5, s11, $0xb8;
	[tilespmem:$0xDF00] =	vst v63  }
0x7f: {  	_ =	swait.ge @!p1 [sflag:s6], $0x800  }
0x80: {  	[sflag:s6] =	ssyncset.done @!p1 $0x0  }
0x81: {  	s5 =	sadd.s32 $0x300, s0;
	[sflag:s6] =	ssyncadd.s32 @!p1 $0xFFFFF800  }
0x82: {  	[tilespmem:s23], [sflag:$0x7] =	stream.indirect.gather [hbm4b:s1+s11], $0x10, s5, s11, $0xb8;
	[tilespmem:$0xDF00] =	vst v63  }
0x83: {  	_ =	swait.ge [sflag:s25], $0x800  }
0x84: {  	[sflag:s25] =	ssyncset.done $0x0  }
0x85: {  	s6 =	simm.s32 @!p1 $0x10;
	s5 =	sadd.s32 $0x2900, s0;
	[sflag:s25] =	ssyncadd.s32 $0xFFFFF800  }
0x86: {  	[spmem:s3] =	stream.indirect.scatter.add.f32 [tilespmem:s15], [sflag:$0xB], $0x10, s5, s11, $0xb8;
	[tilespmem:$0xDF00] =	vst v63  }
0x87: {  	_ =	swait.ge @!p1 [sflag:s6], $0x800  }
0x88: {  	[sflag:s6] =	ssyncset.done @!p1 $0x0  }
0x89: {  	s5 =	sadd.s32 $0x380, s0;
	[sflag:s6] =	ssyncadd.s32 @!p1 $0xFFFFF800  }
0x8a: {  	[tilespmem:s26], [sflag:$0x8] =	stream.indirect.gather [hbm4b:s1+s11], $0x10, s5, s11, $0xb8;
	[tilespmem:$0xDF00] =	vst v63  }
0x8b: {  	_ =	swait.ge [sflag:s28], $0x800  }
0x8c: {  	[sflag:s28] =	ssyncset.done $0x0  }
0x8d: {  	s5 =	sadd.s32 $0x2980, s0;
	[sflag:s28] =	ssyncadd.s32 $0xFFFFF800  }
0x8e: {  	[spmem:s3] =	stream.indirect.scatter.add.f32 [tilespmem:s17], [sflag:$0xC], $0x10, s5, s11, $0xb8;
	[tilespmem:$0xDF00] =	vst v63  }
0x8f: {  	_ =	swait.ge [sflag:s29], $0x800  }
0x90: {  	[sflag:s29] =	ssyncset.done $0x0  }
0x91: {  	s5 =	sadd.s32 $0x400, s0;
	[sflag:s29] =	ssyncadd.s32 $0xFFFFF800  }
0x92: {  	[tilespmem:s12], [sflag:$0x1] =	stream.indirect.gather [hbm4b:s1+s11], $0x10, s5, s11, $0xb8;
	[tilespmem:$0xDF00] =	vst v63  }
0x93: {  	_ =	swait.ge [sflag:s30], $0x800  }
0x94: {  	[sflag:s30] =	ssyncset.done $0x0  }
0x95: {  	s5 =	sadd.s32 $0x2A00, s0;
	[sflag:s30] =	ssyncadd.s32 $0xFFFFF800  }
0x96: {  	[spmem:s3] =	stream.indirect.scatter.add.f32 [tilespmem:s19], [sflag:$0xD], $0x10, s5, s11, $0xb8;
	[tilespmem:$0xDF00] =	vst v63  }
0x97: {  	_ =	swait.ge [sflag:s31], $0x800  }
0x98: {  	[sflag:s31] =	ssyncset.done $0x0  }
0x99: {  	s5 =	sadd.s32 $0x480, s0;
	[sflag:s31] =	ssyncadd.s32 $0xFFFFF800  }
0x9a: {  	[tilespmem:s13], [sflag:$0x2] =	stream.indirect.gather [hbm4b:s1+s11], $0x10, s5, s11, $0xb8;
	[tilespmem:$0xDF00] =	vst v63  }
0x9b: {  	_ =	swait.ge [sflag:s2], $0x800  }
0x9c: {  	[sflag:s2] =	ssyncset.done $0x0  }
0x9d: {  	s5 =	sadd.s32 $0x2A80, s0;
	[sflag:s2] =	ssyncadd.s32 $0xFFFFF800  }
0x9e: {  	[spmem:s3] =	stream.indirect.scatter.add.f32 [tilespmem:s21], [sflag:$0xE], $0x10, s5, s11, $0xb8;
	[tilespmem:$0xDF00] =	vst v63  }
0x9f: {  	_ =	swait.ge [sflag:s10], $0x800  }
0xa0: {  	[sflag:s10] =	ssyncset.done $0x0  }
0xa1: {  	s5 =	sadd.s32 $0x500, s0;
	[sflag:s10] =	ssyncadd.s32 $0xFFFFF800  }
0xa2: {  	[tilespmem:s15], [sflag:$0x3] =	stream.indirect.gather [hbm4b:s1+s11], $0x10, s5, s11, $0xb8;
	[tilespmem:$0xDF00] =	vst v63  }
0xa3: {  	_ =	swait.ge [sflag:s14], $0x800  }
0xa4: {  	[sflag:s14] =	ssyncset.done $0x0  }
0xa5: {  	s5 =	sadd.s32 $0x2B00, s0;
	[sflag:s14] =	ssyncadd.s32 $0xFFFFF800  }
0xa6: {  	[spmem:s3] =	stream.indirect.scatter.add.f32 [tilespmem:s23], [sflag:$0xF], $0x10, s5, s11, $0xb8;
	[tilespmem:$0xDF00] =	vst v63  }
0xa7: {  	_ =	swait.ge [sflag:s16], $0x800  }
.Ltmp1:
0xa8: {  	[sflag:s16] =	ssyncset.done $0x0;
	(pc) =	sbr.rel @p0 .LBB2_4-.Ltmp1, $4  }
0xa9: {  	s5 =	sadd.s32 $0x580, s0;
	[sflag:s16] =	ssyncadd.s32 $0xFFFFF800  }
0xaa: {  	[tilespmem:s17], [sflag:$0x4] =	stream.indirect.gather [hbm4b:s1+s11], $0x10, s5, s11, $0xb8;
	[tilespmem:$0xDF00] =	vst v63  }
0xab: {  	_ =	swait.ge [sflag:s18], $0x800  }
0xac: {  	p1 =	seq.s32 s4, $0x0;
	s0 =	sadd.s32 $0x2B80, s0;
	[sflag:s18] =	ssyncset.done $0x0  }
0xad: {  	[sflag:s18] =	ssyncadd.s32 $0xFFFFF800;
	s5 =	simm.s32 @!p1 $0xD  }
0xae: {  	[spmem:s3] =	stream.indirect.scatter.add.f32 [tilespmem:s26], [sflag:$0x10], $0x10, s0, s11, $0xb8;
	[tilespmem:$0xDF00] =	vst v63  }
0xaf: {  	_ =	swait.ge @!p1 [sflag:s5], $0x800  }
0xb0: {  	s0 =	sshra.s32 s4, $0x2;
	[sflag:s5] =	ssyncset.done @!p1 $0x0  }
0xb1: {  	s4 =	sadd.s32 $0x200, s0;
	[sflag:s5] =	ssyncadd.s32 @!p1 $0xFFFFF800  }
0xb2: {  	[tilespmem:s19], [sflag:$0x5] =	stream.indirect.gather [hbm4b:s1+s11], $0x10, s4, s11, $0xb8;
	[tilespmem:$0xDF00] =	vst v63  }
0xb3: {  	_ =	swait.ge [sflag:s20], $0x800  }
0xb4: {  	[sflag:s20] =	ssyncset.done $0x0  }
0xb5: {  	s6 =	sadd.s32 $0x2800, s0;
	s4 =	simm.s32 @!p1 $0xE;
	[sflag:s20] =	ssyncadd.s32 $0xFFFFF800  }
0xb6: {  	[spmem:s3] =	stream.indirect.scatter.add.f32 [tilespmem:s12], [sflag:$0x9], $0x10, s6, s11, $0xb8;
	[tilespmem:$0xDF00] =	vst v63  }
0xb7: {  	_ =	swait.ge @!p1 [sflag:s4], $0x800  }
0xb8: {  	[sflag:s4] =	ssyncset.done @!p1 $0x0  }
0xb9: {  	s7 =	sadd.s32 $0x280, s0;
	[sflag:s4] =	ssyncadd.s32 @!p1 $0xFFFFF800  }
0xba: {  	[tilespmem:s21], [sflag:$0x6] =	stream.indirect.gather [hbm4b:s1+s11], $0x10, s7, s11, $0xb8;
	[tilespmem:$0xDF00] =	vst v63  }
0xbb: {  	_ =	swait.ge [sflag:s22], $0x800  }
0xbc: {  	[sflag:s22] =	ssyncset.done $0x0  }
0xbd: {  	s5 =	sadd.s32 $0x2880, s0;
	s4 =	simm.s32 @!p1 $0xF;
	[sflag:s22] =	ssyncadd.s32 $0xFFFFF800  }
0xbe: {  	[spmem:s3] =	stream.indirect.scatter.add.f32 [tilespmem:s13], [sflag:$0xA], $0x10, s5, s11, $0xb8;
	[tilespmem:$0xDF00] =	vst v63  }
0xbf: {  	_ =	swait.ge @!p1 [sflag:s4], $0x800  }
0xc0: {  	[sflag:s4] =	ssyncset.done @!p1 $0x0  }
0xc1: {  	s6 =	sadd.s32 $0x300, s0;
	[sflag:s4] =	ssyncadd.s32 @!p1 $0xFFFFF800  }
0xc2: {  	[tilespmem:s23], [sflag:$0x7] =	stream.indirect.gather [hbm4b:s1+s11], $0x10, s6, s11, $0xb8;
	[tilespmem:$0xDF00] =	vst v63  }
0xc3: {  	_ =	swait.ge [sflag:s25], $0x800  }
0xc4: {  	[sflag:s25] =	ssyncset.done $0x0  }
0xc5: {  	s7 =	sadd.s32 $0x2900, s0;
	s4 =	simm.s32 @!p1 $0x10;
	[sflag:s25] =	ssyncadd.s32 $0xFFFFF800  }
0xc6: {  	[spmem:s3] =	stream.indirect.scatter.add.f32 [tilespmem:s15], [sflag:$0xB], $0x10, s7, s11, $0xb8;
	[tilespmem:$0xDF00] =	vst v63  }
0xc7: {  	_ =	swait.ge @!p1 [sflag:s4], $0x800  }
0xc8: {  	[sflag:s4] =	ssyncset.done @!p1 $0x0  }
0xc9: {  	s5 =	sadd.s32 $0x380, s0;
	[sflag:s4] =	ssyncadd.s32 @!p1 $0xFFFFF800  }
0xca: {  	[tilespmem:s26], [sflag:$0x8] =	stream.indirect.gather [hbm4b:s1+s11], $0x10, s5, s11, $0xb8;
	[tilespmem:$0xDF00] =	vst v63  }
0xcb: {  	_ =	swait.ge [sflag:s28], $0x800  }
0xcc: {  	[sflag:s28] =	ssyncset.done $0x0  }
0xcd: {  	s6 =	sadd.s32 $0x2980, s0;
	[sflag:s28] =	ssyncadd.s32 $0xFFFFF800  }
0xce: {  	[spmem:s3] =	stream.indirect.scatter.add.f32 [tilespmem:s17], [sflag:$0xC], $0x10, s6, s11, $0xb8;
	[tilespmem:$0xDF00] =	vst v63  }
0xcf: {  	_ =	swait.ge [sflag:s29], $0x800  }
0xd0: {  	[sflag:s29] =	ssyncset.done $0x0  }
0xd1: {  	s7 =	sadd.s32 $0x400, s0;
	[sflag:s29] =	ssyncadd.s32 $0xFFFFF800  }
0xd2: {  	[tilespmem:s12], [sflag:$0x1] =	stream.indirect.gather [hbm4b:s1+s11], $0x10, s7, s11, $0xb8;
	[tilespmem:$0xDF00] =	vst v63  }
0xd3: {  	_ =	swait.ge [sflag:s30], $0x800  }
0xd4: {  	[sflag:s30] =	ssyncset.done $0x0  }
0xd5: {  	s5 =	sadd.s32 $0x2A00, s0;
	[sflag:s30] =	ssyncadd.s32 $0xFFFFF800  }
0xd6: {  	[spmem:s3] =	stream.indirect.scatter.add.f32 [tilespmem:s19], [sflag:$0xD], $0x10, s5, s11, $0xb8;
	[tilespmem:$0xDF00] =	vst v63  }
0xd7: {  	_ =	swait.ge [sflag:s31], $0x800  }
0xd8: {  	[sflag:s31] =	ssyncset.done $0x0  }
0xd9: {  	s6 =	sadd.s32 $0x480, s0;
	[sflag:s31] =	ssyncadd.s32 $0xFFFFF800  }
0xda: {  	[tilespmem:s13], [sflag:$0x2] =	stream.indirect.gather [hbm4b:s1+s11], $0x10, s6, s11, $0xb8;
	[tilespmem:$0xDF00] =	vst v63  }
0xdb: {  	_ =	swait.ge [sflag:s2], $0x800  }
0xdc: {  	[sflag:s2] =	ssyncset.done $0x0  }
0xdd: {  	s7 =	sadd.s32 $0x2A80, s0;
	[sflag:s2] =	ssyncadd.s32 $0xFFFFF800  }
0xde: {  	[spmem:s3] =	stream.indirect.scatter.add.f32 [tilespmem:s21], [sflag:$0xE], $0x10, s7, s11, $0xb8;
	[tilespmem:$0xDF00] =	vst v63  }
0xdf: {  	_ =	swait.ge [sflag:s10], $0x800  }
0xe0: {  	[sflag:s10] =	ssyncset.done $0x0  }
0xe1: {  	s5 =	sadd.s32 $0x500, s0;
	[sflag:s10] =	ssyncadd.s32 $0xFFFFF800  }
0xe2: {  	[tilespmem:s15], [sflag:$0x3] =	stream.indirect.gather [hbm4b:s1+s11], $0x10, s5, s11, $0xb8;
	[tilespmem:$0xDF00] =	vst v63  }
0xe3: {  	_ =	swait.ge [sflag:s14], $0x800  }
0xe4: {  	[sflag:s14] =	ssyncset.done $0x0  }
0xe5: {  	s6 =	sadd.s32 $0x2B00, s0;
	[sflag:s14] =	ssyncadd.s32 $0xFFFFF800  }
0xe6: {  	[spmem:s3] =	stream.indirect.scatter.add.f32 [tilespmem:s23], [sflag:$0xF], $0x10, s6, s11, $0xb8;
	[tilespmem:$0xDF00] =	vst v63  }
0xe7: {  	_ =	swait.ge [sflag:s16], $0x800  }
0xe8: {  	[sflag:s16] =	ssyncset.done $0x0  }
0xe9: {  	s7 =	sadd.s32 $0x580, s0;
	[sflag:s16] =	ssyncadd.s32 $0xFFFFF800  }
0xea: {  	[tilespmem:s17], [sflag:$0x4] =	stream.indirect.gather [hbm4b:s1+s11], $0x10, s7, s11, $0xb8;
	[tilespmem:$0xDF00] =	vst v63  }
0xeb: {  	_ =	swait.ge [sflag:s18], $0x800  }
0xec: {  	[sflag:s18] =	ssyncset.done $0x0  }
0xed: {  	s0 =	sadd.s32 $0x2B80, s0;
	[sflag:s18] =	ssyncadd.s32 $0xFFFFF800  }
0xee: {  	[spmem:s3] =	stream.indirect.scatter.add.f32 [tilespmem:s26], [sflag:$0x10], $0x10, s0, s11, $0xb8;
	[tilespmem:$0xDF00] =	vst v63  }
0xef: {  	s0 =	simm.s32 $0xD  }
0xf0: {  	_ =	swait.ge [sflag:s0], $0x800  }
0xf1: {  	[sflag:s0] =	ssyncset.done $0x0  }
0xf2: {  	s4 =	simm.s32 $0xE;
	s5 =	simm.s32 $0x2600;
	[sflag:s0] =	ssyncadd.s32 $0xFFFFF800  }
0xf3: {  	[tilespmem:s19], [sflag:$0x5] =	stream.indirect.gather [hbm4b:s1+s11], $0x10, s5, s11, $0xb8;
	[tilespmem:$0xDF00] =	vst v63  }
0xf4: {  	_ =	swait.ge [sflag:s4], $0x800  }
0xf5: {  	[sflag:s4] =	ssyncset.done $0x0  }
0xf6: {  	s6 =	simm.s32 $0x2680;
	s5 =	simm.s32 $0xF;
	[sflag:s4] =	ssyncadd.s32 $0xFFFFF800  }
0xf7: {  	[tilespmem:s21], [sflag:$0x6] =	stream.indirect.gather [hbm4b:s1+s11], $0x10, s6, s11, $0xb8;
	[tilespmem:$0xDF00] =	vst v63  }
0xf8: {  	_ =	swait.ge [sflag:s5], $0x800  }
0xf9: {  	[sflag:s5] =	ssyncset.done $0x0  }
0xfa: {  	s6 =	simm.s32 $0x2700;
	[sflag:s5] =	ssyncadd.s32 $0xFFFFF800  }
0xfb: {  	[tilespmem:s23], [sflag:$0x7] =	stream.indirect.gather [hbm4b:s1+s11], $0x10, s6, s11, $0xb8;
	[tilespmem:$0xDF00] =	vst v63  }
0xfc: {  	_ =	swait.ge [sflag:s8], $0x800  }
0xfd: {  	[sflag:s8] =	ssyncset.done $0x0  }
0xfe: {  	s7 =	simm.s32 $0x2780;
	[sflag:s8] =	ssyncadd.s32 $0xFFFFF800  }
0xff: {  	[tilespmem:s26], [sflag:$0x8] =	stream.indirect.gather [hbm4b:s1+s11], $0x10, s7, s11, $0xb8;
	[tilespmem:$0xDF00] =	vst v63  }
0x100: {  	_ =	swait.ge [sflag:s20], $0x800  }
0x101: {  	[sflag:s20] =	ssyncset.done $0x0  }
0x102: {  	s7 =	simm.s32 $0x4C00;
	[sflag:s20] =	ssyncadd.s32 $0xFFFFF800  }
0x103: {  	[spmem:s3] =	stream.indirect.scatter.add.f32 [tilespmem:s12], [sflag:$0x9], $0x10, s7, s11, $0xb8;
	[tilespmem:$0xDF00] =	vst v63  }
0x104: {  	_ =	swait.ge [sflag:s22], $0x800  }
0x105: {  	[sflag:s22] =	ssyncset.done $0x0  }
0x106: {  	s7 =	simm.s32 $0x4C80;
	[sflag:s22] =	ssyncadd.s32 $0xFFFFF800  }
0x107: {  	[spmem:s3] =	stream.indirect.scatter.add.f32 [tilespmem:s13], [sflag:$0xA], $0x10, s7, s11, $0xb8;
	[tilespmem:$0xDF00] =	vst v63  }
0x108: {  	_ =	swait.ge [sflag:s25], $0x800  }
0x109: {  	[sflag:s25] =	ssyncset.done $0x0  }
0x10a: {  	s7 =	simm.s32 $0x4D00;
	[sflag:s25] =	ssyncadd.s32 $0xFFFFF800  }
0x10b: {  	[spmem:s3] =	stream.indirect.scatter.add.f32 [tilespmem:s15], [sflag:$0xB], $0x10, s7, s11, $0xb8;
	[tilespmem:$0xDF00] =	vst v63  }
0x10c: {  	_ =	swait.ge [sflag:s28], $0x800  }
0x10d: {  	[sflag:s28] =	ssyncset.done $0x0  }
0x10e: {  	s7 =	simm.s32 $0x4D80;
	[sflag:s28] =	ssyncadd.s32 $0xFFFFF800  }
0x10f: {  	[spmem:s3] =	stream.indirect.scatter.add.f32 [tilespmem:s17], [sflag:$0xC], $0x10, s7, s11, $0xb8;
	[tilespmem:$0xDF00] =	vst v63  }
0x110: {  	_ =	swait.ge [sflag:s30], $0x800  }
0x111: {  	[sflag:s30] =	ssyncset.done $0x0  }
0x112: {  	s7 =	simm.s32 $0x4E00;
	[sflag:s30] =	ssyncadd.s32 $0xFFFFF800  }
0x113: {  	[spmem:s3] =	stream.indirect.scatter.add.f32 [tilespmem:s19], [sflag:$0xD], $0x10, s7, s11, $0xb8;
	[tilespmem:$0xDF00] =	vst v63  }
0x114: {  	_ =	swait.ge [sflag:s2], $0x800  }
0x115: {  	[sflag:s2] =	ssyncset.done $0x0  }
0x116: {  	s7 =	simm.s32 $0x4E80;
	[sflag:s2] =	ssyncadd.s32 $0xFFFFF800  }
0x117: {  	[spmem:s3] =	stream.indirect.scatter.add.f32 [tilespmem:s21], [sflag:$0xE], $0x10, s7, s11, $0xb8;
	[tilespmem:$0xDF00] =	vst v63  }
0x118: {  	_ =	swait.ge [sflag:s14], $0x800  }
0x119: {  	[sflag:s14] =	ssyncset.done $0x0  }
0x11a: {  	s7 =	simm.s32 $0x4F00;
	[sflag:s14] =	ssyncadd.s32 $0xFFFFF800  }
0x11b: {  	[spmem:s3] =	stream.indirect.scatter.add.f32 [tilespmem:s23], [sflag:$0xF], $0x10, s7, s11, $0xb8;
	[tilespmem:$0xDF00] =	vst v63  }
0x11c: {  	_ =	swait.ge [sflag:s18], $0x800  }
0x11d: {  	[sflag:s18] =	ssyncset.done $0x0  }
0x11e: {  	s7 =	simm.s32 $0x4F80;
	[sflag:s18] =	ssyncadd.s32 $0xFFFFF800  }
0x11f: {  	[spmem:s3] =	stream.indirect.scatter.add.f32 [tilespmem:s26], [sflag:$0x10], $0x10, s7, s11, $0xb8;
	[tilespmem:$0xDF00] =	vst v63  }
0x120: {  	_ =	swait.ge [sflag:s29], $0x800  }
0x121: {  	[sflag:s29] =	ssyncset.done $0x0  }
0x122: {  	[sflag:s29] =	ssyncadd.s32 $0xFFFFF800  }
0x123: {  	_ =	swait.ge [sflag:s31], $0x800  }
0x124: {  	[sflag:s31] =	ssyncset.done $0x0  }
0x125: {  	[sflag:s31] =	ssyncadd.s32 $0xFFFFF800  }
0x126: {  	_ =	swait.ge [sflag:s10], $0x800  }
0x127: {  	[sflag:s10] =	ssyncset.done $0x0  }
0x128: {  	[sflag:s10] =	ssyncadd.s32 $0xFFFFF800  }
0x129: {  	_ =	swait.ge [sflag:s16], $0x800  }
0x12a: {  	[sflag:s16] =	ssyncset.done $0x0  }
0x12b: {  	[sflag:s16] =	ssyncadd.s32 $0xFFFFF800  }
0x12c: {  	_ =	swait.ge [sflag:s0], $0x800  }
0x12d: {  	[sflag:s0] =	ssyncset.done $0x0  }
0x12e: {  	[sflag:s0] =	ssyncadd.s32 $0xFFFFF800  }
0x12f: {  	_ =	swait.ge [sflag:s4], $0x800  }
0x130: {  	[sflag:s4] =	ssyncset.done $0x0  }
0x131: {  	[sflag:s4] =	ssyncadd.s32 $0xFFFFF800  }
0x132: {  	_ =	swait.ge [sflag:s5], $0x800  }
0x133: {  	[sflag:s5] =	ssyncset.done $0x0  }
0x134: {  	[sflag:s5] =	ssyncadd.s32 $0xFFFFF800  }
0x135: {  	_ =	swait.ge [sflag:s8], $0x800  }
0x136: {  	[sflag:s8] =	ssyncset.done $0x0  }
0x137: {  	[sflag:s8] =	ssyncadd.s32 $0xFFFFF800  }
0x138: {  	s5 =	stileid.u32;
	[bflag:$0x0] =	sbarrier.arrive $0xFFFF  }
0x139: {  	s0 =	sshll.u32 s5, $0x6;
	s5 =	rddreg [dreg:$0x6]  }
0x13a: {  	s0 =	sor.u32 $0x1C11, s0;
	s7 =	rddreg [dreg:$0x8];
	s6 =	sshrl.u32 s5, $0x3  }
0x13b: {  	[hbm:s7], [sflag:s0] =	dma.local [spmem:s6], $0x4F0  }
0x13c: {  	_ =	swait.ge [sflag:s9], $0x4F0  }
0x13d: {  	s24 =	sadd.s32 $0x1, s24;
	s7 =	rddreg [dreg:$0x7]  }
0x13e: {  	p0 =	sne.s32 s24, s7  }
.Ltmp2:
0x13f: {  	_ = 	snop;
	(pc) =	sbr.rel @p0 .LBB2_1-.Ltmp2, $3  }
0x140: {  	_ =	sdelay $0x1  }
0x141: {  	[sflag:s9] =	ssyncset.done $0x0  }
0x142: {  	[sflag:s9] =	ssyncadd.s32 $0xFFFFFB10  }
0x143: {  	_ =	sfence.sel $0x180000  }
0x144: {  	[bflag:$0x0] =	sbarrier.arrive $0xFFFF  }
0x145: {  	_ =	strace $0x9000004D  }
0x146: {  	s0 =	stileid.u32;
	[bflag:$0x2] =	sbarrier.arrive $0xFFFF  }
0x147: {  	p0 =	sne.s32 s0, $0x0;
	s0 =	rddreg [dreg:$0x3]  }
0x148: {  	s0 =	sadd.s32 @!p0 $0x100000, s0  }
0x149: {  	[sflag:s0] =	ssyncadd.tile.s32 @!p0 $0x1;
	_ =	shalt  }
.Lfunc_end2:
_tile_overlayer_lowered:
.L_overlay_start_2:
0x14a: {  	(tag) =	ssettag $0x2  }
0x14b: {  	s0 =	rddreg [dreg:$0x0];
	s2 =	stileid.u32  }
0x14c: {  	s1 =	rddreg [dreg:$0x1];
	p0 =	sne.s32 s2, $0x0  }
0x14d: {  	s3 =	rddreg [dreg:$0x2];
	[bflag:$0x3] =	sbarrier.arrive $0xFFFF;
	s2 =	simm.s32 @!p0 $0x1C11  }
0x14e: {  	[timem:s3], [sflag:s2] =	dma.local @!p0 [hbm:s0], s1  }
0x14f: {  	s0 =	simm.s32 @!p0 $0x11  }
0x150: {  	_ =	swait.ge @!p0 [sflag:s0], s1  }
0x151: {  	s1 =	ssub.s32 @!p0 $0x0, s1;
	[sflag:s0] =	ssyncset.done @!p0 $0x0  }
0x152: {  	[sflag:s0] =	ssyncadd.s32 @!p0 s1  }
0x153: {  	[bflag:$0x3] =	sbarrier.arrive $0xFFFF  }
0x154: {  	_ =	shalt  }

// kernel: kernel.9.cloned.1.call-start
scs
__scs_entry_jumppad:
0x0: {  	(pc) =	sbr.rel $0x88, $3  }
0x1: {  	(tag) =	ssettag $0x0;
	lr =	simm.s32 $0x1  }
0x2: {  	[smem:$0x3F9B] =	sst lr;
	_ =	strace $0xD0000000  }
0x3: {  	_ = 	snop  }
0x4: {  	_ = 	snop  }
0x5: {  	_ = 	snop  }
0x6: {  	_ = 	snop  }
0x7: {  	_ = 	snop  }
__scs_overlays_trampoline_lowered:
0x8: {  	[smem:$0x3FAA] =	sst s0  }
0x9: {  	[smem:$0x3FAB] =	sst s1  }
0xa: {  	[smem:$0x3FAC] =	sst s2  }
0xb: {  	[smem:$0x3FAD] =	sst s3  }
0xc: {  	[smem:$0x3FAE] =	sst s4  }
0xd: {  	[smem:$0x3FAF] =	sst s5  }
0xe: {  	[smem:$0x3FB0] =	sst s6  }
0xf: {  	[smem:$0x3FB1] =	sst s7  }
0x10: {  	[smem:$0x3FB2] =	sst s8  }
0x11: {  	[smem:$0x3FB3] =	sst s9;
	s0 =	simm.s32 @!p0 $0x0  }
0x12: {  	s1 =	sld [smem:$0x3F99];
	s0 =	simm.s32 @p0 $0x1  }
0x13: {  	[smem:$0x3FB4] =	sst s0;
	s0 =	simm.s32 @!p1 $0x0  }
0x14: {  	s2 =	sld [smem:$0x3F98];
	s0 =	simm.s32 @p1 $0x1  }
0x15: {  	[smem:$0x3FB5] =	sst s0;
	s0 =	simm.s32 @!p2 $0x0  }
0x16: {  	s3 =	sld [smem:$0x3FDB];
	s0 =	simm.s32 @p2 $0x1  }
0x17: {  	s4 =	simm.s32 $0x1BF5;
	[smem:$0x3FB7] =	sst s0  }
0x18: {  	s0 =	sld [smem:$0x3F9A];
	_ =	swait.ge [sflag:s4], $0x0  }
0x19: {  	s7 =	sld [smem:$0x3F9B]  }
0x1a: {  	s8 =	sadd.s32 $0xFFFFE003, lr  }
0x1b: {  	s9 =	sadd.s32 $0xFFFFFEF7, lr;
	s5 =	simm.s32 $0xFFFFFFFF;
	p2 =	slt.u32 s8, $0xFFFFF086  }
0x1c: {  	p1 =	slt.u32 s9, $0xF7A;
	s5 =	simm.s32 @!p2 $0x0  }
0x1d: {  	s5 =	simm.s32 @p1 $0x1;
	p0 =	seq.s32 s7, s2  }
0x1e: {  	s7 =	smul.u32 @!p0 $0xF7A, s2;
	p2 =	seq.s32 @!p0 s5, $0x0  }
0x1f: {  	s9 =	smul.u32 $0xF7A, s1;
	s8 =	simm.s32 @!p0 $0x1BF5;
	p2 =	por !p2, p0  }
0x20: {  	[sflag:s8] =	ssyncset.s32 @!p0 $0xFFFFF086;
	s6 =	sadd.s32 @!p0 s3, s7;
	s7 =	simm.s32 @!p0 $0x108  }
0x21: {  	s3 =	sadd.s32 s3, s9;
	s6 =	sadd.s32 @!p0 $0x88, s6;
	s7 =	simm.s32 @p2 $0x1082  }
0x22: {  	[simem:s7], [sflag:s8] =	dma.local @!p0 [hbm:s6], $0xF7A  }
0x23: {  	s9 =	sor.u32 $0xD0000000, s2;
	s6 =	simm.s32 $0x108;
	_ =	swait.ge @!p0 [sflag:s8], $0x0  }
0x24: {  	s3 =	sadd.s32 $0x88, s3;
	s6 =	simm.s32 @!p1 $0x1082;
	[sflag:s4] =	ssyncset.s32 $0xFFFFF086  }
0x25: {  	[simem:s6], [sflag:s4] =	dma.local [hbm:s3], $0xF7A  }
0x26: {  	[smem:$0x3F9B] =	sst s1;
	(tag) =	ssettag s2;
	_ =	strace s9  }
0x27: {  	s1 =	sld [smem:$0x3FAB]  }
0x28: {  	s2 =	sld [smem:$0x3FAC]  }
0x29: {  	s4 =	sld [smem:$0x3FAE]  }
0x2a: {  	p0 =	seq.s32 s5, $0x0;
	s5 =	sld [smem:$0x3FAF]  }
0x2b: {  	s6 =	sld [smem:$0x3FB0]  }
0x2c: {  	s7 =	sld [smem:$0x3FB1]  }
0x2d: {  	s3 =	simm.s32 $0x108;
	s8 =	sld [smem:$0x3FB2]  }
0x2e: {  	s3 =	simm.s32 @!p0 $0x1082;
	s9 =	sld [smem:$0x3FB3]  }
0x2f: {  	lr =	sadd.s32 s0, s3;
	s0 =	sld [smem:$0x3FAA]  }
0x30: {  	s3 =	sld [smem:$0x3FAD]  }
0x31: {  	[smem:$0x3FB6] =	sst s10  }
0x32: {  	s10 =	sld [smem:$0x3FB4];
	_ =	sdelay $0x3  }
0x33: {  	p0 =	seq.s32 s10, $0x1;
	s10 =	sld [smem:$0x3FB6];
	_ =	sdelay $0x3  }
0x34: {  	[smem:$0x3FB6] =	sst s10  }
0x35: {  	s10 =	sld [smem:$0x3FB5];
	_ =	sdelay $0x3  }
0x36: {  	p1 =	seq.s32 s10, $0x1;
	s10 =	sld [smem:$0x3FB6];
	_ =	sdelay $0x3  }
0x37: {  	[smem:$0x3FB6] =	sst s10  }
0x38: {  	s10 =	sld [smem:$0x3FB7]  }
0x39: {  	_ = 	snop;
	(pc) =	sbr.ind lr, $3  }
0x3a: {  	_ = 	snop  }
0x3b: {  	_ = 	snop  }
0x3c: {  	p2 =	seq.s32 s10, $0x1;
	s10 =	sld [smem:$0x3FB6]  }
0x3d: {  	_ =	shalt  }
0x3e: {  	_ =	shalt  }
0x3f: {  	_ =	shalt  }
0x40: {  	_ =	shalt  }
0x41: {  	_ =	shalt  }
0x42: {  	_ =	shalt  }
0x43: {  	_ =	shalt  }
0x44: {  	_ =	shalt  }
0x45: {  	_ =	shalt  }
0x46: {  	_ =	shalt  }
0x47: {  	_ =	shalt  }
0x48: {  	_ =	shalt  }
0x49: {  	_ =	shalt  }
0x4a: {  	_ =	shalt  }
0x4b: {  	_ =	shalt  }
0x4c: {  	_ =	shalt  }
0x4d: {  	_ =	shalt  }
0x4e: {  	_ =	shalt  }
0x4f: {  	_ =	shalt  }
0x50: {  	_ =	shalt  }
0x51: {  	_ =	shalt  }
0x52: {  	_ =	shalt  }
0x53: {  	_ =	shalt  }
0x54: {  	_ =	shalt  }
0x55: {  	_ =	shalt  }
0x56: {  	_ =	shalt  }
0x57: {  	_ =	shalt  }
0x58: {  	_ =	shalt  }
0x59: {  	_ =	shalt  }
0x5a: {  	_ =	shalt  }
0x5b: {  	_ =	shalt  }
0x5c: {  	_ =	shalt  }
0x5d: {  	_ =	shalt  }
0x5e: {  	_ =	shalt  }
0x5f: {  	_ =	shalt  }
0x60: {  	_ =	shalt  }
0x61: {  	_ =	shalt  }
0x62: {  	_ =	shalt  }
0x63: {  	_ =	shalt  }
0x64: {  	_ =	shalt  }
0x65: {  	_ =	shalt  }
0x66: {  	_ =	shalt  }
0x67: {  	_ =	shalt  }
0x68: {  	_ =	shalt  }
0x69: {  	_ =	shalt  }
0x6a: {  	_ =	shalt  }
0x6b: {  	_ =	shalt  }
0x6c: {  	_ =	shalt  }
0x6d: {  	_ =	shalt  }
0x6e: {  	_ =	shalt  }
0x6f: {  	_ =	shalt  }
0x70: {  	_ =	shalt  }
0x71: {  	_ =	shalt  }
0x72: {  	_ =	shalt  }
0x73: {  	_ =	shalt  }
0x74: {  	_ =	shalt  }
0x75: {  	_ =	shalt  }
0x76: {  	_ =	shalt  }
0x77: {  	_ =	shalt  }
0x78: {  	_ =	shalt  }
0x79: {  	_ =	shalt  }
0x7a: {  	_ =	shalt  }
0x7b: {  	_ =	shalt  }
0x7c: {  	_ =	shalt  }
0x7d: {  	_ =	shalt  }
0x7e: {  	_ =	shalt  }
0x7f: {  	_ =	shalt  }
0x80: {  	_ =	shalt  }
0x81: {  	_ =	shalt  }
0x82: {  	_ =	shalt  }
0x83: {  	_ =	shalt  }
0x84: {  	_ =	shalt  }
0x85: {  	_ =	shalt  }
0x86: {  	_ =	shalt  }
0x87: {  	_ =	shalt  }
.Lfunc_end0:
.L_simem_size_0:
called_computation_lowered:
.L_overlay_start_0:
0x88: {  	s2 =	sld [smem:$0x3FD9]  }
0x89: {  	s3 =	sld [smem:$0x3FFE];
	_ =	sdelay $0x1  }
0x8a: {  	s1 =	srdreg.scid  }
0x8b: {  	s0 =	sand.u32 $0x1, s1  }
0x8c: {  	s16 =	sshll.u32 s0, $0xA;
	s2 =	sadd.s32 s3, s2  }
0x8d: {  	s2 =	sadd.s32 s2, s16  }
0x8e: {  	[smem:$0x3FC2] =	sst s2  }
0x8f: {  	_ = 	snop  }
0x90: {  	(tm) =	ssettm $0x1  }
0x91: {  	s17 =	sld [smem:$0x3FFB];
	_ =	sdelay $0x3  }
0x92: {  	_ =	strace s17  }
0x93: {  	s2 =	sld [smem:$0x3FFC];
	_ =	sdelay $0x3  }
0x94: {  	_ =	strace s2  }
0x95: {  	s2 =	sld [smem:$0x3FFD];
	_ =	sdelay $0x3  }
0x96: {  	_ =	strace s2  }
0x97: {  	_ =	strace $0x8FFFFFFF  }
0x98: {  	s18 =	sld [smem:$0x3FDB];
	_ =	sdelay $0x1  }
0x99: {  	s19 =	simm.s32 $_scs_section_size  }
0x9a: {  	s4 =	simm.s32 $_size__tile_overlayer_lowered;
	s5 =	simm.s32 $_tile_overlayer_lowered  }
0x9b: {  	s22 =	simm.s32 $0x1BFF;
	s21 =	sshll.u32 s5, $0x1;
	s2 =	sadd.s32 s19, s18  }
0x9c: {  	s6 =	simm.s32 $0x0;
	s20 =	sshll.u32 s4, $0x1;
	s4 =	sadd.s32 s21, s2  }
0x9d: {  	[timem:s6], [sflag:s22] =	dma.local [hbm:s4], s20  }
0x9e: {  	_ =	swait.ge [sflag:s22], s20  }
0x9f: {  	s3 =	ssub.s32 $0x0, s20;
	[sflag:s22] =	ssyncset.done $0x0  }
0xa0: {  	[sflag:s22] =	ssyncadd.s32 s3;
	_ =	sdelay $0x1  }
0xa1: {  	s23 =	simm.s32 $0x1B8B  }
0xa2: {  	_ =	swait.ge [sflag:s23], $0x1  }
0xa3: {  	[sflag:s23] =	ssyncset.done $0x0  }
0xa4: {  	s25 =	simm.s32 $0x1B8E;
	s24 =	sld [smem:$0x3FFE];
	[sflag:s23] =	ssyncadd.s32 $0xFFFFFFFF  }
0xa5: {  	s26 =	simm.s32 $execute0_lowered;
	[smem:$0x3FD2] =	sst s25  }
0xa6: {  	s4 =	sshll.u32 s26, $0x1;
	_ =	strace $0x80000046;
	[dreg:$0x1] =	wrdreg $0xFFFFFFFF  }
0xa7: {  	s28 =	simm.s32 $_size_execute0_lowered;
	s2 =	sadd.s32 s2, s4;
	[dreg:$0x0] =	wrdreg $0x0  }
0xa8: {  	s4 =	sshll.u32 s28, $0x1;
	[dreg:$0x2] =	wrdreg s2  }
0xa9: {  	[dreg:$0x3] =	wrdreg s4  }
0xaa: {  	[dreg:$0x4] =	wrdreg $0xC0  }
0xab: {  	_ =	task [dreg:s6], $0x5FFFF  }
0xac: {  	[dreg:$0x1] =	wrdreg $0xFFFFFFFF  }
0xad: {  	[dreg:$0x0] =	wrdreg $0x60  }
0xae: {  	[dreg:$0x2] =	wrdreg s24  }
0xaf: {  	[dreg:$0x3] =	wrdreg $0x57800  }
0xb0: {  	[dreg:$0x4] =	wrdreg $0x9  }
0xb1: {  	_ =	task.clear_ibuf [dreg:s6], $0x5FFFF;
	_ =	strace $0x90000046  }
0xb2: {  	s29 =	simm.s32 $0x9;
	_ =	strace $0x80000048  }
0xb3: {  	_ =	swait.ge [sflag:s29], $0x1  }
0xb4: {  	[sflag:s29] =	ssyncadd.s32 $0xFFFFFFFF  }
0xb5: {  	_ =	strace $0x90000048  }
0xb6: {  	_ =	sfence  }
0xb7: {  	s30 =	sld [smem:$0x0];
	_ =	sdelay $0x2  }
0xb8: {  	s31 =	sshll.u32 s1, $0xD;
	s1 =	sshrl.u32 s1, $0x2  }
0xb9: {  	s3 =	sand.u32 $0x4000, s31;
	s1 =	sadd.s32 s1, s30  }
0xba: {  	s0 =	sor.u32 s3, s0;
	s1 =	sshll.u32 s1, $0x11  }
0xbb: {  	s0 =	sor.u32 s1, s0  }
0xbc: {  	s0 =	sadd.s32 $0x8F2B, s0  }
0xbd: {  	[sflag:s0] =	ssyncadd.remote.s32 $0x1  }
0xbe: {  	_ =	sfence.sel $0xFFFF  }
0xbf: {  	[dreg:$0x0] =	wrdreg $0xFFFFFFFF;
	(pc) =	sbr.abs _section_cstart, $3  }
0xc0: {  	[dreg:$0x1] =	wrdreg $0xFFFFFFFF  }
0xc1: {  	_ =	task.clear_ibuf [dreg:s6], $0x2FFFF;
	_ =	strace $0x9FFFFFFF  }
0xc2: {  	(tm) =	ssettm $0x7FFFFFFF  }
0xc3: {  	_ =	shalt  }
tec
execute0_lowered:
.L_overlay_start_1:
0x0: {  	(tag) =	ssettag $0x1  }
0x1: {  	s1 =	srdreg.scid;
	s4 =	rddreg [dreg:$0x0]  }
0x2: {  	s0 =	stileid.u32;
	s2 =	rddreg [dreg:$0x1]  }
0x3: {  	s3 =	simm.s32 $0x0;
	s10 =	simm.s32 $0x2800;
	s11 =	simm.s32 $0x100  }
0x4: {  	s12 =	simm.s32 $0x180;
	s13 =	simm.s32 $0x200;
	s14 =	simm.s32 $0x280  }
0x5: {  	s15 =	simm.s32 $0x300;
	s16 =	simm.s32 $0x380;
	s17 =	simm.s32 $0x1  }
0x6: {  	s18 =	simm.s32 $0x2;
	s19 =	simm.s32 $0x3;
	s20 =	simm.s32 $0x4  }
0x7: {  	s21 =	simm.s32 $0x5;
	s22 =	simm.s32 $0x6;
	s23 =	simm.s32 $0x7  }
0x8: {  	s5 =	sand.u32 $0x1, s1;
	s31 =	sshll.u32 s0, $0x1;
	s9 =	smul.u32 $0x2780, s0  }
0x9: {  	s1 =	rddreg [dreg:$0x2];
	s6 =	sor.u32 s5, s31;
	s7 =	smul.u32 $0x4F00, s5  }
0xa: {  	[smem:$0x7FF] =	sst s3;
	s5 =	ssub.s32 $0x2, s5;
	s6 =	smul.u32 $0x500, s6  }
0xb: {  	_ =	strace $0x80000047;
	s8 =	sshrl.u32 s5, $0x1;
	s25 =	sshrl.u32 s9, $0x3  }
0xc: {  	s7 =	sadd.s32 s7, s4;
	s8 =	ssub.s32 s5, s8;
	s6 =	sadd.s32 s6, s4  }
0xd: {  	s4 =	sadd.s32 s9, s2;
	s24 =	sadd.s32 $0xB600, s7;
	s7 =	simm.s32 $0x3000  }
0xe: {  	s9 =	simm.s32 $0x80;
	s5 =	sadd.s32 $0x1600, s6;
	s6 =	smax.u32 s8, $0x1  }
0xf: {  	v0 =	vimm.f32 $0.0e+00;
	v1 =	vimm.f32 $1.000000000e+00;
	s8 =	simm.s32 $0x9;
	s24 =	sadd.s32 s25, s24;
	s25 =	simm.s32 $0x8  }
.LBB2_1:
0x10: {  	s26 =	simm.s32 $0x40;
	s28 =	simm.s32 $0x0  }
.LBB2_2:
0x11: {  	p0 =	sne.s32 s26, $0x9DC0;
	[tilespmem:s28+$0x3000] =	vst v0;
	s28 =	smov.u32 s26;
	s26 =	sadd.s32 $0x40, s26  }
.Ltmp0:
0x12: {  	(pc) =	sbr.rel @p0 .LBB2_2-.Ltmp0, $2  }
0x13: {  	_ =	sdelay $0x2  }
0x14: {  	s28 =	sshra.s32 s28, $0x2  }
0x15: {  	[tilespmem:s28+$0x3000] =	vst v0  }
0x16: {  	[spmem:s4] =	stream.linear.scatter [tilespmem:s7], [sflag:$0x9], $0x2780, $0x38;
	[tilespmem:$0x7F00] =	vst v63  }
0x17: {  	_ =	swait.ge [sflag:s8], $0x2780  }
0x18: {  	[sflag:s8] =	ssyncset.done $0x0  }
0x19: {  	s26 =	simm.s32 $0x40;
	s28 =	simm.s32 $0x0;
	[sflag:s8] =	ssyncadd.s32 $0xFFFFD880  }
.LBB2_4:
0x1a: {  	p0 =	sne.s32 s26, $0x1FC0;
	[tilespmem:s28+$0x2800] =	vst v1;
	s28 =	smov.u32 s26;
	s26 =	sadd.s32 $0x40, s26  }
.Ltmp1:
0x1b: {  	(pc) =	sbr.rel @p0 .LBB2_4-.Ltmp1, $2  }
0x1c: {  	_ =	sdelay $0x2  }
0x1d: {  	s28 =	sshra.s32 s28, $0x2  }
0x1e: {  	[tilespmem:s28+$0x2800] =	vst v1;
	s26 =	simm.s32 $0x0  }
0x1f: {  	[tilespmem:s26], [sflag:$0x9] =	stream.linear.gather [hbm4b:s5+s26], $0x2800, $0x38;
	[tilespmem:$0x7F00] =	vst v63  }
0x20: {  	_ =	swait.ge [sflag:s8], $0x2800  }
0x21: {  	[sflag:s8] =	ssyncset.done $0x0  }
0x22: {  	[sflag:s8] =	ssyncadd.s32 $0xFFFFD800  }
0x23: {  	[bflag:$0x0] =	sbarrier.arrive $0xFFFF  }
0x24: {  	[spmem:s2] =	stream.indirect.scatter.add.f32 [tilespmem:s10], [sflag:$0x1], $0x10, s26, s9, $0xb8;
	[tilespmem:$0x7F00] =	vst v63  }
0x25: {  	_ = 	snop  }
0x26: {  	[spmem:s2] =	stream.indirect.scatter.add.f32 [tilespmem:s10], [sflag:$0x2], $0x10, s9, s9, $0xb8;
	[tilespmem:$0x7F00] =	vst v63  }
0x27: {  	_ = 	snop  }
0x28: {  	[spmem:s2] =	stream.indirect.scatter.add.f32 [tilespmem:s10], [sflag:$0x3], $0x10, s11, s9, $0xb8;
	[tilespmem:$0x7F00] =	vst v63  }
0x29: {  	_ = 	snop  }
0x2a: {  	[spmem:s2] =	stream.indirect.scatter.add.f32 [tilespmem:s10], [sflag:$0x4], $0x10, s12, s9, $0xb8;
	[tilespmem:$0x7F00] =	vst v63  }
0x2b: {  	_ = 	snop  }
0x2c: {  	[spmem:s2] =	stream.indirect.scatter.add.f32 [tilespmem:s10], [sflag:$0x5], $0x10, s13, s9, $0xb8;
	[tilespmem:$0x7F00] =	vst v63  }
0x2d: {  	_ = 	snop  }
0x2e: {  	[spmem:s2] =	stream.indirect.scatter.add.f32 [tilespmem:s10], [sflag:$0x6], $0x10, s14, s9, $0xb8;
	[tilespmem:$0x7F00] =	vst v63  }
0x2f: {  	_ = 	snop  }
0x30: {  	[spmem:s2] =	stream.indirect.scatter.add.f32 [tilespmem:s10], [sflag:$0x7], $0x10, s15, s9, $0xb8;
	[tilespmem:$0x7F00] =	vst v63  }
0x31: {  	_ = 	snop  }
0x32: {  	[spmem:s2] =	stream.indirect.scatter.add.f32 [tilespmem:s10], [sflag:$0x8], $0x10, s16, s9, $0xb8;
	[tilespmem:$0x7F00] =	vst v63  }
0x33: {  	_ =	swait.ge [sflag:s17], $0x800  }
0x34: {  	[sflag:s17] =	ssyncset.done $0x0  }
0x35: {  	s31 =	simm.s32 $0x400;
	[sflag:s17] =	ssyncadd.s32 $0xFFFFF800  }
0x36: {  	[spmem:s2] =	stream.indirect.scatter.add.f32 [tilespmem:s10], [sflag:$0x1], $0x10, s31, s9, $0xb8;
	[tilespmem:$0x7F00] =	vst v63  }
0x37: {  	_ =	swait.ge [sflag:s18], $0x800  }
0x38: {  	[sflag:s18] =	ssyncset.done $0x0  }
0x39: {  	s29 =	simm.s32 $0x480;
	[sflag:s18] =	ssyncadd.s32 $0xFFFFF800  }
0x3a: {  	[spmem:s2] =	stream.indirect.scatter.add.f32 [tilespmem:s10], [sflag:$0x2], $0x10, s29, s9, $0xb8;
	[tilespmem:$0x7F00] =	vst v63  }
0x3b: {  	_ =	swait.ge [sflag:s19], $0x800  }
0x3c: {  	[sflag:s19] =	ssyncset.done $0x0  }
0x3d: {  	s30 =	simm.s32 $0x500;
	[sflag:s19] =	ssyncadd.s32 $0xFFFFF800  }
0x3e: {  	[spmem:s2] =	stream.indirect.scatter.add.f32 [tilespmem:s10], [sflag:$0x3], $0x10, s30, s9, $0xb8;
	[tilespmem:$0x7F00] =	vst v63  }
0x3f: {  	_ =	swait.ge [sflag:s20], $0x800  }
0x40: {  	[sflag:s20] =	ssyncset.done $0x0  }
0x41: {  	s31 =	simm.s32 $0x580;
	[sflag:s20] =	ssyncadd.s32 $0xFFFFF800  }
0x42: {  	[spmem:s2] =	stream.indirect.scatter.add.f32 [tilespmem:s10], [sflag:$0x4], $0x10, s31, s9, $0xb8;
	[tilespmem:$0x7F00] =	vst v63  }
0x43: {  	_ =	swait.ge [sflag:s21], $0x800  }
0x44: {  	[sflag:s21] =	ssyncset.done $0x0  }
0x45: {  	s29 =	simm.s32 $0x600;
	[sflag:s21] =	ssyncadd.s32 $0xFFFFF800  }
0x46: {  	[spmem:s2] =	stream.indirect.scatter.add.f32 [tilespmem:s10], [sflag:$0x5], $0x10, s29, s9, $0xb8;
	[tilespmem:$0x7F00] =	vst v63  }
0x47: {  	_ =	swait.ge [sflag:s22], $0x800  }
0x48: {  	[sflag:s22] =	ssyncset.done $0x0  }
0x49: {  	s30 =	simm.s32 $0x680;
	[sflag:s22] =	ssyncadd.s32 $0xFFFFF800  }
0x4a: {  	[spmem:s2] =	stream.indirect.scatter.add.f32 [tilespmem:s10], [sflag:$0x6], $0x10, s30, s9, $0xb8;
	[tilespmem:$0x7F00] =	vst v63  }
0x4b: {  	_ =	swait.ge [sflag:s23], $0x800  }
0x4c: {  	[sflag:s23] =	ssyncset.done $0x0  }
0x4d: {  	s31 =	simm.s32 $0x700;
	[sflag:s23] =	ssyncadd.s32 $0xFFFFF800  }
0x4e: {  	[spmem:s2] =	stream.indirect.scatter.add.f32 [tilespmem:s10], [sflag:$0x7], $0x10, s31, s9, $0xb8;
	[tilespmem:$0x7F00] =	vst v63  }
0x4f: {  	_ =	swait.ge [sflag:s25], $0x800  }
0x50: {  	[sflag:s25] =	ssyncset.done $0x0  }
0x51: {  	s28 =	simm.s32 $0x780;
	s26 =	simm.s32 $0x1000;
	[sflag:s25] =	ssyncadd.s32 $0xFFFFF800  }
.LBB2_6:
0x52: {  	[spmem:s2] =	stream.indirect.scatter.add.f32 [tilespmem:s10], [sflag:$0x8], $0x10, s28, s9, $0xb8;
	[tilespmem:$0x7F00] =	vst v63  }
0x53: {  	s28 =	smov.u32 s26  }
0x54: {  	p0 =	sne.s32 s26, $0x8000;
	s26 =	sadd.s32 $0x1000, s26;
	_ =	swait.ge [sflag:s17], $0x800  }
0x55: {  	s28 =	sshra.s32 s28, $0x2;
	[sflag:s17] =	ssyncset.done $0x0  }
0x56: {  	s29 =	sadd.s32 $0x400, s28;
	[sflag:s17] =	ssyncadd.s32 $0xFFFFF800  }
0x57: {  	[spmem:s2] =	stream.indirect.scatter.add.f32 [tilespmem:s10], [sflag:$0x1], $0x10, s29, s9, $0xb8;
	[tilespmem:$0x7F00] =	vst v63  }
0x58: {  	_ =	swait.ge [sflag:s18], $0x800  }
0x59: {  	[sflag:s18] =	ssyncset.done $0x0  }
0x5a: {  	s29 =	sadd.s32 $0x480, s28;
	[sflag:s18] =	ssyncadd.s32 $0xFFFFF800  }
0x5b: {  	[spmem:s2] =	stream.indirect.scatter.add.f32 [tilespmem:s10], [sflag:$0x2], $0x10, s29, s9, $0xb8;
	[tilespmem:$0x7F00] =	vst v63  }
0x5c: {  	_ =	swait.ge [sflag:s19], $0x800  }
0x5d: {  	[sflag:s19] =	ssyncset.done $0x0  }
0x5e: {  	s29 =	sadd.s32 $0x500, s28;
	[sflag:s19] =	ssyncadd.s32 $0xFFFFF800  }
0x5f: {  	[spmem:s2] =	stream.indirect.scatter.add.f32 [tilespmem:s10], [sflag:$0x3], $0x10, s29, s9, $0xb8;
	[tilespmem:$0x7F00] =	vst v63  }
0x60: {  	_ =	swait.ge [sflag:s20], $0x800  }
0x61: {  	[sflag:s20] =	ssyncset.done $0x0  }
0x62: {  	s29 =	sadd.s32 $0x580, s28;
	[sflag:s20] =	ssyncadd.s32 $0xFFFFF800  }
0x63: {  	[spmem:s2] =	stream.indirect.scatter.add.f32 [tilespmem:s10], [sflag:$0x4], $0x10, s29, s9, $0xb8;
	[tilespmem:$0x7F00] =	vst v63  }
0x64: {  	_ =	swait.ge [sflag:s21], $0x800  }
0x65: {  	[sflag:s21] =	ssyncset.done $0x0  }
0x66: {  	s29 =	sadd.s32 $0x600, s28;
	[sflag:s21] =	ssyncadd.s32 $0xFFFFF800  }
0x67: {  	[spmem:s2] =	stream.indirect.scatter.add.f32 [tilespmem:s10], [sflag:$0x5], $0x10, s29, s9, $0xb8;
	[tilespmem:$0x7F00] =	vst v63  }
0x68: {  	_ =	swait.ge [sflag:s22], $0x800  }
0x69: {  	[sflag:s22] =	ssyncset.done $0x0  }
0x6a: {  	s29 =	sadd.s32 $0x680, s28;
	[sflag:s22] =	ssyncadd.s32 $0xFFFFF800  }
0x6b: {  	[spmem:s2] =	stream.indirect.scatter.add.f32 [tilespmem:s10], [sflag:$0x6], $0x10, s29, s9, $0xb8;
	[tilespmem:$0x7F00] =	vst v63  }
0x6c: {  	_ =	swait.ge [sflag:s23], $0x800  }
0x6d: {  	[sflag:s23] =	ssyncset.done $0x0  }
.Ltmp2:
0x6e: {  	s29 =	sadd.s32 $0x700, s28;
	[sflag:s23] =	ssyncadd.s32 $0xFFFFF800;
	(pc) =	sbr.rel @p0 .LBB2_6-.Ltmp2, $4  }
0x6f: {  	[spmem:s2] =	stream.indirect.scatter.add.f32 [tilespmem:s10], [sflag:$0x7], $0x10, s29, s9, $0xb8;
	[tilespmem:$0x7F00] =	vst v63  }
0x70: {  	_ =	swait.ge [sflag:s25], $0x800  }
0x71: {  	[sflag:s25] =	ssyncset.done $0x0  }
0x72: {  	s28 =	sadd.s32 $0x780, s28;
	[sflag:s25] =	ssyncadd.s32 $0xFFFFF800  }
0x73: {  	[spmem:s2] =	stream.indirect.scatter.add.f32 [tilespmem:s10], [sflag:$0x8], $0x10, s28, s9, $0xb8;
	[tilespmem:$0x7F00] =	vst v63  }
0x74: {  	_ =	swait.ge [sflag:s17], $0x800  }
0x75: {  	[sflag:s17] =	ssyncset.done $0x0  }
0x76: {  	[sflag:s17] =	ssyncadd.s32 $0xFFFFF800  }
0x77: {  	_ =	swait.ge [sflag:s18], $0x800  }
0x78: {  	[sflag:s18] =	ssyncset.done $0x0  }
0x79: {  	[sflag:s18] =	ssyncadd.s32 $0xFFFFF800  }
0x7a: {  	_ =	swait.ge [sflag:s19], $0x800  }
0x7b: {  	[sflag:s19] =	ssyncset.done $0x0  }
0x7c: {  	[sflag:s19] =	ssyncadd.s32 $0xFFFFF800  }
0x7d: {  	_ =	swait.ge [sflag:s20], $0x800  }
0x7e: {  	[sflag:s20] =	ssyncset.done $0x0  }
0x7f: {  	[sflag:s20] =	ssyncadd.s32 $0xFFFFF800  }
0x80: {  	_ =	swait.ge [sflag:s21], $0x800  }
0x81: {  	[sflag:s21] =	ssyncset.done $0x0  }
0x82: {  	[sflag:s21] =	ssyncadd.s32 $0xFFFFF800  }
0x83: {  	_ =	swait.ge [sflag:s22], $0x800  }
0x84: {  	[sflag:s22] =	ssyncset.done $0x0  }
0x85: {  	[sflag:s22] =	ssyncadd.s32 $0xFFFFF800  }
0x86: {  	_ =	swait.ge [sflag:s23], $0x800  }
0x87: {  	[sflag:s23] =	ssyncset.done $0x0  }
0x88: {  	[sflag:s23] =	ssyncadd.s32 $0xFFFFF800  }
0x89: {  	_ =	swait.ge [sflag:s25], $0x800  }
0x8a: {  	s26 =	sshll.u32 s0, $0x6;
	s3 =	sadd.s32 $0x1, s3;
	[sflag:s25] =	ssyncset.done $0x0  }
0x8b: {  	s31 =	sshrl.u32 s4, $0x3;
	p0 =	sne.s32 s3, s6;
	[sflag:s25] =	ssyncadd.s32 $0xFFFFF800  }
.Ltmp3:
0x8c: {  	s26 =	sor.u32 $0x1C09, s26;
	[bflag:$0x0] =	sbarrier.arrive $0xFFFF;
	(pc) =	sbr.rel @p0 .LBB2_1-.Ltmp3, $4  }
0x8d: {  	[hbm:s24], [sflag:s26] =	dma.local [spmem:s31], $0x4F0  }
0x8e: {  	_ =	swait.ge [sflag:s8], $0x4F0  }
0x8f: {  	[sflag:s8] =	ssyncset.done $0x0  }
0x90: {  	[sflag:s8] =	ssyncadd.s32 $0xFFFFFB10  }
0x91: {  	_ =	sfence.sel $0x180000  }
0x92: {  	[bflag:$0x0] =	sbarrier.arrive $0xFFFF  }
0x93: {  	p0 =	sne.s32 s0, $0x0;
	_ =	strace $0x90000047  }
0x94: {  	s0 =	sadd.s32 @!p0 $0x100000, s1;
	[bflag:$0x2] =	sbarrier.arrive $0xFFFF  }
0x95: {  	[sflag:s0] =	ssyncadd.tile.s32 @!p0 $0x1;
	_ =	shalt  }
.Lfunc_end2:
_tile_overlayer_lowered:
.L_overlay_start_2:
0x96: {  	(tag) =	ssettag $0x2  }
0x97: {  	s0 =	rddreg [dreg:$0x0];
	s2 =	stileid.u32  }
0x98: {  	s1 =	rddreg [dreg:$0x1];
	p0 =	sne.s32 s2, $0x0  }
0x99: {  	s3 =	rddreg [dreg:$0x2];
	[bflag:$0x3] =	sbarrier.arrive $0xFFFF;
	s2 =	simm.s32 @!p0 $0x1C09  }
0x9a: {  	[timem:s3], [sflag:s2] =	dma.local @!p0 [hbm:s0], s1  }
0x9b: {  	s0 =	simm.s32 @!p0 $0x9  }
0x9c: {  	_ =	swait.ge @!p0 [sflag:s0], s1  }
0x9d: {  	s1 =	ssub.s32 @!p0 $0x0, s1;
	[sflag:s0] =	ssyncset.done @!p0 $0x0  }
0x9e: {  	[sflag:s0] =	ssyncadd.s32 @!p0 s1  }
0x9f: {  	[bflag:$0x3] =	sbarrier.arrive $0xFFFF  }
0xa0: {  	_ =	shalt  }

</sc_bundles>
